<compile_context>
chip_gen: v7x
topology: tpu7x:2x2x1
jax: 0.10.2.dev20260603
libtpu: 0.0.44.dev20260713+nightly
codegen_flags: <defaults>
</compile_context>

<pallas_src>
import functools

import jax
import jax.numpy as jnp
from jax import lax
from jax.experimental import pallas as pl
from jax.experimental.pallas import tpu as pltpu
from jax.experimental.pallas import tpu_sc as plsc

N = 10000
E = 320000
D = 128
H = 64
C = 16
G = 64

NC = 2
NS = 16
HH = H // NC

NPAD = 10240
RPS = NPAD // NS
K = 128
TCH = 2560
CPS = TCH // NS
EPAD = TCH * K
NBUF = 4
GK = 1
GPS = CPS // GK

NB = 1000
NBLK = N // NB



_MESH = plsc.VectorSubcoreMesh(core_axis_name="c", subcore_axis_name="s")
_SC_PARAMS = pltpu.CompilerParams(use_tc_tiling_on_sc=False)


@functools.partial(
    pl.kernel,
    out_type=jax.ShapeDtypeStruct((NC, NPAD, HH), jnp.float32),
    mesh=_MESH,
    compiler_params=_SC_PARAMS,
    scratch_types=[
        pltpu.VMEM((GPS, GK * K), jnp.int32),
        pltpu.VMEM((GPS, GK * K), jnp.int32),
        pltpu.VMEM((NBUF, GK * K, HH), jnp.float32),
        pltpu.VMEM_SHARED((NPAD, HH), jnp.float32),
        pltpu.VMEM_SHARED((NPAD, HH), jnp.float32),
        pltpu.SemaphoreType.DMA((NBUF,)),
    ],
)
def _sc_agg(y_hbm, src_hbm, dst_hbm, zeros_hbm, out_hbm,
            src_i, dst_i, rows, ysp, acc, gsem):
    core = lax.axis_index("c")
    sub = lax.axis_index("s")
    pltpu.async_copy(src_hbm.at[pl.ds(sub * GPS, GPS)], src_i, gsem.at[0])
    pltpu.async_copy(dst_hbm.at[pl.ds(sub * GPS, GPS)], dst_i, gsem.at[1])
    pltpu.async_copy(y_hbm.at[core].at[pl.ds(sub * RPS, RPS)],
                     ysp.at[pl.ds(sub * RPS, RPS)], gsem.at[2])
    pltpu.async_copy(zeros_hbm, acc.at[pl.ds(sub * RPS, RPS)], gsem.at[3])
    pltpu.make_async_copy(src_hbm.at[pl.ds(sub * GPS, GPS)], src_i,
                          gsem.at[0]).wait()
    pltpu.make_async_copy(dst_hbm.at[pl.ds(sub * GPS, GPS)], dst_i,
                          gsem.at[1]).wait()
    pltpu.make_async_copy(y_hbm.at[core].at[pl.ds(sub * RPS, RPS)],
                          ysp.at[pl.ds(sub * RPS, RPS)], gsem.at[2]).wait()
    pltpu.make_async_copy(zeros_hbm, acc.at[pl.ds(sub * RPS, RPS)],
                          gsem.at[3]).wait()
    plsc.subcore_barrier()

    for b in range(NBUF):
        pltpu.async_copy(ysp.at[src_i.at[b]], rows.at[b], gsem.at[b])

    @pl.loop(0, GPS // NBUF - 1)
    def _(o):
        g0 = o * NBUF
        for b in range(NBUF):
            pltpu.make_async_copy(ysp.at[src_i.at[g0 + b]], rows.at[b],
                                  gsem.at[b]).wait()
            pltpu.sync_copy(rows.at[b], acc.at[dst_i.at[g0 + b]], add=True)
            pltpu.async_copy(ysp.at[src_i.at[g0 + b + NBUF]], rows.at[b],
                             gsem.at[b])

    gl = GPS - NBUF
    for b in range(NBUF):
        pltpu.make_async_copy(ysp.at[src_i.at[gl + b]], rows.at[b],
                              gsem.at[b]).wait()
        pltpu.sync_copy(rows.at[b], acc.at[dst_i.at[gl + b]], add=True)

    plsc.subcore_barrier()
    pltpu.sync_copy(acc.at[pl.ds(sub * RPS, RPS)],
                    out_hbm.at[core].at[pl.ds(sub * RPS, RPS)])


@functools.partial(
    pl.kernel,
    out_type=jax.ShapeDtypeStruct((NC, NPAD, 16), jnp.float32),
    mesh=_MESH,
    compiler_params=_SC_PARAMS,
    scratch_types=[
        pltpu.VMEM((GPS // NC, GK * K), jnp.int32),
        pltpu.VMEM((GK * K, 16), jnp.float32),
        pltpu.VMEM_SHARED((NPAD, 16), jnp.float32),
        pltpu.SemaphoreType.DMA((4,)),
    ],
)
def _sc_deg(dst_hbm, ones_hbm, zeros_hbm, out_hbm, dst_i, ones_v, acc, sem):
    core = lax.axis_index("c")
    sub = lax.axis_index("s")
    dsl = dst_hbm.at[pl.ds((core * NS + sub) * (GPS // NC), GPS // NC)]
    dvw = dst_i.at[pl.ds(0, GPS // NC)]
    zsl = acc.at[pl.ds(sub * RPS, RPS)]
    pltpu.async_copy(dsl, dvw, sem.at[0])
    pltpu.async_copy(zeros_hbm, zsl, sem.at[1])
    pltpu.async_copy(ones_hbm, ones_v, sem.at[2])
    pltpu.make_async_copy(dsl, dvw, sem.at[0]).wait()
    pltpu.make_async_copy(zeros_hbm, zsl, sem.at[1]).wait()
    pltpu.make_async_copy(ones_hbm, ones_v, sem.at[2]).wait()
    plsc.subcore_barrier()

    @pl.loop(0, GPS // NC)
    def _(i):
        pltpu.async_copy(ones_v, acc.at[dst_i.at[i]], sem.at[3], add=True)

    @pl.loop(0, GPS // NC)
    def _(i):
        pltpu.make_async_copy(ones_v, acc.at[dst_i.at[i]], sem.at[3]).wait()

    plsc.subcore_barrier()
    pltpu.sync_copy(acc.at[pl.ds(sub * RPS, RPS)],
                    out_hbm.at[core].at[pl.ds(sub * RPS, RPS)])



def _tc_mm1(x, W):
    def body(x_ref, w_ref, o_ref):
        o_ref[...] = jnp.dot(x_ref[...], w_ref[...],
                             preferred_element_type=jnp.float32)

    return pl.pallas_call(
        body,
        grid=(NBLK,),
        in_specs=[pl.BlockSpec((NB, D), lambda i: (i, 0)),
                  pl.BlockSpec((D, H), lambda i: (0, 0))],
        out_specs=pl.BlockSpec((NB, H), lambda i: (i, 0)),
        out_shape=jax.ShapeDtypeStruct((N, H), jnp.float32),
    )(x, W)


def _tc_prep(parts16, xw):
    def body(p_ref, xw_ref, dinv_ref, y_ref):
        deg = p_ref[0, :, 0] + p_ref[1, :, 0] + 1.0
        div = lax.rsqrt(deg)[:, None]
        dinv_ref[...] = div
        y = xw_ref[...] * div
        y_ref[0] = y[:, :HH]
        y_ref[1] = y[:, HH:]

    return pl.pallas_call(
        body,
        grid=(NBLK,),
        in_specs=[pl.BlockSpec((NC, NB, 16), lambda i: (0, i, 0)),
                  pl.BlockSpec((NB, H), lambda i: (i, 0))],
        out_specs=[pl.BlockSpec((NB, 1), lambda i: (i, 0)),
                   pl.BlockSpec((NC, NB, HH), lambda i: (0, i, 0))],
        out_shape=[jax.ShapeDtypeStruct((N, 1), jnp.float32),
                   jax.ShapeDtypeStruct((NC, N, HH), jnp.float32)],
    )(parts16, xw)


def _tc_combine(s, y, dinv, b, W):
    def body(s_ref, y_ref, dinv_ref, b_ref, w_ref, o_ref):
        div = dinv_ref[...]
        agg = jnp.concatenate([s_ref[0] + y_ref[0], s_ref[1] + y_ref[1]],
                              axis=1)
        h = div * agg + b_ref[...]
        h = jnp.maximum(h, 0.0)
        t = jnp.dot(h, w_ref[...], preferred_element_type=jnp.float32) * div
        o_ref[0] = t[:, :HH]
        o_ref[1] = t[:, HH:]

    return pl.pallas_call(
        body,
        grid=(NBLK,),
        in_specs=[pl.BlockSpec((NC, NB, HH), lambda i: (0, i, 0)),
                  pl.BlockSpec((NC, NB, HH), lambda i: (0, i, 0)),
                  pl.BlockSpec((NB, 1), lambda i: (i, 0)),
                  pl.BlockSpec((1, H), lambda i: (0, 0)),
                  pl.BlockSpec((H, H), lambda i: (0, 0))],
        out_specs=pl.BlockSpec((NC, NB, HH), lambda i: (0, i, 0)),
        out_shape=jax.ShapeDtypeStruct((NC, N, HH), jnp.float32),
    )(s, y, dinv, b, W)


def _tc_pool(s, y, dinv, b, batch3, Wl, bl):
    def body(s_ref, y_ref, dinv_ref, b_ref, bt_ref, wl_ref, bl_ref, o_ref,
             sums_ref, cnts_ref):
        i = pl.program_id(0)

        @pl.when(i == 0)
        def _():
            sums_ref[...] = jnp.zeros_like(sums_ref)
            cnts_ref[...] = jnp.zeros_like(cnts_ref)

        agg = jnp.concatenate([s_ref[0] + y_ref[0], s_ref[1] + y_ref[1]],
                              axis=1)
        h = dinv_ref[...] * agg + b_ref[...]
        bt = bt_ref[0, 0, :]
        oh = (bt[None, :] == lax.broadcasted_iota(jnp.int32, (G, NB), 0)
              ).astype(jnp.float32)
        sums_ref[...] += jnp.dot(oh, h, preferred_element_type=jnp.float32)
        cnts_ref[...] += jnp.sum(oh, axis=1, keepdims=True)

        @pl.when(i == NBLK - 1)
        def _():
            pooled = sums_ref[...] / jnp.maximum(cnts_ref[...], 1.0)
            o_ref[...] = jnp.dot(pooled, wl_ref[...],
                                 preferred_element_type=jnp.float32) + bl_ref[...]

    return pl.pallas_call(
        body,
        grid=(NBLK,),
        in_specs=[pl.BlockSpec((NC, NB, HH), lambda i: (0, i, 0)),
                  pl.BlockSpec((NC, NB, HH), lambda i: (0, i, 0)),
                  pl.BlockSpec((NB, 1), lambda i: (i, 0)),
                  pl.BlockSpec((1, H), lambda i: (0, 0)),
                  pl.BlockSpec((1, 1, NB), lambda i: (i, 0, 0)),
                  pl.BlockSpec((H, C), lambda i: (0, 0)),
                  pl.BlockSpec((1, C), lambda i: (0, 0))],
        out_specs=pl.BlockSpec((G, C), lambda i: (0, 0)),
        out_shape=jax.ShapeDtypeStruct((G, C), jnp.float32),
        scratch_shapes=[pltpu.VMEM((G, H), jnp.float32),
                        pltpu.VMEM((G, 1), jnp.float32)],
    )(s, y, dinv, b, batch3, Wl, bl)



def _pad_rows(y):
    return jnp.concatenate(
        [y, jnp.zeros((NC, NPAD - N, HH), jnp.float32)], axis=1)


def kernel(x, edge_index, batch, W1, b1, W2, b2, W3, b3, Wl, bl):
    pad = EPAD - E
    srcp = jnp.concatenate(
        [edge_index[0], jnp.full((pad,), N, jnp.int32)]).reshape(NS * GPS,
                                                                 GK * K)
    dstp = jnp.concatenate(
        [edge_index[1], jnp.full((pad,), N, jnp.int32)]).reshape(NS * GPS,
                                                                 GK * K)
    zeros_h = jnp.zeros((RPS, HH), jnp.float32)
    zeros16 = jnp.zeros((RPS, 16), jnp.float32)
    ones16 = jnp.ones((GK * K, 16), jnp.float32)
    batch3 = batch.reshape(NBLK, 1, NB)

    parts16 = _sc_deg(dstp, ones16, zeros16)
    xw1 = _tc_mm1(x, W1)
    dinv, y1 = _tc_prep(parts16[:, :N], xw1)

    s1 = _sc_agg(_pad_rows(y1), srcp, dstp, zeros_h)
    y2 = _tc_combine(s1[:, :N], y1, dinv, b1.reshape(1, H), W2)
    s2 = _sc_agg(_pad_rows(y2), srcp, dstp, zeros_h)
    y3 = _tc_combine(s2[:, :N], y2, dinv, b2.reshape(1, H), W3)
    s3 = _sc_agg(_pad_rows(y3), srcp, dstp, zeros_h)
    return _tc_pool(s3[:, :N], y3, dinv, b3.reshape(1, H), batch3,
                    Wl, bl.reshape(1, C))

# --- scband reference (transcript-rebuilt; emitter-appended) ---
"""Pipeline reference for scband-gcn-34376918237434 (READ-ONLY COPY).

The authoritative reference and input builder live on the scoring server;
editing this copy changes nothing except your own understanding.
"""

import jax, jax.numpy as jnp
import numpy as np

N = 10000
E = 320000
D = 128
H = 64
C = 16
G = 64


def setup_inputs(seed: int = 0) -> dict:
    key = jax.random.key(seed)
    ks = jax.random.split(key, 12)
    x = jax.random.normal(ks[0], (N, D), dtype=jnp.float32)
    edge_index = jax.random.randint(ks[1], (2, E), 0, N, dtype=jnp.int32)
    batch = jnp.sort(jax.random.randint(ks[2], (N,), 0, G, dtype=jnp.int32))
    W1 = jax.random.normal(ks[3], (D, H), dtype=jnp.float32) * (1.0 / np.sqrt(D))
    b1 = jnp.zeros((H,), dtype=jnp.float32)
    W2 = jax.random.normal(ks[4], (H, H), dtype=jnp.float32) * (1.0 / np.sqrt(H))
    b2 = jnp.zeros((H,), dtype=jnp.float32)
    W3 = jax.random.normal(ks[5], (H, H), dtype=jnp.float32) * (1.0 / np.sqrt(H))
    b3 = jnp.zeros((H,), dtype=jnp.float32)
    Wl = jax.random.normal(ks[6], (H, C), dtype=jnp.float32) * (1.0 / np.sqrt(H))
    bl = jnp.zeros((C,), dtype=jnp.float32)
    return {"x": x, "edge_index": edge_index, "batch": batch,
            "W1": W1, "b1": b1, "W2": W2, "b2": b2, "W3": W3, "b3": b3,
            "Wl": Wl, "bl": bl}


def _gcn_conv(x, edge_index, W, b):
    # GCNConv: out = D^{-1/2} (A + I) D^{-1/2} X W + b
    src = edge_index[0]
    dst = edge_index[1]
    loop = jnp.arange(N, dtype=src.dtype)
    src = jnp.concatenate([src, loop])
    dst = jnp.concatenate([dst, loop])
    deg = jnp.zeros((N,), jnp.float32).at[dst].add(1.0)
    dinv = jnp.where(deg > 0, jax.lax.rsqrt(deg), 0.0)
    norm = dinv[src] * dinv[dst]
    xw = x @ W
    msg = xw[src] * norm[:, None]
    out = jnp.zeros((N, W.shape[1]), jnp.float32).at[dst].add(msg)
    return out + b


def reference(x, edge_index, batch, W1, b1, W2, b2, W3, b3, Wl, bl):
    h = jax.nn.relu(_gcn_conv(x, edge_index, W1, b1))
    h = jax.nn.relu(_gcn_conv(h, edge_index, W2, b2))
    h = _gcn_conv(h, edge_index, W3, b3)
    # global_mean_pool over graph ids
    sums = jax.ops.segment_sum(h, batch, num_segments=G)
    counts = jax.ops.segment_sum(jnp.ones((N, 1), jnp.float32), batch, num_segments=G)
    pooled = sums / jnp.maximum(counts, 1.0)
    # dropout is identity in eval mode
    return pooled @ Wl + bl

if __name__ == "__main__":
    import jax
    _d = setup_inputs()
    print(jax.jit(kernel)(*tuple(_d.values())))

</pallas_src>

<mosaic_0001>
#map = affine_map<(d0, d1) -> (0, 0, 0)>
#map1 = affine_map<(d0, d1) -> (0, 0)>
module attributes {stable_mosaic.version = 14 : i64} {
  func.func @_sc_agg(%arg0: i32, %arg1: i32, %arg2: memref<2x10240x32xf32, #tpu.memory_space<hbm>>, %arg3: memref<2560x128xi32, #tpu.memory_space<hbm>>, %arg4: memref<2560x128xi32, #tpu.memory_space<hbm>>, %arg5: memref<640x32xf32, #tpu.memory_space<hbm>>, %arg6: memref<2x10240x32xf32, #tpu.memory_space<hbm>>, %arg7: memref<160x128xi32, #tpu.memory_space<vmem>>, %arg8: memref<160x128xi32, #tpu.memory_space<vmem>>, %arg9: memref<4x128x32xf32, #tpu.memory_space<vmem>>, %arg10: memref<10240x32xf32, #tpu.memory_space<vmem_shared>>, %arg11: memref<10240x32xf32, #tpu.memory_space<vmem_shared>>, %arg12: memref<4x!tpu.dma_semaphore, #tpu.memory_space<semaphore_mem>>) attributes {dimension_semantics = [#tpu.dimension_semantics<core_parallel>, #tpu.dimension_semantics<subcore_parallel>], iteration_bounds = array<i64: 2, 16>, scalar_prefetch = 0 : i64, scratch_operands = 6 : i64, tpu.core_type = #tpu.core_type<sc_vector_subcore>, window_params = [{transform_indices = #map}, {transform_indices = #map1}, {transform_indices = #map1}, {transform_indices = #map1}, {transform_indices = #map}]} {
    %mul3A = arith.constant 160 : i32
    %mul3A_0 = arith.muli %arg1, %mul3A : i32
    %dma_start3A = arith.constant 0 : i32
    %dma_start3A_1 = arith.constant 0 : i32
    %dma_start3A_2 = tpu.memref_slice %arg3[%mul3A_0, %dma_start3A_1] : memref<2560x128xi32, #tpu.memory_space<hbm>> -> memref<160x128xi32, #tpu.memory_space<hbm>>
    %dma_start3A_3 = tpu.memref_slice %arg12[%dma_start3A] : memref<4x!tpu.dma_semaphore, #tpu.memory_space<semaphore_mem>> -> memref<1x!tpu.dma_semaphore, #tpu.memory_space<semaphore_mem>>
    %dma_start3A_4 = tpu.memref_squeeze %dma_start3A_3 : memref<1x!tpu.dma_semaphore, #tpu.memory_space<semaphore_mem>> -> memref<!tpu.dma_semaphore, #tpu.memory_space<semaphore_mem>>
    %dma_start3A_5 = arith.constant 0 : i32
    %dma_start3A_6 = tpu.memref_slice %arg3[%mul3A_0, %dma_start3A_5] : memref<2560x128xi32, #tpu.memory_space<hbm>> -> memref<160x128xi32, #tpu.memory_space<hbm>>
    tpu.enqueue_dma source(%dma_start3A_6 : memref<160x128xi32, #tpu.memory_space<hbm>>) target(%arg7 : memref<160x128xi32, #tpu.memory_space<vmem>>) target_semaphore(%dma_start3A_4 : memref<!tpu.dma_semaphore, #tpu.memory_space<semaphore_mem>>)
    %mul3A_7 = arith.constant 160 : i32
    %mul3A_8 = arith.muli %arg1, %mul3A_7 : i32
    %dma_start3A_9 = arith.constant 1 : i32
    %dma_start3A_10 = arith.constant 0 : i32
    %dma_start3A_11 = tpu.memref_slice %arg4[%mul3A_8, %dma_start3A_10] : memref<2560x128xi32, #tpu.memory_space<hbm>> -> memref<160x128xi32, #tpu.memory_space<hbm>>
    %dma_start3A_12 = tpu.memref_slice %arg12[%dma_start3A_9] : memref<4x!tpu.dma_semaphore, #tpu.memory_space<semaphore_mem>> -> memref<1x!tpu.dma_semaphore, #tpu.memory_space<semaphore_mem>>
    %dma_start3A_13 = tpu.memref_squeeze %dma_start3A_12 : memref<1x!tpu.dma_semaphore, #tpu.memory_space<semaphore_mem>> -> memref<!tpu.dma_semaphore, #tpu.memory_space<semaphore_mem>>
    %dma_start3A_14 = arith.constant 0 : i32
    %dma_start3A_15 = tpu.memref_slice %arg4[%mul3A_8, %dma_start3A_14] : memref<2560x128xi32, #tpu.memory_space<hbm>> -> memref<160x128xi32, #tpu.memory_space<hbm>>
    tpu.enqueue_dma source(%dma_start3A_15 : memref<160x128xi32, #tpu.memory_space<hbm>>) target(%arg8 : memref<160x128xi32, #tpu.memory_space<vmem>>) target_semaphore(%dma_start3A_13 : memref<!tpu.dma_semaphore, #tpu.memory_space<semaphore_mem>>)
    %mul3A_16 = arith.constant 640 : i32
    %mul3A_17 = arith.muli %arg1, %mul3A_16 : i32
    %mul3A_18 = arith.constant 640 : i32
    %mul3A_19 = arith.muli %arg1, %mul3A_18 : i32
    %dma_start3A_20 = arith.constant 2 : i32
    %dma_start3A_21 = tpu.memref_slice %arg12[%dma_start3A_20] : memref<4x!tpu.dma_semaphore, #tpu.memory_space<semaphore_mem>> -> memref<1x!tpu.dma_semaphore, #tpu.memory_space<semaphore_mem>>
    %dma_start3A_22 = tpu.memref_squeeze %dma_start3A_21 : memref<1x!tpu.dma_semaphore, #tpu.memory_space<semaphore_mem>> -> memref<!tpu.dma_semaphore, #tpu.memory_space<semaphore_mem>>
    %dma_start3A_23 = arith.constant 0 : i32
    %dma_start3A_24 = tpu.memref_slice %arg10[%mul3A_19, %dma_start3A_23] : memref<10240x32xf32, #tpu.memory_space<vmem_shared>> -> memref<640x32xf32, #tpu.memory_space<vmem_shared>>
    %dma_start3A_25 = arith.constant 0 : i32
    %dma_start3A_26 = arith.constant 0 : i32
    %dma_start3A_27 = tpu.memref_slice %arg2[%arg0, %dma_start3A_25, %dma_start3A_26] : memref<2x10240x32xf32, #tpu.memory_space<hbm>> -> memref<1x10240x32xf32, #tpu.memory_space<hbm>>
    %dma_start3A_28 = tpu.memref_squeeze %dma_start3A_27 : memref<1x10240x32xf32, #tpu.memory_space<hbm>> -> memref<10240x32xf32, #tpu.memory_space<hbm>>
    %dma_start3A_29 = arith.constant 0 : i32
    %dma_start3A_30 = tpu.memref_slice %dma_start3A_28[%mul3A_17, %dma_start3A_29] : memref<10240x32xf32, #tpu.memory_space<hbm>> -> memref<640x32xf32, #tpu.memory_space<hbm>>
    tpu.enqueue_dma source(%dma_start3A_30 : memref<640x32xf32, #tpu.memory_space<hbm>>) target(%dma_start3A_24 : memref<640x32xf32, #tpu.memory_space<vmem_shared>>) target_semaphore(%dma_start3A_22 : memref<!tpu.dma_semaphore, #tpu.memory_space<semaphore_mem>>)
    %mul3A_31 = arith.constant 640 : i32
    %mul3A_32 = arith.muli %arg1, %mul3A_31 : i32
    %dma_start3A_33 = arith.constant 3 : i32
    %dma_start3A_34 = tpu.memref_slice %arg12[%dma_start3A_33] : memref<4x!tpu.dma_semaphore, #tpu.memory_space<semaphore_mem>> -> memref<1x!tpu.dma_semaphore, #tpu.memory_space<semaphore_mem>>
    %dma_start3A_35 = tpu.memref_squeeze %dma_start3A_34 : memref<1x!tpu.dma_semaphore, #tpu.memory_space<semaphore_mem>> -> memref<!tpu.dma_semaphore, #tpu.memory_space<semaphore_mem>>
    %dma_start3A_36 = arith.constant 0 : i32
    %dma_start3A_37 = tpu.memref_slice %arg11[%mul3A_32, %dma_start3A_36] : memref<10240x32xf32, #tpu.memory_space<vmem_shared>> -> memref<640x32xf32, #tpu.memory_space<vmem_shared>>
    tpu.enqueue_dma source(%arg5 : memref<640x32xf32, #tpu.memory_space<hbm>>) target(%dma_start3A_37 : memref<640x32xf32, #tpu.memory_space<vmem_shared>>) target_semaphore(%dma_start3A_35 : memref<!tpu.dma_semaphore, #tpu.memory_space<semaphore_mem>>)
    %mul3A_38 = arith.constant 160 : i32
    %mul3A_39 = arith.muli %arg1, %mul3A_38 : i32
    %dma_wait3A = arith.constant 0 : i32
    %dma_wait3A_40 = arith.constant 0 : i32
    %dma_wait3A_41 = tpu.memref_slice %arg3[%mul3A_39, %dma_wait3A_40] : memref<2560x128xi32, #tpu.memory_space<hbm>> -> memref<160x128xi32, #tpu.memory_space<hbm>>
    %dma_wait3A_42 = tpu.memref_slice %arg12[%dma_wait3A] : memref<4x!tpu.dma_semaphore, #tpu.memory_space<semaphore_mem>> -> memref<1x!tpu.dma_semaphore, #tpu.memory_space<semaphore_mem>>
    %dma_wait3A_43 = tpu.memref_squeeze %dma_wait3A_42 : memref<1x!tpu.dma_semaphore, #tpu.memory_space<semaphore_mem>> -> memref<!tpu.dma_semaphore, #tpu.memory_space<semaphore_mem>>
    %dma_wait3A_44 = arith.constant 0 : i32
    %dma_wait3A_45 = tpu.memref_slice %arg3[%mul3A_39, %dma_wait3A_44] : memref<2560x128xi32, #tpu.memory_space<hbm>> -> memref<160x128xi32, #tpu.memory_space<hbm>>
    tpu.wait_dma2 semaphore(%dma_wait3A_43 : memref<!tpu.dma_semaphore, #tpu.memory_space<semaphore_mem>>) src(%dma_wait3A_45 : memref<160x128xi32, #tpu.memory_space<hbm>>) dst(%arg7 : memref<160x128xi32, #tpu.memory_space<vmem>>)
    %mul3A_46 = arith.constant 160 : i32
    %mul3A_47 = arith.muli %arg1, %mul3A_46 : i32
    %dma_wait3A_48 = arith.constant 1 : i32
    %dma_wait3A_49 = arith.constant 0 : i32
    %dma_wait3A_50 = tpu.memref_slice %arg4[%mul3A_47, %dma_wait3A_49] : memref<2560x128xi32, #tpu.memory_space<hbm>> -> memref<160x128xi32, #tpu.memory_space<hbm>>
    %dma_wait3A_51 = tpu.memref_slice %arg12[%dma_wait3A_48] : memref<4x!tpu.dma_semaphore, #tpu.memory_space<semaphore_mem>> -> memref<1x!tpu.dma_semaphore, #tpu.memory_space<semaphore_mem>>
    %dma_wait3A_52 = tpu.memref_squeeze %dma_wait3A_51 : memref<1x!tpu.dma_semaphore, #tpu.memory_space<semaphore_mem>> -> memref<!tpu.dma_semaphore, #tpu.memory_space<semaphore_mem>>
    %dma_wait3A_53 = arith.constant 0 : i32
    %dma_wait3A_54 = tpu.memref_slice %arg4[%mul3A_47, %dma_wait3A_53] : memref<2560x128xi32, #tpu.memory_space<hbm>> -> memref<160x128xi32, #tpu.memory_space<hbm>>
    tpu.wait_dma2 semaphore(%dma_wait3A_52 : memref<!tpu.dma_semaphore, #tpu.memory_space<semaphore_mem>>) src(%dma_wait3A_54 : memref<160x128xi32, #tpu.memory_space<hbm>>) dst(%arg8 : memref<160x128xi32, #tpu.memory_space<vmem>>)
    %mul3A_55 = arith.constant 640 : i32
    %mul3A_56 = arith.muli %arg1, %mul3A_55 : i32
    %mul3A_57 = arith.constant 640 : i32
    %mul3A_58 = arith.muli %arg1, %mul3A_57 : i32
    %dma_wait3A_59 = arith.constant 2 : i32
    %dma_wait3A_60 = tpu.memref_slice %arg12[%dma_wait3A_59] : memref<4x!tpu.dma_semaphore, #tpu.memory_space<semaphore_mem>> -> memref<1x!tpu.dma_semaphore, #tpu.memory_space<semaphore_mem>>
    %dma_wait3A_61 = tpu.memref_squeeze %dma_wait3A_60 : memref<1x!tpu.dma_semaphore, #tpu.memory_space<semaphore_mem>> -> memref<!tpu.dma_semaphore, #tpu.memory_space<semaphore_mem>>
    %dma_wait3A_62 = arith.constant 0 : i32
    %dma_wait3A_63 = tpu.memref_slice %arg10[%mul3A_58, %dma_wait3A_62] : memref<10240x32xf32, #tpu.memory_space<vmem_shared>> -> memref<640x32xf32, #tpu.memory_space<vmem_shared>>
    %dma_wait3A_64 = arith.constant 0 : i32
    %dma_wait3A_65 = arith.constant 0 : i32
    %dma_wait3A_66 = tpu.memref_slice %arg2[%arg0, %dma_wait3A_64, %dma_wait3A_65] : memref<2x10240x32xf32, #tpu.memory_space<hbm>> -> memref<1x10240x32xf32, #tpu.memory_space<hbm>>
    %dma_wait3A_67 = tpu.memref_squeeze %dma_wait3A_66 : memref<1x10240x32xf32, #tpu.memory_space<hbm>> -> memref<10240x32xf32, #tpu.memory_space<hbm>>
    %dma_wait3A_68 = arith.constant 0 : i32
    %dma_wait3A_69 = tpu.memref_slice %dma_wait3A_67[%mul3A_56, %dma_wait3A_68] : memref<10240x32xf32, #tpu.memory_space<hbm>> -> memref<640x32xf32, #tpu.memory_space<hbm>>
    tpu.wait_dma2 semaphore(%dma_wait3A_61 : memref<!tpu.dma_semaphore, #tpu.memory_space<semaphore_mem>>) src(%dma_wait3A_69 : memref<640x32xf32, #tpu.memory_space<hbm>>) dst(%dma_wait3A_63 : memref<640x32xf32, #tpu.memory_space<vmem_shared>>)
    %mul3A_70 = arith.constant 640 : i32
    %mul3A_71 = arith.muli %arg1, %mul3A_70 : i32
    %dma_wait3A_72 = arith.constant 3 : i32
    %dma_wait3A_73 = tpu.memref_slice %arg12[%dma_wait3A_72] : memref<4x!tpu.dma_semaphore, #tpu.memory_space<semaphore_mem>> -> memref<1x!tpu.dma_semaphore, #tpu.memory_space<semaphore_mem>>
    %dma_wait3A_74 = tpu.memref_squeeze %dma_wait3A_73 : memref<1x!tpu.dma_semaphore, #tpu.memory_space<semaphore_mem>> -> memref<!tpu.dma_semaphore, #tpu.memory_space<semaphore_mem>>
    %dma_wait3A_75 = arith.constant 0 : i32
    %dma_wait3A_76 = tpu.memref_slice %arg11[%mul3A_71, %dma_wait3A_75] : memref<10240x32xf32, #tpu.memory_space<vmem_shared>> -> memref<640x32xf32, #tpu.memory_space<vmem_shared>>
    tpu.wait_dma2 semaphore(%dma_wait3A_74 : memref<!tpu.dma_semaphore, #tpu.memory_space<semaphore_mem>>) src(%arg5 : memref<640x32xf32, #tpu.memory_space<hbm>>) dst(%dma_wait3A_76 : memref<640x32xf32, #tpu.memory_space<vmem_shared>>)
    %barrier3A = arith.constant 0 : index
    tpu.barrier barrier_id(%barrier3A)
    %dma_start3A_77 = arith.constant 0 : i32
    %dma_start3A_78 = arith.constant 0 : i32
    %dma_start3A_79 = arith.constant 0 : i32
    %dma_start3A_80 = arith.constant 0 : i32
    %dma_start3A_81 = arith.constant 0 : i32
    %dma_start3A_82 = tpu.memref_slice %arg9[%dma_start3A_78, %dma_start3A_80, %dma_start3A_81] : memref<4x128x32xf32, #tpu.memory_space<vmem>> -> memref<1x128x32xf32, #tpu.memory_space<vmem>>
    %dma_start3A_83 = tpu.memref_squeeze %dma_start3A_82 : memref<1x128x32xf32, #tpu.memory_space<vmem>> -> memref<128x32xf32, #tpu.memory_space<vmem>>
    %dma_start3A_84 = arith.constant 0 : i32
    %dma_start3A_85 = tpu.memref_slice %arg7[%dma_start3A_77, %dma_start3A_84] : memref<160x128xi32, #tpu.memory_space<vmem>> -> memref<1x128xi32, #tpu.memory_space<vmem>>
    %dma_start3A_86 = tpu.memref_squeeze %dma_start3A_85 : memref<1x128xi32, #tpu.memory_space<vmem>> -> memref<128xi32, #tpu.memory_space<vmem>>
    %dma_start3A_87 = arith.constant 0 : i32
    %dma_start3A_88 = arith.constant 0 : i32
    %dma_start3A_89 = tpu.memref_slice %arg10[%dma_start3A_87, %dma_start3A_88] : memref<10240x32xf32, #tpu.memory_space<vmem_shared>> -> memref<10240x32xf32, #tpu.memory_space<vmem_shared>>
    %dma_start3A_90 = tpu.memref_slice %arg12[%dma_start3A_79] : memref<4x!tpu.dma_semaphore, #tpu.memory_space<semaphore_mem>> -> memref<1x!tpu.dma_semaphore, #tpu.memory_space<semaphore_mem>>
    %dma_start3A_91 = tpu.memref_squeeze %dma_start3A_90 : memref<1x!tpu.dma_semaphore, #tpu.memory_space<semaphore_mem>> -> memref<!tpu.dma_semaphore, #tpu.memory_space<semaphore_mem>>
    tpu.enqueue_indirect_dma source(%dma_start3A_89 : memref<10240x32xf32, #tpu.memory_space<vmem_shared>>) target(%dma_start3A_83 : memref<128x32xf32, #tpu.memory_space<vmem>>) offsets(%dma_start3A_86 : memref<128xi32, #tpu.memory_space<vmem>>) semaphore(%dma_start3A_91 : memref<!tpu.dma_semaphore, #tpu.memory_space<semaphore_mem>>)
    %dma_start3A_92 = arith.constant 1 : i32
    %dma_start3A_93 = arith.constant 1 : i32
    %dma_start3A_94 = arith.constant 1 : i32
    %dma_start3A_95 = arith.constant 0 : i32
    %dma_start3A_96 = arith.constant 0 : i32
    %dma_start3A_97 = tpu.memref_slice %arg9[%dma_start3A_93, %dma_start3A_95, %dma_start3A_96] : memref<4x128x32xf32, #tpu.memory_space<vmem>> -> memref<1x128x32xf32, #tpu.memory_space<vmem>>
    %dma_start3A_98 = tpu.memref_squeeze %dma_start3A_97 : memref<1x128x32xf32, #tpu.memory_space<vmem>> -> memref<128x32xf32, #tpu.memory_space<vmem>>
    %dma_start3A_99 = arith.constant 0 : i32
    %dma_start3A_100 = tpu.memref_slice %arg7[%dma_start3A_92, %dma_start3A_99] : memref<160x128xi32, #tpu.memory_space<vmem>> -> memref<1x128xi32, #tpu.memory_space<vmem>>
    %dma_start3A_101 = tpu.memref_squeeze %dma_start3A_100 : memref<1x128xi32, #tpu.memory_space<vmem>> -> memref<128xi32, #tpu.memory_space<vmem>>
    %dma_start3A_102 = arith.constant 0 : i32
    %dma_start3A_103 = arith.constant 0 : i32
    %dma_start3A_104 = tpu.memref_slice %arg10[%dma_start3A_102, %dma_start3A_103] : memref<10240x32xf32, #tpu.memory_space<vmem_shared>> -> memref<10240x32xf32, #tpu.memory_space<vmem_shared>>
    %dma_start3A_105 = tpu.memref_slice %arg12[%dma_start3A_94] : memref<4x!tpu.dma_semaphore, #tpu.memory_space<semaphore_mem>> -> memref<1x!tpu.dma_semaphore, #tpu.memory_space<semaphore_mem>>
    %dma_start3A_106 = tpu.memref_squeeze %dma_start3A_105 : memref<1x!tpu.dma_semaphore, #tpu.memory_space<semaphore_mem>> -> memref<!tpu.dma_semaphore, #tpu.memory_space<semaphore_mem>>
    tpu.enqueue_indirect_dma source(%dma_start3A_104 : memref<10240x32xf32, #tpu.memory_space<vmem_shared>>) target(%dma_start3A_98 : memref<128x32xf32, #tpu.memory_space<vmem>>) offsets(%dma_start3A_101 : memref<128xi32, #tpu.memory_space<vmem>>) semaphore(%dma_start3A_106 : memref<!tpu.dma_semaphore, #tpu.memory_space<semaphore_mem>>)
    %dma_start3A_107 = arith.constant 2 : i32
    %dma_start3A_108 = arith.constant 2 : i32
    %dma_start3A_109 = arith.constant 2 : i32
    %dma_start3A_110 = arith.constant 0 : i32
    %dma_start3A_111 = arith.constant 0 : i32
    %dma_start3A_112 = tpu.memref_slice %arg9[%dma_start3A_108, %dma_start3A_110, %dma_start3A_111] : memref<4x128x32xf32, #tpu.memory_space<vmem>> -> memref<1x128x32xf32, #tpu.memory_space<vmem>>
    %dma_start3A_113 = tpu.memref_squeeze %dma_start3A_112 : memref<1x128x32xf32, #tpu.memory_space<vmem>> -> memref<128x32xf32, #tpu.memory_space<vmem>>
    %dma_start3A_114 = arith.constant 0 : i32
    %dma_start3A_115 = tpu.memref_slice %arg7[%dma_start3A_107, %dma_start3A_114] : memref<160x128xi32, #tpu.memory_space<vmem>> -> memref<1x128xi32, #tpu.memory_space<vmem>>
    %dma_start3A_116 = tpu.memref_squeeze %dma_start3A_115 : memref<1x128xi32, #tpu.memory_space<vmem>> -> memref<128xi32, #tpu.memory_space<vmem>>
    %dma_start3A_117 = arith.constant 0 : i32
    %dma_start3A_118 = arith.constant 0 : i32
    %dma_start3A_119 = tpu.memref_slice %arg10[%dma_start3A_117, %dma_start3A_118] : memref<10240x32xf32, #tpu.memory_space<vmem_shared>> -> memref<10240x32xf32, #tpu.memory_space<vmem_shared>>
    %dma_start3A_120 = tpu.memref_slice %arg12[%dma_start3A_109] : memref<4x!tpu.dma_semaphore, #tpu.memory_space<semaphore_mem>> -> memref<1x!tpu.dma_semaphore, #tpu.memory_space<semaphore_mem>>
    %dma_start3A_121 = tpu.memref_squeeze %dma_start3A_120 : memref<1x!tpu.dma_semaphore, #tpu.memory_space<semaphore_mem>> -> memref<!tpu.dma_semaphore, #tpu.memory_space<semaphore_mem>>
    tpu.enqueue_indirect_dma source(%dma_start3A_119 : memref<10240x32xf32, #tpu.memory_space<vmem_shared>>) target(%dma_start3A_113 : memref<128x32xf32, #tpu.memory_space<vmem>>) offsets(%dma_start3A_116 : memref<128xi32, #tpu.memory_space<vmem>>) semaphore(%dma_start3A_121 : memref<!tpu.dma_semaphore, #tpu.memory_space<semaphore_mem>>)
    %dma_start3A_122 = arith.constant 3 : i32
    %dma_start3A_123 = arith.constant 3 : i32
    %dma_start3A_124 = arith.constant 3 : i32
    %dma_start3A_125 = arith.constant 0 : i32
    %dma_start3A_126 = arith.constant 0 : i32
    %dma_start3A_127 = tpu.memref_slice %arg9[%dma_start3A_123, %dma_start3A_125, %dma_start3A_126] : memref<4x128x32xf32, #tpu.memory_space<vmem>> -> memref<1x128x32xf32, #tpu.memory_space<vmem>>
    %dma_start3A_128 = tpu.memref_squeeze %dma_start3A_127 : memref<1x128x32xf32, #tpu.memory_space<vmem>> -> memref<128x32xf32, #tpu.memory_space<vmem>>
    %dma_start3A_129 = arith.constant 0 : i32
    %dma_start3A_130 = tpu.memref_slice %arg7[%dma_start3A_122, %dma_start3A_129] : memref<160x128xi32, #tpu.memory_space<vmem>> -> memref<1x128xi32, #tpu.memory_space<vmem>>
    %dma_start3A_131 = tpu.memref_squeeze %dma_start3A_130 : memref<1x128xi32, #tpu.memory_space<vmem>> -> memref<128xi32, #tpu.memory_space<vmem>>
    %dma_start3A_132 = arith.constant 0 : i32
    %dma_start3A_133 = arith.constant 0 : i32
    %dma_start3A_134 = tpu.memref_slice %arg10[%dma_start3A_132, %dma_start3A_133] : memref<10240x32xf32, #tpu.memory_space<vmem_shared>> -> memref<10240x32xf32, #tpu.memory_space<vmem_shared>>
    %dma_start3A_135 = tpu.memref_slice %arg12[%dma_start3A_124] : memref<4x!tpu.dma_semaphore, #tpu.memory_space<semaphore_mem>> -> memref<1x!tpu.dma_semaphore, #tpu.memory_space<semaphore_mem>>
    %dma_start3A_136 = tpu.memref_squeeze %dma_start3A_135 : memref<1x!tpu.dma_semaphore, #tpu.memory_space<semaphore_mem>> -> memref<!tpu.dma_semaphore, #tpu.memory_space<semaphore_mem>>
    tpu.enqueue_indirect_dma source(%dma_start3A_134 : memref<10240x32xf32, #tpu.memory_space<vmem_shared>>) target(%dma_start3A_128 : memref<128x32xf32, #tpu.memory_space<vmem>>) offsets(%dma_start3A_131 : memref<128xi32, #tpu.memory_space<vmem>>) semaphore(%dma_start3A_136 : memref<!tpu.dma_semaphore, #tpu.memory_space<semaphore_mem>>)
    %scan3A = arith.constant 0 : i32
    %scan3A_137 = arith.constant 39 : i32
    %scan3A_138 = arith.addi %scan3A, %scan3A_137 : i32
    %scan3A_139 = arith.constant 1 : i32
    scf.for %scan3A_213 = %scan3A to %scan3A_138 step %scan3A_139  : i32 {
      %mul3A_214 = arith.constant 1 : i32
      %mul3A_215 = arith.muli %scan3A_213, %mul3A_214 : i32
      %add3A = arith.constant 0 : i32
      %add3A_216 = arith.addi %add3A, %mul3A_215 : i32
      %mul3A_217 = arith.constant 4 : i32
      %mul3A_218 = arith.muli %add3A_216, %mul3A_217 : i32
      %add3A_219 = arith.constant 0 : i32
      %add3A_220 = arith.addi %mul3A_218, %add3A_219 : i32
      %dma_wait3A_221 = arith.constant 0 : i32
      %dma_wait3A_222 = arith.constant 0 : i32
      %dma_wait3A_223 = arith.constant 0 : i32
      %dma_wait3A_224 = arith.constant 0 : i32
      %dma_wait3A_225 = tpu.memref_slice %arg9[%dma_wait3A_221, %dma_wait3A_223, %dma_wait3A_224] : memref<4x128x32xf32, #tpu.memory_space<vmem>> -> memref<1x128x32xf32, #tpu.memory_space<vmem>>
      %dma_wait3A_226 = tpu.memref_squeeze %dma_wait3A_225 : memref<1x128x32xf32, #tpu.memory_space<vmem>> -> memref<128x32xf32, #tpu.memory_space<vmem>>
      %dma_wait3A_227 = arith.constant 0 : i32
      %dma_wait3A_228 = tpu.memref_slice %arg7[%add3A_220, %dma_wait3A_227] : memref<160x128xi32, #tpu.memory_space<vmem>> -> memref<1x128xi32, #tpu.memory_space<vmem>>
      %dma_wait3A_229 = tpu.memref_squeeze %dma_wait3A_228 : memref<1x128xi32, #tpu.memory_space<vmem>> -> memref<128xi32, #tpu.memory_space<vmem>>
      %dma_wait3A_230 = arith.constant 0 : i32
      %dma_wait3A_231 = arith.constant 0 : i32
      %dma_wait3A_232 = tpu.memref_slice %arg10[%dma_wait3A_230, %dma_wait3A_231] : memref<10240x32xf32, #tpu.memory_space<vmem_shared>> -> memref<10240x32xf32, #tpu.memory_space<vmem_shared>>
      %dma_wait3A_233 = tpu.memref_slice %arg12[%dma_wait3A_222] : memref<4x!tpu.dma_semaphore, #tpu.memory_space<semaphore_mem>> -> memref<1x!tpu.dma_semaphore, #tpu.memory_space<semaphore_mem>>
      %dma_wait3A_234 = tpu.memref_squeeze %dma_wait3A_233 : memref<1x!tpu.dma_semaphore, #tpu.memory_space<semaphore_mem>> -> memref<!tpu.dma_semaphore, #tpu.memory_space<semaphore_mem>>
      tpu.wait_indirect_dma semaphore(%dma_wait3A_234 : memref<!tpu.dma_semaphore, #tpu.memory_space<semaphore_mem>>) src(%dma_wait3A_232 : memref<10240x32xf32, #tpu.memory_space<vmem_shared>>) dst(%dma_wait3A_226 : memref<128x32xf32, #tpu.memory_space<vmem>>)
      %add3A_235 = arith.constant 0 : i32
      %add3A_236 = arith.addi %mul3A_218, %add3A_235 : i32
      %run_scoped3A_237 = arith.constant 0 : i32
      "tpu.region"() ({
        %run_scoped3A_367 = tpu.sem_alloc : memref<!tpu.dma_semaphore, #tpu.memory_space<semaphore_mem>>
        %dma_start3A_368 = arith.constant 0 : i32
        %dma_start3A_369 = arith.constant 0 : i32
        %dma_start3A_370 = tpu.memref_slice %arg9[%run_scoped3A_237, %dma_start3A_368, %dma_start3A_369] : memref<4x128x32xf32, #tpu.memory_space<vmem>> -> memref<1x128x32xf32, #tpu.memory_space<vmem>>
        %dma_start3A_371 = tpu.memref_squeeze %dma_start3A_370 : memref<1x128x32xf32, #tpu.memory_space<vmem>> -> memref<128x32xf32, #tpu.memory_space<vmem>>
        %dma_start3A_372 = arith.constant 0 : i32
        %dma_start3A_373 = tpu.memref_slice %arg8[%add3A_236, %dma_start3A_372] : memref<160x128xi32, #tpu.memory_space<vmem>> -> memref<1x128xi32, #tpu.memory_space<vmem>>
        %dma_start3A_374 = tpu.memref_squeeze %dma_start3A_373 : memref<1x128xi32, #tpu.memory_space<vmem>> -> memref<128xi32, #tpu.memory_space<vmem>>
        %dma_start3A_375 = arith.constant 0 : i32
        %dma_start3A_376 = arith.constant 0 : i32
        %dma_start3A_377 = tpu.memref_slice %arg11[%dma_start3A_375, %dma_start3A_376] : memref<10240x32xf32, #tpu.memory_space<vmem_shared>> -> memref<10240x32xf32, #tpu.memory_space<vmem_shared>>
        tpu.enqueue_indirect_dma source(%dma_start3A_371 : memref<128x32xf32, #tpu.memory_space<vmem>>) target(%dma_start3A_377 : memref<10240x32xf32, #tpu.memory_space<vmem_shared>>) offsets(%dma_start3A_374 : memref<128xi32, #tpu.memory_space<vmem>>) semaphore(%run_scoped3A_367 : memref<!tpu.dma_semaphore, #tpu.memory_space<semaphore_mem>>) {add = true}
        %dma_wait3A_378 = arith.constant 0 : i32
        %dma_wait3A_379 = arith.constant 0 : i32
        %dma_wait3A_380 = tpu.memref_slice %arg9[%run_scoped3A_237, %dma_wait3A_378, %dma_wait3A_379] : memref<4x128x32xf32, #tpu.memory_space<vmem>> -> memref<1x128x32xf32, #tpu.memory_space<vmem>>
        %dma_wait3A_381 = tpu.memref_squeeze %dma_wait3A_380 : memref<1x128x32xf32, #tpu.memory_space<vmem>> -> memref<128x32xf32, #tpu.memory_space<vmem>>
        %dma_wait3A_382 = arith.constant 0 : i32
        %dma_wait3A_383 = tpu.memref_slice %arg8[%add3A_236, %dma_wait3A_382] : memref<160x128xi32, #tpu.memory_space<vmem>> -> memref<1x128xi32, #tpu.memory_space<vmem>>
        %dma_wait3A_384 = tpu.memref_squeeze %dma_wait3A_383 : memref<1x128xi32, #tpu.memory_space<vmem>> -> memref<128xi32, #tpu.memory_space<vmem>>
        %dma_wait3A_385 = arith.constant 0 : i32
        %dma_wait3A_386 = arith.constant 0 : i32
        %dma_wait3A_387 = tpu.memref_slice %arg11[%dma_wait3A_385, %dma_wait3A_386] : memref<10240x32xf32, #tpu.memory_space<vmem_shared>> -> memref<10240x32xf32, #tpu.memory_space<vmem_shared>>
        tpu.wait_indirect_dma semaphore(%run_scoped3A_367 : memref<!tpu.dma_semaphore, #tpu.memory_space<semaphore_mem>>) src(%dma_wait3A_381 : memref<128x32xf32, #tpu.memory_space<vmem>>) dst(%dma_wait3A_387 : memref<10240x32xf32, #tpu.memory_space<vmem_shared>>)
        tpu.yield
      }) : () -> ()
      %add3A_238 = arith.constant 0 : i32
      %add3A_239 = arith.addi %mul3A_218, %add3A_238 : i32
      %add3A_240 = arith.constant 4 : i32
      %add3A_241 = arith.addi %add3A_239, %add3A_240 : i32
      %dma_start3A_242 = arith.constant 0 : i32
      %dma_start3A_243 = arith.constant 0 : i32
      %dma_start3A_244 = arith.constant 0 : i32
      %dma_start3A_245 = arith.constant 0 : i32
      %dma_start3A_246 = tpu.memref_slice %arg9[%dma_start3A_242, %dma_start3A_244, %dma_start3A_245] : memref<4x128x32xf32, #tpu.memory_space<vmem>> -> memref<1x128x32xf32, #tpu.memory_space<vmem>>
      %dma_start3A_247 = tpu.memref_squeeze %dma_start3A_246 : memref<1x128x32xf32, #tpu.memory_space<vmem>> -> memref<128x32xf32, #tpu.memory_space<vmem>>
      %dma_start3A_248 = arith.constant 0 : i32
      %dma_start3A_249 = tpu.memref_slice %arg7[%add3A_241, %dma_start3A_248] : memref<160x128xi32, #tpu.memory_space<vmem>> -> memref<1x128xi32, #tpu.memory_space<vmem>>
      %dma_start3A_250 = tpu.memref_squeeze %dma_start3A_249 : memref<1x128xi32, #tpu.memory_space<vmem>> -> memref<128xi32, #tpu.memory_space<vmem>>
      %dma_start3A_251 = arith.constant 0 : i32
      %dma_start3A_252 = arith.constant 0 : i32
      %dma_start3A_253 = tpu.memref_slice %arg10[%dma_start3A_251, %dma_start3A_252] : memref<10240x32xf32, #tpu.memory_space<vmem_shared>> -> memref<10240x32xf32, #tpu.memory_space<vmem_shared>>
      %dma_start3A_254 = tpu.memref_slice %arg12[%dma_start3A_243] : memref<4x!tpu.dma_semaphore, #tpu.memory_space<semaphore_mem>> -> memref<1x!tpu.dma_semaphore, #tpu.memory_space<semaphore_mem>>
      %dma_start3A_255 = tpu.memref_squeeze %dma_start3A_254 : memref<1x!tpu.dma_semaphore, #tpu.memory_space<semaphore_mem>> -> memref<!tpu.dma_semaphore, #tpu.memory_space<semaphore_mem>>
      tpu.enqueue_indirect_dma source(%dma_start3A_253 : memref<10240x32xf32, #tpu.memory_space<vmem_shared>>) target(%dma_start3A_247 : memref<128x32xf32, #tpu.memory_space<vmem>>) offsets(%dma_start3A_250 : memref<128xi32, #tpu.memory_space<vmem>>) semaphore(%dma_start3A_255 : memref<!tpu.dma_semaphore, #tpu.memory_space<semaphore_mem>>)
      %add3A_256 = arith.constant 1 : i32
      %add3A_257 = arith.addi %mul3A_218, %add3A_256 : i32
      %dma_wait3A_258 = arith.constant 1 : i32
      %dma_wait3A_259 = arith.constant 1 : i32
      %dma_wait3A_260 = arith.constant 0 : i32
      %dma_wait3A_261 = arith.constant 0 : i32
      %dma_wait3A_262 = tpu.memref_slice %arg9[%dma_wait3A_258, %dma_wait3A_260, %dma_wait3A_261] : memref<4x128x32xf32, #tpu.memory_space<vmem>> -> memref<1x128x32xf32, #tpu.memory_space<vmem>>
      %dma_wait3A_263 = tpu.memref_squeeze %dma_wait3A_262 : memref<1x128x32xf32, #tpu.memory_space<vmem>> -> memref<128x32xf32, #tpu.memory_space<vmem>>
      %dma_wait3A_264 = arith.constant 0 : i32
      %dma_wait3A_265 = tpu.memref_slice %arg7[%add3A_257, %dma_wait3A_264] : memref<160x128xi32, #tpu.memory_space<vmem>> -> memref<1x128xi32, #tpu.memory_space<vmem>>
      %dma_wait3A_266 = tpu.memref_squeeze %dma_wait3A_265 : memref<1x128xi32, #tpu.memory_space<vmem>> -> memref<128xi32, #tpu.memory_space<vmem>>
      %dma_wait3A_267 = arith.constant 0 : i32
      %dma_wait3A_268 = arith.constant 0 : i32
      %dma_wait3A_269 = tpu.memref_slice %arg10[%dma_wait3A_267, %dma_wait3A_268] : memref<10240x32xf32, #tpu.memory_space<vmem_shared>> -> memref<10240x32xf32, #tpu.memory_space<vmem_shared>>
      %dma_wait3A_270 = tpu.memref_slice %arg12[%dma_wait3A_259] : memref<4x!tpu.dma_semaphore, #tpu.memory_space<semaphore_mem>> -> memref<1x!tpu.dma_semaphore, #tpu.memory_space<semaphore_mem>>
      %dma_wait3A_271 = tpu.memref_squeeze %dma_wait3A_270 : memref<1x!tpu.dma_semaphore, #tpu.memory_space<semaphore_mem>> -> memref<!tpu.dma_semaphore, #tpu.memory_space<semaphore_mem>>
      tpu.wait_indirect_dma semaphore(%dma_wait3A_271 : memref<!tpu.dma_semaphore, #tpu.memory_space<semaphore_mem>>) src(%dma_wait3A_269 : memref<10240x32xf32, #tpu.memory_space<vmem_shared>>) dst(%dma_wait3A_263 : memref<128x32xf32, #tpu.memory_space<vmem>>)
      %add3A_272 = arith.constant 1 : i32
      %add3A_273 = arith.addi %mul3A_218, %add3A_272 : i32
      %run_scoped3A_274 = arith.constant 1 : i32
      "tpu.region"() ({
        %run_scoped3A_367 = tpu.sem_alloc : memref<!tpu.dma_semaphore, #tpu.memory_space<semaphore_mem>>
        %dma_start3A_368 = arith.constant 0 : i32
        %dma_start3A_369 = arith.constant 0 : i32
        %dma_start3A_370 = tpu.memref_slice %arg9[%run_scoped3A_274, %dma_start3A_368, %dma_start3A_369] : memref<4x128x32xf32, #tpu.memory_space<vmem>> -> memref<1x128x32xf32, #tpu.memory_space<vmem>>
        %dma_start3A_371 = tpu.memref_squeeze %dma_start3A_370 : memref<1x128x32xf32, #tpu.memory_space<vmem>> -> memref<128x32xf32, #tpu.memory_space<vmem>>
        %dma_start3A_372 = arith.constant 0 : i32
        %dma_start3A_373 = tpu.memref_slice %arg8[%add3A_273, %dma_start3A_372] : memref<160x128xi32, #tpu.memory_space<vmem>> -> memref<1x128xi32, #tpu.memory_space<vmem>>
        %dma_start3A_374 = tpu.memref_squeeze %dma_start3A_373 : memref<1x128xi32, #tpu.memory_space<vmem>> -> memref<128xi32, #tpu.memory_space<vmem>>
        %dma_start3A_375 = arith.constant 0 : i32
        %dma_start3A_376 = arith.constant 0 : i32
        %dma_start3A_377 = tpu.memref_slice %arg11[%dma_start3A_375, %dma_start3A_376] : memref<10240x32xf32, #tpu.memory_space<vmem_shared>> -> memref<10240x32xf32, #tpu.memory_space<vmem_shared>>
        tpu.enqueue_indirect_dma source(%dma_start3A_371 : memref<128x32xf32, #tpu.memory_space<vmem>>) target(%dma_start3A_377 : memref<10240x32xf32, #tpu.memory_space<vmem_shared>>) offsets(%dma_start3A_374 : memref<128xi32, #tpu.memory_space<vmem>>) semaphore(%run_scoped3A_367 : memref<!tpu.dma_semaphore, #tpu.memory_space<semaphore_mem>>) {add = true}
        %dma_wait3A_378 = arith.constant 0 : i32
        %dma_wait3A_379 = arith.constant 0 : i32
        %dma_wait3A_380 = tpu.memref_slice %arg9[%run_scoped3A_274, %dma_wait3A_378, %dma_wait3A_379] : memref<4x128x32xf32, #tpu.memory_space<vmem>> -> memref<1x128x32xf32, #tpu.memory_space<vmem>>
        %dma_wait3A_381 = tpu.memref_squeeze %dma_wait3A_380 : memref<1x128x32xf32, #tpu.memory_space<vmem>> -> memref<128x32xf32, #tpu.memory_space<vmem>>
        %dma_wait3A_382 = arith.constant 0 : i32
        %dma_wait3A_383 = tpu.memref_slice %arg8[%add3A_273, %dma_wait3A_382] : memref<160x128xi32, #tpu.memory_space<vmem>> -> memref<1x128xi32, #tpu.memory_space<vmem>>
        %dma_wait3A_384 = tpu.memref_squeeze %dma_wait3A_383 : memref<1x128xi32, #tpu.memory_space<vmem>> -> memref<128xi32, #tpu.memory_space<vmem>>
        %dma_wait3A_385 = arith.constant 0 : i32
        %dma_wait3A_386 = arith.constant 0 : i32
        %dma_wait3A_387 = tpu.memref_slice %arg11[%dma_wait3A_385, %dma_wait3A_386] : memref<10240x32xf32, #tpu.memory_space<vmem_shared>> -> memref<10240x32xf32, #tpu.memory_space<vmem_shared>>
        tpu.wait_indirect_dma semaphore(%run_scoped3A_367 : memref<!tpu.dma_semaphore, #tpu.memory_space<semaphore_mem>>) src(%dma_wait3A_381 : memref<128x32xf32, #tpu.memory_space<vmem>>) dst(%dma_wait3A_387 : memref<10240x32xf32, #tpu.memory_space<vmem_shared>>)
        tpu.yield
      }) : () -> ()
      %add3A_275 = arith.constant 1 : i32
      %add3A_276 = arith.addi %mul3A_218, %add3A_275 : i32
      %add3A_277 = arith.constant 4 : i32
      %add3A_278 = arith.addi %add3A_276, %add3A_277 : i32
      %dma_start3A_279 = arith.constant 1 : i32
      %dma_start3A_280 = arith.constant 1 : i32
      %dma_start3A_281 = arith.constant 0 : i32
      %dma_start3A_282 = arith.constant 0 : i32
      %dma_start3A_283 = tpu.memref_slice %arg9[%dma_start3A_279, %dma_start3A_281, %dma_start3A_282] : memref<4x128x32xf32, #tpu.memory_space<vmem>> -> memref<1x128x32xf32, #tpu.memory_space<vmem>>
      %dma_start3A_284 = tpu.memref_squeeze %dma_start3A_283 : memref<1x128x32xf32, #tpu.memory_space<vmem>> -> memref<128x32xf32, #tpu.memory_space<vmem>>
      %dma_start3A_285 = arith.constant 0 : i32
      %dma_start3A_286 = tpu.memref_slice %arg7[%add3A_278, %dma_start3A_285] : memref<160x128xi32, #tpu.memory_space<vmem>> -> memref<1x128xi32, #tpu.memory_space<vmem>>
      %dma_start3A_287 = tpu.memref_squeeze %dma_start3A_286 : memref<1x128xi32, #tpu.memory_space<vmem>> -> memref<128xi32, #tpu.memory_space<vmem>>
      %dma_start3A_288 = arith.constant 0 : i32
      %dma_start3A_289 = arith.constant 0 : i32
      %dma_start3A_290 = tpu.memref_slice %arg10[%dma_start3A_288, %dma_start3A_289] : memref<10240x32xf32, #tpu.memory_space<vmem_shared>> -> memref<10240x32xf32, #tpu.memory_space<vmem_shared>>
      %dma_start3A_291 = tpu.memref_slice %arg12[%dma_start3A_280] : memref<4x!tpu.dma_semaphore, #tpu.memory_space<semaphore_mem>> -> memref<1x!tpu.dma_semaphore, #tpu.memory_space<semaphore_mem>>
      %dma_start3A_292 = tpu.memref_squeeze %dma_start3A_291 : memref<1x!tpu.dma_semaphore, #tpu.memory_space<semaphore_mem>> -> memref<!tpu.dma_semaphore, #tpu.memory_space<semaphore_mem>>
      tpu.enqueue_indirect_dma source(%dma_start3A_290 : memref<10240x32xf32, #tpu.memory_space<vmem_shared>>) target(%dma_start3A_284 : memref<128x32xf32, #tpu.memory_space<vmem>>) offsets(%dma_start3A_287 : memref<128xi32, #tpu.memory_space<vmem>>) semaphore(%dma_start3A_292 : memref<!tpu.dma_semaphore, #tpu.memory_space<semaphore_mem>>)
      %add3A_293 = arith.constant 2 : i32
      %add3A_294 = arith.addi %mul3A_218, %add3A_293 : i32
      %dma_wait3A_295 = arith.constant 2 : i32
      %dma_wait3A_296 = arith.constant 2 : i32
      %dma_wait3A_297 = arith.constant 0 : i32
      %dma_wait3A_298 = arith.constant 0 : i32
      %dma_wait3A_299 = tpu.memref_slice %arg9[%dma_wait3A_295, %dma_wait3A_297, %dma_wait3A_298] : memref<4x128x32xf32, #tpu.memory_space<vmem>> -> memref<1x128x32xf32, #tpu.memory_space<vmem>>
      %dma_wait3A_300 = tpu.memref_squeeze %dma_wait3A_299 : memref<1x128x32xf32, #tpu.memory_space<vmem>> -> memref<128x32xf32, #tpu.memory_space<vmem>>
      %dma_wait3A_301 = arith.constant 0 : i32
      %dma_wait3A_302 = tpu.memref_slice %arg7[%add3A_294, %dma_wait3A_301] : memref<160x128xi32, #tpu.memory_space<vmem>> -> memref<1x128xi32, #tpu.memory_space<vmem>>
      %dma_wait3A_303 = tpu.memref_squeeze %dma_wait3A_302 : memref<1x128xi32, #tpu.memory_space<vmem>> -> memref<128xi32, #tpu.memory_space<vmem>>
      %dma_wait3A_304 = arith.constant 0 : i32
      %dma_wait3A_305 = arith.constant 0 : i32
      %dma_wait3A_306 = tpu.memref_slice %arg10[%dma_wait3A_304, %dma_wait3A_305] : memref<10240x32xf32, #tpu.memory_space<vmem_shared>> -> memref<10240x32xf32, #tpu.memory_space<vmem_shared>>
      %dma_wait3A_307 = tpu.memref_slice %arg12[%dma_wait3A_296] : memref<4x!tpu.dma_semaphore, #tpu.memory_space<semaphore_mem>> -> memref<1x!tpu.dma_semaphore, #tpu.memory_space<semaphore_mem>>
      %dma_wait3A_308 = tpu.memref_squeeze %dma_wait3A_307 : memref<1x!tpu.dma_semaphore, #tpu.memory_space<semaphore_mem>> -> memref<!tpu.dma_semaphore, #tpu.memory_space<semaphore_mem>>
      tpu.wait_indirect_dma semaphore(%dma_wait3A_308 : memref<!tpu.dma_semaphore, #tpu.memory_space<semaphore_mem>>) src(%dma_wait3A_306 : memref<10240x32xf32, #tpu.memory_space<vmem_shared>>) dst(%dma_wait3A_300 : memref<128x32xf32, #tpu.memory_space<vmem>>)
      %add3A_309 = arith.constant 2 : i32
      %add3A_310 = arith.addi %mul3A_218, %add3A_309 : i32
      %run_scoped3A_311 = arith.constant 2 : i32
      "tpu.region"() ({
        %run_scoped3A_367 = tpu.sem_alloc : memref<!tpu.dma_semaphore, #tpu.memory_space<semaphore_mem>>
        %dma_start3A_368 = arith.constant 0 : i32
        %dma_start3A_369 = arith.constant 0 : i32
        %dma_start3A_370 = tpu.memref_slice %arg9[%run_scoped3A_311, %dma_start3A_368, %dma_start3A_369] : memref<4x128x32xf32, #tpu.memory_space<vmem>> -> memref<1x128x32xf32, #tpu.memory_space<vmem>>
        %dma_start3A_371 = tpu.memref_squeeze %dma_start3A_370 : memref<1x128x32xf32, #tpu.memory_space<vmem>> -> memref<128x32xf32, #tpu.memory_space<vmem>>
        %dma_start3A_372 = arith.constant 0 : i32
        %dma_start3A_373 = tpu.memref_slice %arg8[%add3A_310, %dma_start3A_372] : memref<160x128xi32, #tpu.memory_space<vmem>> -> memref<1x128xi32, #tpu.memory_space<vmem>>
        %dma_start3A_374 = tpu.memref_squeeze %dma_start3A_373 : memref<1x128xi32, #tpu.memory_space<vmem>> -> memref<128xi32, #tpu.memory_space<vmem>>
        %dma_start3A_375 = arith.constant 0 : i32
        %dma_start3A_376 = arith.constant 0 : i32
        %dma_start3A_377 = tpu.memref_slice %arg11[%dma_start3A_375, %dma_start3A_376] : memref<10240x32xf32, #tpu.memory_space<vmem_shared>> -> memref<10240x32xf32, #tpu.memory_space<vmem_shared>>
        tpu.enqueue_indirect_dma source(%dma_start3A_371 : memref<128x32xf32, #tpu.memory_space<vmem>>) target(%dma_start3A_377 : memref<10240x32xf32, #tpu.memory_space<vmem_shared>>) offsets(%dma_start3A_374 : memref<128xi32, #tpu.memory_space<vmem>>) semaphore(%run_scoped3A_367 : memref<!tpu.dma_semaphore, #tpu.memory_space<semaphore_mem>>) {add = true}
        %dma_wait3A_378 = arith.constant 0 : i32
        %dma_wait3A_379 = arith.constant 0 : i32
        %dma_wait3A_380 = tpu.memref_slice %arg9[%run_scoped3A_311, %dma_wait3A_378, %dma_wait3A_379] : memref<4x128x32xf32, #tpu.memory_space<vmem>> -> memref<1x128x32xf32, #tpu.memory_space<vmem>>
        %dma_wait3A_381 = tpu.memref_squeeze %dma_wait3A_380 : memref<1x128x32xf32, #tpu.memory_space<vmem>> -> memref<128x32xf32, #tpu.memory_space<vmem>>
        %dma_wait3A_382 = arith.constant 0 : i32
        %dma_wait3A_383 = tpu.memref_slice %arg8[%add3A_310, %dma_wait3A_382] : memref<160x128xi32, #tpu.memory_space<vmem>> -> memref<1x128xi32, #tpu.memory_space<vmem>>
        %dma_wait3A_384 = tpu.memref_squeeze %dma_wait3A_383 : memref<1x128xi32, #tpu.memory_space<vmem>> -> memref<128xi32, #tpu.memory_space<vmem>>
        %dma_wait3A_385 = arith.constant 0 : i32
        %dma_wait3A_386 = arith.constant 0 : i32
        %dma_wait3A_387 = tpu.memref_slice %arg11[%dma_wait3A_385, %dma_wait3A_386] : memref<10240x32xf32, #tpu.memory_space<vmem_shared>> -> memref<10240x32xf32, #tpu.memory_space<vmem_shared>>
        tpu.wait_indirect_dma semaphore(%run_scoped3A_367 : memref<!tpu.dma_semaphore, #tpu.memory_space<semaphore_mem>>) src(%dma_wait3A_381 : memref<128x32xf32, #tpu.memory_space<vmem>>) dst(%dma_wait3A_387 : memref<10240x32xf32, #tpu.memory_space<vmem_shared>>)
        tpu.yield
      }) : () -> ()
      %add3A_312 = arith.constant 2 : i32
      %add3A_313 = arith.addi %mul3A_218, %add3A_312 : i32
      %add3A_314 = arith.constant 4 : i32
      %add3A_315 = arith.addi %add3A_313, %add3A_314 : i32
      %dma_start3A_316 = arith.constant 2 : i32
      %dma_start3A_317 = arith.constant 2 : i32
      %dma_start3A_318 = arith.constant 0 : i32
      %dma_start3A_319 = arith.constant 0 : i32
      %dma_start3A_320 = tpu.memref_slice %arg9[%dma_start3A_316, %dma_start3A_318, %dma_start3A_319] : memref<4x128x32xf32, #tpu.memory_space<vmem>> -> memref<1x128x32xf32, #tpu.memory_space<vmem>>
      %dma_start3A_321 = tpu.memref_squeeze %dma_start3A_320 : memref<1x128x32xf32, #tpu.memory_space<vmem>> -> memref<128x32xf32, #tpu.memory_space<vmem>>
      %dma_start3A_322 = arith.constant 0 : i32
      %dma_start3A_323 = tpu.memref_slice %arg7[%add3A_315, %dma_start3A_322] : memref<160x128xi32, #tpu.memory_space<vmem>> -> memref<1x128xi32, #tpu.memory_space<vmem>>
      %dma_start3A_324 = tpu.memref_squeeze %dma_start3A_323 : memref<1x128xi32, #tpu.memory_space<vmem>> -> memref<128xi32, #tpu.memory_space<vmem>>
      %dma_start3A_325 = arith.constant 0 : i32
      %dma_start3A_326 = arith.constant 0 : i32
      %dma_start3A_327 = tpu.memref_slice %arg10[%dma_start3A_325, %dma_start3A_326] : memref<10240x32xf32, #tpu.memory_space<vmem_shared>> -> memref<10240x32xf32, #tpu.memory_space<vmem_shared>>
      %dma_start3A_328 = tpu.memref_slice %arg12[%dma_start3A_317] : memref<4x!tpu.dma_semaphore, #tpu.memory_space<semaphore_mem>> -> memref<1x!tpu.dma_semaphore, #tpu.memory_space<semaphore_mem>>
      %dma_start3A_329 = tpu.memref_squeeze %dma_start3A_328 : memref<1x!tpu.dma_semaphore, #tpu.memory_space<semaphore_mem>> -> memref<!tpu.dma_semaphore, #tpu.memory_space<semaphore_mem>>
      tpu.enqueue_indirect_dma source(%dma_start3A_327 : memref<10240x32xf32, #tpu.memory_space<vmem_shared>>) target(%dma_start3A_321 : memref<128x32xf32, #tpu.memory_space<vmem>>) offsets(%dma_start3A_324 : memref<128xi32, #tpu.memory_space<vmem>>) semaphore(%dma_start3A_329 : memref<!tpu.dma_semaphore, #tpu.memory_space<semaphore_mem>>)
      %add3A_330 = arith.constant 3 : i32
      %add3A_331 = arith.addi %mul3A_218, %add3A_330 : i32
      %dma_wait3A_332 = arith.constant 3 : i32
      %dma_wait3A_333 = arith.constant 3 : i32
      %dma_wait3A_334 = arith.constant 0 : i32
      %dma_wait3A_335 = arith.constant 0 : i32
      %dma_wait3A_336 = tpu.memref_slice %arg9[%dma_wait3A_332, %dma_wait3A_334, %dma_wait3A_335] : memref<4x128x32xf32, #tpu.memory_space<vmem>> -> memref<1x128x32xf32, #tpu.memory_space<vmem>>
      %dma_wait3A_337 = tpu.memref_squeeze %dma_wait3A_336 : memref<1x128x32xf32, #tpu.memory_space<vmem>> -> memref<128x32xf32, #tpu.memory_space<vmem>>
      %dma_wait3A_338 = arith.constant 0 : i32
      %dma_wait3A_339 = tpu.memref_slice %arg7[%add3A_331, %dma_wait3A_338] : memref<160x128xi32, #tpu.memory_space<vmem>> -> memref<1x128xi32, #tpu.memory_space<vmem>>
      %dma_wait3A_340 = tpu.memref_squeeze %dma_wait3A_339 : memref<1x128xi32, #tpu.memory_space<vmem>> -> memref<128xi32, #tpu.memory_space<vmem>>
      %dma_wait3A_341 = arith.constant 0 : i32
      %dma_wait3A_342 = arith.constant 0 : i32
      %dma_wait3A_343 = tpu.memref_slice %arg10[%dma_wait3A_341, %dma_wait3A_342] : memref<10240x32xf32, #tpu.memory_space<vmem_shared>> -> memref<10240x32xf32, #tpu.memory_space<vmem_shared>>
      %dma_wait3A_344 = tpu.memref_slice %arg12[%dma_wait3A_333] : memref<4x!tpu.dma_semaphore, #tpu.memory_space<semaphore_mem>> -> memref<1x!tpu.dma_semaphore, #tpu.memory_space<semaphore_mem>>
      %dma_wait3A_345 = tpu.memref_squeeze %dma_wait3A_344 : memref<1x!tpu.dma_semaphore, #tpu.memory_space<semaphore_mem>> -> memref<!tpu.dma_semaphore, #tpu.memory_space<semaphore_mem>>
      tpu.wait_indirect_dma semaphore(%dma_wait3A_345 : memref<!tpu.dma_semaphore, #tpu.memory_space<semaphore_mem>>) src(%dma_wait3A_343 : memref<10240x32xf32, #tpu.memory_space<vmem_shared>>) dst(%dma_wait3A_337 : memref<128x32xf32, #tpu.memory_space<vmem>>)
      %add3A_346 = arith.constant 3 : i32
      %add3A_347 = arith.addi %mul3A_218, %add3A_346 : i32
      %run_scoped3A_348 = arith.constant 3 : i32
      "tpu.region"() ({
        %run_scoped3A_367 = tpu.sem_alloc : memref<!tpu.dma_semaphore, #tpu.memory_space<semaphore_mem>>
        %dma_start3A_368 = arith.constant 0 : i32
        %dma_start3A_369 = arith.constant 0 : i32
        %dma_start3A_370 = tpu.memref_slice %arg9[%run_scoped3A_348, %dma_start3A_368, %dma_start3A_369] : memref<4x128x32xf32, #tpu.memory_space<vmem>> -> memref<1x128x32xf32, #tpu.memory_space<vmem>>
        %dma_start3A_371 = tpu.memref_squeeze %dma_start3A_370 : memref<1x128x32xf32, #tpu.memory_space<vmem>> -> memref<128x32xf32, #tpu.memory_space<vmem>>
        %dma_start3A_372 = arith.constant 0 : i32
        %dma_start3A_373 = tpu.memref_slice %arg8[%add3A_347, %dma_start3A_372] : memref<160x128xi32, #tpu.memory_space<vmem>> -> memref<1x128xi32, #tpu.memory_space<vmem>>
        %dma_start3A_374 = tpu.memref_squeeze %dma_start3A_373 : memref<1x128xi32, #tpu.memory_space<vmem>> -> memref<128xi32, #tpu.memory_space<vmem>>
        %dma_start3A_375 = arith.constant 0 : i32
        %dma_start3A_376 = arith.constant 0 : i32
        %dma_start3A_377 = tpu.memref_slice %arg11[%dma_start3A_375, %dma_start3A_376] : memref<10240x32xf32, #tpu.memory_space<vmem_shared>> -> memref<10240x32xf32, #tpu.memory_space<vmem_shared>>
        tpu.enqueue_indirect_dma source(%dma_start3A_371 : memref<128x32xf32, #tpu.memory_space<vmem>>) target(%dma_start3A_377 : memref<10240x32xf32, #tpu.memory_space<vmem_shared>>) offsets(%dma_start3A_374 : memref<128xi32, #tpu.memory_space<vmem>>) semaphore(%run_scoped3A_367 : memref<!tpu.dma_semaphore, #tpu.memory_space<semaphore_mem>>) {add = true}
        %dma_wait3A_378 = arith.constant 0 : i32
        %dma_wait3A_379 = arith.constant 0 : i32
        %dma_wait3A_380 = tpu.memref_slice %arg9[%run_scoped3A_348, %dma_wait3A_378, %dma_wait3A_379] : memref<4x128x32xf32, #tpu.memory_space<vmem>> -> memref<1x128x32xf32, #tpu.memory_space<vmem>>
        %dma_wait3A_381 = tpu.memref_squeeze %dma_wait3A_380 : memref<1x128x32xf32, #tpu.memory_space<vmem>> -> memref<128x32xf32, #tpu.memory_space<vmem>>
        %dma_wait3A_382 = arith.constant 0 : i32
        %dma_wait3A_383 = tpu.memref_slice %arg8[%add3A_347, %dma_wait3A_382] : memref<160x128xi32, #tpu.memory_space<vmem>> -> memref<1x128xi32, #tpu.memory_space<vmem>>
        %dma_wait3A_384 = tpu.memref_squeeze %dma_wait3A_383 : memref<1x128xi32, #tpu.memory_space<vmem>> -> memref<128xi32, #tpu.memory_space<vmem>>
        %dma_wait3A_385 = arith.constant 0 : i32
        %dma_wait3A_386 = arith.constant 0 : i32
        %dma_wait3A_387 = tpu.memref_slice %arg11[%dma_wait3A_385, %dma_wait3A_386] : memref<10240x32xf32, #tpu.memory_space<vmem_shared>> -> memref<10240x32xf32, #tpu.memory_space<vmem_shared>>
        tpu.wait_indirect_dma semaphore(%run_scoped3A_367 : memref<!tpu.dma_semaphore, #tpu.memory_space<semaphore_mem>>) src(%dma_wait3A_381 : memref<128x32xf32, #tpu.memory_space<vmem>>) dst(%dma_wait3A_387 : memref<10240x32xf32, #tpu.memory_space<vmem_shared>>)
        tpu.yield
      }) : () -> ()
      %add3A_349 = arith.constant 3 : i32
      %add3A_350 = arith.addi %mul3A_218, %add3A_349 : i32
      %add3A_351 = arith.constant 4 : i32
      %add3A_352 = arith.addi %add3A_350, %add3A_351 : i32
      %dma_start3A_353 = arith.constant 3 : i32
      %dma_start3A_354 = arith.constant 3 : i32
      %dma_start3A_355 = arith.constant 0 : i32
      %dma_start3A_356 = arith.constant 0 : i32
      %dma_start3A_357 = tpu.memref_slice %arg9[%dma_start3A_353, %dma_start3A_355, %dma_start3A_356] : memref<4x128x32xf32, #tpu.memory_space<vmem>> -> memref<1x128x32xf32, #tpu.memory_space<vmem>>
      %dma_start3A_358 = tpu.memref_squeeze %dma_start3A_357 : memref<1x128x32xf32, #tpu.memory_space<vmem>> -> memref<128x32xf32, #tpu.memory_space<vmem>>
      %dma_start3A_359 = arith.constant 0 : i32
      %dma_start3A_360 = tpu.memref_slice %arg7[%add3A_352, %dma_start3A_359] : memref<160x128xi32, #tpu.memory_space<vmem>> -> memref<1x128xi32, #tpu.memory_space<vmem>>
      %dma_start3A_361 = tpu.memref_squeeze %dma_start3A_360 : memref<1x128xi32, #tpu.memory_space<vmem>> -> memref<128xi32, #tpu.memory_space<vmem>>
      %dma_start3A_362 = arith.constant 0 : i32
      %dma_start3A_363 = arith.constant 0 : i32
      %dma_start3A_364 = tpu.memref_slice %arg10[%dma_start3A_362, %dma_start3A_363] : memref<10240x32xf32, #tpu.memory_space<vmem_shared>> -> memref<10240x32xf32, #tpu.memory_space<vmem_shared>>
      %dma_start3A_365 = tpu.memref_slice %arg12[%dma_start3A_354] : memref<4x!tpu.dma_semaphore, #tpu.memory_space<semaphore_mem>> -> memref<1x!tpu.dma_semaphore, #tpu.memory_space<semaphore_mem>>
      %dma_start3A_366 = tpu.memref_squeeze %dma_start3A_365 : memref<1x!tpu.dma_semaphore, #tpu.memory_space<semaphore_mem>> -> memref<!tpu.dma_semaphore, #tpu.memory_space<semaphore_mem>>
      tpu.enqueue_indirect_dma source(%dma_start3A_364 : memref<10240x32xf32, #tpu.memory_space<vmem_shared>>) target(%dma_start3A_358 : memref<128x32xf32, #tpu.memory_space<vmem>>) offsets(%dma_start3A_361 : memref<128xi32, #tpu.memory_space<vmem>>) semaphore(%dma_start3A_366 : memref<!tpu.dma_semaphore, #tpu.memory_space<semaphore_mem>>)
    }
    %scan3A_140 = arith.constant 39 : i32
    %dma_wait3A_141 = arith.constant 156 : i32
    %dma_wait3A_142 = arith.constant 0 : i32
    %dma_wait3A_143 = arith.constant 0 : i32
    %dma_wait3A_144 = arith.constant 0 : i32
    %dma_wait3A_145 = arith.constant 0 : i32
    %dma_wait3A_146 = tpu.memref_slice %arg9[%dma_wait3A_142, %dma_wait3A_144, %dma_wait3A_145] : memref<4x128x32xf32, #tpu.memory_space<vmem>> -> memref<1x128x32xf32, #tpu.memory_space<vmem>>
    %dma_wait3A_147 = tpu.memref_squeeze %dma_wait3A_146 : memref<1x128x32xf32, #tpu.memory_space<vmem>> -> memref<128x32xf32, #tpu.memory_space<vmem>>
    %dma_wait3A_148 = arith.constant 0 : i32
    %dma_wait3A_149 = tpu.memref_slice %arg7[%dma_wait3A_141, %dma_wait3A_148] : memref<160x128xi32, #tpu.memory_space<vmem>> -> memref<1x128xi32, #tpu.memory_space<vmem>>
    %dma_wait3A_150 = tpu.memref_squeeze %dma_wait3A_149 : memref<1x128xi32, #tpu.memory_space<vmem>> -> memref<128xi32, #tpu.memory_space<vmem>>
    %dma_wait3A_151 = arith.constant 0 : i32
    %dma_wait3A_152 = arith.constant 0 : i32
    %dma_wait3A_153 = tpu.memref_slice %arg10[%dma_wait3A_151, %dma_wait3A_152] : memref<10240x32xf32, #tpu.memory_space<vmem_shared>> -> memref<10240x32xf32, #tpu.memory_space<vmem_shared>>
    %dma_wait3A_154 = tpu.memref_slice %arg12[%dma_wait3A_143] : memref<4x!tpu.dma_semaphore, #tpu.memory_space<semaphore_mem>> -> memref<1x!tpu.dma_semaphore, #tpu.memory_space<semaphore_mem>>
    %dma_wait3A_155 = tpu.memref_squeeze %dma_wait3A_154 : memref<1x!tpu.dma_semaphore, #tpu.memory_space<semaphore_mem>> -> memref<!tpu.dma_semaphore, #tpu.memory_space<semaphore_mem>>
    tpu.wait_indirect_dma semaphore(%dma_wait3A_155 : memref<!tpu.dma_semaphore, #tpu.memory_space<semaphore_mem>>) src(%dma_wait3A_153 : memref<10240x32xf32, #tpu.memory_space<vmem_shared>>) dst(%dma_wait3A_147 : memref<128x32xf32, #tpu.memory_space<vmem>>)
    %run_scoped3A = arith.constant 0 : i32
    %run_scoped3A_156 = arith.constant 156 : i32
    "tpu.region"() ({
      %run_scoped3A_213 = tpu.sem_alloc : memref<!tpu.dma_semaphore, #tpu.memory_space<semaphore_mem>>
      %dma_start3A_214 = arith.constant 0 : i32
      %dma_start3A_215 = arith.constant 0 : i32
      %dma_start3A_216 = tpu.memref_slice %arg9[%run_scoped3A, %dma_start3A_214, %dma_start3A_215] : memref<4x128x32xf32, #tpu.memory_space<vmem>> -> memref<1x128x32xf32, #tpu.memory_space<vmem>>
      %dma_start3A_217 = tpu.memref_squeeze %dma_start3A_216 : memref<1x128x32xf32, #tpu.memory_space<vmem>> -> memref<128x32xf32, #tpu.memory_space<vmem>>
      %dma_start3A_218 = arith.constant 0 : i32
      %dma_start3A_219 = tpu.memref_slice %arg8[%run_scoped3A_156, %dma_start3A_218] : memref<160x128xi32, #tpu.memory_space<vmem>> -> memref<1x128xi32, #tpu.memory_space<vmem>>
      %dma_start3A_220 = tpu.memref_squeeze %dma_start3A_219 : memref<1x128xi32, #tpu.memory_space<vmem>> -> memref<128xi32, #tpu.memory_space<vmem>>
      %dma_start3A_221 = arith.constant 0 : i32
      %dma_start3A_222 = arith.constant 0 : i32
      %dma_start3A_223 = tpu.memref_slice %arg11[%dma_start3A_221, %dma_start3A_222] : memref<10240x32xf32, #tpu.memory_space<vmem_shared>> -> memref<10240x32xf32, #tpu.memory_space<vmem_shared>>
      tpu.enqueue_indirect_dma source(%dma_start3A_217 : memref<128x32xf32, #tpu.memory_space<vmem>>) target(%dma_start3A_223 : memref<10240x32xf32, #tpu.memory_space<vmem_shared>>) offsets(%dma_start3A_220 : memref<128xi32, #tpu.memory_space<vmem>>) semaphore(%run_scoped3A_213 : memref<!tpu.dma_semaphore, #tpu.memory_space<semaphore_mem>>) {add = true}
      %dma_wait3A_224 = arith.constant 0 : i32
      %dma_wait3A_225 = arith.constant 0 : i32
      %dma_wait3A_226 = tpu.memref_slice %arg9[%run_scoped3A, %dma_wait3A_224, %dma_wait3A_225] : memref<4x128x32xf32, #tpu.memory_space<vmem>> -> memref<1x128x32xf32, #tpu.memory_space<vmem>>
      %dma_wait3A_227 = tpu.memref_squeeze %dma_wait3A_226 : memref<1x128x32xf32, #tpu.memory_space<vmem>> -> memref<128x32xf32, #tpu.memory_space<vmem>>
      %dma_wait3A_228 = arith.constant 0 : i32
      %dma_wait3A_229 = tpu.memref_slice %arg8[%run_scoped3A_156, %dma_wait3A_228] : memref<160x128xi32, #tpu.memory_space<vmem>> -> memref<1x128xi32, #tpu.memory_space<vmem>>
      %dma_wait3A_230 = tpu.memref_squeeze %dma_wait3A_229 : memref<1x128xi32, #tpu.memory_space<vmem>> -> memref<128xi32, #tpu.memory_space<vmem>>
      %dma_wait3A_231 = arith.constant 0 : i32
      %dma_wait3A_232 = arith.constant 0 : i32
      %dma_wait3A_233 = tpu.memref_slice %arg11[%dma_wait3A_231, %dma_wait3A_232] : memref<10240x32xf32, #tpu.memory_space<vmem_shared>> -> memref<10240x32xf32, #tpu.memory_space<vmem_shared>>
      tpu.wait_indirect_dma semaphore(%run_scoped3A_213 : memref<!tpu.dma_semaphore, #tpu.memory_space<semaphore_mem>>) src(%dma_wait3A_227 : memref<128x32xf32, #tpu.memory_space<vmem>>) dst(%dma_wait3A_233 : memref<10240x32xf32, #tpu.memory_space<vmem_shared>>)
      tpu.yield
    }) : () -> ()
    %dma_wait3A_157 = arith.constant 157 : i32
    %dma_wait3A_158 = arith.constant 1 : i32
    %dma_wait3A_159 = arith.constant 1 : i32
    %dma_wait3A_160 = arith.constant 0 : i32
    %dma_wait3A_161 = arith.constant 0 : i32
    %dma_wait3A_162 = tpu.memref_slice %arg9[%dma_wait3A_158, %dma_wait3A_160, %dma_wait3A_161] : memref<4x128x32xf32, #tpu.memory_space<vmem>> -> memref<1x128x32xf32, #tpu.memory_space<vmem>>
    %dma_wait3A_163 = tpu.memref_squeeze %dma_wait3A_162 : memref<1x128x32xf32, #tpu.memory_space<vmem>> -> memref<128x32xf32, #tpu.memory_space<vmem>>
    %dma_wait3A_164 = arith.constant 0 : i32
    %dma_wait3A_165 = tpu.memref_slice %arg7[%dma_wait3A_157, %dma_wait3A_164] : memref<160x128xi32, #tpu.memory_space<vmem>> -> memref<1x128xi32, #tpu.memory_space<vmem>>
    %dma_wait3A_166 = tpu.memref_squeeze %dma_wait3A_165 : memref<1x128xi32, #tpu.memory_space<vmem>> -> memref<128xi32, #tpu.memory_space<vmem>>
    %dma_wait3A_167 = arith.constant 0 : i32
    %dma_wait3A_168 = arith.constant 0 : i32
    %dma_wait3A_169 = tpu.memref_slice %arg10[%dma_wait3A_167, %dma_wait3A_168] : memref<10240x32xf32, #tpu.memory_space<vmem_shared>> -> memref<10240x32xf32, #tpu.memory_space<vmem_shared>>
    %dma_wait3A_170 = tpu.memref_slice %arg12[%dma_wait3A_159] : memref<4x!tpu.dma_semaphore, #tpu.memory_space<semaphore_mem>> -> memref<1x!tpu.dma_semaphore, #tpu.memory_space<semaphore_mem>>
    %dma_wait3A_171 = tpu.memref_squeeze %dma_wait3A_170 : memref<1x!tpu.dma_semaphore, #tpu.memory_space<semaphore_mem>> -> memref<!tpu.dma_semaphore, #tpu.memory_space<semaphore_mem>>
    tpu.wait_indirect_dma semaphore(%dma_wait3A_171 : memref<!tpu.dma_semaphore, #tpu.memory_space<semaphore_mem>>) src(%dma_wait3A_169 : memref<10240x32xf32, #tpu.memory_space<vmem_shared>>) dst(%dma_wait3A_163 : memref<128x32xf32, #tpu.memory_space<vmem>>)
    %run_scoped3A_172 = arith.constant 1 : i32
    %run_scoped3A_173 = arith.constant 157 : i32
    "tpu.region"() ({
      %run_scoped3A_213 = tpu.sem_alloc : memref<!tpu.dma_semaphore, #tpu.memory_space<semaphore_mem>>
      %dma_start3A_214 = arith.constant 0 : i32
      %dma_start3A_215 = arith.constant 0 : i32
      %dma_start3A_216 = tpu.memref_slice %arg9[%run_scoped3A_172, %dma_start3A_214, %dma_start3A_215] : memref<4x128x32xf32, #tpu.memory_space<vmem>> -> memref<1x128x32xf32, #tpu.memory_space<vmem>>
      %dma_start3A_217 = tpu.memref_squeeze %dma_start3A_216 : memref<1x128x32xf32, #tpu.memory_space<vmem>> -> memref<128x32xf32, #tpu.memory_space<vmem>>
      %dma_start3A_218 = arith.constant 0 : i32
      %dma_start3A_219 = tpu.memref_slice %arg8[%run_scoped3A_173, %dma_start3A_218] : memref<160x128xi32, #tpu.memory_space<vmem>> -> memref<1x128xi32, #tpu.memory_space<vmem>>
      %dma_start3A_220 = tpu.memref_squeeze %dma_start3A_219 : memref<1x128xi32, #tpu.memory_space<vmem>> -> memref<128xi32, #tpu.memory_space<vmem>>
      %dma_start3A_221 = arith.constant 0 : i32
      %dma_start3A_222 = arith.constant 0 : i32
      %dma_start3A_223 = tpu.memref_slice %arg11[%dma_start3A_221, %dma_start3A_222] : memref<10240x32xf32, #tpu.memory_space<vmem_shared>> -> memref<10240x32xf32, #tpu.memory_space<vmem_shared>>
      tpu.enqueue_indirect_dma source(%dma_start3A_217 : memref<128x32xf32, #tpu.memory_space<vmem>>) target(%dma_start3A_223 : memref<10240x32xf32, #tpu.memory_space<vmem_shared>>) offsets(%dma_start3A_220 : memref<128xi32, #tpu.memory_space<vmem>>) semaphore(%run_scoped3A_213 : memref<!tpu.dma_semaphore, #tpu.memory_space<semaphore_mem>>) {add = true}
      %dma_wait3A_224 = arith.constant 0 : i32
      %dma_wait3A_225 = arith.constant 0 : i32
      %dma_wait3A_226 = tpu.memref_slice %arg9[%run_scoped3A_172, %dma_wait3A_224, %dma_wait3A_225] : memref<4x128x32xf32, #tpu.memory_space<vmem>> -> memref<1x128x32xf32, #tpu.memory_space<vmem>>
      %dma_wait3A_227 = tpu.memref_squeeze %dma_wait3A_226 : memref<1x128x32xf32, #tpu.memory_space<vmem>> -> memref<128x32xf32, #tpu.memory_space<vmem>>
      %dma_wait3A_228 = arith.constant 0 : i32
      %dma_wait3A_229 = tpu.memref_slice %arg8[%run_scoped3A_173, %dma_wait3A_228] : memref<160x128xi32, #tpu.memory_space<vmem>> -> memref<1x128xi32, #tpu.memory_space<vmem>>
      %dma_wait3A_230 = tpu.memref_squeeze %dma_wait3A_229 : memref<1x128xi32, #tpu.memory_space<vmem>> -> memref<128xi32, #tpu.memory_space<vmem>>
      %dma_wait3A_231 = arith.constant 0 : i32
      %dma_wait3A_232 = arith.constant 0 : i32
      %dma_wait3A_233 = tpu.memref_slice %arg11[%dma_wait3A_231, %dma_wait3A_232] : memref<10240x32xf32, #tpu.memory_space<vmem_shared>> -> memref<10240x32xf32, #tpu.memory_space<vmem_shared>>
      tpu.wait_indirect_dma semaphore(%run_scoped3A_213 : memref<!tpu.dma_semaphore, #tpu.memory_space<semaphore_mem>>) src(%dma_wait3A_227 : memref<128x32xf32, #tpu.memory_space<vmem>>) dst(%dma_wait3A_233 : memref<10240x32xf32, #tpu.memory_space<vmem_shared>>)
      tpu.yield
    }) : () -> ()
    %dma_wait3A_174 = arith.constant 158 : i32
    %dma_wait3A_175 = arith.constant 2 : i32
    %dma_wait3A_176 = arith.constant 2 : i32
    %dma_wait3A_177 = arith.constant 0 : i32
    %dma_wait3A_178 = arith.constant 0 : i32
    %dma_wait3A_179 = tpu.memref_slice %arg9[%dma_wait3A_175, %dma_wait3A_177, %dma_wait3A_178] : memref<4x128x32xf32, #tpu.memory_space<vmem>> -> memref<1x128x32xf32, #tpu.memory_space<vmem>>
    %dma_wait3A_180 = tpu.memref_squeeze %dma_wait3A_179 : memref<1x128x32xf32, #tpu.memory_space<vmem>> -> memref<128x32xf32, #tpu.memory_space<vmem>>
    %dma_wait3A_181 = arith.constant 0 : i32
    %dma_wait3A_182 = tpu.memref_slice %arg7[%dma_wait3A_174, %dma_wait3A_181] : memref<160x128xi32, #tpu.memory_space<vmem>> -> memref<1x128xi32, #tpu.memory_space<vmem>>
    %dma_wait3A_183 = tpu.memref_squeeze %dma_wait3A_182 : memref<1x128xi32, #tpu.memory_space<vmem>> -> memref<128xi32, #tpu.memory_space<vmem>>
    %dma_wait3A_184 = arith.constant 0 : i32
    %dma_wait3A_185 = arith.constant 0 : i32
    %dma_wait3A_186 = tpu.memref_slice %arg10[%dma_wait3A_184, %dma_wait3A_185] : memref<10240x32xf32, #tpu.memory_space<vmem_shared>> -> memref<10240x32xf32, #tpu.memory_space<vmem_shared>>
    %dma_wait3A_187 = tpu.memref_slice %arg12[%dma_wait3A_176] : memref<4x!tpu.dma_semaphore, #tpu.memory_space<semaphore_mem>> -> memref<1x!tpu.dma_semaphore, #tpu.memory_space<semaphore_mem>>
    %dma_wait3A_188 = tpu.memref_squeeze %dma_wait3A_187 : memref<1x!tpu.dma_semaphore, #tpu.memory_space<semaphore_mem>> -> memref<!tpu.dma_semaphore, #tpu.memory_space<semaphore_mem>>
    tpu.wait_indirect_dma semaphore(%dma_wait3A_188 : memref<!tpu.dma_semaphore, #tpu.memory_space<semaphore_mem>>) src(%dma_wait3A_186 : memref<10240x32xf32, #tpu.memory_space<vmem_shared>>) dst(%dma_wait3A_180 : memref<128x32xf32, #tpu.memory_space<vmem>>)
    %run_scoped3A_189 = arith.constant 2 : i32
    %run_scoped3A_190 = arith.constant 158 : i32
    "tpu.region"() ({
      %run_scoped3A_213 = tpu.sem_alloc : memref<!tpu.dma_semaphore, #tpu.memory_space<semaphore_mem>>
      %dma_start3A_214 = arith.constant 0 : i32
      %dma_start3A_215 = arith.constant 0 : i32
      %dma_start3A_216 = tpu.memref_slice %arg9[%run_scoped3A_189, %dma_start3A_214, %dma_start3A_215] : memref<4x128x32xf32, #tpu.memory_space<vmem>> -> memref<1x128x32xf32, #tpu.memory_space<vmem>>
      %dma_start3A_217 = tpu.memref_squeeze %dma_start3A_216 : memref<1x128x32xf32, #tpu.memory_space<vmem>> -> memref<128x32xf32, #tpu.memory_space<vmem>>
      %dma_start3A_218 = arith.constant 0 : i32
      %dma_start3A_219 = tpu.memref_slice %arg8[%run_scoped3A_190, %dma_start3A_218] : memref<160x128xi32, #tpu.memory_space<vmem>> -> memref<1x128xi32, #tpu.memory_space<vmem>>
      %dma_start3A_220 = tpu.memref_squeeze %dma_start3A_219 : memref<1x128xi32, #tpu.memory_space<vmem>> -> memref<128xi32, #tpu.memory_space<vmem>>
      %dma_start3A_221 = arith.constant 0 : i32
      %dma_start3A_222 = arith.constant 0 : i32
      %dma_start3A_223 = tpu.memref_slice %arg11[%dma_start3A_221, %dma_start3A_222] : memref<10240x32xf32, #tpu.memory_space<vmem_shared>> -> memref<10240x32xf32, #tpu.memory_space<vmem_shared>>
      tpu.enqueue_indirect_dma source(%dma_start3A_217 : memref<128x32xf32, #tpu.memory_space<vmem>>) target(%dma_start3A_223 : memref<10240x32xf32, #tpu.memory_space<vmem_shared>>) offsets(%dma_start3A_220 : memref<128xi32, #tpu.memory_space<vmem>>) semaphore(%run_scoped3A_213 : memref<!tpu.dma_semaphore, #tpu.memory_space<semaphore_mem>>) {add = true}
      %dma_wait3A_224 = arith.constant 0 : i32
      %dma_wait3A_225 = arith.constant 0 : i32
      %dma_wait3A_226 = tpu.memref_slice %arg9[%run_scoped3A_189, %dma_wait3A_224, %dma_wait3A_225] : memref<4x128x32xf32, #tpu.memory_space<vmem>> -> memref<1x128x32xf32, #tpu.memory_space<vmem>>
      %dma_wait3A_227 = tpu.memref_squeeze %dma_wait3A_226 : memref<1x128x32xf32, #tpu.memory_space<vmem>> -> memref<128x32xf32, #tpu.memory_space<vmem>>
      %dma_wait3A_228 = arith.constant 0 : i32
      %dma_wait3A_229 = tpu.memref_slice %arg8[%run_scoped3A_190, %dma_wait3A_228] : memref<160x128xi32, #tpu.memory_space<vmem>> -> memref<1x128xi32, #tpu.memory_space<vmem>>
      %dma_wait3A_230 = tpu.memref_squeeze %dma_wait3A_229 : memref<1x128xi32, #tpu.memory_space<vmem>> -> memref<128xi32, #tpu.memory_space<vmem>>
      %dma_wait3A_231 = arith.constant 0 : i32
      %dma_wait3A_232 = arith.constant 0 : i32
      %dma_wait3A_233 = tpu.memref_slice %arg11[%dma_wait3A_231, %dma_wait3A_232] : memref<10240x32xf32, #tpu.memory_space<vmem_shared>> -> memref<10240x32xf32, #tpu.memory_space<vmem_shared>>
      tpu.wait_indirect_dma semaphore(%run_scoped3A_213 : memref<!tpu.dma_semaphore, #tpu.memory_space<semaphore_mem>>) src(%dma_wait3A_227 : memref<128x32xf32, #tpu.memory_space<vmem>>) dst(%dma_wait3A_233 : memref<10240x32xf32, #tpu.memory_space<vmem_shared>>)
      tpu.yield
    }) : () -> ()
    %dma_wait3A_191 = arith.constant 159 : i32
    %dma_wait3A_192 = arith.constant 3 : i32
    %dma_wait3A_193 = arith.constant 3 : i32
    %dma_wait3A_194 = arith.constant 0 : i32
    %dma_wait3A_195 = arith.constant 0 : i32
    %dma_wait3A_196 = tpu.memref_slice %arg9[%dma_wait3A_192, %dma_wait3A_194, %dma_wait3A_195] : memref<4x128x32xf32, #tpu.memory_space<vmem>> -> memref<1x128x32xf32, #tpu.memory_space<vmem>>
    %dma_wait3A_197 = tpu.memref_squeeze %dma_wait3A_196 : memref<1x128x32xf32, #tpu.memory_space<vmem>> -> memref<128x32xf32, #tpu.memory_space<vmem>>
    %dma_wait3A_198 = arith.constant 0 : i32
    %dma_wait3A_199 = tpu.memref_slice %arg7[%dma_wait3A_191, %dma_wait3A_198] : memref<160x128xi32, #tpu.memory_space<vmem>> -> memref<1x128xi32, #tpu.memory_space<vmem>>
    %dma_wait3A_200 = tpu.memref_squeeze %dma_wait3A_199 : memref<1x128xi32, #tpu.memory_space<vmem>> -> memref<128xi32, #tpu.memory_space<vmem>>
    %dma_wait3A_201 = arith.constant 0 : i32
    %dma_wait3A_202 = arith.constant 0 : i32
    %dma_wait3A_203 = tpu.memref_slice %arg10[%dma_wait3A_201, %dma_wait3A_202] : memref<10240x32xf32, #tpu.memory_space<vmem_shared>> -> memref<10240x32xf32, #tpu.memory_space<vmem_shared>>
    %dma_wait3A_204 = tpu.memref_slice %arg12[%dma_wait3A_193] : memref<4x!tpu.dma_semaphore, #tpu.memory_space<semaphore_mem>> -> memref<1x!tpu.dma_semaphore, #tpu.memory_space<semaphore_mem>>
    %dma_wait3A_205 = tpu.memref_squeeze %dma_wait3A_204 : memref<1x!tpu.dma_semaphore, #tpu.memory_space<semaphore_mem>> -> memref<!tpu.dma_semaphore, #tpu.memory_space<semaphore_mem>>
    tpu.wait_indirect_dma semaphore(%dma_wait3A_205 : memref<!tpu.dma_semaphore, #tpu.memory_space<semaphore_mem>>) src(%dma_wait3A_203 : memref<10240x32xf32, #tpu.memory_space<vmem_shared>>) dst(%dma_wait3A_197 : memref<128x32xf32, #tpu.memory_space<vmem>>)
    %run_scoped3A_206 = arith.constant 3 : i32
    %run_scoped3A_207 = arith.constant 159 : i32
    "tpu.region"() ({
      %run_scoped3A_213 = tpu.sem_alloc : memref<!tpu.dma_semaphore, #tpu.memory_space<semaphore_mem>>
      %dma_start3A_214 = arith.constant 0 : i32
      %dma_start3A_215 = arith.constant 0 : i32
      %dma_start3A_216 = tpu.memref_slice %arg9[%run_scoped3A_206, %dma_start3A_214, %dma_start3A_215] : memref<4x128x32xf32, #tpu.memory_space<vmem>> -> memref<1x128x32xf32, #tpu.memory_space<vmem>>
      %dma_start3A_217 = tpu.memref_squeeze %dma_start3A_216 : memref<1x128x32xf32, #tpu.memory_space<vmem>> -> memref<128x32xf32, #tpu.memory_space<vmem>>
      %dma_start3A_218 = arith.constant 0 : i32
      %dma_start3A_219 = tpu.memref_slice %arg8[%run_scoped3A_207, %dma_start3A_218] : memref<160x128xi32, #tpu.memory_space<vmem>> -> memref<1x128xi32, #tpu.memory_space<vmem>>
      %dma_start3A_220 = tpu.memref_squeeze %dma_start3A_219 : memref<1x128xi32, #tpu.memory_space<vmem>> -> memref<128xi32, #tpu.memory_space<vmem>>
      %dma_start3A_221 = arith.constant 0 : i32
      %dma_start3A_222 = arith.constant 0 : i32
      %dma_start3A_223 = tpu.memref_slice %arg11[%dma_start3A_221, %dma_start3A_222] : memref<10240x32xf32, #tpu.memory_space<vmem_shared>> -> memref<10240x32xf32, #tpu.memory_space<vmem_shared>>
      tpu.enqueue_indirect_dma source(%dma_start3A_217 : memref<128x32xf32, #tpu.memory_space<vmem>>) target(%dma_start3A_223 : memref<10240x32xf32, #tpu.memory_space<vmem_shared>>) offsets(%dma_start3A_220 : memref<128xi32, #tpu.memory_space<vmem>>) semaphore(%run_scoped3A_213 : memref<!tpu.dma_semaphore, #tpu.memory_space<semaphore_mem>>) {add = true}
      %dma_wait3A_224 = arith.constant 0 : i32
      %dma_wait3A_225 = arith.constant 0 : i32
      %dma_wait3A_226 = tpu.memref_slice %arg9[%run_scoped3A_206, %dma_wait3A_224, %dma_wait3A_225] : memref<4x128x32xf32, #tpu.memory_space<vmem>> -> memref<1x128x32xf32, #tpu.memory_space<vmem>>
      %dma_wait3A_227 = tpu.memref_squeeze %dma_wait3A_226 : memref<1x128x32xf32, #tpu.memory_space<vmem>> -> memref<128x32xf32, #tpu.memory_space<vmem>>
      %dma_wait3A_228 = arith.constant 0 : i32
      %dma_wait3A_229 = tpu.memref_slice %arg8[%run_scoped3A_207, %dma_wait3A_228] : memref<160x128xi32, #tpu.memory_space<vmem>> -> memref<1x128xi32, #tpu.memory_space<vmem>>
      %dma_wait3A_230 = tpu.memref_squeeze %dma_wait3A_229 : memref<1x128xi32, #tpu.memory_space<vmem>> -> memref<128xi32, #tpu.memory_space<vmem>>
      %dma_wait3A_231 = arith.constant 0 : i32
      %dma_wait3A_232 = arith.constant 0 : i32
      %dma_wait3A_233 = tpu.memref_slice %arg11[%dma_wait3A_231, %dma_wait3A_232] : memref<10240x32xf32, #tpu.memory_space<vmem_shared>> -> memref<10240x32xf32, #tpu.memory_space<vmem_shared>>
      tpu.wait_indirect_dma semaphore(%run_scoped3A_213 : memref<!tpu.dma_semaphore, #tpu.memory_space<semaphore_mem>>) src(%dma_wait3A_227 : memref<128x32xf32, #tpu.memory_space<vmem>>) dst(%dma_wait3A_233 : memref<10240x32xf32, #tpu.memory_space<vmem_shared>>)
      tpu.yield
    }) : () -> ()
    %barrier3A_208 = arith.constant 0 : index
    tpu.barrier barrier_id(%barrier3A_208)
    %mul3A_209 = arith.constant 640 : i32
    %mul3A_210 = arith.muli %arg1, %mul3A_209 : i32
    %mul3A_211 = arith.constant 640 : i32
    %mul3A_212 = arith.muli %arg1, %mul3A_211 : i32
    "tpu.region"() ({
      %run_scoped3A_213 = tpu.sem_alloc : memref<!tpu.dma_semaphore, #tpu.memory_space<semaphore_mem>>
      %dma_start3A_214 = arith.constant 0 : i32
      %dma_start3A_215 = arith.constant 0 : i32
      %dma_start3A_216 = tpu.memref_slice %arg6[%arg0, %dma_start3A_214, %dma_start3A_215] : memref<2x10240x32xf32, #tpu.memory_space<hbm>> -> memref<1x10240x32xf32, #tpu.memory_space<hbm>>
      %dma_start3A_217 = tpu.memref_squeeze %dma_start3A_216 : memref<1x10240x32xf32, #tpu.memory_space<hbm>> -> memref<10240x32xf32, #tpu.memory_space<hbm>>
      %dma_start3A_218 = arith.constant 0 : i32
      %dma_start3A_219 = tpu.memref_slice %dma_start3A_217[%mul3A_212, %dma_start3A_218] : memref<10240x32xf32, #tpu.memory_space<hbm>> -> memref<640x32xf32, #tpu.memory_space<hbm>>
      %dma_start3A_220 = arith.constant 0 : i32
      %dma_start3A_221 = tpu.memref_slice %arg11[%mul3A_210, %dma_start3A_220] : memref<10240x32xf32, #tpu.memory_space<vmem_shared>> -> memref<640x32xf32, #tpu.memory_space<vmem_shared>>
      tpu.enqueue_dma source(%dma_start3A_221 : memref<640x32xf32, #tpu.memory_space<vmem_shared>>) target(%dma_start3A_219 : memref<640x32xf32, #tpu.memory_space<hbm>>) target_semaphore(%run_scoped3A_213 : memref<!tpu.dma_semaphore, #tpu.memory_space<semaphore_mem>>)
      %dma_wait3A_222 = arith.constant 0 : i32
      %dma_wait3A_223 = arith.constant 0 : i32
      %dma_wait3A_224 = tpu.memref_slice %arg6[%arg0, %dma_wait3A_222, %dma_wait3A_223] : memref<2x10240x32xf32, #tpu.memory_space<hbm>> -> memref<1x10240x32xf32, #tpu.memory_space<hbm>>
      %dma_wait3A_225 = tpu.memref_squeeze %dma_wait3A_224 : memref<1x10240x32xf32, #tpu.memory_space<hbm>> -> memref<10240x32xf32, #tpu.memory_space<hbm>>
      %dma_wait3A_226 = arith.constant 0 : i32
      %dma_wait3A_227 = tpu.memref_slice %dma_wait3A_225[%mul3A_212, %dma_wait3A_226] : memref<10240x32xf32, #tpu.memory_space<hbm>> -> memref<640x32xf32, #tpu.memory_space<hbm>>
      %dma_wait3A_228 = arith.constant 0 : i32
      %dma_wait3A_229 = tpu.memref_slice %arg11[%mul3A_210, %dma_wait3A_228] : memref<10240x32xf32, #tpu.memory_space<vmem_shared>> -> memref<640x32xf32, #tpu.memory_space<vmem_shared>>
      tpu.wait_dma2 semaphore(%run_scoped3A_213 : memref<!tpu.dma_semaphore, #tpu.memory_space<semaphore_mem>>) src(%dma_wait3A_229 : memref<640x32xf32, #tpu.memory_space<vmem_shared>>) dst(%dma_wait3A_227 : memref<640x32xf32, #tpu.memory_space<hbm>>)
      tpu.yield
    }) : () -> ()
    return
  }
}

#map = affine_map<(d0, d1) -> (0, 0)>
#map1 = affine_map<(d0, d1) -> (0, 0, 0)>
module attributes {stable_mosaic.version = 14 : i64} {
  func.func @_sc_deg(%arg0: i32, %arg1: i32, %arg2: memref<2560x128xi32, #tpu.memory_space<hbm>>, %arg3: memref<128x16xf32, #tpu.memory_space<hbm>>, %arg4: memref<640x16xf32, #tpu.memory_space<hbm>>, %arg5: memref<2x10240x16xf32, #tpu.memory_space<hbm>>, %arg6: memref<80x128xi32, #tpu.memory_space<vmem>>, %arg7: memref<128x16xf32, #tpu.memory_space<vmem>>, %arg8: memref<10240x16xf32, #tpu.memory_space<vmem_shared>>, %arg9: memref<4x!tpu.dma_semaphore, #tpu.memory_space<semaphore_mem>>) attributes {dimension_semantics = [#tpu.dimension_semantics<core_parallel>, #tpu.dimension_semantics<subcore_parallel>], iteration_bounds = array<i64: 2, 16>, scalar_prefetch = 0 : i64, scratch_operands = 4 : i64, tpu.core_type = #tpu.core_type<sc_vector_subcore>, window_params = [{transform_indices = #map}, {transform_indices = #map}, {transform_indices = #map}, {transform_indices = #map1}]} {
    %mul3A = arith.constant 16 : i32
    %mul3A_0 = arith.muli %arg0, %mul3A : i32
    %add3A = arith.addi %mul3A_0, %arg1 : i32
    %mul3A_1 = arith.constant 80 : i32
    %mul3A_2 = arith.muli %add3A, %mul3A_1 : i32
    %mul3A_3 = arith.constant 640 : i32
    %mul3A_4 = arith.muli %arg1, %mul3A_3 : i32
    %dma_start3A = arith.constant 0 : i32
    %dma_start3A_5 = arith.constant 0 : i32
    %dma_start3A_6 = arith.constant 0 : i32
    %dma_start3A_7 = tpu.memref_slice %arg6[%dma_start3A_5, %dma_start3A_6] : memref<80x128xi32, #tpu.memory_space<vmem>> -> memref<80x128xi32, #tpu.memory_space<vmem>>
    %dma_start3A_8 = arith.constant 0 : i32
    %dma_start3A_9 = tpu.memref_slice %arg2[%mul3A_2, %dma_start3A_8] : memref<2560x128xi32, #tpu.memory_space<hbm>> -> memref<80x128xi32, #tpu.memory_space<hbm>>
    %dma_start3A_10 = tpu.memref_slice %arg9[%dma_start3A] : memref<4x!tpu.dma_semaphore, #tpu.memory_space<semaphore_mem>> -> memref<1x!tpu.dma_semaphore, #tpu.memory_space<semaphore_mem>>
    %dma_start3A_11 = tpu.memref_squeeze %dma_start3A_10 : memref<1x!tpu.dma_semaphore, #tpu.memory_space<semaphore_mem>> -> memref<!tpu.dma_semaphore, #tpu.memory_space<semaphore_mem>>
    %dma_start3A_12 = arith.constant 0 : i32
    %dma_start3A_13 = arith.constant 0 : i32
    %dma_start3A_14 = tpu.memref_slice %arg6[%dma_start3A_12, %dma_start3A_13] : memref<80x128xi32, #tpu.memory_space<vmem>> -> memref<80x128xi32, #tpu.memory_space<vmem>>
    %dma_start3A_15 = arith.constant 0 : i32
    %dma_start3A_16 = tpu.memref_slice %arg2[%mul3A_2, %dma_start3A_15] : memref<2560x128xi32, #tpu.memory_space<hbm>> -> memref<80x128xi32, #tpu.memory_space<hbm>>
    tpu.enqueue_dma source(%dma_start3A_16 : memref<80x128xi32, #tpu.memory_space<hbm>>) target(%dma_start3A_14 : memref<80x128xi32, #tpu.memory_space<vmem>>) target_semaphore(%dma_start3A_11 : memref<!tpu.dma_semaphore, #tpu.memory_space<semaphore_mem>>)
    %dma_start3A_17 = arith.constant 1 : i32
    %dma_start3A_18 = tpu.memref_slice %arg9[%dma_start3A_17] : memref<4x!tpu.dma_semaphore, #tpu.memory_space<semaphore_mem>> -> memref<1x!tpu.dma_semaphore, #tpu.memory_space<semaphore_mem>>
    %dma_start3A_19 = tpu.memref_squeeze %dma_start3A_18 : memref<1x!tpu.dma_semaphore, #tpu.memory_space<semaphore_mem>> -> memref<!tpu.dma_semaphore, #tpu.memory_space<semaphore_mem>>
    %dma_start3A_20 = arith.constant 0 : i32
    %dma_start3A_21 = tpu.memref_slice %arg8[%mul3A_4, %dma_start3A_20] : memref<10240x16xf32, #tpu.memory_space<vmem_shared>> -> memref<640x16xf32, #tpu.memory_space<vmem_shared>>
    tpu.enqueue_dma source(%arg4 : memref<640x16xf32, #tpu.memory_space<hbm>>) target(%dma_start3A_21 : memref<640x16xf32, #tpu.memory_space<vmem_shared>>) target_semaphore(%dma_start3A_19 : memref<!tpu.dma_semaphore, #tpu.memory_space<semaphore_mem>>)
    %dma_start3A_22 = arith.constant 2 : i32
    %dma_start3A_23 = tpu.memref_slice %arg9[%dma_start3A_22] : memref<4x!tpu.dma_semaphore, #tpu.memory_space<semaphore_mem>> -> memref<1x!tpu.dma_semaphore, #tpu.memory_space<semaphore_mem>>
    %dma_start3A_24 = tpu.memref_squeeze %dma_start3A_23 : memref<1x!tpu.dma_semaphore, #tpu.memory_space<semaphore_mem>> -> memref<!tpu.dma_semaphore, #tpu.memory_space<semaphore_mem>>
    tpu.enqueue_dma source(%arg3 : memref<128x16xf32, #tpu.memory_space<hbm>>) target(%arg7 : memref<128x16xf32, #tpu.memory_space<vmem>>) target_semaphore(%dma_start3A_24 : memref<!tpu.dma_semaphore, #tpu.memory_space<semaphore_mem>>)
    %dma_wait3A = arith.constant 0 : i32
    %dma_wait3A_25 = arith.constant 0 : i32
    %dma_wait3A_26 = arith.constant 0 : i32
    %dma_wait3A_27 = tpu.memref_slice %arg6[%dma_wait3A_25, %dma_wait3A_26] : memref<80x128xi32, #tpu.memory_space<vmem>> -> memref<80x128xi32, #tpu.memory_space<vmem>>
    %dma_wait3A_28 = arith.constant 0 : i32
    %dma_wait3A_29 = tpu.memref_slice %arg2[%mul3A_2, %dma_wait3A_28] : memref<2560x128xi32, #tpu.memory_space<hbm>> -> memref<80x128xi32, #tpu.memory_space<hbm>>
    %dma_wait3A_30 = tpu.memref_slice %arg9[%dma_wait3A] : memref<4x!tpu.dma_semaphore, #tpu.memory_space<semaphore_mem>> -> memref<1x!tpu.dma_semaphore, #tpu.memory_space<semaphore_mem>>
    %dma_wait3A_31 = tpu.memref_squeeze %dma_wait3A_30 : memref<1x!tpu.dma_semaphore, #tpu.memory_space<semaphore_mem>> -> memref<!tpu.dma_semaphore, #tpu.memory_space<semaphore_mem>>
    %dma_wait3A_32 = arith.constant 0 : i32
    %dma_wait3A_33 = arith.constant 0 : i32
    %dma_wait3A_34 = tpu.memref_slice %arg6[%dma_wait3A_32, %dma_wait3A_33] : memref<80x128xi32, #tpu.memory_space<vmem>> -> memref<80x128xi32, #tpu.memory_space<vmem>>
    %dma_wait3A_35 = arith.constant 0 : i32
    %dma_wait3A_36 = tpu.memref_slice %arg2[%mul3A_2, %dma_wait3A_35] : memref<2560x128xi32, #tpu.memory_space<hbm>> -> memref<80x128xi32, #tpu.memory_space<hbm>>
    tpu.wait_dma2 semaphore(%dma_wait3A_31 : memref<!tpu.dma_semaphore, #tpu.memory_space<semaphore_mem>>) src(%dma_wait3A_36 : memref<80x128xi32, #tpu.memory_space<hbm>>) dst(%dma_wait3A_34 : memref<80x128xi32, #tpu.memory_space<vmem>>)
    %dma_wait3A_37 = arith.constant 1 : i32
    %dma_wait3A_38 = tpu.memref_slice %arg9[%dma_wait3A_37] : memref<4x!tpu.dma_semaphore, #tpu.memory_space<semaphore_mem>> -> memref<1x!tpu.dma_semaphore, #tpu.memory_space<semaphore_mem>>
    %dma_wait3A_39 = tpu.memref_squeeze %dma_wait3A_38 : memref<1x!tpu.dma_semaphore, #tpu.memory_space<semaphore_mem>> -> memref<!tpu.dma_semaphore, #tpu.memory_space<semaphore_mem>>
    %dma_wait3A_40 = arith.constant 0 : i32
    %dma_wait3A_41 = tpu.memref_slice %arg8[%mul3A_4, %dma_wait3A_40] : memref<10240x16xf32, #tpu.memory_space<vmem_shared>> -> memref<640x16xf32, #tpu.memory_space<vmem_shared>>
    tpu.wait_dma2 semaphore(%dma_wait3A_39 : memref<!tpu.dma_semaphore, #tpu.memory_space<semaphore_mem>>) src(%arg4 : memref<640x16xf32, #tpu.memory_space<hbm>>) dst(%dma_wait3A_41 : memref<640x16xf32, #tpu.memory_space<vmem_shared>>)
    %dma_wait3A_42 = arith.constant 2 : i32
    %dma_wait3A_43 = tpu.memref_slice %arg9[%dma_wait3A_42] : memref<4x!tpu.dma_semaphore, #tpu.memory_space<semaphore_mem>> -> memref<1x!tpu.dma_semaphore, #tpu.memory_space<semaphore_mem>>
    %dma_wait3A_44 = tpu.memref_squeeze %dma_wait3A_43 : memref<1x!tpu.dma_semaphore, #tpu.memory_space<semaphore_mem>> -> memref<!tpu.dma_semaphore, #tpu.memory_space<semaphore_mem>>
    tpu.wait_dma2 semaphore(%dma_wait3A_44 : memref<!tpu.dma_semaphore, #tpu.memory_space<semaphore_mem>>) src(%arg3 : memref<128x16xf32, #tpu.memory_space<hbm>>) dst(%arg7 : memref<128x16xf32, #tpu.memory_space<vmem>>)
    %barrier3A = arith.constant 0 : index
    tpu.barrier barrier_id(%barrier3A)
    %scan3A = arith.constant 0 : i32
    %scan3A_45 = arith.constant 80 : i32
    %scan3A_46 = arith.addi %scan3A, %scan3A_45 : i32
    %scan3A_47 = arith.constant 1 : i32
    scf.for %scan3A_59 = %scan3A to %scan3A_46 step %scan3A_47  : i32 {
      %mul3A_60 = arith.constant 1 : i32
      %mul3A_61 = arith.muli %scan3A_59, %mul3A_60 : i32
      %add3A_62 = arith.constant 0 : i32
      %add3A_63 = arith.addi %add3A_62, %mul3A_61 : i32
      %dma_start3A_64 = arith.constant 3 : i32
      %dma_start3A_65 = arith.constant 0 : i32
      %dma_start3A_66 = tpu.memref_slice %arg6[%add3A_63, %dma_start3A_65] : memref<80x128xi32, #tpu.memory_space<vmem>> -> memref<1x128xi32, #tpu.memory_space<vmem>>
      %dma_start3A_67 = tpu.memref_squeeze %dma_start3A_66 : memref<1x128xi32, #tpu.memory_space<vmem>> -> memref<128xi32, #tpu.memory_space<vmem>>
      %dma_start3A_68 = arith.constant 0 : i32
      %dma_start3A_69 = arith.constant 0 : i32
      %dma_start3A_70 = tpu.memref_slice %arg8[%dma_start3A_68, %dma_start3A_69] : memref<10240x16xf32, #tpu.memory_space<vmem_shared>> -> memref<10240x16xf32, #tpu.memory_space<vmem_shared>>
      %dma_start3A_71 = tpu.memref_slice %arg9[%dma_start3A_64] : memref<4x!tpu.dma_semaphore, #tpu.memory_space<semaphore_mem>> -> memref<1x!tpu.dma_semaphore, #tpu.memory_space<semaphore_mem>>
      %dma_start3A_72 = tpu.memref_squeeze %dma_start3A_71 : memref<1x!tpu.dma_semaphore, #tpu.memory_space<semaphore_mem>> -> memref<!tpu.dma_semaphore, #tpu.memory_space<semaphore_mem>>
      tpu.enqueue_indirect_dma source(%arg7 : memref<128x16xf32, #tpu.memory_space<vmem>>) target(%dma_start3A_70 : memref<10240x16xf32, #tpu.memory_space<vmem_shared>>) offsets(%dma_start3A_67 : memref<128xi32, #tpu.memory_space<vmem>>) semaphore(%dma_start3A_72 : memref<!tpu.dma_semaphore, #tpu.memory_space<semaphore_mem>>) {add = true}
    }
    %scan3A_48 = arith.constant 80 : i32
    %scan3A_49 = arith.constant 0 : i32
    %scan3A_50 = arith.constant 80 : i32
    %scan3A_51 = arith.addi %scan3A_49, %scan3A_50 : i32
    %scan3A_52 = arith.constant 1 : i32
    scf.for %scan3A_59 = %scan3A_49 to %scan3A_51 step %scan3A_52  : i32 {
      %mul3A_60 = arith.constant 1 : i32
      %mul3A_61 = arith.muli %scan3A_59, %mul3A_60 : i32
      %add3A_62 = arith.constant 0 : i32
      %add3A_63 = arith.addi %add3A_62, %mul3A_61 : i32
      %dma_wait3A_64 = arith.constant 3 : i32
      %dma_wait3A_65 = arith.constant 0 : i32
      %dma_wait3A_66 = tpu.memref_slice %arg6[%add3A_63, %dma_wait3A_65] : memref<80x128xi32, #tpu.memory_space<vmem>> -> memref<1x128xi32, #tpu.memory_space<vmem>>
      %dma_wait3A_67 = tpu.memref_squeeze %dma_wait3A_66 : memref<1x128xi32, #tpu.memory_space<vmem>> -> memref<128xi32, #tpu.memory_space<vmem>>
      %dma_wait3A_68 = arith.constant 0 : i32
      %dma_wait3A_69 = arith.constant 0 : i32
      %dma_wait3A_70 = tpu.memref_slice %arg8[%dma_wait3A_68, %dma_wait3A_69] : memref<10240x16xf32, #tpu.memory_space<vmem_shared>> -> memref<10240x16xf32, #tpu.memory_space<vmem_shared>>
      %dma_wait3A_71 = tpu.memref_slice %arg9[%dma_wait3A_64] : memref<4x!tpu.dma_semaphore, #tpu.memory_space<semaphore_mem>> -> memref<1x!tpu.dma_semaphore, #tpu.memory_space<semaphore_mem>>
      %dma_wait3A_72 = tpu.memref_squeeze %dma_wait3A_71 : memref<1x!tpu.dma_semaphore, #tpu.memory_space<semaphore_mem>> -> memref<!tpu.dma_semaphore, #tpu.memory_space<semaphore_mem>>
      tpu.wait_indirect_dma semaphore(%dma_wait3A_72 : memref<!tpu.dma_semaphore, #tpu.memory_space<semaphore_mem>>) src(%arg7 : memref<128x16xf32, #tpu.memory_space<vmem>>) dst(%dma_wait3A_70 : memref<10240x16xf32, #tpu.memory_space<vmem_shared>>)
    }
    %scan3A_53 = arith.constant 80 : i32
    %barrier3A_54 = arith.constant 0 : index
    tpu.barrier barrier_id(%barrier3A_54)
    %mul3A_55 = arith.constant 640 : i32
    %mul3A_56 = arith.muli %arg1, %mul3A_55 : i32
    %mul3A_57 = arith.constant 640 : i32
    %mul3A_58 = arith.muli %arg1, %mul3A_57 : i32
    "tpu.region"() ({
      %run_scoped3A = tpu.sem_alloc : memref<!tpu.dma_semaphore, #tpu.memory_space<semaphore_mem>>
      %dma_start3A_59 = arith.constant 0 : i32
      %dma_start3A_60 = arith.constant 0 : i32
      %dma_start3A_61 = tpu.memref_slice %arg5[%arg0, %dma_start3A_59, %dma_start3A_60] : memref<2x10240x16xf32, #tpu.memory_space<hbm>> -> memref<1x10240x16xf32, #tpu.memory_space<hbm>>
      %dma_start3A_62 = tpu.memref_squeeze %dma_start3A_61 : memref<1x10240x16xf32, #tpu.memory_space<hbm>> -> memref<10240x16xf32, #tpu.memory_space<hbm>>
      %dma_start3A_63 = arith.constant 0 : i32
      %dma_start3A_64 = tpu.memref_slice %dma_start3A_62[%mul3A_58, %dma_start3A_63] : memref<10240x16xf32, #tpu.memory_space<hbm>> -> memref<640x16xf32, #tpu.memory_space<hbm>>
      %dma_start3A_65 = arith.constant 0 : i32
      %dma_start3A_66 = tpu.memref_slice %arg8[%mul3A_56, %dma_start3A_65] : memref<10240x16xf32, #tpu.memory_space<vmem_shared>> -> memref<640x16xf32, #tpu.memory_space<vmem_shared>>
      tpu.enqueue_dma source(%dma_start3A_66 : memref<640x16xf32, #tpu.memory_space<vmem_shared>>) target(%dma_start3A_64 : memref<640x16xf32, #tpu.memory_space<hbm>>) target_semaphore(%run_scoped3A : memref<!tpu.dma_semaphore, #tpu.memory_space<semaphore_mem>>)
      %dma_wait3A_67 = arith.constant 0 : i32
      %dma_wait3A_68 = arith.constant 0 : i32
      %dma_wait3A_69 = tpu.memref_slice %arg5[%arg0, %dma_wait3A_67, %dma_wait3A_68] : memref<2x10240x16xf32, #tpu.memory_space<hbm>> -> memref<1x10240x16xf32, #tpu.memory_space<hbm>>
      %dma_wait3A_70 = tpu.memref_squeeze %dma_wait3A_69 : memref<1x10240x16xf32, #tpu.memory_space<hbm>> -> memref<10240x16xf32, #tpu.memory_space<hbm>>
      %dma_wait3A_71 = arith.constant 0 : i32
      %dma_wait3A_72 = tpu.memref_slice %dma_wait3A_70[%mul3A_58, %dma_wait3A_71] : memref<10240x16xf32, #tpu.memory_space<hbm>> -> memref<640x16xf32, #tpu.memory_space<hbm>>
      %dma_wait3A_73 = arith.constant 0 : i32
      %dma_wait3A_74 = tpu.memref_slice %arg8[%mul3A_56, %dma_wait3A_73] : memref<10240x16xf32, #tpu.memory_space<vmem_shared>> -> memref<640x16xf32, #tpu.memory_space<vmem_shared>>
      tpu.wait_dma2 semaphore(%run_scoped3A : memref<!tpu.dma_semaphore, #tpu.memory_space<semaphore_mem>>) src(%dma_wait3A_74 : memref<640x16xf32, #tpu.memory_space<vmem_shared>>) dst(%dma_wait3A_72 : memref<640x16xf32, #tpu.memory_space<hbm>>)
      tpu.yield
    }) : () -> ()
    return
  }
}

#map = affine_map<(d0, d1) -> (0, 0, 0)>
#map1 = affine_map<(d0, d1) -> (0, 0)>
module attributes {stable_mosaic.version = 14 : i64} {
  func.func @_sc_agg(%arg0: i32, %arg1: i32, %arg2: memref<2x10240x32xf32, #tpu.memory_space<hbm>>, %arg3: memref<2560x128xi32, #tpu.memory_space<hbm>>, %arg4: memref<2560x128xi32, #tpu.memory_space<hbm>>, %arg5: memref<640x32xf32, #tpu.memory_space<hbm>>, %arg6: memref<2x10240x32xf32, #tpu.memory_space<hbm>>, %arg7: memref<160x128xi32, #tpu.memory_space<vmem>>, %arg8: memref<160x128xi32, #tpu.memory_space<vmem>>, %arg9: memref<4x128x32xf32, #tpu.memory_space<vmem>>, %arg10: memref<10240x32xf32, #tpu.memory_space<vmem_shared>>, %arg11: memref<10240x32xf32, #tpu.memory_space<vmem_shared>>, %arg12: memref<4x!tpu.dma_semaphore, #tpu.memory_space<semaphore_mem>>) attributes {dimension_semantics = [#tpu.dimension_semantics<core_parallel>, #tpu.dimension_semantics<subcore_parallel>], iteration_bounds = array<i64: 2, 16>, scalar_prefetch = 0 : i64, scratch_operands = 6 : i64, tpu.core_type = #tpu.core_type<sc_vector_subcore>, window_params = [{transform_indices = #map}, {transform_indices = #map1}, {transform_indices = #map1}, {transform_indices = #map1}, {transform_indices = #map}]} {
    %mul3A = arith.constant 160 : i32
    %mul3A_0 = arith.muli %arg1, %mul3A : i32
    %dma_start3A = arith.constant 0 : i32
    %dma_start3A_1 = arith.constant 0 : i32
    %dma_start3A_2 = tpu.memref_slice %arg3[%mul3A_0, %dma_start3A_1] : memref<2560x128xi32, #tpu.memory_space<hbm>> -> memref<160x128xi32, #tpu.memory_space<hbm>>
    %dma_start3A_3 = tpu.memref_slice %arg12[%dma_start3A] : memref<4x!tpu.dma_semaphore, #tpu.memory_space<semaphore_mem>> -> memref<1x!tpu.dma_semaphore, #tpu.memory_space<semaphore_mem>>
    %dma_start3A_4 = tpu.memref_squeeze %dma_start3A_3 : memref<1x!tpu.dma_semaphore, #tpu.memory_space<semaphore_mem>> -> memref<!tpu.dma_semaphore, #tpu.memory_space<semaphore_mem>>
    %dma_start3A_5 = arith.constant 0 : i32
    %dma_start3A_6 = tpu.memref_slice %arg3[%mul3A_0, %dma_start3A_5] : memref<2560x128xi32, #tpu.memory_space<hbm>> -> memref<160x128xi32, #tpu.memory_space<hbm>>
    tpu.enqueue_dma source(%dma_start3A_6 : memref<160x128xi32, #tpu.memory_space<hbm>>) target(%arg7 : memref<160x128xi32, #tpu.memory_space<vmem>>) target_semaphore(%dma_start3A_4 : memref<!tpu.dma_semaphore, #tpu.memory_space<semaphore_mem>>)
    %mul3A_7 = arith.constant 160 : i32
    %mul3A_8 = arith.muli %arg1, %mul3A_7 : i32
    %dma_start3A_9 = arith.constant 1 : i32
    %dma_start3A_10 = arith.constant 0 : i32
    %dma_start3A_11 = tpu.memref_slice %arg4[%mul3A_8, %dma_start3A_10] : memref<2560x128xi32, #tpu.memory_space<hbm>> -> memref<160x128xi32, #tpu.memory_space<hbm>>
    %dma_start3A_12 = tpu.memref_slice %arg12[%dma_start3A_9] : memref<4x!tpu.dma_semaphore, #tpu.memory_space<semaphore_mem>> -> memref<1x!tpu.dma_semaphore, #tpu.memory_space<semaphore_mem>>
    %dma_start3A_13 = tpu.memref_squeeze %dma_start3A_12 : memref<1x!tpu.dma_semaphore, #tpu.memory_space<semaphore_mem>> -> memref<!tpu.dma_semaphore, #tpu.memory_space<semaphore_mem>>
    %dma_start3A_14 = arith.constant 0 : i32
    %dma_start3A_15 = tpu.memref_slice %arg4[%mul3A_8, %dma_start3A_14] : memref<2560x128xi32, #tpu.memory_space<hbm>> -> memref<160x128xi32, #tpu.memory_space<hbm>>
    tpu.enqueue_dma source(%dma_start3A_15 : memref<160x128xi32, #tpu.memory_space<hbm>>) target(%arg8 : memref<160x128xi32, #tpu.memory_space<vmem>>) target_semaphore(%dma_start3A_13 : memref<!tpu.dma_semaphore, #tpu.memory_space<semaphore_mem>>)
    %mul3A_16 = arith.constant 640 : i32
    %mul3A_17 = arith.muli %arg1, %mul3A_16 : i32
    %mul3A_18 = arith.constant 640 : i32
    %mul3A_19 = arith.muli %arg1, %mul3A_18 : i32
    %dma_start3A_20 = arith.constant 2 : i32
    %dma_start3A_21 = tpu.memref_slice %arg12[%dma_start3A_20] : memref<4x!tpu.dma_semaphore, #tpu.memory_space<semaphore_mem>> -> memref<1x!tpu.dma_semaphore, #tpu.memory_space<semaphore_mem>>
    %dma_start3A_22 = tpu.memref_squeeze %dma_start3A_21 : memref<1x!tpu.dma_semaphore, #tpu.memory_space<semaphore_mem>> -> memref<!tpu.dma_semaphore, #tpu.memory_space<semaphore_mem>>
    %dma_start3A_23 = arith.constant 0 : i32
    %dma_start3A_24 = tpu.memref_slice %arg10[%mul3A_19, %dma_start3A_23] : memref<10240x32xf32, #tpu.memory_space<vmem_shared>> -> memref<640x32xf32, #tpu.memory_space<vmem_shared>>
    %dma_start3A_25 = arith.constant 0 : i32
    %dma_start3A_26 = arith.constant 0 : i32
    %dma_start3A_27 = tpu.memref_slice %arg2[%arg0, %dma_start3A_25, %dma_start3A_26] : memref<2x10240x32xf32, #tpu.memory_space<hbm>> -> memref<1x10240x32xf32, #tpu.memory_space<hbm>>
    %dma_start3A_28 = tpu.memref_squeeze %dma_start3A_27 : memref<1x10240x32xf32, #tpu.memory_space<hbm>> -> memref<10240x32xf32, #tpu.memory_space<hbm>>
    %dma_start3A_29 = arith.constant 0 : i32
    %dma_start3A_30 = tpu.memref_slice %dma_start3A_28[%mul3A_17, %dma_start3A_29] : memref<10240x32xf32, #tpu.memory_space<hbm>> -> memref<640x32xf32, #tpu.memory_space<hbm>>
    tpu.enqueue_dma source(%dma_start3A_30 : memref<640x32xf32, #tpu.memory_space<hbm>>) target(%dma_start3A_24 : memref<640x32xf32, #tpu.memory_space<vmem_shared>>) target_semaphore(%dma_start3A_22 : memref<!tpu.dma_semaphore, #tpu.memory_space<semaphore_mem>>)
    %mul3A_31 = arith.constant 640 : i32
    %mul3A_32 = arith.muli %arg1, %mul3A_31 : i32
    %dma_start3A_33 = arith.constant 3 : i32
    %dma_start3A_34 = tpu.memref_slice %arg12[%dma_start3A_33] : memref<4x!tpu.dma_semaphore, #tpu.memory_space<semaphore_mem>> -> memref<1x!tpu.dma_semaphore, #tpu.memory_space<semaphore_mem>>
    %dma_start3A_35 = tpu.memref_squeeze %dma_start3A_34 : memref<1x!tpu.dma_semaphore, #tpu.memory_space<semaphore_mem>> -> memref<!tpu.dma_semaphore, #tpu.memory_space<semaphore_mem>>
    %dma_start3A_36 = arith.constant 0 : i32
    %dma_start3A_37 = tpu.memref_slice %arg11[%mul3A_32, %dma_start3A_36] : memref<10240x32xf32, #tpu.memory_space<vmem_shared>> -> memref<640x32xf32, #tpu.memory_space<vmem_shared>>
    tpu.enqueue_dma source(%arg5 : memref<640x32xf32, #tpu.memory_space<hbm>>) target(%dma_start3A_37 : memref<640x32xf32, #tpu.memory_space<vmem_shared>>) target_semaphore(%dma_start3A_35 : memref<!tpu.dma_semaphore, #tpu.memory_space<semaphore_mem>>)
    %mul3A_38 = arith.constant 160 : i32
    %mul3A_39 = arith.muli %arg1, %mul3A_38 : i32
    %dma_wait3A = arith.constant 0 : i32
    %dma_wait3A_40 = arith.constant 0 : i32
    %dma_wait3A_41 = tpu.memref_slice %arg3[%mul3A_39, %dma_wait3A_40] : memref<2560x128xi32, #tpu.memory_space<hbm>> -> memref<160x128xi32, #tpu.memory_space<hbm>>
    %dma_wait3A_42 = tpu.memref_slice %arg12[%dma_wait3A] : memref<4x!tpu.dma_semaphore, #tpu.memory_space<semaphore_mem>> -> memref<1x!tpu.dma_semaphore, #tpu.memory_space<semaphore_mem>>
    %dma_wait3A_43 = tpu.memref_squeeze %dma_wait3A_42 : memref<1x!tpu.dma_semaphore, #tpu.memory_space<semaphore_mem>> -> memref<!tpu.dma_semaphore, #tpu.memory_space<semaphore_mem>>
    %dma_wait3A_44 = arith.constant 0 : i32
    %dma_wait3A_45 = tpu.memref_slice %arg3[%mul3A_39, %dma_wait3A_44] : memref<2560x128xi32, #tpu.memory_space<hbm>> -> memref<160x128xi32, #tpu.memory_space<hbm>>
    tpu.wait_dma2 semaphore(%dma_wait3A_43 : memref<!tpu.dma_semaphore, #tpu.memory_space<semaphore_mem>>) src(%dma_wait3A_45 : memref<160x128xi32, #tpu.memory_space<hbm>>) dst(%arg7 : memref<160x128xi32, #tpu.memory_space<vmem>>)
    %mul3A_46 = arith.constant 160 : i32
    %mul3A_47 = arith.muli %arg1, %mul3A_46 : i32
    %dma_wait3A_48 = arith.constant 1 : i32
    %dma_wait3A_49 = arith.constant 0 : i32
    %dma_wait3A_50 = tpu.memref_slice %arg4[%mul3A_47, %dma_wait3A_49] : memref<2560x128xi32, #tpu.memory_space<hbm>> -> memref<160x128xi32, #tpu.memory_space<hbm>>
    %dma_wait3A_51 = tpu.memref_slice %arg12[%dma_wait3A_48] : memref<4x!tpu.dma_semaphore, #tpu.memory_space<semaphore_mem>> -> memref<1x!tpu.dma_semaphore, #tpu.memory_space<semaphore_mem>>
    %dma_wait3A_52 = tpu.memref_squeeze %dma_wait3A_51 : memref<1x!tpu.dma_semaphore, #tpu.memory_space<semaphore_mem>> -> memref<!tpu.dma_semaphore, #tpu.memory_space<semaphore_mem>>
    %dma_wait3A_53 = arith.constant 0 : i32
    %dma_wait3A_54 = tpu.memref_slice %arg4[%mul3A_47, %dma_wait3A_53] : memref<2560x128xi32, #tpu.memory_space<hbm>> -> memref<160x128xi32, #tpu.memory_space<hbm>>
    tpu.wait_dma2 semaphore(%dma_wait3A_52 : memref<!tpu.dma_semaphore, #tpu.memory_space<semaphore_mem>>) src(%dma_wait3A_54 : memref<160x128xi32, #tpu.memory_space<hbm>>) dst(%arg8 : memref<160x128xi32, #tpu.memory_space<vmem>>)
    %mul3A_55 = arith.constant 640 : i32
    %mul3A_56 = arith.muli %arg1, %mul3A_55 : i32
    %mul3A_57 = arith.constant 640 : i32
    %mul3A_58 = arith.muli %arg1, %mul3A_57 : i32
    %dma_wait3A_59 = arith.constant 2 : i32
    %dma_wait3A_60 = tpu.memref_slice %arg12[%dma_wait3A_59] : memref<4x!tpu.dma_semaphore, #tpu.memory_space<semaphore_mem>> -> memref<1x!tpu.dma_semaphore, #tpu.memory_space<semaphore_mem>>
    %dma_wait3A_61 = tpu.memref_squeeze %dma_wait3A_60 : memref<1x!tpu.dma_semaphore, #tpu.memory_space<semaphore_mem>> -> memref<!tpu.dma_semaphore, #tpu.memory_space<semaphore_mem>>
    %dma_wait3A_62 = arith.constant 0 : i32
    %dma_wait3A_63 = tpu.memref_slice %arg10[%mul3A_58, %dma_wait3A_62] : memref<10240x32xf32, #tpu.memory_space<vmem_shared>> -> memref<640x32xf32, #tpu.memory_space<vmem_shared>>
    %dma_wait3A_64 = arith.constant 0 : i32
    %dma_wait3A_65 = arith.constant 0 : i32
    %dma_wait3A_66 = tpu.memref_slice %arg2[%arg0, %dma_wait3A_64, %dma_wait3A_65] : memref<2x10240x32xf32, #tpu.memory_space<hbm>> -> memref<1x10240x32xf32, #tpu.memory_space<hbm>>
    %dma_wait3A_67 = tpu.memref_squeeze %dma_wait3A_66 : memref<1x10240x32xf32, #tpu.memory_space<hbm>> -> memref<10240x32xf32, #tpu.memory_space<hbm>>
    %dma_wait3A_68 = arith.constant 0 : i32
    %dma_wait3A_69 = tpu.memref_slice %dma_wait3A_67[%mul3A_56, %dma_wait3A_68] : memref<10240x32xf32, #tpu.memory_space<hbm>> -> memref<640x32xf32, #tpu.memory_space<hbm>>
    tpu.wait_dma2 semaphore(%dma_wait3A_61 : memref<!tpu.dma_semaphore, #tpu.memory_space<semaphore_mem>>) src(%dma_wait3A_69 : memref<640x32xf32, #tpu.memory_space<hbm>>) dst(%dma_wait3A_63 : memref<640x32xf32, #tpu.memory_space<vmem_shared>>)
    %mul3A_70 = arith.constant 640 : i32
    %mul3A_71 = arith.muli %arg1, %mul3A_70 : i32
    %dma_wait3A_72 = arith.constant 3 : i32
    %dma_wait3A_73 = tpu.memref_slice %arg12[%dma_wait3A_72] : memref<4x!tpu.dma_semaphore, #tpu.memory_space<semaphore_mem>> -> memref<1x!tpu.dma_semaphore, #tpu.memory_space<semaphore_mem>>
    %dma_wait3A_74 = tpu.memref_squeeze %dma_wait3A_73 : memref<1x!tpu.dma_semaphore, #tpu.memory_space<semaphore_mem>> -> memref<!tpu.dma_semaphore, #tpu.memory_space<semaphore_mem>>
    %dma_wait3A_75 = arith.constant 0 : i32
    %dma_wait3A_76 = tpu.memref_slice %arg11[%mul3A_71, %dma_wait3A_75] : memref<10240x32xf32, #tpu.memory_space<vmem_shared>> -> memref<640x32xf32, #tpu.memory_space<vmem_shared>>
    tpu.wait_dma2 semaphore(%dma_wait3A_74 : memref<!tpu.dma_semaphore, #tpu.memory_space<semaphore_mem>>) src(%arg5 : memref<640x32xf32, #tpu.memory_space<hbm>>) dst(%dma_wait3A_76 : memref<640x32xf32, #tpu.memory_space<vmem_shared>>)
    %barrier3A = arith.constant 0 : index
    tpu.barrier barrier_id(%barrier3A)
    %dma_start3A_77 = arith.constant 0 : i32
    %dma_start3A_78 = arith.constant 0 : i32
    %dma_start3A_79 = arith.constant 0 : i32
    %dma_start3A_80 = arith.constant 0 : i32
    %dma_start3A_81 = arith.constant 0 : i32
    %dma_start3A_82 = tpu.memref_slice %arg9[%dma_start3A_78, %dma_start3A_80, %dma_start3A_81] : memref<4x128x32xf32, #tpu.memory_space<vmem>> -> memref<1x128x32xf32, #tpu.memory_space<vmem>>
    %dma_start3A_83 = tpu.memref_squeeze %dma_start3A_82 : memref<1x128x32xf32, #tpu.memory_space<vmem>> -> memref<128x32xf32, #tpu.memory_space<vmem>>
    %dma_start3A_84 = arith.constant 0 : i32
    %dma_start3A_85 = tpu.memref_slice %arg7[%dma_start3A_77, %dma_start3A_84] : memref<160x128xi32, #tpu.memory_space<vmem>> -> memref<1x128xi32, #tpu.memory_space<vmem>>
    %dma_start3A_86 = tpu.memref_squeeze %dma_start3A_85 : memref<1x128xi32, #tpu.memory_space<vmem>> -> memref<128xi32, #tpu.memory_space<vmem>>
    %dma_start3A_87 = arith.constant 0 : i32
    %dma_start3A_88 = arith.constant 0 : i32
    %dma_start3A_89 = tpu.memref_slice %arg10[%dma_start3A_87, %dma_start3A_88] : memref<10240x32xf32, #tpu.memory_space<vmem_shared>> -> memref<10240x32xf32, #tpu.memory_space<vmem_shared>>
    %dma_start3A_90 = tpu.memref_slice %arg12[%dma_start3A_79] : memref<4x!tpu.dma_semaphore, #tpu.memory_space<semaphore_mem>> -> memref<1x!tpu.dma_semaphore, #tpu.memory_space<semaphore_mem>>
    %dma_start3A_91 = tpu.memref_squeeze %dma_start3A_90 : memref<1x!tpu.dma_semaphore, #tpu.memory_space<semaphore_mem>> -> memref<!tpu.dma_semaphore, #tpu.memory_space<semaphore_mem>>
    tpu.enqueue_indirect_dma source(%dma_start3A_89 : memref<10240x32xf32, #tpu.memory_space<vmem_shared>>) target(%dma_start3A_83 : memref<128x32xf32, #tpu.memory_space<vmem>>) offsets(%dma_start3A_86 : memref<128xi32, #tpu.memory_space<vmem>>) semaphore(%dma_start3A_91 : memref<!tpu.dma_semaphore, #tpu.memory_space<semaphore_mem>>)
    %dma_start3A_92 = arith.constant 1 : i32
    %dma_start3A_93 = arith.constant 1 : i32
    %dma_start3A_94 = arith.constant 1 : i32
    %dma_start3A_95 = arith.constant 0 : i32
    %dma_start3A_96 = arith.constant 0 : i32
    %dma_start3A_97 = tpu.memref_slice %arg9[%dma_start3A_93, %dma_start3A_95, %dma_start3A_96] : memref<4x128x32xf32, #tpu.memory_space<vmem>> -> memref<1x128x32xf32, #tpu.memory_space<vmem>>
    %dma_start3A_98 = tpu.memref_squeeze %dma_start3A_97 : memref<1x128x32xf32, #tpu.memory_space<vmem>> -> memref<128x32xf32, #tpu.memory_space<vmem>>
    %dma_start3A_99 = arith.constant 0 : i32
    %dma_start3A_100 = tpu.memref_slice %arg7[%dma_start3A_92, %dma_start3A_99] : memref<160x128xi32, #tpu.memory_space<vmem>> -> memref<1x128xi32, #tpu.memory_space<vmem>>
    %dma_start3A_101 = tpu.memref_squeeze %dma_start3A_100 : memref<1x128xi32, #tpu.memory_space<vmem>> -> memref<128xi32, #tpu.memory_space<vmem>>
    %dma_start3A_102 = arith.constant 0 : i32
    %dma_start3A_103 = arith.constant 0 : i32
    %dma_start3A_104 = tpu.memref_slice %arg10[%dma_start3A_102, %dma_start3A_103] : memref<10240x32xf32, #tpu.memory_space<vmem_shared>> -> memref<10240x32xf32, #tpu.memory_space<vmem_shared>>
    %dma_start3A_105 = tpu.memref_slice %arg12[%dma_start3A_94] : memref<4x!tpu.dma_semaphore, #tpu.memory_space<semaphore_mem>> -> memref<1x!tpu.dma_semaphore, #tpu.memory_space<semaphore_mem>>
    %dma_start3A_106 = tpu.memref_squeeze %dma_start3A_105 : memref<1x!tpu.dma_semaphore, #tpu.memory_space<semaphore_mem>> -> memref<!tpu.dma_semaphore, #tpu.memory_space<semaphore_mem>>
    tpu.enqueue_indirect_dma source(%dma_start3A_104 : memref<10240x32xf32, #tpu.memory_space<vmem_shared>>) target(%dma_start3A_98 : memref<128x32xf32, #tpu.memory_space<vmem>>) offsets(%dma_start3A_101 : memref<128xi32, #tpu.memory_space<vmem>>) semaphore(%dma_start3A_106 : memref<!tpu.dma_semaphore, #tpu.memory_space<semaphore_mem>>)
    %dma_start3A_107 = arith.constant 2 : i32
    %dma_start3A_108 = arith.constant 2 : i32
    %dma_start3A_109 = arith.constant 2 : i32
    %dma_start3A_110 = arith.constant 0 : i32
    %dma_start3A_111 = arith.constant 0 : i32
    %dma_start3A_112 = tpu.memref_slice %arg9[%dma_start3A_108, %dma_start3A_110, %dma_start3A_111] : memref<4x128x32xf32, #tpu.memory_space<vmem>> -> memref<1x128x32xf32, #tpu.memory_space<vmem>>
    %dma_start3A_113 = tpu.memref_squeeze %dma_start3A_112 : memref<1x128x32xf32, #tpu.memory_space<vmem>> -> memref<128x32xf32, #tpu.memory_space<vmem>>
    %dma_start3A_114 = arith.constant 0 : i32
    %dma_start3A_115 = tpu.memref_slice %arg7[%dma_start3A_107, %dma_start3A_114] : memref<160x128xi32, #tpu.memory_space<vmem>> -> memref<1x128xi32, #tpu.memory_space<vmem>>
    %dma_start3A_116 = tpu.memref_squeeze %dma_start3A_115 : memref<1x128xi32, #tpu.memory_space<vmem>> -> memref<128xi32, #tpu.memory_space<vmem>>
    %dma_start3A_117 = arith.constant 0 : i32
    %dma_start3A_118 = arith.constant 0 : i32
    %dma_start3A_119 = tpu.memref_slice %arg10[%dma_start3A_117, %dma_start3A_118] : memref<10240x32xf32, #tpu.memory_space<vmem_shared>> -> memref<10240x32xf32, #tpu.memory_space<vmem_shared>>
    %dma_start3A_120 = tpu.memref_slice %arg12[%dma_start3A_109] : memref<4x!tpu.dma_semaphore, #tpu.memory_space<semaphore_mem>> -> memref<1x!tpu.dma_semaphore, #tpu.memory_space<semaphore_mem>>
    %dma_start3A_121 = tpu.memref_squeeze %dma_start3A_120 : memref<1x!tpu.dma_semaphore, #tpu.memory_space<semaphore_mem>> -> memref<!tpu.dma_semaphore, #tpu.memory_space<semaphore_mem>>
    tpu.enqueue_indirect_dma source(%dma_start3A_119 : memref<10240x32xf32, #tpu.memory_space<vmem_shared>>) target(%dma_start3A_113 : memref<128x32xf32, #tpu.memory_space<vmem>>) offsets(%dma_start3A_116 : memref<128xi32, #tpu.memory_space<vmem>>) semaphore(%dma_start3A_121 : memref<!tpu.dma_semaphore, #tpu.memory_space<semaphore_mem>>)
    %dma_start3A_122 = arith.constant 3 : i32
    %dma_start3A_123 = arith.constant 3 : i32
    %dma_start3A_124 = arith.constant 3 : i32
    %dma_start3A_125 = arith.constant 0 : i32
    %dma_start3A_126 = arith.constant 0 : i32
    %dma_start3A_127 = tpu.memref_slice %arg9[%dma_start3A_123, %dma_start3A_125, %dma_start3A_126] : memref<4x128x32xf32, #tpu.memory_space<vmem>> -> memref<1x128x32xf32, #tpu.memory_space<vmem>>
    %dma_start3A_128 = tpu.memref_squeeze %dma_start3A_127 : memref<1x128x32xf32, #tpu.memory_space<vmem>> -> memref<128x32xf32, #tpu.memory_space<vmem>>
    %dma_start3A_129 = arith.constant 0 : i32
    %dma_start3A_130 = tpu.memref_slice %arg7[%dma_start3A_122, %dma_start3A_129] : memref<160x128xi32, #tpu.memory_space<vmem>> -> memref<1x128xi32, #tpu.memory_space<vmem>>
    %dma_start3A_131 = tpu.memref_squeeze %dma_start3A_130 : memref<1x128xi32, #tpu.memory_space<vmem>> -> memref<128xi32, #tpu.memory_space<vmem>>
    %dma_start3A_132 = arith.constant 0 : i32
    %dma_start3A_133 = arith.constant 0 : i32
    %dma_start3A_134 = tpu.memref_slice %arg10[%dma_start3A_132, %dma_start3A_133] : memref<10240x32xf32, #tpu.memory_space<vmem_shared>> -> memref<10240x32xf32, #tpu.memory_space<vmem_shared>>
    %dma_start3A_135 = tpu.memref_slice %arg12[%dma_start3A_124] : memref<4x!tpu.dma_semaphore, #tpu.memory_space<semaphore_mem>> -> memref<1x!tpu.dma_semaphore, #tpu.memory_space<semaphore_mem>>
    %dma_start3A_136 = tpu.memref_squeeze %dma_start3A_135 : memref<1x!tpu.dma_semaphore, #tpu.memory_space<semaphore_mem>> -> memref<!tpu.dma_semaphore, #tpu.memory_space<semaphore_mem>>
    tpu.enqueue_indirect_dma source(%dma_start3A_134 : memref<10240x32xf32, #tpu.memory_space<vmem_shared>>) target(%dma_start3A_128 : memref<128x32xf32, #tpu.memory_space<vmem>>) offsets(%dma_start3A_131 : memref<128xi32, #tpu.memory_space<vmem>>) semaphore(%dma_start3A_136 : memref<!tpu.dma_semaphore, #tpu.memory_space<semaphore_mem>>)
    %scan3A = arith.constant 0 : i32
    %scan3A_137 = arith.constant 39 : i32
    %scan3A_138 = arith.addi %scan3A, %scan3A_137 : i32
    %scan3A_139 = arith.constant 1 : i32
    scf.for %scan3A_213 = %scan3A to %scan3A_138 step %scan3A_139  : i32 {
      %mul3A_214 = arith.constant 1 : i32
      %mul3A_215 = arith.muli %scan3A_213, %mul3A_214 : i32
      %add3A = arith.constant 0 : i32
      %add3A_216 = arith.addi %add3A, %mul3A_215 : i32
      %mul3A_217 = arith.constant 4 : i32
      %mul3A_218 = arith.muli %add3A_216, %mul3A_217 : i32
      %add3A_219 = arith.constant 0 : i32
      %add3A_220 = arith.addi %mul3A_218, %add3A_219 : i32
      %dma_wait3A_221 = arith.constant 0 : i32
      %dma_wait3A_222 = arith.constant 0 : i32
      %dma_wait3A_223 = arith.constant 0 : i32
      %dma_wait3A_224 = arith.constant 0 : i32
      %dma_wait3A_225 = tpu.memref_slice %arg9[%dma_wait3A_221, %dma_wait3A_223, %dma_wait3A_224] : memref<4x128x32xf32, #tpu.memory_space<vmem>> -> memref<1x128x32xf32, #tpu.memory_space<vmem>>
      %dma_wait3A_226 = tpu.memref_squeeze %dma_wait3A_225 : memref<1x128x32xf32, #tpu.memory_space<vmem>> -> memref<128x32xf32, #tpu.memory_space<vmem>>
      %dma_wait3A_227 = arith.constant 0 : i32
      %dma_wait3A_228 = tpu.memref_slice %arg7[%add3A_220, %dma_wait3A_227] : memref<160x128xi32, #tpu.memory_space<vmem>> -> memref<1x128xi32, #tpu.memory_space<vmem>>
      %dma_wait3A_229 = tpu.memref_squeeze %dma_wait3A_228 : memref<1x128xi32, #tpu.memory_space<vmem>> -> memref<128xi32, #tpu.memory_space<vmem>>
      %dma_wait3A_230 = arith.constant 0 : i32
      %dma_wait3A_231 = arith.constant 0 : i32
      %dma_wait3A_232 = tpu.memref_slice %arg10[%dma_wait3A_230, %dma_wait3A_231] : memref<10240x32xf32, #tpu.memory_space<vmem_shared>> -> memref<10240x32xf32, #tpu.memory_space<vmem_shared>>
      %dma_wait3A_233 = tpu.memref_slice %arg12[%dma_wait3A_222] : memref<4x!tpu.dma_semaphore, #tpu.memory_space<semaphore_mem>> -> memref<1x!tpu.dma_semaphore, #tpu.memory_space<semaphore_mem>>
      %dma_wait3A_234 = tpu.memref_squeeze %dma_wait3A_233 : memref<1x!tpu.dma_semaphore, #tpu.memory_space<semaphore_mem>> -> memref<!tpu.dma_semaphore, #tpu.memory_space<semaphore_mem>>
      tpu.wait_indirect_dma semaphore(%dma_wait3A_234 : memref<!tpu.dma_semaphore, #tpu.memory_space<semaphore_mem>>) src(%dma_wait3A_232 : memref<10240x32xf32, #tpu.memory_space<vmem_shared>>) dst(%dma_wait3A_226 : memref<128x32xf32, #tpu.memory_space<vmem>>)
      %add3A_235 = arith.constant 0 : i32
      %add3A_236 = arith.addi %mul3A_218, %add3A_235 : i32
      %run_scoped3A_237 = arith.constant 0 : i32
      "tpu.region"() ({
        %run_scoped3A_367 = tpu.sem_alloc : memref<!tpu.dma_semaphore, #tpu.memory_space<semaphore_mem>>
        %dma_start3A_368 = arith.constant 0 : i32
        %dma_start3A_369 = arith.constant 0 : i32
        %dma_start3A_370 = tpu.memref_slice %arg9[%run_scoped3A_237, %dma_start3A_368, %dma_start3A_369] : memref<4x128x32xf32, #tpu.memory_space<vmem>> -> memref<1x128x32xf32, #tpu.memory_space<vmem>>
        %dma_start3A_371 = tpu.memref_squeeze %dma_start3A_370 : memref<1x128x32xf32, #tpu.memory_space<vmem>> -> memref<128x32xf32, #tpu.memory_space<vmem>>
        %dma_start3A_372 = arith.constant 0 : i32
        %dma_start3A_373 = tpu.memref_slice %arg8[%add3A_236, %dma_start3A_372] : memref<160x128xi32, #tpu.memory_space<vmem>> -> memref<1x128xi32, #tpu.memory_space<vmem>>
        %dma_start3A_374 = tpu.memref_squeeze %dma_start3A_373 : memref<1x128xi32, #tpu.memory_space<vmem>> -> memref<128xi32, #tpu.memory_space<vmem>>
        %dma_start3A_375 = arith.constant 0 : i32
        %dma_start3A_376 = arith.constant 0 : i32
        %dma_start3A_377 = tpu.memref_slice %arg11[%dma_start3A_375, %dma_start3A_376] : memref<10240x32xf32, #tpu.memory_space<vmem_shared>> -> memref<10240x32xf32, #tpu.memory_space<vmem_shared>>
        tpu.enqueue_indirect_dma source(%dma_start3A_371 : memref<128x32xf32, #tpu.memory_space<vmem>>) target(%dma_start3A_377 : memref<10240x32xf32, #tpu.memory_space<vmem_shared>>) offsets(%dma_start3A_374 : memref<128xi32, #tpu.memory_space<vmem>>) semaphore(%run_scoped3A_367 : memref<!tpu.dma_semaphore, #tpu.memory_space<semaphore_mem>>) {add = true}
        %dma_wait3A_378 = arith.constant 0 : i32
        %dma_wait3A_379 = arith.constant 0 : i32
        %dma_wait3A_380 = tpu.memref_slice %arg9[%run_scoped3A_237, %dma_wait3A_378, %dma_wait3A_379] : memref<4x128x32xf32, #tpu.memory_space<vmem>> -> memref<1x128x32xf32, #tpu.memory_space<vmem>>
        %dma_wait3A_381 = tpu.memref_squeeze %dma_wait3A_380 : memref<1x128x32xf32, #tpu.memory_space<vmem>> -> memref<128x32xf32, #tpu.memory_space<vmem>>
        %dma_wait3A_382 = arith.constant 0 : i32
        %dma_wait3A_383 = tpu.memref_slice %arg8[%add3A_236, %dma_wait3A_382] : memref<160x128xi32, #tpu.memory_space<vmem>> -> memref<1x128xi32, #tpu.memory_space<vmem>>
        %dma_wait3A_384 = tpu.memref_squeeze %dma_wait3A_383 : memref<1x128xi32, #tpu.memory_space<vmem>> -> memref<128xi32, #tpu.memory_space<vmem>>
        %dma_wait3A_385 = arith.constant 0 : i32
        %dma_wait3A_386 = arith.constant 0 : i32
        %dma_wait3A_387 = tpu.memref_slice %arg11[%dma_wait3A_385, %dma_wait3A_386] : memref<10240x32xf32, #tpu.memory_space<vmem_shared>> -> memref<10240x32xf32, #tpu.memory_space<vmem_shared>>
        tpu.wait_indirect_dma semaphore(%run_scoped3A_367 : memref<!tpu.dma_semaphore, #tpu.memory_space<semaphore_mem>>) src(%dma_wait3A_381 : memref<128x32xf32, #tpu.memory_space<vmem>>) dst(%dma_wait3A_387 : memref<10240x32xf32, #tpu.memory_space<vmem_shared>>)
        tpu.yield
      }) : () -> ()
      %add3A_238 = arith.constant 0 : i32
      %add3A_239 = arith.addi %mul3A_218, %add3A_238 : i32
      %add3A_240 = arith.constant 4 : i32
      %add3A_241 = arith.addi %add3A_239, %add3A_240 : i32
      %dma_start3A_242 = arith.constant 0 : i32
      %dma_start3A_243 = arith.constant 0 : i32
      %dma_start3A_244 = arith.constant 0 : i32
      %dma_start3A_245 = arith.constant 0 : i32
      %dma_start3A_246 = tpu.memref_slice %arg9[%dma_start3A_242, %dma_start3A_244, %dma_start3A_245] : memref<4x128x32xf32, #tpu.memory_space<vmem>> -> memref<1x128x32xf32, #tpu.memory_space<vmem>>
      %dma_start3A_247 = tpu.memref_squeeze %dma_start3A_246 : memref<1x128x32xf32, #tpu.memory_space<vmem>> -> memref<128x32xf32, #tpu.memory_space<vmem>>
      %dma_start3A_248 = arith.constant 0 : i32
      %dma_start3A_249 = tpu.memref_slice %arg7[%add3A_241, %dma_start3A_248] : memref<160x128xi32, #tpu.memory_space<vmem>> -> memref<1x128xi32, #tpu.memory_space<vmem>>
      %dma_start3A_250 = tpu.memref_squeeze %dma_start3A_249 : memref<1x128xi32, #tpu.memory_space<vmem>> -> memref<128xi32, #tpu.memory_space<vmem>>
      %dma_start3A_251 = arith.constant 0 : i32
      %dma_start3A_252 = arith.constant 0 : i32
      %dma_start3A_253 = tpu.memref_slice %arg10[%dma_start3A_251, %dma_start3A_252] : memref<10240x32xf32, #tpu.memory_space<vmem_shared>> -> memref<10240x32xf32, #tpu.memory_space<vmem_shared>>
      %dma_start3A_254 = tpu.memref_slice %arg12[%dma_start3A_243] : memref<4x!tpu.dma_semaphore, #tpu.memory_space<semaphore_mem>> -> memref<1x!tpu.dma_semaphore, #tpu.memory_space<semaphore_mem>>
      %dma_start3A_255 = tpu.memref_squeeze %dma_start3A_254 : memref<1x!tpu.dma_semaphore, #tpu.memory_space<semaphore_mem>> -> memref<!tpu.dma_semaphore, #tpu.memory_space<semaphore_mem>>
      tpu.enqueue_indirect_dma source(%dma_start3A_253 : memref<10240x32xf32, #tpu.memory_space<vmem_shared>>) target(%dma_start3A_247 : memref<128x32xf32, #tpu.memory_space<vmem>>) offsets(%dma_start3A_250 : memref<128xi32, #tpu.memory_space<vmem>>) semaphore(%dma_start3A_255 : memref<!tpu.dma_semaphore, #tpu.memory_space<semaphore_mem>>)
      %add3A_256 = arith.constant 1 : i32
      %add3A_257 = arith.addi %mul3A_218, %add3A_256 : i32
      %dma_wait3A_258 = arith.constant 1 : i32
      %dma_wait3A_259 = arith.constant 1 : i32
      %dma_wait3A_260 = arith.constant 0 : i32
      %dma_wait3A_261 = arith.constant 0 : i32
      %dma_wait3A_262 = tpu.memref_slice %arg9[%dma_wait3A_258, %dma_wait3A_260, %dma_wait3A_261] : memref<4x128x32xf32, #tpu.memory_space<vmem>> -> memref<1x128x32xf32, #tpu.memory_space<vmem>>
      %dma_wait3A_263 = tpu.memref_squeeze %dma_wait3A_262 : memref<1x128x32xf32, #tpu.memory_space<vmem>> -> memref<128x32xf32, #tpu.memory_space<vmem>>
      %dma_wait3A_264 = arith.constant 0 : i32
      %dma_wait3A_265 = tpu.memref_slice %arg7[%add3A_257, %dma_wait3A_264] : memref<160x128xi32, #tpu.memory_space<vmem>> -> memref<1x128xi32, #tpu.memory_space<vmem>>
      %dma_wait3A_266 = tpu.memref_squeeze %dma_wait3A_265 : memref<1x128xi32, #tpu.memory_space<vmem>> -> memref<128xi32, #tpu.memory_space<vmem>>
      %dma_wait3A_267 = arith.constant 0 : i32
      %dma_wait3A_268 = arith.constant 0 : i32
      %dma_wait3A_269 = tpu.memref_slice %arg10[%dma_wait3A_267, %dma_wait3A_268] : memref<10240x32xf32, #tpu.memory_space<vmem_shared>> -> memref<10240x32xf32, #tpu.memory_space<vmem_shared>>
      %dma_wait3A_270 = tpu.memref_slice %arg12[%dma_wait3A_259] : memref<4x!tpu.dma_semaphore, #tpu.memory_space<semaphore_mem>> -> memref<1x!tpu.dma_semaphore, #tpu.memory_space<semaphore_mem>>
      %dma_wait3A_271 = tpu.memref_squeeze %dma_wait3A_270 : memref<1x!tpu.dma_semaphore, #tpu.memory_space<semaphore_mem>> -> memref<!tpu.dma_semaphore, #tpu.memory_space<semaphore_mem>>
      tpu.wait_indirect_dma semaphore(%dma_wait3A_271 : memref<!tpu.dma_semaphore, #tpu.memory_space<semaphore_mem>>) src(%dma_wait3A_269 : memref<10240x32xf32, #tpu.memory_space<vmem_shared>>) dst(%dma_wait3A_263 : memref<128x32xf32, #tpu.memory_space<vmem>>)
      %add3A_272 = arith.constant 1 : i32
      %add3A_273 = arith.addi %mul3A_218, %add3A_272 : i32
      %run_scoped3A_274 = arith.constant 1 : i32
      "tpu.region"() ({
        %run_scoped3A_367 = tpu.sem_alloc : memref<!tpu.dma_semaphore, #tpu.memory_space<semaphore_mem>>
        %dma_start3A_368 = arith.constant 0 : i32
        %dma_start3A_369 = arith.constant 0 : i32
        %dma_start3A_370 = tpu.memref_slice %arg9[%run_scoped3A_274, %dma_start3A_368, %dma_start3A_369] : memref<4x128x32xf32, #tpu.memory_space<vmem>> -> memref<1x128x32xf32, #tpu.memory_space<vmem>>
        %dma_start3A_371 = tpu.memref_squeeze %dma_start3A_370 : memref<1x128x32xf32, #tpu.memory_space<vmem>> -> memref<128x32xf32, #tpu.memory_space<vmem>>
        %dma_start3A_372 = arith.constant 0 : i32
        %dma_start3A_373 = tpu.memref_slice %arg8[%add3A_273, %dma_start3A_372] : memref<160x128xi32, #tpu.memory_space<vmem>> -> memref<1x128xi32, #tpu.memory_space<vmem>>
        %dma_start3A_374 = tpu.memref_squeeze %dma_start3A_373 : memref<1x128xi32, #tpu.memory_space<vmem>> -> memref<128xi32, #tpu.memory_space<vmem>>
        %dma_start3A_375 = arith.constant 0 : i32
        %dma_start3A_376 = arith.constant 0 : i32
        %dma_start3A_377 = tpu.memref_slice %arg11[%dma_start3A_375, %dma_start3A_376] : memref<10240x32xf32, #tpu.memory_space<vmem_shared>> -> memref<10240x32xf32, #tpu.memory_space<vmem_shared>>
        tpu.enqueue_indirect_dma source(%dma_start3A_371 : memref<128x32xf32, #tpu.memory_space<vmem>>) target(%dma_start3A_377 : memref<10240x32xf32, #tpu.memory_space<vmem_shared>>) offsets(%dma_start3A_374 : memref<128xi32, #tpu.memory_space<vmem>>) semaphore(%run_scoped3A_367 : memref<!tpu.dma_semaphore, #tpu.memory_space<semaphore_mem>>) {add = true}
        %dma_wait3A_378 = arith.constant 0 : i32
        %dma_wait3A_379 = arith.constant 0 : i32
        %dma_wait3A_380 = tpu.memref_slice %arg9[%run_scoped3A_274, %dma_wait3A_378, %dma_wait3A_379] : memref<4x128x32xf32, #tpu.memory_space<vmem>> -> memref<1x128x32xf32, #tpu.memory_space<vmem>>
        %dma_wait3A_381 = tpu.memref_squeeze %dma_wait3A_380 : memref<1x128x32xf32, #tpu.memory_space<vmem>> -> memref<128x32xf32, #tpu.memory_space<vmem>>
        %dma_wait3A_382 = arith.constant 0 : i32
        %dma_wait3A_383 = tpu.memref_slice %arg8[%add3A_273, %dma_wait3A_382] : memref<160x128xi32, #tpu.memory_space<vmem>> -> memref<1x128xi32, #tpu.memory_space<vmem>>
        %dma_wait3A_384 = tpu.memref_squeeze %dma_wait3A_383 : memref<1x128xi32, #tpu.memory_space<vmem>> -> memref<128xi32, #tpu.memory_space<vmem>>
        %dma_wait3A_385 = arith.constant 0 : i32
        %dma_wait3A_386 = arith.constant 0 : i32
        %dma_wait3A_387 = tpu.memref_slice %arg11[%dma_wait3A_385, %dma_wait3A_386] : memref<10240x32xf32, #tpu.memory_space<vmem_shared>> -> memref<10240x32xf32, #tpu.memory_space<vmem_shared>>
        tpu.wait_indirect_dma semaphore(%run_scoped3A_367 : memref<!tpu.dma_semaphore, #tpu.memory_space<semaphore_mem>>) src(%dma_wait3A_381 : memref<128x32xf32, #tpu.memory_space<vmem>>) dst(%dma_wait3A_387 : memref<10240x32xf32, #tpu.memory_space<vmem_shared>>)
        tpu.yield
      }) : () -> ()
      %add3A_275 = arith.constant 1 : i32
      %add3A_276 = arith.addi %mul3A_218, %add3A_275 : i32
      %add3A_277 = arith.constant 4 : i32
      %add3A_278 = arith.addi %add3A_276, %add3A_277 : i32
      %dma_start3A_279 = arith.constant 1 : i32
      %dma_start3A_280 = arith.constant 1 : i32
      %dma_start3A_281 = arith.constant 0 : i32
      %dma_start3A_282 = arith.constant 0 : i32
      %dma_start3A_283 = tpu.memref_slice %arg9[%dma_start3A_279, %dma_start3A_281, %dma_start3A_282] : memref<4x128x32xf32, #tpu.memory_space<vmem>> -> memref<1x128x32xf32, #tpu.memory_space<vmem>>
      %dma_start3A_284 = tpu.memref_squeeze %dma_start3A_283 : memref<1x128x32xf32, #tpu.memory_space<vmem>> -> memref<128x32xf32, #tpu.memory_space<vmem>>
      %dma_start3A_285 = arith.constant 0 : i32
      %dma_start3A_286 = tpu.memref_slice %arg7[%add3A_278, %dma_start3A_285] : memref<160x128xi32, #tpu.memory_space<vmem>> -> memref<1x128xi32, #tpu.memory_space<vmem>>
      %dma_start3A_287 = tpu.memref_squeeze %dma_start3A_286 : memref<1x128xi32, #tpu.memory_space<vmem>> -> memref<128xi32, #tpu.memory_space<vmem>>
      %dma_start3A_288 = arith.constant 0 : i32
      %dma_start3A_289 = arith.constant 0 : i32
      %dma_start3A_290 = tpu.memref_slice %arg10[%dma_start3A_288, %dma_start3A_289] : memref<10240x32xf32, #tpu.memory_space<vmem_shared>> -> memref<10240x32xf32, #tpu.memory_space<vmem_shared>>
      %dma_start3A_291 = tpu.memref_slice %arg12[%dma_start3A_280] : memref<4x!tpu.dma_semaphore, #tpu.memory_space<semaphore_mem>> -> memref<1x!tpu.dma_semaphore, #tpu.memory_space<semaphore_mem>>
      %dma_start3A_292 = tpu.memref_squeeze %dma_start3A_291 : memref<1x!tpu.dma_semaphore, #tpu.memory_space<semaphore_mem>> -> memref<!tpu.dma_semaphore, #tpu.memory_space<semaphore_mem>>
      tpu.enqueue_indirect_dma source(%dma_start3A_290 : memref<10240x32xf32, #tpu.memory_space<vmem_shared>>) target(%dma_start3A_284 : memref<128x32xf32, #tpu.memory_space<vmem>>) offsets(%dma_start3A_287 : memref<128xi32, #tpu.memory_space<vmem>>) semaphore(%dma_start3A_292 : memref<!tpu.dma_semaphore, #tpu.memory_space<semaphore_mem>>)
      %add3A_293 = arith.constant 2 : i32
      %add3A_294 = arith.addi %mul3A_218, %add3A_293 : i32
      %dma_wait3A_295 = arith.constant 2 : i32
      %dma_wait3A_296 = arith.constant 2 : i32
      %dma_wait3A_297 = arith.constant 0 : i32
      %dma_wait3A_298 = arith.constant 0 : i32
      %dma_wait3A_299 = tpu.memref_slice %arg9[%dma_wait3A_295, %dma_wait3A_297, %dma_wait3A_298] : memref<4x128x32xf32, #tpu.memory_space<vmem>> -> memref<1x128x32xf32, #tpu.memory_space<vmem>>
      %dma_wait3A_300 = tpu.memref_squeeze %dma_wait3A_299 : memref<1x128x32xf32, #tpu.memory_space<vmem>> -> memref<128x32xf32, #tpu.memory_space<vmem>>
      %dma_wait3A_301 = arith.constant 0 : i32
      %dma_wait3A_302 = tpu.memref_slice %arg7[%add3A_294, %dma_wait3A_301] : memref<160x128xi32, #tpu.memory_space<vmem>> -> memref<1x128xi32, #tpu.memory_space<vmem>>
      %dma_wait3A_303 = tpu.memref_squeeze %dma_wait3A_302 : memref<1x128xi32, #tpu.memory_space<vmem>> -> memref<128xi32, #tpu.memory_space<vmem>>
      %dma_wait3A_304 = arith.constant 0 : i32
      %dma_wait3A_305 = arith.constant 0 : i32
      %dma_wait3A_306 = tpu.memref_slice %arg10[%dma_wait3A_304, %dma_wait3A_305] : memref<10240x32xf32, #tpu.memory_space<vmem_shared>> -> memref<10240x32xf32, #tpu.memory_space<vmem_shared>>
      %dma_wait3A_307 = tpu.memref_slice %arg12[%dma_wait3A_296] : memref<4x!tpu.dma_semaphore, #tpu.memory_space<semaphore_mem>> -> memref<1x!tpu.dma_semaphore, #tpu.memory_space<semaphore_mem>>
      %dma_wait3A_308 = tpu.memref_squeeze %dma_wait3A_307 : memref<1x!tpu.dma_semaphore, #tpu.memory_space<semaphore_mem>> -> memref<!tpu.dma_semaphore, #tpu.memory_space<semaphore_mem>>
      tpu.wait_indirect_dma semaphore(%dma_wait3A_308 : memref<!tpu.dma_semaphore, #tpu.memory_space<semaphore_mem>>) src(%dma_wait3A_306 : memref<10240x32xf32, #tpu.memory_space<vmem_shared>>) dst(%dma_wait3A_300 : memref<128x32xf32, #tpu.memory_space<vmem>>)
      %add3A_309 = arith.constant 2 : i32
      %add3A_310 = arith.addi %mul3A_218, %add3A_309 : i32
      %run_scoped3A_311 = arith.constant 2 : i32
      "tpu.region"() ({
        %run_scoped3A_367 = tpu.sem_alloc : memref<!tpu.dma_semaphore, #tpu.memory_space<semaphore_mem>>
        %dma_start3A_368 = arith.constant 0 : i32
        %dma_start3A_369 = arith.constant 0 : i32
        %dma_start3A_370 = tpu.memref_slice %arg9[%run_scoped3A_311, %dma_start3A_368, %dma_start3A_369] : memref<4x128x32xf32, #tpu.memory_space<vmem>> -> memref<1x128x32xf32, #tpu.memory_space<vmem>>
        %dma_start3A_371 = tpu.memref_squeeze %dma_start3A_370 : memref<1x128x32xf32, #tpu.memory_space<vmem>> -> memref<128x32xf32, #tpu.memory_space<vmem>>
        %dma_start3A_372 = arith.constant 0 : i32
        %dma_start3A_373 = tpu.memref_slice %arg8[%add3A_310, %dma_start3A_372] : memref<160x128xi32, #tpu.memory_space<vmem>> -> memref<1x128xi32, #tpu.memory_space<vmem>>
        %dma_start3A_374 = tpu.memref_squeeze %dma_start3A_373 : memref<1x128xi32, #tpu.memory_space<vmem>> -> memref<128xi32, #tpu.memory_space<vmem>>
        %dma_start3A_375 = arith.constant 0 : i32
        %dma_start3A_376 = arith.constant 0 : i32
        %dma_start3A_377 = tpu.memref_slice %arg11[%dma_start3A_375, %dma_start3A_376] : memref<10240x32xf32, #tpu.memory_space<vmem_shared>> -> memref<10240x32xf32, #tpu.memory_space<vmem_shared>>
        tpu.enqueue_indirect_dma source(%dma_start3A_371 : memref<128x32xf32, #tpu.memory_space<vmem>>) target(%dma_start3A_377 : memref<10240x32xf32, #tpu.memory_space<vmem_shared>>) offsets(%dma_start3A_374 : memref<128xi32, #tpu.memory_space<vmem>>) semaphore(%run_scoped3A_367 : memref<!tpu.dma_semaphore, #tpu.memory_space<semaphore_mem>>) {add = true}
        %dma_wait3A_378 = arith.constant 0 : i32
        %dma_wait3A_379 = arith.constant 0 : i32
        %dma_wait3A_380 = tpu.memref_slice %arg9[%run_scoped3A_311, %dma_wait3A_378, %dma_wait3A_379] : memref<4x128x32xf32, #tpu.memory_space<vmem>> -> memref<1x128x32xf32, #tpu.memory_space<vmem>>
        %dma_wait3A_381 = tpu.memref_squeeze %dma_wait3A_380 : memref<1x128x32xf32, #tpu.memory_space<vmem>> -> memref<128x32xf32, #tpu.memory_space<vmem>>
        %dma_wait3A_382 = arith.constant 0 : i32
        %dma_wait3A_383 = tpu.memref_slice %arg8[%add3A_310, %dma_wait3A_382] : memref<160x128xi32, #tpu.memory_space<vmem>> -> memref<1x128xi32, #tpu.memory_space<vmem>>
        %dma_wait3A_384 = tpu.memref_squeeze %dma_wait3A_383 : memref<1x128xi32, #tpu.memory_space<vmem>> -> memref<128xi32, #tpu.memory_space<vmem>>
        %dma_wait3A_385 = arith.constant 0 : i32
        %dma_wait3A_386 = arith.constant 0 : i32
        %dma_wait3A_387 = tpu.memref_slice %arg11[%dma_wait3A_385, %dma_wait3A_386] : memref<10240x32xf32, #tpu.memory_space<vmem_shared>> -> memref<10240x32xf32, #tpu.memory_space<vmem_shared>>
        tpu.wait_indirect_dma semaphore(%run_scoped3A_367 : memref<!tpu.dma_semaphore, #tpu.memory_space<semaphore_mem>>) src(%dma_wait3A_381 : memref<128x32xf32, #tpu.memory_space<vmem>>) dst(%dma_wait3A_387 : memref<10240x32xf32, #tpu.memory_space<vmem_shared>>)
        tpu.yield
      }) : () -> ()
      %add3A_312 = arith.constant 2 : i32
      %add3A_313 = arith.addi %mul3A_218, %add3A_312 : i32
      %add3A_314 = arith.constant 4 : i32
      %add3A_315 = arith.addi %add3A_313, %add3A_314 : i32
      %dma_start3A_316 = arith.constant 2 : i32
      %dma_start3A_317 = arith.constant 2 : i32
      %dma_start3A_318 = arith.constant 0 : i32
      %dma_start3A_319 = arith.constant 0 : i32
      %dma_start3A_320 = tpu.memref_slice %arg9[%dma_start3A_316, %dma_start3A_318, %dma_start3A_319] : memref<4x128x32xf32, #tpu.memory_space<vmem>> -> memref<1x128x32xf32, #tpu.memory_space<vmem>>
      %dma_start3A_321 = tpu.memref_squeeze %dma_start3A_320 : memref<1x128x32xf32, #tpu.memory_space<vmem>> -> memref<128x32xf32, #tpu.memory_space<vmem>>
      %dma_start3A_322 = arith.constant 0 : i32
      %dma_start3A_323 = tpu.memref_slice %arg7[%add3A_315, %dma_start3A_322] : memref<160x128xi32, #tpu.memory_space<vmem>> -> memref<1x128xi32, #tpu.memory_space<vmem>>
      %dma_start3A_324 = tpu.memref_squeeze %dma_start3A_323 : memref<1x128xi32, #tpu.memory_space<vmem>> -> memref<128xi32, #tpu.memory_space<vmem>>
      %dma_start3A_325 = arith.constant 0 : i32
      %dma_start3A_326 = arith.constant 0 : i32
      %dma_start3A_327 = tpu.memref_slice %arg10[%dma_start3A_325, %dma_start3A_326] : memref<10240x32xf32, #tpu.memory_space<vmem_shared>> -> memref<10240x32xf32, #tpu.memory_space<vmem_shared>>
      %dma_start3A_328 = tpu.memref_slice %arg12[%dma_start3A_317] : memref<4x!tpu.dma_semaphore, #tpu.memory_space<semaphore_mem>> -> memref<1x!tpu.dma_semaphore, #tpu.memory_space<semaphore_mem>>
      %dma_start3A_329 = tpu.memref_squeeze %dma_start3A_328 : memref<1x!tpu.dma_semaphore, #tpu.memory_space<semaphore_mem>> -> memref<!tpu.dma_semaphore, #tpu.memory_space<semaphore_mem>>
      tpu.enqueue_indirect_dma source(%dma_start3A_327 : memref<10240x32xf32, #tpu.memory_space<vmem_shared>>) target(%dma_start3A_321 : memref<128x32xf32, #tpu.memory_space<vmem>>) offsets(%dma_start3A_324 : memref<128xi32, #tpu.memory_space<vmem>>) semaphore(%dma_start3A_329 : memref<!tpu.dma_semaphore, #tpu.memory_space<semaphore_mem>>)
      %add3A_330 = arith.constant 3 : i32
      %add3A_331 = arith.addi %mul3A_218, %add3A_330 : i32
      %dma_wait3A_332 = arith.constant 3 : i32
      %dma_wait3A_333 = arith.constant 3 : i32
      %dma_wait3A_334 = arith.constant 0 : i32
      %dma_wait3A_335 = arith.constant 0 : i32
      %dma_wait3A_336 = tpu.memref_slice %arg9[%dma_wait3A_332, %dma_wait3A_334, %dma_wait3A_335] : memref<4x128x32xf32, #tpu.memory_space<vmem>> -> memref<1x128x32xf32, #tpu.memory_space<vmem>>
      %dma_wait3A_337 = tpu.memref_squeeze %dma_wait3A_336 : memref<1x128x32xf32, #tpu.memory_space<vmem>> -> memref<128x32xf32, #tpu.memory_space<vmem>>
      %dma_wait3A_338 = arith.constant 0 : i32
      %dma_wait3A_339 = tpu.memref_slice %arg7[%add3A_331, %dma_wait3A_338] : memref<160x128xi32, #tpu.memory_space<vmem>> -> memref<1x128xi32, #tpu.memory_space<vmem>>
      %dma_wait3A_340 = tpu.memref_squeeze %dma_wait3A_339 : memref<1x128xi32, #tpu.memory_space<vmem>> -> memref<128xi32, #tpu.memory_space<vmem>>
      %dma_wait3A_341 = arith.constant 0 : i32
      %dma_wait3A_342 = arith.constant 0 : i32
      %dma_wait3A_343 = tpu.memref_slice %arg10[%dma_wait3A_341, %dma_wait3A_342] : memref<10240x32xf32, #tpu.memory_space<vmem_shared>> -> memref<10240x32xf32, #tpu.memory_space<vmem_shared>>
      %dma_wait3A_344 = tpu.memref_slice %arg12[%dma_wait3A_333] : memref<4x!tpu.dma_semaphore, #tpu.memory_space<semaphore_mem>> -> memref<1x!tpu.dma_semaphore, #tpu.memory_space<semaphore_mem>>
      %dma_wait3A_345 = tpu.memref_squeeze %dma_wait3A_344 : memref<1x!tpu.dma_semaphore, #tpu.memory_space<semaphore_mem>> -> memref<!tpu.dma_semaphore, #tpu.memory_space<semaphore_mem>>
      tpu.wait_indirect_dma semaphore(%dma_wait3A_345 : memref<!tpu.dma_semaphore, #tpu.memory_space<semaphore_mem>>) src(%dma_wait3A_343 : memref<10240x32xf32, #tpu.memory_space<vmem_shared>>) dst(%dma_wait3A_337 : memref<128x32xf32, #tpu.memory_space<vmem>>)
      %add3A_346 = arith.constant 3 : i32
      %add3A_347 = arith.addi %mul3A_218, %add3A_346 : i32
      %run_scoped3A_348 = arith.constant 3 : i32
      "tpu.region"() ({
        %run_scoped3A_367 = tpu.sem_alloc : memref<!tpu.dma_semaphore, #tpu.memory_space<semaphore_mem>>
        %dma_start3A_368 = arith.constant 0 : i32
        %dma_start3A_369 = arith.constant 0 : i32
        %dma_start3A_370 = tpu.memref_slice %arg9[%run_scoped3A_348, %dma_start3A_368, %dma_start3A_369] : memref<4x128x32xf32, #tpu.memory_space<vmem>> -> memref<1x128x32xf32, #tpu.memory_space<vmem>>
        %dma_start3A_371 = tpu.memref_squeeze %dma_start3A_370 : memref<1x128x32xf32, #tpu.memory_space<vmem>> -> memref<128x32xf32, #tpu.memory_space<vmem>>
        %dma_start3A_372 = arith.constant 0 : i32
        %dma_start3A_373 = tpu.memref_slice %arg8[%add3A_347, %dma_start3A_372] : memref<160x128xi32, #tpu.memory_space<vmem>> -> memref<1x128xi32, #tpu.memory_space<vmem>>
        %dma_start3A_374 = tpu.memref_squeeze %dma_start3A_373 : memref<1x128xi32, #tpu.memory_space<vmem>> -> memref<128xi32, #tpu.memory_space<vmem>>
        %dma_start3A_375 = arith.constant 0 : i32
        %dma_start3A_376 = arith.constant 0 : i32
        %dma_start3A_377 = tpu.memref_slice %arg11[%dma_start3A_375, %dma_start3A_376] : memref<10240x32xf32, #tpu.memory_space<vmem_shared>> -> memref<10240x32xf32, #tpu.memory_space<vmem_shared>>
        tpu.enqueue_indirect_dma source(%dma_start3A_371 : memref<128x32xf32, #tpu.memory_space<vmem>>) target(%dma_start3A_377 : memref<10240x32xf32, #tpu.memory_space<vmem_shared>>) offsets(%dma_start3A_374 : memref<128xi32, #tpu.memory_space<vmem>>) semaphore(%run_scoped3A_367 : memref<!tpu.dma_semaphore, #tpu.memory_space<semaphore_mem>>) {add = true}
        %dma_wait3A_378 = arith.constant 0 : i32
        %dma_wait3A_379 = arith.constant 0 : i32
        %dma_wait3A_380 = tpu.memref_slice %arg9[%run_scoped3A_348, %dma_wait3A_378, %dma_wait3A_379] : memref<4x128x32xf32, #tpu.memory_space<vmem>> -> memref<1x128x32xf32, #tpu.memory_space<vmem>>
        %dma_wait3A_381 = tpu.memref_squeeze %dma_wait3A_380 : memref<1x128x32xf32, #tpu.memory_space<vmem>> -> memref<128x32xf32, #tpu.memory_space<vmem>>
        %dma_wait3A_382 = arith.constant 0 : i32
        %dma_wait3A_383 = tpu.memref_slice %arg8[%add3A_347, %dma_wait3A_382] : memref<160x128xi32, #tpu.memory_space<vmem>> -> memref<1x128xi32, #tpu.memory_space<vmem>>
        %dma_wait3A_384 = tpu.memref_squeeze %dma_wait3A_383 : memref<1x128xi32, #tpu.memory_space<vmem>> -> memref<128xi32, #tpu.memory_space<vmem>>
        %dma_wait3A_385 = arith.constant 0 : i32
        %dma_wait3A_386 = arith.constant 0 : i32
        %dma_wait3A_387 = tpu.memref_slice %arg11[%dma_wait3A_385, %dma_wait3A_386] : memref<10240x32xf32, #tpu.memory_space<vmem_shared>> -> memref<10240x32xf32, #tpu.memory_space<vmem_shared>>
        tpu.wait_indirect_dma semaphore(%run_scoped3A_367 : memref<!tpu.dma_semaphore, #tpu.memory_space<semaphore_mem>>) src(%dma_wait3A_381 : memref<128x32xf32, #tpu.memory_space<vmem>>) dst(%dma_wait3A_387 : memref<10240x32xf32, #tpu.memory_space<vmem_shared>>)
        tpu.yield
      }) : () -> ()
      %add3A_349 = arith.constant 3 : i32
      %add3A_350 = arith.addi %mul3A_218, %add3A_349 : i32
      %add3A_351 = arith.constant 4 : i32
      %add3A_352 = arith.addi %add3A_350, %add3A_351 : i32
      %dma_start3A_353 = arith.constant 3 : i32
      %dma_start3A_354 = arith.constant 3 : i32
      %dma_start3A_355 = arith.constant 0 : i32
      %dma_start3A_356 = arith.constant 0 : i32
      %dma_start3A_357 = tpu.memref_slice %arg9[%dma_start3A_353, %dma_start3A_355, %dma_start3A_356] : memref<4x128x32xf32, #tpu.memory_space<vmem>> -> memref<1x128x32xf32, #tpu.memory_space<vmem>>
      %dma_start3A_358 = tpu.memref_squeeze %dma_start3A_357 : memref<1x128x32xf32, #tpu.memory_space<vmem>> -> memref<128x32xf32, #tpu.memory_space<vmem>>
      %dma_start3A_359 = arith.constant 0 : i32
      %dma_start3A_360 = tpu.memref_slice %arg7[%add3A_352, %dma_start3A_359] : memref<160x128xi32, #tpu.memory_space<vmem>> -> memref<1x128xi32, #tpu.memory_space<vmem>>
      %dma_start3A_361 = tpu.memref_squeeze %dma_start3A_360 : memref<1x128xi32, #tpu.memory_space<vmem>> -> memref<128xi32, #tpu.memory_space<vmem>>
      %dma_start3A_362 = arith.constant 0 : i32
      %dma_start3A_363 = arith.constant 0 : i32
      %dma_start3A_364 = tpu.memref_slice %arg10[%dma_start3A_362, %dma_start3A_363] : memref<10240x32xf32, #tpu.memory_space<vmem_shared>> -> memref<10240x32xf32, #tpu.memory_space<vmem_shared>>
      %dma_start3A_365 = tpu.memref_slice %arg12[%dma_start3A_354] : memref<4x!tpu.dma_semaphore, #tpu.memory_space<semaphore_mem>> -> memref<1x!tpu.dma_semaphore, #tpu.memory_space<semaphore_mem>>
      %dma_start3A_366 = tpu.memref_squeeze %dma_start3A_365 : memref<1x!tpu.dma_semaphore, #tpu.memory_space<semaphore_mem>> -> memref<!tpu.dma_semaphore, #tpu.memory_space<semaphore_mem>>
      tpu.enqueue_indirect_dma source(%dma_start3A_364 : memref<10240x32xf32, #tpu.memory_space<vmem_shared>>) target(%dma_start3A_358 : memref<128x32xf32, #tpu.memory_space<vmem>>) offsets(%dma_start3A_361 : memref<128xi32, #tpu.memory_space<vmem>>) semaphore(%dma_start3A_366 : memref<!tpu.dma_semaphore, #tpu.memory_space<semaphore_mem>>)
    }
    %scan3A_140 = arith.constant 39 : i32
    %dma_wait3A_141 = arith.constant 156 : i32
    %dma_wait3A_142 = arith.constant 0 : i32
    %dma_wait3A_143 = arith.constant 0 : i32
    %dma_wait3A_144 = arith.constant 0 : i32
    %dma_wait3A_145 = arith.constant 0 : i32
    %dma_wait3A_146 = tpu.memref_slice %arg9[%dma_wait3A_142, %dma_wait3A_144, %dma_wait3A_145] : memref<4x128x32xf32, #tpu.memory_space<vmem>> -> memref<1x128x32xf32, #tpu.memory_space<vmem>>
    %dma_wait3A_147 = tpu.memref_squeeze %dma_wait3A_146 : memref<1x128x32xf32, #tpu.memory_space<vmem>> -> memref<128x32xf32, #tpu.memory_space<vmem>>
    %dma_wait3A_148 = arith.constant 0 : i32
    %dma_wait3A_149 = tpu.memref_slice %arg7[%dma_wait3A_141, %dma_wait3A_148] : memref<160x128xi32, #tpu.memory_space<vmem>> -> memref<1x128xi32, #tpu.memory_space<vmem>>
    %dma_wait3A_150 = tpu.memref_squeeze %dma_wait3A_149 : memref<1x128xi32, #tpu.memory_space<vmem>> -> memref<128xi32, #tpu.memory_space<vmem>>
    %dma_wait3A_151 = arith.constant 0 : i32
    %dma_wait3A_152 = arith.constant 0 : i32
    %dma_wait3A_153 = tpu.memref_slice %arg10[%dma_wait3A_151, %dma_wait3A_152] : memref<10240x32xf32, #tpu.memory_space<vmem_shared>> -> memref<10240x32xf32, #tpu.memory_space<vmem_shared>>
    %dma_wait3A_154 = tpu.memref_slice %arg12[%dma_wait3A_143] : memref<4x!tpu.dma_semaphore, #tpu.memory_space<semaphore_mem>> -> memref<1x!tpu.dma_semaphore, #tpu.memory_space<semaphore_mem>>
    %dma_wait3A_155 = tpu.memref_squeeze %dma_wait3A_154 : memref<1x!tpu.dma_semaphore, #tpu.memory_space<semaphore_mem>> -> memref<!tpu.dma_semaphore, #tpu.memory_space<semaphore_mem>>
    tpu.wait_indirect_dma semaphore(%dma_wait3A_155 : memref<!tpu.dma_semaphore, #tpu.memory_space<semaphore_mem>>) src(%dma_wait3A_153 : memref<10240x32xf32, #tpu.memory_space<vmem_shared>>) dst(%dma_wait3A_147 : memref<128x32xf32, #tpu.memory_space<vmem>>)
    %run_scoped3A = arith.constant 0 : i32
    %run_scoped3A_156 = arith.constant 156 : i32
    "tpu.region"() ({
      %run_scoped3A_213 = tpu.sem_alloc : memref<!tpu.dma_semaphore, #tpu.memory_space<semaphore_mem>>
      %dma_start3A_214 = arith.constant 0 : i32
      %dma_start3A_215 = arith.constant 0 : i32
      %dma_start3A_216 = tpu.memref_slice %arg9[%run_scoped3A, %dma_start3A_214, %dma_start3A_215] : memref<4x128x32xf32, #tpu.memory_space<vmem>> -> memref<1x128x32xf32, #tpu.memory_space<vmem>>
      %dma_start3A_217 = tpu.memref_squeeze %dma_start3A_216 : memref<1x128x32xf32, #tpu.memory_space<vmem>> -> memref<128x32xf32, #tpu.memory_space<vmem>>
      %dma_start3A_218 = arith.constant 0 : i32
      %dma_start3A_219 = tpu.memref_slice %arg8[%run_scoped3A_156, %dma_start3A_218] : memref<160x128xi32, #tpu.memory_space<vmem>> -> memref<1x128xi32, #tpu.memory_space<vmem>>
      %dma_start3A_220 = tpu.memref_squeeze %dma_start3A_219 : memref<1x128xi32, #tpu.memory_space<vmem>> -> memref<128xi32, #tpu.memory_space<vmem>>
      %dma_start3A_221 = arith.constant 0 : i32
      %dma_start3A_222 = arith.constant 0 : i32
      %dma_start3A_223 = tpu.memref_slice %arg11[%dma_start3A_221, %dma_start3A_222] : memref<10240x32xf32, #tpu.memory_space<vmem_shared>> -> memref<10240x32xf32, #tpu.memory_space<vmem_shared>>
      tpu.enqueue_indirect_dma source(%dma_start3A_217 : memref<128x32xf32, #tpu.memory_space<vmem>>) target(%dma_start3A_223 : memref<10240x32xf32, #tpu.memory_space<vmem_shared>>) offsets(%dma_start3A_220 : memref<128xi32, #tpu.memory_space<vmem>>) semaphore(%run_scoped3A_213 : memref<!tpu.dma_semaphore, #tpu.memory_space<semaphore_mem>>) {add = true}
      %dma_wait3A_224 = arith.constant 0 : i32
      %dma_wait3A_225 = arith.constant 0 : i32
      %dma_wait3A_226 = tpu.memref_slice %arg9[%run_scoped3A, %dma_wait3A_224, %dma_wait3A_225] : memref<4x128x32xf32, #tpu.memory_space<vmem>> -> memref<1x128x32xf32, #tpu.memory_space<vmem>>
      %dma_wait3A_227 = tpu.memref_squeeze %dma_wait3A_226 : memref<1x128x32xf32, #tpu.memory_space<vmem>> -> memref<128x32xf32, #tpu.memory_space<vmem>>
      %dma_wait3A_228 = arith.constant 0 : i32
      %dma_wait3A_229 = tpu.memref_slice %arg8[%run_scoped3A_156, %dma_wait3A_228] : memref<160x128xi32, #tpu.memory_space<vmem>> -> memref<1x128xi32, #tpu.memory_space<vmem>>
      %dma_wait3A_230 = tpu.memref_squeeze %dma_wait3A_229 : memref<1x128xi32, #tpu.memory_space<vmem>> -> memref<128xi32, #tpu.memory_space<vmem>>
      %dma_wait3A_231 = arith.constant 0 : i32
      %dma_wait3A_232 = arith.constant 0 : i32
      %dma_wait3A_233 = tpu.memref_slice %arg11[%dma_wait3A_231, %dma_wait3A_232] : memref<10240x32xf32, #tpu.memory_space<vmem_shared>> -> memref<10240x32xf32, #tpu.memory_space<vmem_shared>>
      tpu.wait_indirect_dma semaphore(%run_scoped3A_213 : memref<!tpu.dma_semaphore, #tpu.memory_space<semaphore_mem>>) src(%dma_wait3A_227 : memref<128x32xf32, #tpu.memory_space<vmem>>) dst(%dma_wait3A_233 : memref<10240x32xf32, #tpu.memory_space<vmem_shared>>)
      tpu.yield
    }) : () -> ()
    %dma_wait3A_157 = arith.constant 157 : i32
    %dma_wait3A_158 = arith.constant 1 : i32
    %dma_wait3A_159 = arith.constant 1 : i32
    %dma_wait3A_160 = arith.constant 0 : i32
    %dma_wait3A_161 = arith.constant 0 : i32
    %dma_wait3A_162 = tpu.memref_slice %arg9[%dma_wait3A_158, %dma_wait3A_160, %dma_wait3A_161] : memref<4x128x32xf32, #tpu.memory_space<vmem>> -> memref<1x128x32xf32, #tpu.memory_space<vmem>>
    %dma_wait3A_163 = tpu.memref_squeeze %dma_wait3A_162 : memref<1x128x32xf32, #tpu.memory_space<vmem>> -> memref<128x32xf32, #tpu.memory_space<vmem>>
    %dma_wait3A_164 = arith.constant 0 : i32
    %dma_wait3A_165 = tpu.memref_slice %arg7[%dma_wait3A_157, %dma_wait3A_164] : memref<160x128xi32, #tpu.memory_space<vmem>> -> memref<1x128xi32, #tpu.memory_space<vmem>>
    %dma_wait3A_166 = tpu.memref_squeeze %dma_wait3A_165 : memref<1x128xi32, #tpu.memory_space<vmem>> -> memref<128xi32, #tpu.memory_space<vmem>>
    %dma_wait3A_167 = arith.constant 0 : i32
    %dma_wait3A_168 = arith.constant 0 : i32
    %dma_wait3A_169 = tpu.memref_slice %arg10[%dma_wait3A_167, %dma_wait3A_168] : memref<10240x32xf32, #tpu.memory_space<vmem_shared>> -> memref<10240x32xf32, #tpu.memory_space<vmem_shared>>
    %dma_wait3A_170 = tpu.memref_slice %arg12[%dma_wait3A_159] : memref<4x!tpu.dma_semaphore, #tpu.memory_space<semaphore_mem>> -> memref<1x!tpu.dma_semaphore, #tpu.memory_space<semaphore_mem>>
    %dma_wait3A_171 = tpu.memref_squeeze %dma_wait3A_170 : memref<1x!tpu.dma_semaphore, #tpu.memory_space<semaphore_mem>> -> memref<!tpu.dma_semaphore, #tpu.memory_space<semaphore_mem>>
    tpu.wait_indirect_dma semaphore(%dma_wait3A_171 : memref<!tpu.dma_semaphore, #tpu.memory_space<semaphore_mem>>) src(%dma_wait3A_169 : memref<10240x32xf32, #tpu.memory_space<vmem_shared>>) dst(%dma_wait3A_163 : memref<128x32xf32, #tpu.memory_space<vmem>>)
    %run_scoped3A_172 = arith.constant 1 : i32
    %run_scoped3A_173 = arith.constant 157 : i32
    "tpu.region"() ({
      %run_scoped3A_213 = tpu.sem_alloc : memref<!tpu.dma_semaphore, #tpu.memory_space<semaphore_mem>>
      %dma_start3A_214 = arith.constant 0 : i32
      %dma_start3A_215 = arith.constant 0 : i32
      %dma_start3A_216 = tpu.memref_slice %arg9[%run_scoped3A_172, %dma_start3A_214, %dma_start3A_215] : memref<4x128x32xf32, #tpu.memory_space<vmem>> -> memref<1x128x32xf32, #tpu.memory_space<vmem>>
      %dma_start3A_217 = tpu.memref_squeeze %dma_start3A_216 : memref<1x128x32xf32, #tpu.memory_space<vmem>> -> memref<128x32xf32, #tpu.memory_space<vmem>>
      %dma_start3A_218 = arith.constant 0 : i32
      %dma_start3A_219 = tpu.memref_slice %arg8[%run_scoped3A_173, %dma_start3A_218] : memref<160x128xi32, #tpu.memory_space<vmem>> -> memref<1x128xi32, #tpu.memory_space<vmem>>
      %dma_start3A_220 = tpu.memref_squeeze %dma_start3A_219 : memref<1x128xi32, #tpu.memory_space<vmem>> -> memref<128xi32, #tpu.memory_space<vmem>>
      %dma_start3A_221 = arith.constant 0 : i32
      %dma_start3A_222 = arith.constant 0 : i32
      %dma_start3A_223 = tpu.memref_slice %arg11[%dma_start3A_221, %dma_start3A_222] : memref<10240x32xf32, #tpu.memory_space<vmem_shared>> -> memref<10240x32xf32, #tpu.memory_space<vmem_shared>>
      tpu.enqueue_indirect_dma source(%dma_start3A_217 : memref<128x32xf32, #tpu.memory_space<vmem>>) target(%dma_start3A_223 : memref<10240x32xf32, #tpu.memory_space<vmem_shared>>) offsets(%dma_start3A_220 : memref<128xi32, #tpu.memory_space<vmem>>) semaphore(%run_scoped3A_213 : memref<!tpu.dma_semaphore, #tpu.memory_space<semaphore_mem>>) {add = true}
      %dma_wait3A_224 = arith.constant 0 : i32
      %dma_wait3A_225 = arith.constant 0 : i32
      %dma_wait3A_226 = tpu.memref_slice %arg9[%run_scoped3A_172, %dma_wait3A_224, %dma_wait3A_225] : memref<4x128x32xf32, #tpu.memory_space<vmem>> -> memref<1x128x32xf32, #tpu.memory_space<vmem>>
      %dma_wait3A_227 = tpu.memref_squeeze %dma_wait3A_226 : memref<1x128x32xf32, #tpu.memory_space<vmem>> -> memref<128x32xf32, #tpu.memory_space<vmem>>
      %dma_wait3A_228 = arith.constant 0 : i32
      %dma_wait3A_229 = tpu.memref_slice %arg8[%run_scoped3A_173, %dma_wait3A_228] : memref<160x128xi32, #tpu.memory_space<vmem>> -> memref<1x128xi32, #tpu.memory_space<vmem>>
      %dma_wait3A_230 = tpu.memref_squeeze %dma_wait3A_229 : memref<1x128xi32, #tpu.memory_space<vmem>> -> memref<128xi32, #tpu.memory_space<vmem>>
      %dma_wait3A_231 = arith.constant 0 : i32
      %dma_wait3A_232 = arith.constant 0 : i32
      %dma_wait3A_233 = tpu.memref_slice %arg11[%dma_wait3A_231, %dma_wait3A_232] : memref<10240x32xf32, #tpu.memory_space<vmem_shared>> -> memref<10240x32xf32, #tpu.memory_space<vmem_shared>>
      tpu.wait_indirect_dma semaphore(%run_scoped3A_213 : memref<!tpu.dma_semaphore, #tpu.memory_space<semaphore_mem>>) src(%dma_wait3A_227 : memref<128x32xf32, #tpu.memory_space<vmem>>) dst(%dma_wait3A_233 : memref<10240x32xf32, #tpu.memory_space<vmem_shared>>)
      tpu.yield
    }) : () -> ()
    %dma_wait3A_174 = arith.constant 158 : i32
    %dma_wait3A_175 = arith.constant 2 : i32
    %dma_wait3A_176 = arith.constant 2 : i32
    %dma_wait3A_177 = arith.constant 0 : i32
    %dma_wait3A_178 = arith.constant 0 : i32
    %dma_wait3A_179 = tpu.memref_slice %arg9[%dma_wait3A_175, %dma_wait3A_177, %dma_wait3A_178] : memref<4x128x32xf32, #tpu.memory_space<vmem>> -> memref<1x128x32xf32, #tpu.memory_space<vmem>>
    %dma_wait3A_180 = tpu.memref_squeeze %dma_wait3A_179 : memref<1x128x32xf32, #tpu.memory_space<vmem>> -> memref<128x32xf32, #tpu.memory_space<vmem>>
    %dma_wait3A_181 = arith.constant 0 : i32
    %dma_wait3A_182 = tpu.memref_slice %arg7[%dma_wait3A_174, %dma_wait3A_181] : memref<160x128xi32, #tpu.memory_space<vmem>> -> memref<1x128xi32, #tpu.memory_space<vmem>>
    %dma_wait3A_183 = tpu.memref_squeeze %dma_wait3A_182 : memref<1x128xi32, #tpu.memory_space<vmem>> -> memref<128xi32, #tpu.memory_space<vmem>>
    %dma_wait3A_184 = arith.constant 0 : i32
    %dma_wait3A_185 = arith.constant 0 : i32
    %dma_wait3A_186 = tpu.memref_slice %arg10[%dma_wait3A_184, %dma_wait3A_185] : memref<10240x32xf32, #tpu.memory_space<vmem_shared>> -> memref<10240x32xf32, #tpu.memory_space<vmem_shared>>
    %dma_wait3A_187 = tpu.memref_slice %arg12[%dma_wait3A_176] : memref<4x!tpu.dma_semaphore, #tpu.memory_space<semaphore_mem>> -> memref<1x!tpu.dma_semaphore, #tpu.memory_space<semaphore_mem>>
    %dma_wait3A_188 = tpu.memref_squeeze %dma_wait3A_187 : memref<1x!tpu.dma_semaphore, #tpu.memory_space<semaphore_mem>> -> memref<!tpu.dma_semaphore, #tpu.memory_space<semaphore_mem>>
    tpu.wait_indirect_dma semaphore(%dma_wait3A_188 : memref<!tpu.dma_semaphore, #tpu.memory_space<semaphore_mem>>) src(%dma_wait3A_186 : memref<10240x32xf32, #tpu.memory_space<vmem_shared>>) dst(%dma_wait3A_180 : memref<128x32xf32, #tpu.memory_space<vmem>>)
    %run_scoped3A_189 = arith.constant 2 : i32
    %run_scoped3A_190 = arith.constant 158 : i32
    "tpu.region"() ({
      %run_scoped3A_213 = tpu.sem_alloc : memref<!tpu.dma_semaphore, #tpu.memory_space<semaphore_mem>>
      %dma_start3A_214 = arith.constant 0 : i32
      %dma_start3A_215 = arith.constant 0 : i32
      %dma_start3A_216 = tpu.memref_slice %arg9[%run_scoped3A_189, %dma_start3A_214, %dma_start3A_215] : memref<4x128x32xf32, #tpu.memory_space<vmem>> -> memref<1x128x32xf32, #tpu.memory_space<vmem>>
      %dma_start3A_217 = tpu.memref_squeeze %dma_start3A_216 : memref<1x128x32xf32, #tpu.memory_space<vmem>> -> memref<128x32xf32, #tpu.memory_space<vmem>>
      %dma_start3A_218 = arith.constant 0 : i32
      %dma_start3A_219 = tpu.memref_slice %arg8[%run_scoped3A_190, %dma_start3A_218] : memref<160x128xi32, #tpu.memory_space<vmem>> -> memref<1x128xi32, #tpu.memory_space<vmem>>
      %dma_start3A_220 = tpu.memref_squeeze %dma_start3A_219 : memref<1x128xi32, #tpu.memory_space<vmem>> -> memref<128xi32, #tpu.memory_space<vmem>>
      %dma_start3A_221 = arith.constant 0 : i32
      %dma_start3A_222 = arith.constant 0 : i32
      %dma_start3A_223 = tpu.memref_slice %arg11[%dma_start3A_221, %dma_start3A_222] : memref<10240x32xf32, #tpu.memory_space<vmem_shared>> -> memref<10240x32xf32, #tpu.memory_space<vmem_shared>>
      tpu.enqueue_indirect_dma source(%dma_start3A_217 : memref<128x32xf32, #tpu.memory_space<vmem>>) target(%dma_start3A_223 : memref<10240x32xf32, #tpu.memory_space<vmem_shared>>) offsets(%dma_start3A_220 : memref<128xi32, #tpu.memory_space<vmem>>) semaphore(%run_scoped3A_213 : memref<!tpu.dma_semaphore, #tpu.memory_space<semaphore_mem>>) {add = true}
      %dma_wait3A_224 = arith.constant 0 : i32
      %dma_wait3A_225 = arith.constant 0 : i32
      %dma_wait3A_226 = tpu.memref_slice %arg9[%run_scoped3A_189, %dma_wait3A_224, %dma_wait3A_225] : memref<4x128x32xf32, #tpu.memory_space<vmem>> -> memref<1x128x32xf32, #tpu.memory_space<vmem>>
      %dma_wait3A_227 = tpu.memref_squeeze %dma_wait3A_226 : memref<1x128x32xf32, #tpu.memory_space<vmem>> -> memref<128x32xf32, #tpu.memory_space<vmem>>
      %dma_wait3A_228 = arith.constant 0 : i32
      %dma_wait3A_229 = tpu.memref_slice %arg8[%run_scoped3A_190, %dma_wait3A_228] : memref<160x128xi32, #tpu.memory_space<vmem>> -> memref<1x128xi32, #tpu.memory_space<vmem>>
      %dma_wait3A_230 = tpu.memref_squeeze %dma_wait3A_229 : memref<1x128xi32, #tpu.memory_space<vmem>> -> memref<128xi32, #tpu.memory_space<vmem>>
      %dma_wait3A_231 = arith.constant 0 : i32
      %dma_wait3A_232 = arith.constant 0 : i32
      %dma_wait3A_233 = tpu.memref_slice %arg11[%dma_wait3A_231, %dma_wait3A_232] : memref<10240x32xf32, #tpu.memory_space<vmem_shared>> -> memref<10240x32xf32, #tpu.memory_space<vmem_shared>>
      tpu.wait_indirect_dma semaphore(%run_scoped3A_213 : memref<!tpu.dma_semaphore, #tpu.memory_space<semaphore_mem>>) src(%dma_wait3A_227 : memref<128x32xf32, #tpu.memory_space<vmem>>) dst(%dma_wait3A_233 : memref<10240x32xf32, #tpu.memory_space<vmem_shared>>)
      tpu.yield
    }) : () -> ()
    %dma_wait3A_191 = arith.constant 159 : i32
    %dma_wait3A_192 = arith.constant 3 : i32
    %dma_wait3A_193 = arith.constant 3 : i32
    %dma_wait3A_194 = arith.constant 0 : i32
    %dma_wait3A_195 = arith.constant 0 : i32
    %dma_wait3A_196 = tpu.memref_slice %arg9[%dma_wait3A_192, %dma_wait3A_194, %dma_wait3A_195] : memref<4x128x32xf32, #tpu.memory_space<vmem>> -> memref<1x128x32xf32, #tpu.memory_space<vmem>>
    %dma_wait3A_197 = tpu.memref_squeeze %dma_wait3A_196 : memref<1x128x32xf32, #tpu.memory_space<vmem>> -> memref<128x32xf32, #tpu.memory_space<vmem>>
    %dma_wait3A_198 = arith.constant 0 : i32
    %dma_wait3A_199 = tpu.memref_slice %arg7[%dma_wait3A_191, %dma_wait3A_198] : memref<160x128xi32, #tpu.memory_space<vmem>> -> memref<1x128xi32, #tpu.memory_space<vmem>>
    %dma_wait3A_200 = tpu.memref_squeeze %dma_wait3A_199 : memref<1x128xi32, #tpu.memory_space<vmem>> -> memref<128xi32, #tpu.memory_space<vmem>>
    %dma_wait3A_201 = arith.constant 0 : i32
    %dma_wait3A_202 = arith.constant 0 : i32
    %dma_wait3A_203 = tpu.memref_slice %arg10[%dma_wait3A_201, %dma_wait3A_202] : memref<10240x32xf32, #tpu.memory_space<vmem_shared>> -> memref<10240x32xf32, #tpu.memory_space<vmem_shared>>
    %dma_wait3A_204 = tpu.memref_slice %arg12[%dma_wait3A_193] : memref<4x!tpu.dma_semaphore, #tpu.memory_space<semaphore_mem>> -> memref<1x!tpu.dma_semaphore, #tpu.memory_space<semaphore_mem>>
    %dma_wait3A_205 = tpu.memref_squeeze %dma_wait3A_204 : memref<1x!tpu.dma_semaphore, #tpu.memory_space<semaphore_mem>> -> memref<!tpu.dma_semaphore, #tpu.memory_space<semaphore_mem>>
    tpu.wait_indirect_dma semaphore(%dma_wait3A_205 : memref<!tpu.dma_semaphore, #tpu.memory_space<semaphore_mem>>) src(%dma_wait3A_203 : memref<10240x32xf32, #tpu.memory_space<vmem_shared>>) dst(%dma_wait3A_197 : memref<128x32xf32, #tpu.memory_space<vmem>>)
    %run_scoped3A_206 = arith.constant 3 : i32
    %run_scoped3A_207 = arith.constant 159 : i32
    "tpu.region"() ({
      %run_scoped3A_213 = tpu.sem_alloc : memref<!tpu.dma_semaphore, #tpu.memory_space<semaphore_mem>>
      %dma_start3A_214 = arith.constant 0 : i32
      %dma_start3A_215 = arith.constant 0 : i32
      %dma_start3A_216 = tpu.memref_slice %arg9[%run_scoped3A_206, %dma_start3A_214, %dma_start3A_215] : memref<4x128x32xf32, #tpu.memory_space<vmem>> -> memref<1x128x32xf32, #tpu.memory_space<vmem>>
      %dma_start3A_217 = tpu.memref_squeeze %dma_start3A_216 : memref<1x128x32xf32, #tpu.memory_space<vmem>> -> memref<128x32xf32, #tpu.memory_space<vmem>>
      %dma_start3A_218 = arith.constant 0 : i32
      %dma_start3A_219 = tpu.memref_slice %arg8[%run_scoped3A_207, %dma_start3A_218] : memref<160x128xi32, #tpu.memory_space<vmem>> -> memref<1x128xi32, #tpu.memory_space<vmem>>
      %dma_start3A_220 = tpu.memref_squeeze %dma_start3A_219 : memref<1x128xi32, #tpu.memory_space<vmem>> -> memref<128xi32, #tpu.memory_space<vmem>>
      %dma_start3A_221 = arith.constant 0 : i32
      %dma_start3A_222 = arith.constant 0 : i32
      %dma_start3A_223 = tpu.memref_slice %arg11[%dma_start3A_221, %dma_start3A_222] : memref<10240x32xf32, #tpu.memory_space<vmem_shared>> -> memref<10240x32xf32, #tpu.memory_space<vmem_shared>>
      tpu.enqueue_indirect_dma source(%dma_start3A_217 : memref<128x32xf32, #tpu.memory_space<vmem>>) target(%dma_start3A_223 : memref<10240x32xf32, #tpu.memory_space<vmem_shared>>) offsets(%dma_start3A_220 : memref<128xi32, #tpu.memory_space<vmem>>) semaphore(%run_scoped3A_213 : memref<!tpu.dma_semaphore, #tpu.memory_space<semaphore_mem>>) {add = true}
      %dma_wait3A_224 = arith.constant 0 : i32
      %dma_wait3A_225 = arith.constant 0 : i32
      %dma_wait3A_226 = tpu.memref_slice %arg9[%run_scoped3A_206, %dma_wait3A_224, %dma_wait3A_225] : memref<4x128x32xf32, #tpu.memory_space<vmem>> -> memref<1x128x32xf32, #tpu.memory_space<vmem>>
      %dma_wait3A_227 = tpu.memref_squeeze %dma_wait3A_226 : memref<1x128x32xf32, #tpu.memory_space<vmem>> -> memref<128x32xf32, #tpu.memory_space<vmem>>
      %dma_wait3A_228 = arith.constant 0 : i32
      %dma_wait3A_229 = tpu.memref_slice %arg8[%run_scoped3A_207, %dma_wait3A_228] : memref<160x128xi32, #tpu.memory_space<vmem>> -> memref<1x128xi32, #tpu.memory_space<vmem>>
      %dma_wait3A_230 = tpu.memref_squeeze %dma_wait3A_229 : memref<1x128xi32, #tpu.memory_space<vmem>> -> memref<128xi32, #tpu.memory_space<vmem>>
      %dma_wait3A_231 = arith.constant 0 : i32
      %dma_wait3A_232 = arith.constant 0 : i32
      %dma_wait3A_233 = tpu.memref_slice %arg11[%dma_wait3A_231, %dma_wait3A_232] : memref<10240x32xf32, #tpu.memory_space<vmem_shared>> -> memref<10240x32xf32, #tpu.memory_space<vmem_shared>>
      tpu.wait_indirect_dma semaphore(%run_scoped3A_213 : memref<!tpu.dma_semaphore, #tpu.memory_space<semaphore_mem>>) src(%dma_wait3A_227 : memref<128x32xf32, #tpu.memory_space<vmem>>) dst(%dma_wait3A_233 : memref<10240x32xf32, #tpu.memory_space<vmem_shared>>)
      tpu.yield
    }) : () -> ()
    %barrier3A_208 = arith.constant 0 : index
    tpu.barrier barrier_id(%barrier3A_208)
    %mul3A_209 = arith.constant 640 : i32
    %mul3A_210 = arith.muli %arg1, %mul3A_209 : i32
    %mul3A_211 = arith.constant 640 : i32
    %mul3A_212 = arith.muli %arg1, %mul3A_211 : i32
    "tpu.region"() ({
      %run_scoped3A_213 = tpu.sem_alloc : memref<!tpu.dma_semaphore, #tpu.memory_space<semaphore_mem>>
      %dma_start3A_214 = arith.constant 0 : i32
      %dma_start3A_215 = arith.constant 0 : i32
      %dma_start3A_216 = tpu.memref_slice %arg6[%arg0, %dma_start3A_214, %dma_start3A_215] : memref<2x10240x32xf32, #tpu.memory_space<hbm>> -> memref<1x10240x32xf32, #tpu.memory_space<hbm>>
      %dma_start3A_217 = tpu.memref_squeeze %dma_start3A_216 : memref<1x10240x32xf32, #tpu.memory_space<hbm>> -> memref<10240x32xf32, #tpu.memory_space<hbm>>
      %dma_start3A_218 = arith.constant 0 : i32
      %dma_start3A_219 = tpu.memref_slice %dma_start3A_217[%mul3A_212, %dma_start3A_218] : memref<10240x32xf32, #tpu.memory_space<hbm>> -> memref<640x32xf32, #tpu.memory_space<hbm>>
      %dma_start3A_220 = arith.constant 0 : i32
      %dma_start3A_221 = tpu.memref_slice %arg11[%mul3A_210, %dma_start3A_220] : memref<10240x32xf32, #tpu.memory_space<vmem_shared>> -> memref<640x32xf32, #tpu.memory_space<vmem_shared>>
      tpu.enqueue_dma source(%dma_start3A_221 : memref<640x32xf32, #tpu.memory_space<vmem_shared>>) target(%dma_start3A_219 : memref<640x32xf32, #tpu.memory_space<hbm>>) target_semaphore(%run_scoped3A_213 : memref<!tpu.dma_semaphore, #tpu.memory_space<semaphore_mem>>)
      %dma_wait3A_222 = arith.constant 0 : i32
      %dma_wait3A_223 = arith.constant 0 : i32
      %dma_wait3A_224 = tpu.memref_slice %arg6[%arg0, %dma_wait3A_222, %dma_wait3A_223] : memref<2x10240x32xf32, #tpu.memory_space<hbm>> -> memref<1x10240x32xf32, #tpu.memory_space<hbm>>
      %dma_wait3A_225 = tpu.memref_squeeze %dma_wait3A_224 : memref<1x10240x32xf32, #tpu.memory_space<hbm>> -> memref<10240x32xf32, #tpu.memory_space<hbm>>
      %dma_wait3A_226 = arith.constant 0 : i32
      %dma_wait3A_227 = tpu.memref_slice %dma_wait3A_225[%mul3A_212, %dma_wait3A_226] : memref<10240x32xf32, #tpu.memory_space<hbm>> -> memref<640x32xf32, #tpu.memory_space<hbm>>
      %dma_wait3A_228 = arith.constant 0 : i32
      %dma_wait3A_229 = tpu.memref_slice %arg11[%mul3A_210, %dma_wait3A_228] : memref<10240x32xf32, #tpu.memory_space<vmem_shared>> -> memref<640x32xf32, #tpu.memory_space<vmem_shared>>
      tpu.wait_dma2 semaphore(%run_scoped3A_213 : memref<!tpu.dma_semaphore, #tpu.memory_space<semaphore_mem>>) src(%dma_wait3A_229 : memref<640x32xf32, #tpu.memory_space<vmem_shared>>) dst(%dma_wait3A_227 : memref<640x32xf32, #tpu.memory_space<hbm>>)
      tpu.yield
    }) : () -> ()
    return
  }
}

#map = affine_map<(d0, d1) -> (0, 0, 0)>
#map1 = affine_map<(d0, d1) -> (0, 0)>
module attributes {stable_mosaic.version = 14 : i64} {
  func.func @_sc_agg(%arg0: i32, %arg1: i32, %arg2: memref<2x10240x32xf32, #tpu.memory_space<hbm>>, %arg3: memref<2560x128xi32, #tpu.memory_space<hbm>>, %arg4: memref<2560x128xi32, #tpu.memory_space<hbm>>, %arg5: memref<640x32xf32, #tpu.memory_space<hbm>>, %arg6: memref<2x10240x32xf32, #tpu.memory_space<hbm>>, %arg7: memref<160x128xi32, #tpu.memory_space<vmem>>, %arg8: memref<160x128xi32, #tpu.memory_space<vmem>>, %arg9: memref<4x128x32xf32, #tpu.memory_space<vmem>>, %arg10: memref<10240x32xf32, #tpu.memory_space<vmem_shared>>, %arg11: memref<10240x32xf32, #tpu.memory_space<vmem_shared>>, %arg12: memref<4x!tpu.dma_semaphore, #tpu.memory_space<semaphore_mem>>) attributes {dimension_semantics = [#tpu.dimension_semantics<core_parallel>, #tpu.dimension_semantics<subcore_parallel>], iteration_bounds = array<i64: 2, 16>, scalar_prefetch = 0 : i64, scratch_operands = 6 : i64, tpu.core_type = #tpu.core_type<sc_vector_subcore>, window_params = [{transform_indices = #map}, {transform_indices = #map1}, {transform_indices = #map1}, {transform_indices = #map1}, {transform_indices = #map}]} {
    %mul3A = arith.constant 160 : i32
    %mul3A_0 = arith.muli %arg1, %mul3A : i32
    %dma_start3A = arith.constant 0 : i32
    %dma_start3A_1 = arith.constant 0 : i32
    %dma_start3A_2 = tpu.memref_slice %arg3[%mul3A_0, %dma_start3A_1] : memref<2560x128xi32, #tpu.memory_space<hbm>> -> memref<160x128xi32, #tpu.memory_space<hbm>>
    %dma_start3A_3 = tpu.memref_slice %arg12[%dma_start3A] : memref<4x!tpu.dma_semaphore, #tpu.memory_space<semaphore_mem>> -> memref<1x!tpu.dma_semaphore, #tpu.memory_space<semaphore_mem>>
    %dma_start3A_4 = tpu.memref_squeeze %dma_start3A_3 : memref<1x!tpu.dma_semaphore, #tpu.memory_space<semaphore_mem>> -> memref<!tpu.dma_semaphore, #tpu.memory_space<semaphore_mem>>
    %dma_start3A_5 = arith.constant 0 : i32
    %dma_start3A_6 = tpu.memref_slice %arg3[%mul3A_0, %dma_start3A_5] : memref<2560x128xi32, #tpu.memory_space<hbm>> -> memref<160x128xi32, #tpu.memory_space<hbm>>
    tpu.enqueue_dma source(%dma_start3A_6 : memref<160x128xi32, #tpu.memory_space<hbm>>) target(%arg7 : memref<160x128xi32, #tpu.memory_space<vmem>>) target_semaphore(%dma_start3A_4 : memref<!tpu.dma_semaphore, #tpu.memory_space<semaphore_mem>>)
    %mul3A_7 = arith.constant 160 : i32
    %mul3A_8 = arith.muli %arg1, %mul3A_7 : i32
    %dma_start3A_9 = arith.constant 1 : i32
    %dma_start3A_10 = arith.constant 0 : i32
    %dma_start3A_11 = tpu.memref_slice %arg4[%mul3A_8, %dma_start3A_10] : memref<2560x128xi32, #tpu.memory_space<hbm>> -> memref<160x128xi32, #tpu.memory_space<hbm>>
    %dma_start3A_12 = tpu.memref_slice %arg12[%dma_start3A_9] : memref<4x!tpu.dma_semaphore, #tpu.memory_space<semaphore_mem>> -> memref<1x!tpu.dma_semaphore, #tpu.memory_space<semaphore_mem>>
    %dma_start3A_13 = tpu.memref_squeeze %dma_start3A_12 : memref<1x!tpu.dma_semaphore, #tpu.memory_space<semaphore_mem>> -> memref<!tpu.dma_semaphore, #tpu.memory_space<semaphore_mem>>
    %dma_start3A_14 = arith.constant 0 : i32
    %dma_start3A_15 = tpu.memref_slice %arg4[%mul3A_8, %dma_start3A_14] : memref<2560x128xi32, #tpu.memory_space<hbm>> -> memref<160x128xi32, #tpu.memory_space<hbm>>
    tpu.enqueue_dma source(%dma_start3A_15 : memref<160x128xi32, #tpu.memory_space<hbm>>) target(%arg8 : memref<160x128xi32, #tpu.memory_space<vmem>>) target_semaphore(%dma_start3A_13 : memref<!tpu.dma_semaphore, #tpu.memory_space<semaphore_mem>>)
    %mul3A_16 = arith.constant 640 : i32
    %mul3A_17 = arith.muli %arg1, %mul3A_16 : i32
    %mul3A_18 = arith.constant 640 : i32
    %mul3A_19 = arith.muli %arg1, %mul3A_18 : i32
    %dma_start3A_20 = arith.constant 2 : i32
    %dma_start3A_21 = tpu.memref_slice %arg12[%dma_start3A_20] : memref<4x!tpu.dma_semaphore, #tpu.memory_space<semaphore_mem>> -> memref<1x!tpu.dma_semaphore, #tpu.memory_space<semaphore_mem>>
    %dma_start3A_22 = tpu.memref_squeeze %dma_start3A_21 : memref<1x!tpu.dma_semaphore, #tpu.memory_space<semaphore_mem>> -> memref<!tpu.dma_semaphore, #tpu.memory_space<semaphore_mem>>
    %dma_start3A_23 = arith.constant 0 : i32
    %dma_start3A_24 = tpu.memref_slice %arg10[%mul3A_19, %dma_start3A_23] : memref<10240x32xf32, #tpu.memory_space<vmem_shared>> -> memref<640x32xf32, #tpu.memory_space<vmem_shared>>
    %dma_start3A_25 = arith.constant 0 : i32
    %dma_start3A_26 = arith.constant 0 : i32
    %dma_start3A_27 = tpu.memref_slice %arg2[%arg0, %dma_start3A_25, %dma_start3A_26] : memref<2x10240x32xf32, #tpu.memory_space<hbm>> -> memref<1x10240x32xf32, #tpu.memory_space<hbm>>
    %dma_start3A_28 = tpu.memref_squeeze %dma_start3A_27 : memref<1x10240x32xf32, #tpu.memory_space<hbm>> -> memref<10240x32xf32, #tpu.memory_space<hbm>>
    %dma_start3A_29 = arith.constant 0 : i32
    %dma_start3A_30 = tpu.memref_slice %dma_start3A_28[%mul3A_17, %dma_start3A_29] : memref<10240x32xf32, #tpu.memory_space<hbm>> -> memref<640x32xf32, #tpu.memory_space<hbm>>
    tpu.enqueue_dma source(%dma_start3A_30 : memref<640x32xf32, #tpu.memory_space<hbm>>) target(%dma_start3A_24 : memref<640x32xf32, #tpu.memory_space<vmem_shared>>) target_semaphore(%dma_start3A_22 : memref<!tpu.dma_semaphore, #tpu.memory_space<semaphore_mem>>)
    %mul3A_31 = arith.constant 640 : i32
    %mul3A_32 = arith.muli %arg1, %mul3A_31 : i32
    %dma_start3A_33 = arith.constant 3 : i32
    %dma_start3A_34 = tpu.memref_slice %arg12[%dma_start3A_33] : memref<4x!tpu.dma_semaphore, #tpu.memory_space<semaphore_mem>> -> memref<1x!tpu.dma_semaphore, #tpu.memory_space<semaphore_mem>>
    %dma_start3A_35 = tpu.memref_squeeze %dma_start3A_34 : memref<1x!tpu.dma_semaphore, #tpu.memory_space<semaphore_mem>> -> memref<!tpu.dma_semaphore, #tpu.memory_space<semaphore_mem>>
    %dma_start3A_36 = arith.constant 0 : i32
    %dma_start3A_37 = tpu.memref_slice %arg11[%mul3A_32, %dma_start3A_36] : memref<10240x32xf32, #tpu.memory_space<vmem_shared>> -> memref<640x32xf32, #tpu.memory_space<vmem_shared>>
    tpu.enqueue_dma source(%arg5 : memref<640x32xf32, #tpu.memory_space<hbm>>) target(%dma_start3A_37 : memref<640x32xf32, #tpu.memory_space<vmem_shared>>) target_semaphore(%dma_start3A_35 : memref<!tpu.dma_semaphore, #tpu.memory_space<semaphore_mem>>)
    %mul3A_38 = arith.constant 160 : i32
    %mul3A_39 = arith.muli %arg1, %mul3A_38 : i32
    %dma_wait3A = arith.constant 0 : i32
    %dma_wait3A_40 = arith.constant 0 : i32
    %dma_wait3A_41 = tpu.memref_slice %arg3[%mul3A_39, %dma_wait3A_40] : memref<2560x128xi32, #tpu.memory_space<hbm>> -> memref<160x128xi32, #tpu.memory_space<hbm>>
    %dma_wait3A_42 = tpu.memref_slice %arg12[%dma_wait3A] : memref<4x!tpu.dma_semaphore, #tpu.memory_space<semaphore_mem>> -> memref<1x!tpu.dma_semaphore, #tpu.memory_space<semaphore_mem>>
    %dma_wait3A_43 = tpu.memref_squeeze %dma_wait3A_42 : memref<1x!tpu.dma_semaphore, #tpu.memory_space<semaphore_mem>> -> memref<!tpu.dma_semaphore, #tpu.memory_space<semaphore_mem>>
    %dma_wait3A_44 = arith.constant 0 : i32
    %dma_wait3A_45 = tpu.memref_slice %arg3[%mul3A_39, %dma_wait3A_44] : memref<2560x128xi32, #tpu.memory_space<hbm>> -> memref<160x128xi32, #tpu.memory_space<hbm>>
    tpu.wait_dma2 semaphore(%dma_wait3A_43 : memref<!tpu.dma_semaphore, #tpu.memory_space<semaphore_mem>>) src(%dma_wait3A_45 : memref<160x128xi32, #tpu.memory_space<hbm>>) dst(%arg7 : memref<160x128xi32, #tpu.memory_space<vmem>>)
    %mul3A_46 = arith.constant 160 : i32
    %mul3A_47 = arith.muli %arg1, %mul3A_46 : i32
    %dma_wait3A_48 = arith.constant 1 : i32
    %dma_wait3A_49 = arith.constant 0 : i32
    %dma_wait3A_50 = tpu.memref_slice %arg4[%mul3A_47, %dma_wait3A_49] : memref<2560x128xi32, #tpu.memory_space<hbm>> -> memref<160x128xi32, #tpu.memory_space<hbm>>
    %dma_wait3A_51 = tpu.memref_slice %arg12[%dma_wait3A_48] : memref<4x!tpu.dma_semaphore, #tpu.memory_space<semaphore_mem>> -> memref<1x!tpu.dma_semaphore, #tpu.memory_space<semaphore_mem>>
    %dma_wait3A_52 = tpu.memref_squeeze %dma_wait3A_51 : memref<1x!tpu.dma_semaphore, #tpu.memory_space<semaphore_mem>> -> memref<!tpu.dma_semaphore, #tpu.memory_space<semaphore_mem>>
    %dma_wait3A_53 = arith.constant 0 : i32
    %dma_wait3A_54 = tpu.memref_slice %arg4[%mul3A_47, %dma_wait3A_53] : memref<2560x128xi32, #tpu.memory_space<hbm>> -> memref<160x128xi32, #tpu.memory_space<hbm>>
    tpu.wait_dma2 semaphore(%dma_wait3A_52 : memref<!tpu.dma_semaphore, #tpu.memory_space<semaphore_mem>>) src(%dma_wait3A_54 : memref<160x128xi32, #tpu.memory_space<hbm>>) dst(%arg8 : memref<160x128xi32, #tpu.memory_space<vmem>>)
    %mul3A_55 = arith.constant 640 : i32
    %mul3A_56 = arith.muli %arg1, %mul3A_55 : i32
    %mul3A_57 = arith.constant 640 : i32
    %mul3A_58 = arith.muli %arg1, %mul3A_57 : i32
    %dma_wait3A_59 = arith.constant 2 : i32
    %dma_wait3A_60 = tpu.memref_slice %arg12[%dma_wait3A_59] : memref<4x!tpu.dma_semaphore, #tpu.memory_space<semaphore_mem>> -> memref<1x!tpu.dma_semaphore, #tpu.memory_space<semaphore_mem>>
    %dma_wait3A_61 = tpu.memref_squeeze %dma_wait3A_60 : memref<1x!tpu.dma_semaphore, #tpu.memory_space<semaphore_mem>> -> memref<!tpu.dma_semaphore, #tpu.memory_space<semaphore_mem>>
    %dma_wait3A_62 = arith.constant 0 : i32
    %dma_wait3A_63 = tpu.memref_slice %arg10[%mul3A_58, %dma_wait3A_62] : memref<10240x32xf32, #tpu.memory_space<vmem_shared>> -> memref<640x32xf32, #tpu.memory_space<vmem_shared>>
    %dma_wait3A_64 = arith.constant 0 : i32
    %dma_wait3A_65 = arith.constant 0 : i32
    %dma_wait3A_66 = tpu.memref_slice %arg2[%arg0, %dma_wait3A_64, %dma_wait3A_65] : memref<2x10240x32xf32, #tpu.memory_space<hbm>> -> memref<1x10240x32xf32, #tpu.memory_space<hbm>>
    %dma_wait3A_67 = tpu.memref_squeeze %dma_wait3A_66 : memref<1x10240x32xf32, #tpu.memory_space<hbm>> -> memref<10240x32xf32, #tpu.memory_space<hbm>>
    %dma_wait3A_68 = arith.constant 0 : i32
    %dma_wait3A_69 = tpu.memref_slice %dma_wait3A_67[%mul3A_56, %dma_wait3A_68] : memref<10240x32xf32, #tpu.memory_space<hbm>> -> memref<640x32xf32, #tpu.memory_space<hbm>>
    tpu.wait_dma2 semaphore(%dma_wait3A_61 : memref<!tpu.dma_semaphore, #tpu.memory_space<semaphore_mem>>) src(%dma_wait3A_69 : memref<640x32xf32, #tpu.memory_space<hbm>>) dst(%dma_wait3A_63 : memref<640x32xf32, #tpu.memory_space<vmem_shared>>)
    %mul3A_70 = arith.constant 640 : i32
    %mul3A_71 = arith.muli %arg1, %mul3A_70 : i32
    %dma_wait3A_72 = arith.constant 3 : i32
    %dma_wait3A_73 = tpu.memref_slice %arg12[%dma_wait3A_72] : memref<4x!tpu.dma_semaphore, #tpu.memory_space<semaphore_mem>> -> memref<1x!tpu.dma_semaphore, #tpu.memory_space<semaphore_mem>>
    %dma_wait3A_74 = tpu.memref_squeeze %dma_wait3A_73 : memref<1x!tpu.dma_semaphore, #tpu.memory_space<semaphore_mem>> -> memref<!tpu.dma_semaphore, #tpu.memory_space<semaphore_mem>>
    %dma_wait3A_75 = arith.constant 0 : i32
    %dma_wait3A_76 = tpu.memref_slice %arg11[%mul3A_71, %dma_wait3A_75] : memref<10240x32xf32, #tpu.memory_space<vmem_shared>> -> memref<640x32xf32, #tpu.memory_space<vmem_shared>>
    tpu.wait_dma2 semaphore(%dma_wait3A_74 : memref<!tpu.dma_semaphore, #tpu.memory_space<semaphore_mem>>) src(%arg5 : memref<640x32xf32, #tpu.memory_space<hbm>>) dst(%dma_wait3A_76 : memref<640x32xf32, #tpu.memory_space<vmem_shared>>)
    %barrier3A = arith.constant 0 : index
    tpu.barrier barrier_id(%barrier3A)
    %dma_start3A_77 = arith.constant 0 : i32
    %dma_start3A_78 = arith.constant 0 : i32
    %dma_start3A_79 = arith.constant 0 : i32
    %dma_start3A_80 = arith.constant 0 : i32
    %dma_start3A_81 = arith.constant 0 : i32
    %dma_start3A_82 = tpu.memref_slice %arg9[%dma_start3A_78, %dma_start3A_80, %dma_start3A_81] : memref<4x128x32xf32, #tpu.memory_space<vmem>> -> memref<1x128x32xf32, #tpu.memory_space<vmem>>
    %dma_start3A_83 = tpu.memref_squeeze %dma_start3A_82 : memref<1x128x32xf32, #tpu.memory_space<vmem>> -> memref<128x32xf32, #tpu.memory_space<vmem>>
    %dma_start3A_84 = arith.constant 0 : i32
    %dma_start3A_85 = tpu.memref_slice %arg7[%dma_start3A_77, %dma_start3A_84] : memref<160x128xi32, #tpu.memory_space<vmem>> -> memref<1x128xi32, #tpu.memory_space<vmem>>
    %dma_start3A_86 = tpu.memref_squeeze %dma_start3A_85 : memref<1x128xi32, #tpu.memory_space<vmem>> -> memref<128xi32, #tpu.memory_space<vmem>>
    %dma_start3A_87 = arith.constant 0 : i32
    %dma_start3A_88 = arith.constant 0 : i32
    %dma_start3A_89 = tpu.memref_slice %arg10[%dma_start3A_87, %dma_start3A_88] : memref<10240x32xf32, #tpu.memory_space<vmem_shared>> -> memref<10240x32xf32, #tpu.memory_space<vmem_shared>>
    %dma_start3A_90 = tpu.memref_slice %arg12[%dma_start3A_79] : memref<4x!tpu.dma_semaphore, #tpu.memory_space<semaphore_mem>> -> memref<1x!tpu.dma_semaphore, #tpu.memory_space<semaphore_mem>>
    %dma_start3A_91 = tpu.memref_squeeze %dma_start3A_90 : memref<1x!tpu.dma_semaphore, #tpu.memory_space<semaphore_mem>> -> memref<!tpu.dma_semaphore, #tpu.memory_space<semaphore_mem>>
    tpu.enqueue_indirect_dma source(%dma_start3A_89 : memref<10240x32xf32, #tpu.memory_space<vmem_shared>>) target(%dma_start3A_83 : memref<128x32xf32, #tpu.memory_space<vmem>>) offsets(%dma_start3A_86 : memref<128xi32, #tpu.memory_space<vmem>>) semaphore(%dma_start3A_91 : memref<!tpu.dma_semaphore, #tpu.memory_space<semaphore_mem>>)
    %dma_start3A_92 = arith.constant 1 : i32
    %dma_start3A_93 = arith.constant 1 : i32
    %dma_start3A_94 = arith.constant 1 : i32
    %dma_start3A_95 = arith.constant 0 : i32
    %dma_start3A_96 = arith.constant 0 : i32
    %dma_start3A_97 = tpu.memref_slice %arg9[%dma_start3A_93, %dma_start3A_95, %dma_start3A_96] : memref<4x128x32xf32, #tpu.memory_space<vmem>> -> memref<1x128x32xf32, #tpu.memory_space<vmem>>
    %dma_start3A_98 = tpu.memref_squeeze %dma_start3A_97 : memref<1x128x32xf32, #tpu.memory_space<vmem>> -> memref<128x32xf32, #tpu.memory_space<vmem>>
    %dma_start3A_99 = arith.constant 0 : i32
    %dma_start3A_100 = tpu.memref_slice %arg7[%dma_start3A_92, %dma_start3A_99] : memref<160x128xi32, #tpu.memory_space<vmem>> -> memref<1x128xi32, #tpu.memory_space<vmem>>
    %dma_start3A_101 = tpu.memref_squeeze %dma_start3A_100 : memref<1x128xi32, #tpu.memory_space<vmem>> -> memref<128xi32, #tpu.memory_space<vmem>>
    %dma_start3A_102 = arith.constant 0 : i32
    %dma_start3A_103 = arith.constant 0 : i32
    %dma_start3A_104 = tpu.memref_slice %arg10[%dma_start3A_102, %dma_start3A_103] : memref<10240x32xf32, #tpu.memory_space<vmem_shared>> -> memref<10240x32xf32, #tpu.memory_space<vmem_shared>>
    %dma_start3A_105 = tpu.memref_slice %arg12[%dma_start3A_94] : memref<4x!tpu.dma_semaphore, #tpu.memory_space<semaphore_mem>> -> memref<1x!tpu.dma_semaphore, #tpu.memory_space<semaphore_mem>>
    %dma_start3A_106 = tpu.memref_squeeze %dma_start3A_105 : memref<1x!tpu.dma_semaphore, #tpu.memory_space<semaphore_mem>> -> memref<!tpu.dma_semaphore, #tpu.memory_space<semaphore_mem>>
    tpu.enqueue_indirect_dma source(%dma_start3A_104 : memref<10240x32xf32, #tpu.memory_space<vmem_shared>>) target(%dma_start3A_98 : memref<128x32xf32, #tpu.memory_space<vmem>>) offsets(%dma_start3A_101 : memref<128xi32, #tpu.memory_space<vmem>>) semaphore(%dma_start3A_106 : memref<!tpu.dma_semaphore, #tpu.memory_space<semaphore_mem>>)
    %dma_start3A_107 = arith.constant 2 : i32
    %dma_start3A_108 = arith.constant 2 : i32
    %dma_start3A_109 = arith.constant 2 : i32
    %dma_start3A_110 = arith.constant 0 : i32
    %dma_start3A_111 = arith.constant 0 : i32
    %dma_start3A_112 = tpu.memref_slice %arg9[%dma_start3A_108, %dma_start3A_110, %dma_start3A_111] : memref<4x128x32xf32, #tpu.memory_space<vmem>> -> memref<1x128x32xf32, #tpu.memory_space<vmem>>
    %dma_start3A_113 = tpu.memref_squeeze %dma_start3A_112 : memref<1x128x32xf32, #tpu.memory_space<vmem>> -> memref<128x32xf32, #tpu.memory_space<vmem>>
    %dma_start3A_114 = arith.constant 0 : i32
    %dma_start3A_115 = tpu.memref_slice %arg7[%dma_start3A_107, %dma_start3A_114] : memref<160x128xi32, #tpu.memory_space<vmem>> -> memref<1x128xi32, #tpu.memory_space<vmem>>
    %dma_start3A_116 = tpu.memref_squeeze %dma_start3A_115 : memref<1x128xi32, #tpu.memory_space<vmem>> -> memref<128xi32, #tpu.memory_space<vmem>>
    %dma_start3A_117 = arith.constant 0 : i32
    %dma_start3A_118 = arith.constant 0 : i32
    %dma_start3A_119 = tpu.memref_slice %arg10[%dma_start3A_117, %dma_start3A_118] : memref<10240x32xf32, #tpu.memory_space<vmem_shared>> -> memref<10240x32xf32, #tpu.memory_space<vmem_shared>>
    %dma_start3A_120 = tpu.memref_slice %arg12[%dma_start3A_109] : memref<4x!tpu.dma_semaphore, #tpu.memory_space<semaphore_mem>> -> memref<1x!tpu.dma_semaphore, #tpu.memory_space<semaphore_mem>>
    %dma_start3A_121 = tpu.memref_squeeze %dma_start3A_120 : memref<1x!tpu.dma_semaphore, #tpu.memory_space<semaphore_mem>> -> memref<!tpu.dma_semaphore, #tpu.memory_space<semaphore_mem>>
    tpu.enqueue_indirect_dma source(%dma_start3A_119 : memref<10240x32xf32, #tpu.memory_space<vmem_shared>>) target(%dma_start3A_113 : memref<128x32xf32, #tpu.memory_space<vmem>>) offsets(%dma_start3A_116 : memref<128xi32, #tpu.memory_space<vmem>>) semaphore(%dma_start3A_121 : memref<!tpu.dma_semaphore, #tpu.memory_space<semaphore_mem>>)
    %dma_start3A_122 = arith.constant 3 : i32
    %dma_start3A_123 = arith.constant 3 : i32
    %dma_start3A_124 = arith.constant 3 : i32
    %dma_start3A_125 = arith.constant 0 : i32
    %dma_start3A_126 = arith.constant 0 : i32
    %dma_start3A_127 = tpu.memref_slice %arg9[%dma_start3A_123, %dma_start3A_125, %dma_start3A_126] : memref<4x128x32xf32, #tpu.memory_space<vmem>> -> memref<1x128x32xf32, #tpu.memory_space<vmem>>
    %dma_start3A_128 = tpu.memref_squeeze %dma_start3A_127 : memref<1x128x32xf32, #tpu.memory_space<vmem>> -> memref<128x32xf32, #tpu.memory_space<vmem>>
    %dma_start3A_129 = arith.constant 0 : i32
    %dma_start3A_130 = tpu.memref_slice %arg7[%dma_start3A_122, %dma_start3A_129] : memref<160x128xi32, #tpu.memory_space<vmem>> -> memref<1x128xi32, #tpu.memory_space<vmem>>
    %dma_start3A_131 = tpu.memref_squeeze %dma_start3A_130 : memref<1x128xi32, #tpu.memory_space<vmem>> -> memref<128xi32, #tpu.memory_space<vmem>>
    %dma_start3A_132 = arith.constant 0 : i32
    %dma_start3A_133 = arith.constant 0 : i32
    %dma_start3A_134 = tpu.memref_slice %arg10[%dma_start3A_132, %dma_start3A_133] : memref<10240x32xf32, #tpu.memory_space<vmem_shared>> -> memref<10240x32xf32, #tpu.memory_space<vmem_shared>>
    %dma_start3A_135 = tpu.memref_slice %arg12[%dma_start3A_124] : memref<4x!tpu.dma_semaphore, #tpu.memory_space<semaphore_mem>> -> memref<1x!tpu.dma_semaphore, #tpu.memory_space<semaphore_mem>>
    %dma_start3A_136 = tpu.memref_squeeze %dma_start3A_135 : memref<1x!tpu.dma_semaphore, #tpu.memory_space<semaphore_mem>> -> memref<!tpu.dma_semaphore, #tpu.memory_space<semaphore_mem>>
    tpu.enqueue_indirect_dma source(%dma_start3A_134 : memref<10240x32xf32, #tpu.memory_space<vmem_shared>>) target(%dma_start3A_128 : memref<128x32xf32, #tpu.memory_space<vmem>>) offsets(%dma_start3A_131 : memref<128xi32, #tpu.memory_space<vmem>>) semaphore(%dma_start3A_136 : memref<!tpu.dma_semaphore, #tpu.memory_space<semaphore_mem>>)
    %scan3A = arith.constant 0 : i32
    %scan3A_137 = arith.constant 39 : i32
    %scan3A_138 = arith.addi %scan3A, %scan3A_137 : i32
    %scan3A_139 = arith.constant 1 : i32
    scf.for %scan3A_213 = %scan3A to %scan3A_138 step %scan3A_139  : i32 {
      %mul3A_214 = arith.constant 1 : i32
      %mul3A_215 = arith.muli %scan3A_213, %mul3A_214 : i32
      %add3A = arith.constant 0 : i32
      %add3A_216 = arith.addi %add3A, %mul3A_215 : i32
      %mul3A_217 = arith.constant 4 : i32
      %mul3A_218 = arith.muli %add3A_216, %mul3A_217 : i32
      %add3A_219 = arith.constant 0 : i32
      %add3A_220 = arith.addi %mul3A_218, %add3A_219 : i32
      %dma_wait3A_221 = arith.constant 0 : i32
      %dma_wait3A_222 = arith.constant 0 : i32
      %dma_wait3A_223 = arith.constant 0 : i32
      %dma_wait3A_224 = arith.constant 0 : i32
      %dma_wait3A_225 = tpu.memref_slice %arg9[%dma_wait3A_221, %dma_wait3A_223, %dma_wait3A_224] : memref<4x128x32xf32, #tpu.memory_space<vmem>> -> memref<1x128x32xf32, #tpu.memory_space<vmem>>
      %dma_wait3A_226 = tpu.memref_squeeze %dma_wait3A_225 : memref<1x128x32xf32, #tpu.memory_space<vmem>> -> memref<128x32xf32, #tpu.memory_space<vmem>>
      %dma_wait3A_227 = arith.constant 0 : i32
      %dma_wait3A_228 = tpu.memref_slice %arg7[%add3A_220, %dma_wait3A_227] : memref<160x128xi32, #tpu.memory_space<vmem>> -> memref<1x128xi32, #tpu.memory_space<vmem>>
      %dma_wait3A_229 = tpu.memref_squeeze %dma_wait3A_228 : memref<1x128xi32, #tpu.memory_space<vmem>> -> memref<128xi32, #tpu.memory_space<vmem>>
      %dma_wait3A_230 = arith.constant 0 : i32
      %dma_wait3A_231 = arith.constant 0 : i32
      %dma_wait3A_232 = tpu.memref_slice %arg10[%dma_wait3A_230, %dma_wait3A_231] : memref<10240x32xf32, #tpu.memory_space<vmem_shared>> -> memref<10240x32xf32, #tpu.memory_space<vmem_shared>>
      %dma_wait3A_233 = tpu.memref_slice %arg12[%dma_wait3A_222] : memref<4x!tpu.dma_semaphore, #tpu.memory_space<semaphore_mem>> -> memref<1x!tpu.dma_semaphore, #tpu.memory_space<semaphore_mem>>
      %dma_wait3A_234 = tpu.memref_squeeze %dma_wait3A_233 : memref<1x!tpu.dma_semaphore, #tpu.memory_space<semaphore_mem>> -> memref<!tpu.dma_semaphore, #tpu.memory_space<semaphore_mem>>
      tpu.wait_indirect_dma semaphore(%dma_wait3A_234 : memref<!tpu.dma_semaphore, #tpu.memory_space<semaphore_mem>>) src(%dma_wait3A_232 : memref<10240x32xf32, #tpu.memory_space<vmem_shared>>) dst(%dma_wait3A_226 : memref<128x32xf32, #tpu.memory_space<vmem>>)
      %add3A_235 = arith.constant 0 : i32
      %add3A_236 = arith.addi %mul3A_218, %add3A_235 : i32
      %run_scoped3A_237 = arith.constant 0 : i32
      "tpu.region"() ({
        %run_scoped3A_367 = tpu.sem_alloc : memref<!tpu.dma_semaphore, #tpu.memory_space<semaphore_mem>>
        %dma_start3A_368 = arith.constant 0 : i32
        %dma_start3A_369 = arith.constant 0 : i32
        %dma_start3A_370 = tpu.memref_slice %arg9[%run_scoped3A_237, %dma_start3A_368, %dma_start3A_369] : memref<4x128x32xf32, #tpu.memory_space<vmem>> -> memref<1x128x32xf32, #tpu.memory_space<vmem>>
        %dma_start3A_371 = tpu.memref_squeeze %dma_start3A_370 : memref<1x128x32xf32, #tpu.memory_space<vmem>> -> memref<128x32xf32, #tpu.memory_space<vmem>>
        %dma_start3A_372 = arith.constant 0 : i32
        %dma_start3A_373 = tpu.memref_slice %arg8[%add3A_236, %dma_start3A_372] : memref<160x128xi32, #tpu.memory_space<vmem>> -> memref<1x128xi32, #tpu.memory_space<vmem>>
        %dma_start3A_374 = tpu.memref_squeeze %dma_start3A_373 : memref<1x128xi32, #tpu.memory_space<vmem>> -> memref<128xi32, #tpu.memory_space<vmem>>
        %dma_start3A_375 = arith.constant 0 : i32
        %dma_start3A_376 = arith.constant 0 : i32
        %dma_start3A_377 = tpu.memref_slice %arg11[%dma_start3A_375, %dma_start3A_376] : memref<10240x32xf32, #tpu.memory_space<vmem_shared>> -> memref<10240x32xf32, #tpu.memory_space<vmem_shared>>
        tpu.enqueue_indirect_dma source(%dma_start3A_371 : memref<128x32xf32, #tpu.memory_space<vmem>>) target(%dma_start3A_377 : memref<10240x32xf32, #tpu.memory_space<vmem_shared>>) offsets(%dma_start3A_374 : memref<128xi32, #tpu.memory_space<vmem>>) semaphore(%run_scoped3A_367 : memref<!tpu.dma_semaphore, #tpu.memory_space<semaphore_mem>>) {add = true}
        %dma_wait3A_378 = arith.constant 0 : i32
        %dma_wait3A_379 = arith.constant 0 : i32
        %dma_wait3A_380 = tpu.memref_slice %arg9[%run_scoped3A_237, %dma_wait3A_378, %dma_wait3A_379] : memref<4x128x32xf32, #tpu.memory_space<vmem>> -> memref<1x128x32xf32, #tpu.memory_space<vmem>>
        %dma_wait3A_381 = tpu.memref_squeeze %dma_wait3A_380 : memref<1x128x32xf32, #tpu.memory_space<vmem>> -> memref<128x32xf32, #tpu.memory_space<vmem>>
        %dma_wait3A_382 = arith.constant 0 : i32
        %dma_wait3A_383 = tpu.memref_slice %arg8[%add3A_236, %dma_wait3A_382] : memref<160x128xi32, #tpu.memory_space<vmem>> -> memref<1x128xi32, #tpu.memory_space<vmem>>
        %dma_wait3A_384 = tpu.memref_squeeze %dma_wait3A_383 : memref<1x128xi32, #tpu.memory_space<vmem>> -> memref<128xi32, #tpu.memory_space<vmem>>
        %dma_wait3A_385 = arith.constant 0 : i32
        %dma_wait3A_386 = arith.constant 0 : i32
        %dma_wait3A_387 = tpu.memref_slice %arg11[%dma_wait3A_385, %dma_wait3A_386] : memref<10240x32xf32, #tpu.memory_space<vmem_shared>> -> memref<10240x32xf32, #tpu.memory_space<vmem_shared>>
        tpu.wait_indirect_dma semaphore(%run_scoped3A_367 : memref<!tpu.dma_semaphore, #tpu.memory_space<semaphore_mem>>) src(%dma_wait3A_381 : memref<128x32xf32, #tpu.memory_space<vmem>>) dst(%dma_wait3A_387 : memref<10240x32xf32, #tpu.memory_space<vmem_shared>>)
        tpu.yield
      }) : () -> ()
      %add3A_238 = arith.constant 0 : i32
      %add3A_239 = arith.addi %mul3A_218, %add3A_238 : i32
      %add3A_240 = arith.constant 4 : i32
      %add3A_241 = arith.addi %add3A_239, %add3A_240 : i32
      %dma_start3A_242 = arith.constant 0 : i32
      %dma_start3A_243 = arith.constant 0 : i32
      %dma_start3A_244 = arith.constant 0 : i32
      %dma_start3A_245 = arith.constant 0 : i32
      %dma_start3A_246 = tpu.memref_slice %arg9[%dma_start3A_242, %dma_start3A_244, %dma_start3A_245] : memref<4x128x32xf32, #tpu.memory_space<vmem>> -> memref<1x128x32xf32, #tpu.memory_space<vmem>>
      %dma_start3A_247 = tpu.memref_squeeze %dma_start3A_246 : memref<1x128x32xf32, #tpu.memory_space<vmem>> -> memref<128x32xf32, #tpu.memory_space<vmem>>
      %dma_start3A_248 = arith.constant 0 : i32
      %dma_start3A_249 = tpu.memref_slice %arg7[%add3A_241, %dma_start3A_248] : memref<160x128xi32, #tpu.memory_space<vmem>> -> memref<1x128xi32, #tpu.memory_space<vmem>>
      %dma_start3A_250 = tpu.memref_squeeze %dma_start3A_249 : memref<1x128xi32, #tpu.memory_space<vmem>> -> memref<128xi32, #tpu.memory_space<vmem>>
      %dma_start3A_251 = arith.constant 0 : i32
      %dma_start3A_252 = arith.constant 0 : i32
      %dma_start3A_253 = tpu.memref_slice %arg10[%dma_start3A_251, %dma_start3A_252] : memref<10240x32xf32, #tpu.memory_space<vmem_shared>> -> memref<10240x32xf32, #tpu.memory_space<vmem_shared>>
      %dma_start3A_254 = tpu.memref_slice %arg12[%dma_start3A_243] : memref<4x!tpu.dma_semaphore, #tpu.memory_space<semaphore_mem>> -> memref<1x!tpu.dma_semaphore, #tpu.memory_space<semaphore_mem>>
      %dma_start3A_255 = tpu.memref_squeeze %dma_start3A_254 : memref<1x!tpu.dma_semaphore, #tpu.memory_space<semaphore_mem>> -> memref<!tpu.dma_semaphore, #tpu.memory_space<semaphore_mem>>
      tpu.enqueue_indirect_dma source(%dma_start3A_253 : memref<10240x32xf32, #tpu.memory_space<vmem_shared>>) target(%dma_start3A_247 : memref<128x32xf32, #tpu.memory_space<vmem>>) offsets(%dma_start3A_250 : memref<128xi32, #tpu.memory_space<vmem>>) semaphore(%dma_start3A_255 : memref<!tpu.dma_semaphore, #tpu.memory_space<semaphore_mem>>)
      %add3A_256 = arith.constant 1 : i32
      %add3A_257 = arith.addi %mul3A_218, %add3A_256 : i32
      %dma_wait3A_258 = arith.constant 1 : i32
      %dma_wait3A_259 = arith.constant 1 : i32
      %dma_wait3A_260 = arith.constant 0 : i32
      %dma_wait3A_261 = arith.constant 0 : i32
      %dma_wait3A_262 = tpu.memref_slice %arg9[%dma_wait3A_258, %dma_wait3A_260, %dma_wait3A_261] : memref<4x128x32xf32, #tpu.memory_space<vmem>> -> memref<1x128x32xf32, #tpu.memory_space<vmem>>
      %dma_wait3A_263 = tpu.memref_squeeze %dma_wait3A_262 : memref<1x128x32xf32, #tpu.memory_space<vmem>> -> memref<128x32xf32, #tpu.memory_space<vmem>>
      %dma_wait3A_264 = arith.constant 0 : i32
      %dma_wait3A_265 = tpu.memref_slice %arg7[%add3A_257, %dma_wait3A_264] : memref<160x128xi32, #tpu.memory_space<vmem>> -> memref<1x128xi32, #tpu.memory_space<vmem>>
      %dma_wait3A_266 = tpu.memref_squeeze %dma_wait3A_265 : memref<1x128xi32, #tpu.memory_space<vmem>> -> memref<128xi32, #tpu.memory_space<vmem>>
      %dma_wait3A_267 = arith.constant 0 : i32
      %dma_wait3A_268 = arith.constant 0 : i32
      %dma_wait3A_269 = tpu.memref_slice %arg10[%dma_wait3A_267, %dma_wait3A_268] : memref<10240x32xf32, #tpu.memory_space<vmem_shared>> -> memref<10240x32xf32, #tpu.memory_space<vmem_shared>>
      %dma_wait3A_270 = tpu.memref_slice %arg12[%dma_wait3A_259] : memref<4x!tpu.dma_semaphore, #tpu.memory_space<semaphore_mem>> -> memref<1x!tpu.dma_semaphore, #tpu.memory_space<semaphore_mem>>
      %dma_wait3A_271 = tpu.memref_squeeze %dma_wait3A_270 : memref<1x!tpu.dma_semaphore, #tpu.memory_space<semaphore_mem>> -> memref<!tpu.dma_semaphore, #tpu.memory_space<semaphore_mem>>
      tpu.wait_indirect_dma semaphore(%dma_wait3A_271 : memref<!tpu.dma_semaphore, #tpu.memory_space<semaphore_mem>>) src(%dma_wait3A_269 : memref<10240x32xf32, #tpu.memory_space<vmem_shared>>) dst(%dma_wait3A_263 : memref<128x32xf32, #tpu.memory_space<vmem>>)
      %add3A_272 = arith.constant 1 : i32
      %add3A_273 = arith.addi %mul3A_218, %add3A_272 : i32
      %run_scoped3A_274 = arith.constant 1 : i32
      "tpu.region"() ({
        %run_scoped3A_367 = tpu.sem_alloc : memref<!tpu.dma_semaphore, #tpu.memory_space<semaphore_mem>>
        %dma_start3A_368 = arith.constant 0 : i32
        %dma_start3A_369 = arith.constant 0 : i32
        %dma_start3A_370 = tpu.memref_slice %arg9[%run_scoped3A_274, %dma_start3A_368, %dma_start3A_369] : memref<4x128x32xf32, #tpu.memory_space<vmem>> -> memref<1x128x32xf32, #tpu.memory_space<vmem>>
        %dma_start3A_371 = tpu.memref_squeeze %dma_start3A_370 : memref<1x128x32xf32, #tpu.memory_space<vmem>> -> memref<128x32xf32, #tpu.memory_space<vmem>>
        %dma_start3A_372 = arith.constant 0 : i32
        %dma_start3A_373 = tpu.memref_slice %arg8[%add3A_273, %dma_start3A_372] : memref<160x128xi32, #tpu.memory_space<vmem>> -> memref<1x128xi32, #tpu.memory_space<vmem>>
        %dma_start3A_374 = tpu.memref_squeeze %dma_start3A_373 : memref<1x128xi32, #tpu.memory_space<vmem>> -> memref<128xi32, #tpu.memory_space<vmem>>
        %dma_start3A_375 = arith.constant 0 : i32
        %dma_start3A_376 = arith.constant 0 : i32
        %dma_start3A_377 = tpu.memref_slice %arg11[%dma_start3A_375, %dma_start3A_376] : memref<10240x32xf32, #tpu.memory_space<vmem_shared>> -> memref<10240x32xf32, #tpu.memory_space<vmem_shared>>
        tpu.enqueue_indirect_dma source(%dma_start3A_371 : memref<128x32xf32, #tpu.memory_space<vmem>>) target(%dma_start3A_377 : memref<10240x32xf32, #tpu.memory_space<vmem_shared>>) offsets(%dma_start3A_374 : memref<128xi32, #tpu.memory_space<vmem>>) semaphore(%run_scoped3A_367 : memref<!tpu.dma_semaphore, #tpu.memory_space<semaphore_mem>>) {add = true}
        %dma_wait3A_378 = arith.constant 0 : i32
        %dma_wait3A_379 = arith.constant 0 : i32
        %dma_wait3A_380 = tpu.memref_slice %arg9[%run_scoped3A_274, %dma_wait3A_378, %dma_wait3A_379] : memref<4x128x32xf32, #tpu.memory_space<vmem>> -> memref<1x128x32xf32, #tpu.memory_space<vmem>>
        %dma_wait3A_381 = tpu.memref_squeeze %dma_wait3A_380 : memref<1x128x32xf32, #tpu.memory_space<vmem>> -> memref<128x32xf32, #tpu.memory_space<vmem>>
        %dma_wait3A_382 = arith.constant 0 : i32
        %dma_wait3A_383 = tpu.memref_slice %arg8[%add3A_273, %dma_wait3A_382] : memref<160x128xi32, #tpu.memory_space<vmem>> -> memref<1x128xi32, #tpu.memory_space<vmem>>
        %dma_wait3A_384 = tpu.memref_squeeze %dma_wait3A_383 : memref<1x128xi32, #tpu.memory_space<vmem>> -> memref<128xi32, #tpu.memory_space<vmem>>
        %dma_wait3A_385 = arith.constant 0 : i32
        %dma_wait3A_386 = arith.constant 0 : i32
        %dma_wait3A_387 = tpu.memref_slice %arg11[%dma_wait3A_385, %dma_wait3A_386] : memref<10240x32xf32, #tpu.memory_space<vmem_shared>> -> memref<10240x32xf32, #tpu.memory_space<vmem_shared>>
        tpu.wait_indirect_dma semaphore(%run_scoped3A_367 : memref<!tpu.dma_semaphore, #tpu.memory_space<semaphore_mem>>) src(%dma_wait3A_381 : memref<128x32xf32, #tpu.memory_space<vmem>>) dst(%dma_wait3A_387 : memref<10240x32xf32, #tpu.memory_space<vmem_shared>>)
        tpu.yield
      }) : () -> ()
      %add3A_275 = arith.constant 1 : i32
      %add3A_276 = arith.addi %mul3A_218, %add3A_275 : i32
      %add3A_277 = arith.constant 4 : i32
      %add3A_278 = arith.addi %add3A_276, %add3A_277 : i32
      %dma_start3A_279 = arith.constant 1 : i32
      %dma_start3A_280 = arith.constant 1 : i32
      %dma_start3A_281 = arith.constant 0 : i32
      %dma_start3A_282 = arith.constant 0 : i32
      %dma_start3A_283 = tpu.memref_slice %arg9[%dma_start3A_279, %dma_start3A_281, %dma_start3A_282] : memref<4x128x32xf32, #tpu.memory_space<vmem>> -> memref<1x128x32xf32, #tpu.memory_space<vmem>>
      %dma_start3A_284 = tpu.memref_squeeze %dma_start3A_283 : memref<1x128x32xf32, #tpu.memory_space<vmem>> -> memref<128x32xf32, #tpu.memory_space<vmem>>
      %dma_start3A_285 = arith.constant 0 : i32
      %dma_start3A_286 = tpu.memref_slice %arg7[%add3A_278, %dma_start3A_285] : memref<160x128xi32, #tpu.memory_space<vmem>> -> memref<1x128xi32, #tpu.memory_space<vmem>>
      %dma_start3A_287 = tpu.memref_squeeze %dma_start3A_286 : memref<1x128xi32, #tpu.memory_space<vmem>> -> memref<128xi32, #tpu.memory_space<vmem>>
      %dma_start3A_288 = arith.constant 0 : i32
      %dma_start3A_289 = arith.constant 0 : i32
      %dma_start3A_290 = tpu.memref_slice %arg10[%dma_start3A_288, %dma_start3A_289] : memref<10240x32xf32, #tpu.memory_space<vmem_shared>> -> memref<10240x32xf32, #tpu.memory_space<vmem_shared>>
      %dma_start3A_291 = tpu.memref_slice %arg12[%dma_start3A_280] : memref<4x!tpu.dma_semaphore, #tpu.memory_space<semaphore_mem>> -> memref<1x!tpu.dma_semaphore, #tpu.memory_space<semaphore_mem>>
      %dma_start3A_292 = tpu.memref_squeeze %dma_start3A_291 : memref<1x!tpu.dma_semaphore, #tpu.memory_space<semaphore_mem>> -> memref<!tpu.dma_semaphore, #tpu.memory_space<semaphore_mem>>
      tpu.enqueue_indirect_dma source(%dma_start3A_290 : memref<10240x32xf32, #tpu.memory_space<vmem_shared>>) target(%dma_start3A_284 : memref<128x32xf32, #tpu.memory_space<vmem>>) offsets(%dma_start3A_287 : memref<128xi32, #tpu.memory_space<vmem>>) semaphore(%dma_start3A_292 : memref<!tpu.dma_semaphore, #tpu.memory_space<semaphore_mem>>)
      %add3A_293 = arith.constant 2 : i32
      %add3A_294 = arith.addi %mul3A_218, %add3A_293 : i32
      %dma_wait3A_295 = arith.constant 2 : i32
      %dma_wait3A_296 = arith.constant 2 : i32
      %dma_wait3A_297 = arith.constant 0 : i32
      %dma_wait3A_298 = arith.constant 0 : i32
      %dma_wait3A_299 = tpu.memref_slice %arg9[%dma_wait3A_295, %dma_wait3A_297, %dma_wait3A_298] : memref<4x128x32xf32, #tpu.memory_space<vmem>> -> memref<1x128x32xf32, #tpu.memory_space<vmem>>
      %dma_wait3A_300 = tpu.memref_squeeze %dma_wait3A_299 : memref<1x128x32xf32, #tpu.memory_space<vmem>> -> memref<128x32xf32, #tpu.memory_space<vmem>>
      %dma_wait3A_301 = arith.constant 0 : i32
      %dma_wait3A_302 = tpu.memref_slice %arg7[%add3A_294, %dma_wait3A_301] : memref<160x128xi32, #tpu.memory_space<vmem>> -> memref<1x128xi32, #tpu.memory_space<vmem>>
      %dma_wait3A_303 = tpu.memref_squeeze %dma_wait3A_302 : memref<1x128xi32, #tpu.memory_space<vmem>> -> memref<128xi32, #tpu.memory_space<vmem>>
      %dma_wait3A_304 = arith.constant 0 : i32
      %dma_wait3A_305 = arith.constant 0 : i32
      %dma_wait3A_306 = tpu.memref_slice %arg10[%dma_wait3A_304, %dma_wait3A_305] : memref<10240x32xf32, #tpu.memory_space<vmem_shared>> -> memref<10240x32xf32, #tpu.memory_space<vmem_shared>>
      %dma_wait3A_307 = tpu.memref_slice %arg12[%dma_wait3A_296] : memref<4x!tpu.dma_semaphore, #tpu.memory_space<semaphore_mem>> -> memref<1x!tpu.dma_semaphore, #tpu.memory_space<semaphore_mem>>
      %dma_wait3A_308 = tpu.memref_squeeze %dma_wait3A_307 : memref<1x!tpu.dma_semaphore, #tpu.memory_space<semaphore_mem>> -> memref<!tpu.dma_semaphore, #tpu.memory_space<semaphore_mem>>
      tpu.wait_indirect_dma semaphore(%dma_wait3A_308 : memref<!tpu.dma_semaphore, #tpu.memory_space<semaphore_mem>>) src(%dma_wait3A_306 : memref<10240x32xf32, #tpu.memory_space<vmem_shared>>) dst(%dma_wait3A_300 : memref<128x32xf32, #tpu.memory_space<vmem>>)
      %add3A_309 = arith.constant 2 : i32
      %add3A_310 = arith.addi %mul3A_218, %add3A_309 : i32
      %run_scoped3A_311 = arith.constant 2 : i32
      "tpu.region"() ({
        %run_scoped3A_367 = tpu.sem_alloc : memref<!tpu.dma_semaphore, #tpu.memory_space<semaphore_mem>>
        %dma_start3A_368 = arith.constant 0 : i32
        %dma_start3A_369 = arith.constant 0 : i32
        %dma_start3A_370 = tpu.memref_slice %arg9[%run_scoped3A_311, %dma_start3A_368, %dma_start3A_369] : memref<4x128x32xf32, #tpu.memory_space<vmem>> -> memref<1x128x32xf32, #tpu.memory_space<vmem>>
        %dma_start3A_371 = tpu.memref_squeeze %dma_start3A_370 : memref<1x128x32xf32, #tpu.memory_space<vmem>> -> memref<128x32xf32, #tpu.memory_space<vmem>>
        %dma_start3A_372 = arith.constant 0 : i32
        %dma_start3A_373 = tpu.memref_slice %arg8[%add3A_310, %dma_start3A_372] : memref<160x128xi32, #tpu.memory_space<vmem>> -> memref<1x128xi32, #tpu.memory_space<vmem>>
        %dma_start3A_374 = tpu.memref_squeeze %dma_start3A_373 : memref<1x128xi32, #tpu.memory_space<vmem>> -> memref<128xi32, #tpu.memory_space<vmem>>
        %dma_start3A_375 = arith.constant 0 : i32
        %dma_start3A_376 = arith.constant 0 : i32
        %dma_start3A_377 = tpu.memref_slice %arg11[%dma_start3A_375, %dma_start3A_376] : memref<10240x32xf32, #tpu.memory_space<vmem_shared>> -> memref<10240x32xf32, #tpu.memory_space<vmem_shared>>
        tpu.enqueue_indirect_dma source(%dma_start3A_371 : memref<128x32xf32, #tpu.memory_space<vmem>>) target(%dma_start3A_377 : memref<10240x32xf32, #tpu.memory_space<vmem_shared>>) offsets(%dma_start3A_374 : memref<128xi32, #tpu.memory_space<vmem>>) semaphore(%run_scoped3A_367 : memref<!tpu.dma_semaphore, #tpu.memory_space<semaphore_mem>>) {add = true}
        %dma_wait3A_378 = arith.constant 0 : i32
        %dma_wait3A_379 = arith.constant 0 : i32
        %dma_wait3A_380 = tpu.memref_slice %arg9[%run_scoped3A_311, %dma_wait3A_378, %dma_wait3A_379] : memref<4x128x32xf32, #tpu.memory_space<vmem>> -> memref<1x128x32xf32, #tpu.memory_space<vmem>>
        %dma_wait3A_381 = tpu.memref_squeeze %dma_wait3A_380 : memref<1x128x32xf32, #tpu.memory_space<vmem>> -> memref<128x32xf32, #tpu.memory_space<vmem>>
        %dma_wait3A_382 = arith.constant 0 : i32
        %dma_wait3A_383 = tpu.memref_slice %arg8[%add3A_310, %dma_wait3A_382] : memref<160x128xi32, #tpu.memory_space<vmem>> -> memref<1x128xi32, #tpu.memory_space<vmem>>
        %dma_wait3A_384 = tpu.memref_squeeze %dma_wait3A_383 : memref<1x128xi32, #tpu.memory_space<vmem>> -> memref<128xi32, #tpu.memory_space<vmem>>
        %dma_wait3A_385 = arith.constant 0 : i32
        %dma_wait3A_386 = arith.constant 0 : i32
        %dma_wait3A_387 = tpu.memref_slice %arg11[%dma_wait3A_385, %dma_wait3A_386] : memref<10240x32xf32, #tpu.memory_space<vmem_shared>> -> memref<10240x32xf32, #tpu.memory_space<vmem_shared>>
        tpu.wait_indirect_dma semaphore(%run_scoped3A_367 : memref<!tpu.dma_semaphore, #tpu.memory_space<semaphore_mem>>) src(%dma_wait3A_381 : memref<128x32xf32, #tpu.memory_space<vmem>>) dst(%dma_wait3A_387 : memref<10240x32xf32, #tpu.memory_space<vmem_shared>>)
        tpu.yield
      }) : () -> ()
      %add3A_312 = arith.constant 2 : i32
      %add3A_313 = arith.addi %mul3A_218, %add3A_312 : i32
      %add3A_314 = arith.constant 4 : i32
      %add3A_315 = arith.addi %add3A_313, %add3A_314 : i32
      %dma_start3A_316 = arith.constant 2 : i32
      %dma_start3A_317 = arith.constant 2 : i32
      %dma_start3A_318 = arith.constant 0 : i32
      %dma_start3A_319 = arith.constant 0 : i32
      %dma_start3A_320 = tpu.memref_slice %arg9[%dma_start3A_316, %dma_start3A_318, %dma_start3A_319] : memref<4x128x32xf32, #tpu.memory_space<vmem>> -> memref<1x128x32xf32, #tpu.memory_space<vmem>>
      %dma_start3A_321 = tpu.memref_squeeze %dma_start3A_320 : memref<1x128x32xf32, #tpu.memory_space<vmem>> -> memref<128x32xf32, #tpu.memory_space<vmem>>
      %dma_start3A_322 = arith.constant 0 : i32
      %dma_start3A_323 = tpu.memref_slice %arg7[%add3A_315, %dma_start3A_322] : memref<160x128xi32, #tpu.memory_space<vmem>> -> memref<1x128xi32, #tpu.memory_space<vmem>>
      %dma_start3A_324 = tpu.memref_squeeze %dma_start3A_323 : memref<1x128xi32, #tpu.memory_space<vmem>> -> memref<128xi32, #tpu.memory_space<vmem>>
      %dma_start3A_325 = arith.constant 0 : i32
      %dma_start3A_326 = arith.constant 0 : i32
      %dma_start3A_327 = tpu.memref_slice %arg10[%dma_start3A_325, %dma_start3A_326] : memref<10240x32xf32, #tpu.memory_space<vmem_shared>> -> memref<10240x32xf32, #tpu.memory_space<vmem_shared>>
      %dma_start3A_328 = tpu.memref_slice %arg12[%dma_start3A_317] : memref<4x!tpu.dma_semaphore, #tpu.memory_space<semaphore_mem>> -> memref<1x!tpu.dma_semaphore, #tpu.memory_space<semaphore_mem>>
      %dma_start3A_329 = tpu.memref_squeeze %dma_start3A_328 : memref<1x!tpu.dma_semaphore, #tpu.memory_space<semaphore_mem>> -> memref<!tpu.dma_semaphore, #tpu.memory_space<semaphore_mem>>
      tpu.enqueue_indirect_dma source(%dma_start3A_327 : memref<10240x32xf32, #tpu.memory_space<vmem_shared>>) target(%dma_start3A_321 : memref<128x32xf32, #tpu.memory_space<vmem>>) offsets(%dma_start3A_324 : memref<128xi32, #tpu.memory_space<vmem>>) semaphore(%dma_start3A_329 : memref<!tpu.dma_semaphore, #tpu.memory_space<semaphore_mem>>)
      %add3A_330 = arith.constant 3 : i32
      %add3A_331 = arith.addi %mul3A_218, %add3A_330 : i32
      %dma_wait3A_332 = arith.constant 3 : i32
      %dma_wait3A_333 = arith.constant 3 : i32
      %dma_wait3A_334 = arith.constant 0 : i32
      %dma_wait3A_335 = arith.constant 0 : i32
      %dma_wait3A_336 = tpu.memref_slice %arg9[%dma_wait3A_332, %dma_wait3A_334, %dma_wait3A_335] : memref<4x128x32xf32, #tpu.memory_space<vmem>> -> memref<1x128x32xf32, #tpu.memory_space<vmem>>
      %dma_wait3A_337 = tpu.memref_squeeze %dma_wait3A_336 : memref<1x128x32xf32, #tpu.memory_space<vmem>> -> memref<128x32xf32, #tpu.memory_space<vmem>>
      %dma_wait3A_338 = arith.constant 0 : i32
      %dma_wait3A_339 = tpu.memref_slice %arg7[%add3A_331, %dma_wait3A_338] : memref<160x128xi32, #tpu.memory_space<vmem>> -> memref<1x128xi32, #tpu.memory_space<vmem>>
      %dma_wait3A_340 = tpu.memref_squeeze %dma_wait3A_339 : memref<1x128xi32, #tpu.memory_space<vmem>> -> memref<128xi32, #tpu.memory_space<vmem>>
      %dma_wait3A_341 = arith.constant 0 : i32
      %dma_wait3A_342 = arith.constant 0 : i32
      %dma_wait3A_343 = tpu.memref_slice %arg10[%dma_wait3A_341, %dma_wait3A_342] : memref<10240x32xf32, #tpu.memory_space<vmem_shared>> -> memref<10240x32xf32, #tpu.memory_space<vmem_shared>>
      %dma_wait3A_344 = tpu.memref_slice %arg12[%dma_wait3A_333] : memref<4x!tpu.dma_semaphore, #tpu.memory_space<semaphore_mem>> -> memref<1x!tpu.dma_semaphore, #tpu.memory_space<semaphore_mem>>
      %dma_wait3A_345 = tpu.memref_squeeze %dma_wait3A_344 : memref<1x!tpu.dma_semaphore, #tpu.memory_space<semaphore_mem>> -> memref<!tpu.dma_semaphore, #tpu.memory_space<semaphore_mem>>
      tpu.wait_indirect_dma semaphore(%dma_wait3A_345 : memref<!tpu.dma_semaphore, #tpu.memory_space<semaphore_mem>>) src(%dma_wait3A_343 : memref<10240x32xf32, #tpu.memory_space<vmem_shared>>) dst(%dma_wait3A_337 : memref<128x32xf32, #tpu.memory_space<vmem>>)
      %add3A_346 = arith.constant 3 : i32
      %add3A_347 = arith.addi %mul3A_218, %add3A_346 : i32
      %run_scoped3A_348 = arith.constant 3 : i32
      "tpu.region"() ({
        %run_scoped3A_367 = tpu.sem_alloc : memref<!tpu.dma_semaphore, #tpu.memory_space<semaphore_mem>>
        %dma_start3A_368 = arith.constant 0 : i32
        %dma_start3A_369 = arith.constant 0 : i32
        %dma_start3A_370 = tpu.memref_slice %arg9[%run_scoped3A_348, %dma_start3A_368, %dma_start3A_369] : memref<4x128x32xf32, #tpu.memory_space<vmem>> -> memref<1x128x32xf32, #tpu.memory_space<vmem>>
        %dma_start3A_371 = tpu.memref_squeeze %dma_start3A_370 : memref<1x128x32xf32, #tpu.memory_space<vmem>> -> memref<128x32xf32, #tpu.memory_space<vmem>>
        %dma_start3A_372 = arith.constant 0 : i32
        %dma_start3A_373 = tpu.memref_slice %arg8[%add3A_347, %dma_start3A_372] : memref<160x128xi32, #tpu.memory_space<vmem>> -> memref<1x128xi32, #tpu.memory_space<vmem>>
        %dma_start3A_374 = tpu.memref_squeeze %dma_start3A_373 : memref<1x128xi32, #tpu.memory_space<vmem>> -> memref<128xi32, #tpu.memory_space<vmem>>
        %dma_start3A_375 = arith.constant 0 : i32
        %dma_start3A_376 = arith.constant 0 : i32
        %dma_start3A_377 = tpu.memref_slice %arg11[%dma_start3A_375, %dma_start3A_376] : memref<10240x32xf32, #tpu.memory_space<vmem_shared>> -> memref<10240x32xf32, #tpu.memory_space<vmem_shared>>
        tpu.enqueue_indirect_dma source(%dma_start3A_371 : memref<128x32xf32, #tpu.memory_space<vmem>>) target(%dma_start3A_377 : memref<10240x32xf32, #tpu.memory_space<vmem_shared>>) offsets(%dma_start3A_374 : memref<128xi32, #tpu.memory_space<vmem>>) semaphore(%run_scoped3A_367 : memref<!tpu.dma_semaphore, #tpu.memory_space<semaphore_mem>>) {add = true}
        %dma_wait3A_378 = arith.constant 0 : i32
        %dma_wait3A_379 = arith.constant 0 : i32
        %dma_wait3A_380 = tpu.memref_slice %arg9[%run_scoped3A_348, %dma_wait3A_378, %dma_wait3A_379] : memref<4x128x32xf32, #tpu.memory_space<vmem>> -> memref<1x128x32xf32, #tpu.memory_space<vmem>>
        %dma_wait3A_381 = tpu.memref_squeeze %dma_wait3A_380 : memref<1x128x32xf32, #tpu.memory_space<vmem>> -> memref<128x32xf32, #tpu.memory_space<vmem>>
        %dma_wait3A_382 = arith.constant 0 : i32
        %dma_wait3A_383 = tpu.memref_slice %arg8[%add3A_347, %dma_wait3A_382] : memref<160x128xi32, #tpu.memory_space<vmem>> -> memref<1x128xi32, #tpu.memory_space<vmem>>
        %dma_wait3A_384 = tpu.memref_squeeze %dma_wait3A_383 : memref<1x128xi32, #tpu.memory_space<vmem>> -> memref<128xi32, #tpu.memory_space<vmem>>
        %dma_wait3A_385 = arith.constant 0 : i32
        %dma_wait3A_386 = arith.constant 0 : i32
        %dma_wait3A_387 = tpu.memref_slice %arg11[%dma_wait3A_385, %dma_wait3A_386] : memref<10240x32xf32, #tpu.memory_space<vmem_shared>> -> memref<10240x32xf32, #tpu.memory_space<vmem_shared>>
        tpu.wait_indirect_dma semaphore(%run_scoped3A_367 : memref<!tpu.dma_semaphore, #tpu.memory_space<semaphore_mem>>) src(%dma_wait3A_381 : memref<128x32xf32, #tpu.memory_space<vmem>>) dst(%dma_wait3A_387 : memref<10240x32xf32, #tpu.memory_space<vmem_shared>>)
        tpu.yield
      }) : () -> ()
      %add3A_349 = arith.constant 3 : i32
      %add3A_350 = arith.addi %mul3A_218, %add3A_349 : i32
      %add3A_351 = arith.constant 4 : i32
      %add3A_352 = arith.addi %add3A_350, %add3A_351 : i32
      %dma_start3A_353 = arith.constant 3 : i32
      %dma_start3A_354 = arith.constant 3 : i32
      %dma_start3A_355 = arith.constant 0 : i32
      %dma_start3A_356 = arith.constant 0 : i32
      %dma_start3A_357 = tpu.memref_slice %arg9[%dma_start3A_353, %dma_start3A_355, %dma_start3A_356] : memref<4x128x32xf32, #tpu.memory_space<vmem>> -> memref<1x128x32xf32, #tpu.memory_space<vmem>>
      %dma_start3A_358 = tpu.memref_squeeze %dma_start3A_357 : memref<1x128x32xf32, #tpu.memory_space<vmem>> -> memref<128x32xf32, #tpu.memory_space<vmem>>
      %dma_start3A_359 = arith.constant 0 : i32
      %dma_start3A_360 = tpu.memref_slice %arg7[%add3A_352, %dma_start3A_359] : memref<160x128xi32, #tpu.memory_space<vmem>> -> memref<1x128xi32, #tpu.memory_space<vmem>>
      %dma_start3A_361 = tpu.memref_squeeze %dma_start3A_360 : memref<1x128xi32, #tpu.memory_space<vmem>> -> memref<128xi32, #tpu.memory_space<vmem>>
      %dma_start3A_362 = arith.constant 0 : i32
      %dma_start3A_363 = arith.constant 0 : i32
      %dma_start3A_364 = tpu.memref_slice %arg10[%dma_start3A_362, %dma_start3A_363] : memref<10240x32xf32, #tpu.memory_space<vmem_shared>> -> memref<10240x32xf32, #tpu.memory_space<vmem_shared>>
      %dma_start3A_365 = tpu.memref_slice %arg12[%dma_start3A_354] : memref<4x!tpu.dma_semaphore, #tpu.memory_space<semaphore_mem>> -> memref<1x!tpu.dma_semaphore, #tpu.memory_space<semaphore_mem>>
      %dma_start3A_366 = tpu.memref_squeeze %dma_start3A_365 : memref<1x!tpu.dma_semaphore, #tpu.memory_space<semaphore_mem>> -> memref<!tpu.dma_semaphore, #tpu.memory_space<semaphore_mem>>
      tpu.enqueue_indirect_dma source(%dma_start3A_364 : memref<10240x32xf32, #tpu.memory_space<vmem_shared>>) target(%dma_start3A_358 : memref<128x32xf32, #tpu.memory_space<vmem>>) offsets(%dma_start3A_361 : memref<128xi32, #tpu.memory_space<vmem>>) semaphore(%dma_start3A_366 : memref<!tpu.dma_semaphore, #tpu.memory_space<semaphore_mem>>)
    }
    %scan3A_140 = arith.constant 39 : i32
    %dma_wait3A_141 = arith.constant 156 : i32
    %dma_wait3A_142 = arith.constant 0 : i32
    %dma_wait3A_143 = arith.constant 0 : i32
    %dma_wait3A_144 = arith.constant 0 : i32
    %dma_wait3A_145 = arith.constant 0 : i32
    %dma_wait3A_146 = tpu.memref_slice %arg9[%dma_wait3A_142, %dma_wait3A_144, %dma_wait3A_145] : memref<4x128x32xf32, #tpu.memory_space<vmem>> -> memref<1x128x32xf32, #tpu.memory_space<vmem>>
    %dma_wait3A_147 = tpu.memref_squeeze %dma_wait3A_146 : memref<1x128x32xf32, #tpu.memory_space<vmem>> -> memref<128x32xf32, #tpu.memory_space<vmem>>
    %dma_wait3A_148 = arith.constant 0 : i32
    %dma_wait3A_149 = tpu.memref_slice %arg7[%dma_wait3A_141, %dma_wait3A_148] : memref<160x128xi32, #tpu.memory_space<vmem>> -> memref<1x128xi32, #tpu.memory_space<vmem>>
    %dma_wait3A_150 = tpu.memref_squeeze %dma_wait3A_149 : memref<1x128xi32, #tpu.memory_space<vmem>> -> memref<128xi32, #tpu.memory_space<vmem>>
    %dma_wait3A_151 = arith.constant 0 : i32
    %dma_wait3A_152 = arith.constant 0 : i32
    %dma_wait3A_153 = tpu.memref_slice %arg10[%dma_wait3A_151, %dma_wait3A_152] : memref<10240x32xf32, #tpu.memory_space<vmem_shared>> -> memref<10240x32xf32, #tpu.memory_space<vmem_shared>>
    %dma_wait3A_154 = tpu.memref_slice %arg12[%dma_wait3A_143] : memref<4x!tpu.dma_semaphore, #tpu.memory_space<semaphore_mem>> -> memref<1x!tpu.dma_semaphore, #tpu.memory_space<semaphore_mem>>
    %dma_wait3A_155 = tpu.memref_squeeze %dma_wait3A_154 : memref<1x!tpu.dma_semaphore, #tpu.memory_space<semaphore_mem>> -> memref<!tpu.dma_semaphore, #tpu.memory_space<semaphore_mem>>
    tpu.wait_indirect_dma semaphore(%dma_wait3A_155 : memref<!tpu.dma_semaphore, #tpu.memory_space<semaphore_mem>>) src(%dma_wait3A_153 : memref<10240x32xf32, #tpu.memory_space<vmem_shared>>) dst(%dma_wait3A_147 : memref<128x32xf32, #tpu.memory_space<vmem>>)
    %run_scoped3A = arith.constant 0 : i32
    %run_scoped3A_156 = arith.constant 156 : i32
    "tpu.region"() ({
      %run_scoped3A_213 = tpu.sem_alloc : memref<!tpu.dma_semaphore, #tpu.memory_space<semaphore_mem>>
      %dma_start3A_214 = arith.constant 0 : i32
      %dma_start3A_215 = arith.constant 0 : i32
      %dma_start3A_216 = tpu.memref_slice %arg9[%run_scoped3A, %dma_start3A_214, %dma_start3A_215] : memref<4x128x32xf32, #tpu.memory_space<vmem>> -> memref<1x128x32xf32, #tpu.memory_space<vmem>>
      %dma_start3A_217 = tpu.memref_squeeze %dma_start3A_216 : memref<1x128x32xf32, #tpu.memory_space<vmem>> -> memref<128x32xf32, #tpu.memory_space<vmem>>
      %dma_start3A_218 = arith.constant 0 : i32
      %dma_start3A_219 = tpu.memref_slice %arg8[%run_scoped3A_156, %dma_start3A_218] : memref<160x128xi32, #tpu.memory_space<vmem>> -> memref<1x128xi32, #tpu.memory_space<vmem>>
      %dma_start3A_220 = tpu.memref_squeeze %dma_start3A_219 : memref<1x128xi32, #tpu.memory_space<vmem>> -> memref<128xi32, #tpu.memory_space<vmem>>
      %dma_start3A_221 = arith.constant 0 : i32
      %dma_start3A_222 = arith.constant 0 : i32
      %dma_start3A_223 = tpu.memref_slice %arg11[%dma_start3A_221, %dma_start3A_222] : memref<10240x32xf32, #tpu.memory_space<vmem_shared>> -> memref<10240x32xf32, #tpu.memory_space<vmem_shared>>
      tpu.enqueue_indirect_dma source(%dma_start3A_217 : memref<128x32xf32, #tpu.memory_space<vmem>>) target(%dma_start3A_223 : memref<10240x32xf32, #tpu.memory_space<vmem_shared>>) offsets(%dma_start3A_220 : memref<128xi32, #tpu.memory_space<vmem>>) semaphore(%run_scoped3A_213 : memref<!tpu.dma_semaphore, #tpu.memory_space<semaphore_mem>>) {add = true}
      %dma_wait3A_224 = arith.constant 0 : i32
      %dma_wait3A_225 = arith.constant 0 : i32
      %dma_wait3A_226 = tpu.memref_slice %arg9[%run_scoped3A, %dma_wait3A_224, %dma_wait3A_225] : memref<4x128x32xf32, #tpu.memory_space<vmem>> -> memref<1x128x32xf32, #tpu.memory_space<vmem>>
      %dma_wait3A_227 = tpu.memref_squeeze %dma_wait3A_226 : memref<1x128x32xf32, #tpu.memory_space<vmem>> -> memref<128x32xf32, #tpu.memory_space<vmem>>
      %dma_wait3A_228 = arith.constant 0 : i32
      %dma_wait3A_229 = tpu.memref_slice %arg8[%run_scoped3A_156, %dma_wait3A_228] : memref<160x128xi32, #tpu.memory_space<vmem>> -> memref<1x128xi32, #tpu.memory_space<vmem>>
      %dma_wait3A_230 = tpu.memref_squeeze %dma_wait3A_229 : memref<1x128xi32, #tpu.memory_space<vmem>> -> memref<128xi32, #tpu.memory_space<vmem>>
      %dma_wait3A_231 = arith.constant 0 : i32
      %dma_wait3A_232 = arith.constant 0 : i32
      %dma_wait3A_233 = tpu.memref_slice %arg11[%dma_wait3A_231, %dma_wait3A_232] : memref<10240x32xf32, #tpu.memory_space<vmem_shared>> -> memref<10240x32xf32, #tpu.memory_space<vmem_shared>>
      tpu.wait_indirect_dma semaphore(%run_scoped3A_213 : memref<!tpu.dma_semaphore, #tpu.memory_space<semaphore_mem>>) src(%dma_wait3A_227 : memref<128x32xf32, #tpu.memory_space<vmem>>) dst(%dma_wait3A_233 : memref<10240x32xf32, #tpu.memory_space<vmem_shared>>)
      tpu.yield
    }) : () -> ()
    %dma_wait3A_157 = arith.constant 157 : i32
    %dma_wait3A_158 = arith.constant 1 : i32
    %dma_wait3A_159 = arith.constant 1 : i32
    %dma_wait3A_160 = arith.constant 0 : i32
    %dma_wait3A_161 = arith.constant 0 : i32
    %dma_wait3A_162 = tpu.memref_slice %arg9[%dma_wait3A_158, %dma_wait3A_160, %dma_wait3A_161] : memref<4x128x32xf32, #tpu.memory_space<vmem>> -> memref<1x128x32xf32, #tpu.memory_space<vmem>>
    %dma_wait3A_163 = tpu.memref_squeeze %dma_wait3A_162 : memref<1x128x32xf32, #tpu.memory_space<vmem>> -> memref<128x32xf32, #tpu.memory_space<vmem>>
    %dma_wait3A_164 = arith.constant 0 : i32
    %dma_wait3A_165 = tpu.memref_slice %arg7[%dma_wait3A_157, %dma_wait3A_164] : memref<160x128xi32, #tpu.memory_space<vmem>> -> memref<1x128xi32, #tpu.memory_space<vmem>>
    %dma_wait3A_166 = tpu.memref_squeeze %dma_wait3A_165 : memref<1x128xi32, #tpu.memory_space<vmem>> -> memref<128xi32, #tpu.memory_space<vmem>>
    %dma_wait3A_167 = arith.constant 0 : i32
    %dma_wait3A_168 = arith.constant 0 : i32
    %dma_wait3A_169 = tpu.memref_slice %arg10[%dma_wait3A_167, %dma_wait3A_168] : memref<10240x32xf32, #tpu.memory_space<vmem_shared>> -> memref<10240x32xf32, #tpu.memory_space<vmem_shared>>
    %dma_wait3A_170 = tpu.memref_slice %arg12[%dma_wait3A_159] : memref<4x!tpu.dma_semaphore, #tpu.memory_space<semaphore_mem>> -> memref<1x!tpu.dma_semaphore, #tpu.memory_space<semaphore_mem>>
    %dma_wait3A_171 = tpu.memref_squeeze %dma_wait3A_170 : memref<1x!tpu.dma_semaphore, #tpu.memory_space<semaphore_mem>> -> memref<!tpu.dma_semaphore, #tpu.memory_space<semaphore_mem>>
    tpu.wait_indirect_dma semaphore(%dma_wait3A_171 : memref<!tpu.dma_semaphore, #tpu.memory_space<semaphore_mem>>) src(%dma_wait3A_169 : memref<10240x32xf32, #tpu.memory_space<vmem_shared>>) dst(%dma_wait3A_163 : memref<128x32xf32, #tpu.memory_space<vmem>>)
    %run_scoped3A_172 = arith.constant 1 : i32
    %run_scoped3A_173 = arith.constant 157 : i32
    "tpu.region"() ({
      %run_scoped3A_213 = tpu.sem_alloc : memref<!tpu.dma_semaphore, #tpu.memory_space<semaphore_mem>>
      %dma_start3A_214 = arith.constant 0 : i32
      %dma_start3A_215 = arith.constant 0 : i32
      %dma_start3A_216 = tpu.memref_slice %arg9[%run_scoped3A_172, %dma_start3A_214, %dma_start3A_215] : memref<4x128x32xf32, #tpu.memory_space<vmem>> -> memref<1x128x32xf32, #tpu.memory_space<vmem>>
      %dma_start3A_217 = tpu.memref_squeeze %dma_start3A_216 : memref<1x128x32xf32, #tpu.memory_space<vmem>> -> memref<128x32xf32, #tpu.memory_space<vmem>>
      %dma_start3A_218 = arith.constant 0 : i32
      %dma_start3A_219 = tpu.memref_slice %arg8[%run_scoped3A_173, %dma_start3A_218] : memref<160x128xi32, #tpu.memory_space<vmem>> -> memref<1x128xi32, #tpu.memory_space<vmem>>
      %dma_start3A_220 = tpu.memref_squeeze %dma_start3A_219 : memref<1x128xi32, #tpu.memory_space<vmem>> -> memref<128xi32, #tpu.memory_space<vmem>>
      %dma_start3A_221 = arith.constant 0 : i32
      %dma_start3A_222 = arith.constant 0 : i32
      %dma_start3A_223 = tpu.memref_slice %arg11[%dma_start3A_221, %dma_start3A_222] : memref<10240x32xf32, #tpu.memory_space<vmem_shared>> -> memref<10240x32xf32, #tpu.memory_space<vmem_shared>>
      tpu.enqueue_indirect_dma source(%dma_start3A_217 : memref<128x32xf32, #tpu.memory_space<vmem>>) target(%dma_start3A_223 : memref<10240x32xf32, #tpu.memory_space<vmem_shared>>) offsets(%dma_start3A_220 : memref<128xi32, #tpu.memory_space<vmem>>) semaphore(%run_scoped3A_213 : memref<!tpu.dma_semaphore, #tpu.memory_space<semaphore_mem>>) {add = true}
      %dma_wait3A_224 = arith.constant 0 : i32
      %dma_wait3A_225 = arith.constant 0 : i32
      %dma_wait3A_226 = tpu.memref_slice %arg9[%run_scoped3A_172, %dma_wait3A_224, %dma_wait3A_225] : memref<4x128x32xf32, #tpu.memory_space<vmem>> -> memref<1x128x32xf32, #tpu.memory_space<vmem>>
      %dma_wait3A_227 = tpu.memref_squeeze %dma_wait3A_226 : memref<1x128x32xf32, #tpu.memory_space<vmem>> -> memref<128x32xf32, #tpu.memory_space<vmem>>
      %dma_wait3A_228 = arith.constant 0 : i32
      %dma_wait3A_229 = tpu.memref_slice %arg8[%run_scoped3A_173, %dma_wait3A_228] : memref<160x128xi32, #tpu.memory_space<vmem>> -> memref<1x128xi32, #tpu.memory_space<vmem>>
      %dma_wait3A_230 = tpu.memref_squeeze %dma_wait3A_229 : memref<1x128xi32, #tpu.memory_space<vmem>> -> memref<128xi32, #tpu.memory_space<vmem>>
      %dma_wait3A_231 = arith.constant 0 : i32
      %dma_wait3A_232 = arith.constant 0 : i32
      %dma_wait3A_233 = tpu.memref_slice %arg11[%dma_wait3A_231, %dma_wait3A_232] : memref<10240x32xf32, #tpu.memory_space<vmem_shared>> -> memref<10240x32xf32, #tpu.memory_space<vmem_shared>>
      tpu.wait_indirect_dma semaphore(%run_scoped3A_213 : memref<!tpu.dma_semaphore, #tpu.memory_space<semaphore_mem>>) src(%dma_wait3A_227 : memref<128x32xf32, #tpu.memory_space<vmem>>) dst(%dma_wait3A_233 : memref<10240x32xf32, #tpu.memory_space<vmem_shared>>)
      tpu.yield
    }) : () -> ()
    %dma_wait3A_174 = arith.constant 158 : i32
    %dma_wait3A_175 = arith.constant 2 : i32
    %dma_wait3A_176 = arith.constant 2 : i32
    %dma_wait3A_177 = arith.constant 0 : i32
    %dma_wait3A_178 = arith.constant 0 : i32
    %dma_wait3A_179 = tpu.memref_slice %arg9[%dma_wait3A_175, %dma_wait3A_177, %dma_wait3A_178] : memref<4x128x32xf32, #tpu.memory_space<vmem>> -> memref<1x128x32xf32, #tpu.memory_space<vmem>>
    %dma_wait3A_180 = tpu.memref_squeeze %dma_wait3A_179 : memref<1x128x32xf32, #tpu.memory_space<vmem>> -> memref<128x32xf32, #tpu.memory_space<vmem>>
    %dma_wait3A_181 = arith.constant 0 : i32
    %dma_wait3A_182 = tpu.memref_slice %arg7[%dma_wait3A_174, %dma_wait3A_181] : memref<160x128xi32, #tpu.memory_space<vmem>> -> memref<1x128xi32, #tpu.memory_space<vmem>>
    %dma_wait3A_183 = tpu.memref_squeeze %dma_wait3A_182 : memref<1x128xi32, #tpu.memory_space<vmem>> -> memref<128xi32, #tpu.memory_space<vmem>>
    %dma_wait3A_184 = arith.constant 0 : i32
    %dma_wait3A_185 = arith.constant 0 : i32
    %dma_wait3A_186 = tpu.memref_slice %arg10[%dma_wait3A_184, %dma_wait3A_185] : memref<10240x32xf32, #tpu.memory_space<vmem_shared>> -> memref<10240x32xf32, #tpu.memory_space<vmem_shared>>
    %dma_wait3A_187 = tpu.memref_slice %arg12[%dma_wait3A_176] : memref<4x!tpu.dma_semaphore, #tpu.memory_space<semaphore_mem>> -> memref<1x!tpu.dma_semaphore, #tpu.memory_space<semaphore_mem>>
    %dma_wait3A_188 = tpu.memref_squeeze %dma_wait3A_187 : memref<1x!tpu.dma_semaphore, #tpu.memory_space<semaphore_mem>> -> memref<!tpu.dma_semaphore, #tpu.memory_space<semaphore_mem>>
    tpu.wait_indirect_dma semaphore(%dma_wait3A_188 : memref<!tpu.dma_semaphore, #tpu.memory_space<semaphore_mem>>) src(%dma_wait3A_186 : memref<10240x32xf32, #tpu.memory_space<vmem_shared>>) dst(%dma_wait3A_180 : memref<128x32xf32, #tpu.memory_space<vmem>>)
    %run_scoped3A_189 = arith.constant 2 : i32
    %run_scoped3A_190 = arith.constant 158 : i32
    "tpu.region"() ({
      %run_scoped3A_213 = tpu.sem_alloc : memref<!tpu.dma_semaphore, #tpu.memory_space<semaphore_mem>>
      %dma_start3A_214 = arith.constant 0 : i32
      %dma_start3A_215 = arith.constant 0 : i32
      %dma_start3A_216 = tpu.memref_slice %arg9[%run_scoped3A_189, %dma_start3A_214, %dma_start3A_215] : memref<4x128x32xf32, #tpu.memory_space<vmem>> -> memref<1x128x32xf32, #tpu.memory_space<vmem>>
      %dma_start3A_217 = tpu.memref_squeeze %dma_start3A_216 : memref<1x128x32xf32, #tpu.memory_space<vmem>> -> memref<128x32xf32, #tpu.memory_space<vmem>>
      %dma_start3A_218 = arith.constant 0 : i32
      %dma_start3A_219 = tpu.memref_slice %arg8[%run_scoped3A_190, %dma_start3A_218] : memref<160x128xi32, #tpu.memory_space<vmem>> -> memref<1x128xi32, #tpu.memory_space<vmem>>
      %dma_start3A_220 = tpu.memref_squeeze %dma_start3A_219 : memref<1x128xi32, #tpu.memory_space<vmem>> -> memref<128xi32, #tpu.memory_space<vmem>>
      %dma_start3A_221 = arith.constant 0 : i32
      %dma_start3A_222 = arith.constant 0 : i32
      %dma_start3A_223 = tpu.memref_slice %arg11[%dma_start3A_221, %dma_start3A_222] : memref<10240x32xf32, #tpu.memory_space<vmem_shared>> -> memref<10240x32xf32, #tpu.memory_space<vmem_shared>>
      tpu.enqueue_indirect_dma source(%dma_start3A_217 : memref<128x32xf32, #tpu.memory_space<vmem>>) target(%dma_start3A_223 : memref<10240x32xf32, #tpu.memory_space<vmem_shared>>) offsets(%dma_start3A_220 : memref<128xi32, #tpu.memory_space<vmem>>) semaphore(%run_scoped3A_213 : memref<!tpu.dma_semaphore, #tpu.memory_space<semaphore_mem>>) {add = true}
      %dma_wait3A_224 = arith.constant 0 : i32
      %dma_wait3A_225 = arith.constant 0 : i32
      %dma_wait3A_226 = tpu.memref_slice %arg9[%run_scoped3A_189, %dma_wait3A_224, %dma_wait3A_225] : memref<4x128x32xf32, #tpu.memory_space<vmem>> -> memref<1x128x32xf32, #tpu.memory_space<vmem>>
      %dma_wait3A_227 = tpu.memref_squeeze %dma_wait3A_226 : memref<1x128x32xf32, #tpu.memory_space<vmem>> -> memref<128x32xf32, #tpu.memory_space<vmem>>
      %dma_wait3A_228 = arith.constant 0 : i32
      %dma_wait3A_229 = tpu.memref_slice %arg8[%run_scoped3A_190, %dma_wait3A_228] : memref<160x128xi32, #tpu.memory_space<vmem>> -> memref<1x128xi32, #tpu.memory_space<vmem>>
      %dma_wait3A_230 = tpu.memref_squeeze %dma_wait3A_229 : memref<1x128xi32, #tpu.memory_space<vmem>> -> memref<128xi32, #tpu.memory_space<vmem>>
      %dma_wait3A_231 = arith.constant 0 : i32
      %dma_wait3A_232 = arith.constant 0 : i32
      %dma_wait3A_233 = tpu.memref_slice %arg11[%dma_wait3A_231, %dma_wait3A_232] : memref<10240x32xf32, #tpu.memory_space<vmem_shared>> -> memref<10240x32xf32, #tpu.memory_space<vmem_shared>>
      tpu.wait_indirect_dma semaphore(%run_scoped3A_213 : memref<!tpu.dma_semaphore, #tpu.memory_space<semaphore_mem>>) src(%dma_wait3A_227 : memref<128x32xf32, #tpu.memory_space<vmem>>) dst(%dma_wait3A_233 : memref<10240x32xf32, #tpu.memory_space<vmem_shared>>)
      tpu.yield
    }) : () -> ()
    %dma_wait3A_191 = arith.constant 159 : i32
    %dma_wait3A_192 = arith.constant 3 : i32
    %dma_wait3A_193 = arith.constant 3 : i32
    %dma_wait3A_194 = arith.constant 0 : i32
    %dma_wait3A_195 = arith.constant 0 : i32
    %dma_wait3A_196 = tpu.memref_slice %arg9[%dma_wait3A_192, %dma_wait3A_194, %dma_wait3A_195] : memref<4x128x32xf32, #tpu.memory_space<vmem>> -> memref<1x128x32xf32, #tpu.memory_space<vmem>>
    %dma_wait3A_197 = tpu.memref_squeeze %dma_wait3A_196 : memref<1x128x32xf32, #tpu.memory_space<vmem>> -> memref<128x32xf32, #tpu.memory_space<vmem>>
    %dma_wait3A_198 = arith.constant 0 : i32
    %dma_wait3A_199 = tpu.memref_slice %arg7[%dma_wait3A_191, %dma_wait3A_198] : memref<160x128xi32, #tpu.memory_space<vmem>> -> memref<1x128xi32, #tpu.memory_space<vmem>>
    %dma_wait3A_200 = tpu.memref_squeeze %dma_wait3A_199 : memref<1x128xi32, #tpu.memory_space<vmem>> -> memref<128xi32, #tpu.memory_space<vmem>>
    %dma_wait3A_201 = arith.constant 0 : i32
    %dma_wait3A_202 = arith.constant 0 : i32
    %dma_wait3A_203 = tpu.memref_slice %arg10[%dma_wait3A_201, %dma_wait3A_202] : memref<10240x32xf32, #tpu.memory_space<vmem_shared>> -> memref<10240x32xf32, #tpu.memory_space<vmem_shared>>
    %dma_wait3A_204 = tpu.memref_slice %arg12[%dma_wait3A_193] : memref<4x!tpu.dma_semaphore, #tpu.memory_space<semaphore_mem>> -> memref<1x!tpu.dma_semaphore, #tpu.memory_space<semaphore_mem>>
    %dma_wait3A_205 = tpu.memref_squeeze %dma_wait3A_204 : memref<1x!tpu.dma_semaphore, #tpu.memory_space<semaphore_mem>> -> memref<!tpu.dma_semaphore, #tpu.memory_space<semaphore_mem>>
    tpu.wait_indirect_dma semaphore(%dma_wait3A_205 : memref<!tpu.dma_semaphore, #tpu.memory_space<semaphore_mem>>) src(%dma_wait3A_203 : memref<10240x32xf32, #tpu.memory_space<vmem_shared>>) dst(%dma_wait3A_197 : memref<128x32xf32, #tpu.memory_space<vmem>>)
    %run_scoped3A_206 = arith.constant 3 : i32
    %run_scoped3A_207 = arith.constant 159 : i32
    "tpu.region"() ({
      %run_scoped3A_213 = tpu.sem_alloc : memref<!tpu.dma_semaphore, #tpu.memory_space<semaphore_mem>>
      %dma_start3A_214 = arith.constant 0 : i32
      %dma_start3A_215 = arith.constant 0 : i32
      %dma_start3A_216 = tpu.memref_slice %arg9[%run_scoped3A_206, %dma_start3A_214, %dma_start3A_215] : memref<4x128x32xf32, #tpu.memory_space<vmem>> -> memref<1x128x32xf32, #tpu.memory_space<vmem>>
      %dma_start3A_217 = tpu.memref_squeeze %dma_start3A_216 : memref<1x128x32xf32, #tpu.memory_space<vmem>> -> memref<128x32xf32, #tpu.memory_space<vmem>>
      %dma_start3A_218 = arith.constant 0 : i32
      %dma_start3A_219 = tpu.memref_slice %arg8[%run_scoped3A_207, %dma_start3A_218] : memref<160x128xi32, #tpu.memory_space<vmem>> -> memref<1x128xi32, #tpu.memory_space<vmem>>
      %dma_start3A_220 = tpu.memref_squeeze %dma_start3A_219 : memref<1x128xi32, #tpu.memory_space<vmem>> -> memref<128xi32, #tpu.memory_space<vmem>>
      %dma_start3A_221 = arith.constant 0 : i32
      %dma_start3A_222 = arith.constant 0 : i32
      %dma_start3A_223 = tpu.memref_slice %arg11[%dma_start3A_221, %dma_start3A_222] : memref<10240x32xf32, #tpu.memory_space<vmem_shared>> -> memref<10240x32xf32, #tpu.memory_space<vmem_shared>>
      tpu.enqueue_indirect_dma source(%dma_start3A_217 : memref<128x32xf32, #tpu.memory_space<vmem>>) target(%dma_start3A_223 : memref<10240x32xf32, #tpu.memory_space<vmem_shared>>) offsets(%dma_start3A_220 : memref<128xi32, #tpu.memory_space<vmem>>) semaphore(%run_scoped3A_213 : memref<!tpu.dma_semaphore, #tpu.memory_space<semaphore_mem>>) {add = true}
      %dma_wait3A_224 = arith.constant 0 : i32
      %dma_wait3A_225 = arith.constant 0 : i32
      %dma_wait3A_226 = tpu.memref_slice %arg9[%run_scoped3A_206, %dma_wait3A_224, %dma_wait3A_225] : memref<4x128x32xf32, #tpu.memory_space<vmem>> -> memref<1x128x32xf32, #tpu.memory_space<vmem>>
      %dma_wait3A_227 = tpu.memref_squeeze %dma_wait3A_226 : memref<1x128x32xf32, #tpu.memory_space<vmem>> -> memref<128x32xf32, #tpu.memory_space<vmem>>
      %dma_wait3A_228 = arith.constant 0 : i32
      %dma_wait3A_229 = tpu.memref_slice %arg8[%run_scoped3A_207, %dma_wait3A_228] : memref<160x128xi32, #tpu.memory_space<vmem>> -> memref<1x128xi32, #tpu.memory_space<vmem>>
      %dma_wait3A_230 = tpu.memref_squeeze %dma_wait3A_229 : memref<1x128xi32, #tpu.memory_space<vmem>> -> memref<128xi32, #tpu.memory_space<vmem>>
      %dma_wait3A_231 = arith.constant 0 : i32
      %dma_wait3A_232 = arith.constant 0 : i32
      %dma_wait3A_233 = tpu.memref_slice %arg11[%dma_wait3A_231, %dma_wait3A_232] : memref<10240x32xf32, #tpu.memory_space<vmem_shared>> -> memref<10240x32xf32, #tpu.memory_space<vmem_shared>>
      tpu.wait_indirect_dma semaphore(%run_scoped3A_213 : memref<!tpu.dma_semaphore, #tpu.memory_space<semaphore_mem>>) src(%dma_wait3A_227 : memref<128x32xf32, #tpu.memory_space<vmem>>) dst(%dma_wait3A_233 : memref<10240x32xf32, #tpu.memory_space<vmem_shared>>)
      tpu.yield
    }) : () -> ()
    %barrier3A_208 = arith.constant 0 : index
    tpu.barrier barrier_id(%barrier3A_208)
    %mul3A_209 = arith.constant 640 : i32
    %mul3A_210 = arith.muli %arg1, %mul3A_209 : i32
    %mul3A_211 = arith.constant 640 : i32
    %mul3A_212 = arith.muli %arg1, %mul3A_211 : i32
    "tpu.region"() ({
      %run_scoped3A_213 = tpu.sem_alloc : memref<!tpu.dma_semaphore, #tpu.memory_space<semaphore_mem>>
      %dma_start3A_214 = arith.constant 0 : i32
      %dma_start3A_215 = arith.constant 0 : i32
      %dma_start3A_216 = tpu.memref_slice %arg6[%arg0, %dma_start3A_214, %dma_start3A_215] : memref<2x10240x32xf32, #tpu.memory_space<hbm>> -> memref<1x10240x32xf32, #tpu.memory_space<hbm>>
      %dma_start3A_217 = tpu.memref_squeeze %dma_start3A_216 : memref<1x10240x32xf32, #tpu.memory_space<hbm>> -> memref<10240x32xf32, #tpu.memory_space<hbm>>
      %dma_start3A_218 = arith.constant 0 : i32
      %dma_start3A_219 = tpu.memref_slice %dma_start3A_217[%mul3A_212, %dma_start3A_218] : memref<10240x32xf32, #tpu.memory_space<hbm>> -> memref<640x32xf32, #tpu.memory_space<hbm>>
      %dma_start3A_220 = arith.constant 0 : i32
      %dma_start3A_221 = tpu.memref_slice %arg11[%mul3A_210, %dma_start3A_220] : memref<10240x32xf32, #tpu.memory_space<vmem_shared>> -> memref<640x32xf32, #tpu.memory_space<vmem_shared>>
      tpu.enqueue_dma source(%dma_start3A_221 : memref<640x32xf32, #tpu.memory_space<vmem_shared>>) target(%dma_start3A_219 : memref<640x32xf32, #tpu.memory_space<hbm>>) target_semaphore(%run_scoped3A_213 : memref<!tpu.dma_semaphore, #tpu.memory_space<semaphore_mem>>)
      %dma_wait3A_222 = arith.constant 0 : i32
      %dma_wait3A_223 = arith.constant 0 : i32
      %dma_wait3A_224 = tpu.memref_slice %arg6[%arg0, %dma_wait3A_222, %dma_wait3A_223] : memref<2x10240x32xf32, #tpu.memory_space<hbm>> -> memref<1x10240x32xf32, #tpu.memory_space<hbm>>
      %dma_wait3A_225 = tpu.memref_squeeze %dma_wait3A_224 : memref<1x10240x32xf32, #tpu.memory_space<hbm>> -> memref<10240x32xf32, #tpu.memory_space<hbm>>
      %dma_wait3A_226 = arith.constant 0 : i32
      %dma_wait3A_227 = tpu.memref_slice %dma_wait3A_225[%mul3A_212, %dma_wait3A_226] : memref<10240x32xf32, #tpu.memory_space<hbm>> -> memref<640x32xf32, #tpu.memory_space<hbm>>
      %dma_wait3A_228 = arith.constant 0 : i32
      %dma_wait3A_229 = tpu.memref_slice %arg11[%mul3A_210, %dma_wait3A_228] : memref<10240x32xf32, #tpu.memory_space<vmem_shared>> -> memref<640x32xf32, #tpu.memory_space<vmem_shared>>
      tpu.wait_dma2 semaphore(%run_scoped3A_213 : memref<!tpu.dma_semaphore, #tpu.memory_space<semaphore_mem>>) src(%dma_wait3A_229 : memref<640x32xf32, #tpu.memory_space<vmem_shared>>) dst(%dma_wait3A_227 : memref<640x32xf32, #tpu.memory_space<hbm>>)
      tpu.yield
    }) : () -> ()
    return
  }
}

module attributes {stable_mosaic.version = 14 : i64} {
  func.func @body(%arg0: i32, %arg1: memref<1000x128xf32, #tpu.memory_space<vmem>>, %arg2: memref<128x64xf32, #tpu.memory_space<vmem>>, %arg3: memref<1000x64xf32, #tpu.memory_space<vmem>>) attributes {dimension_semantics = [#tpu.dimension_semantics<arbitrary>], iteration_bounds = array<i64: 10>, scalar_prefetch = 0 : i64, scratch_operands = 0 : i64, tpu.core_type = #tpu.core_type<tc>, window_params = [{transform_indices = @transform_0, window_bounds = array<i64: 1000, 128>}, {pipeline_mode = #tpu.pipeline_mode<synchronous>, transform_indices = @transform_1, window_bounds = array<i64: 128, 64>}, {transform_indices = @transform_2, window_bounds = array<i64: 1000, 64>}]} {
    %get3A = arith.constant 0 : index
    %get3A_0 = arith.constant 0 : index
    %get3A_1 = vector.load %arg1[%get3A, %get3A_0] : memref<1000x128xf32, #tpu.memory_space<vmem>>, vector<1000x128xf32>
    %get3A_2 = arith.constant 0 : index
    %get3A_3 = arith.constant 0 : index
    %get3A_4 = vector.load %arg2[%get3A_2, %get3A_3] : memref<128x64xf32, #tpu.memory_space<vmem>>, vector<128x64xf32>
    %dot_general3A = arith.constant dense<0.000000e+00> : vector<1000x64xf32>
    %dot_general3A_5 = tpu.matmul %get3A_1, %get3A_4, %dot_general3A {dimension_numbers = #tpu.dot_dimension_numbers<[1], [0], [0], [1], [0, 0, 1, 1], [], []>, transpose_lhs_hint = false} : vector<1000x128xf32>, vector<128x64xf32>, vector<1000x64xf32> -> vector<1000x64xf32>
    %swap3A = arith.constant 0 : index
    %swap3A_6 = arith.constant 0 : index
    %swap3A_7 = vector.load %arg3[%swap3A, %swap3A_6] : memref<1000x64xf32, #tpu.memory_space<vmem>>, vector<1000x64xf32>
    tpu.vector_store %arg3[%swap3A, %swap3A_6], %dot_general3A_5 {strides = array<i32>} : memref<1000x64xf32, #tpu.memory_space<vmem>>, vector<1000x64xf32>,
    return
  }
  func.func @transform_0(%arg0: i32) -> (i32, i32) {
    %c0_i32 = arith.constant 0 : i32
    %c0_i32_0 = arith.constant 0 : i32
    return %arg0, %c0_i32 : i32, i32
  }
  func.func @transform_1(%arg0: i32) -> (i32, i32) {
    %c0_i32 = arith.constant 0 : i32
    %c0_i32_0 = arith.constant 0 : i32
    %c0_i32_1 = arith.constant 0 : i32
    return %c0_i32, %c0_i32_0 : i32, i32
  }
  func.func @transform_2(%arg0: i32) -> (i32, i32) {
    %c0_i32 = arith.constant 0 : i32
    %c0_i32_0 = arith.constant 0 : i32
    return %arg0, %c0_i32 : i32, i32
  }
}

module attributes {stable_mosaic.version = 14 : i64} {
  func.func @body(%arg0: i32, %arg1: memref<2x1000x16xf32, #tpu.memory_space<vmem>>, %arg2: memref<1000x64xf32, #tpu.memory_space<vmem>>, %arg3: memref<1000x1xf32, #tpu.memory_space<vmem>>, %arg4: memref<2x1000x32xf32, #tpu.memory_space<vmem>>) attributes {dimension_semantics = [#tpu.dimension_semantics<arbitrary>], iteration_bounds = array<i64: 10>, scalar_prefetch = 0 : i64, scratch_operands = 0 : i64, tpu.core_type = #tpu.core_type<tc>, window_params = [{transform_indices = @transform_0, window_bounds = array<i64: 2, 1000, 16>}, {transform_indices = @transform_1, window_bounds = array<i64: 1000, 64>}, {transform_indices = @transform_2, window_bounds = array<i64: 1000, 1>}, {transform_indices = @transform_3, window_bounds = array<i64: 2, 1000, 32>}]} {
    %get3A = arith.constant 0 : index
    %get3A_0 = arith.constant 0 : index
    %get3A_1 = arith.constant 0 : index
    %get3A_2 = vector.load %arg1[%get3A, %get3A_0, %get3A_1] : memref<2x1000x16xf32, #tpu.memory_space<vmem>>, vector<1x1000x1xf32>
    %get3A_3 = vector.shape_cast %get3A_2 : vector<1x1000x1xf32> to vector<1000xf32>
    %get3A_4 = arith.constant 1 : index
    %get3A_5 = arith.constant 0 : index
    %get3A_6 = arith.constant 0 : index
    %get3A_7 = vector.load %arg1[%get3A_4, %get3A_5, %get3A_6] : memref<2x1000x16xf32, #tpu.memory_space<vmem>>, vector<1x1000x1xf32>
    %get3A_8 = vector.shape_cast %get3A_7 : vector<1x1000x1xf32> to vector<1000xf32>
    %add3A = arith.addf %get3A_3, %get3A_8 : vector<1000xf32>
    %add3A_9 = arith.constant 1.000000e+00 : f32
    %add3A_10 = vector.broadcast %add3A_9 : f32 to vector<1000xf32>
    %add3A_11 = arith.addf %add3A, %add3A_10 : vector<1000xf32>
    %rsqrt3A = math.rsqrt %add3A_11 : vector<1000xf32>
    %broadcast_in_dim3A = vector.shape_cast %rsqrt3A : vector<1000xf32> to vector<1000x1xf32>
    %swap3A = arith.constant 0 : index
    %swap3A_12 = arith.constant 0 : index
    %swap3A_13 = vector.load %arg3[%swap3A, %swap3A_12] : memref<1000x1xf32, #tpu.memory_space<vmem>>, vector<1000x1xf32>
    tpu.vector_store %arg3[%swap3A, %swap3A_12], %broadcast_in_dim3A {strides = array<i32>} : memref<1000x1xf32, #tpu.memory_space<vmem>>, vector<1000x1xf32>,
    %get3A_14 = arith.constant 0 : index
    %get3A_15 = arith.constant 0 : index
    %get3A_16 = vector.load %arg2[%get3A_14, %get3A_15] : memref<1000x64xf32, #tpu.memory_space<vmem>>, vector<1000x64xf32>
    %mul3A = vector.broadcast %broadcast_in_dim3A : vector<1000x1xf32> to vector<1000x64xf32>
    %mul3A_17 = arith.mulf %get3A_16, %mul3A : vector<1000x64xf32>
    %slice3A = vector.extract_strided_slice %mul3A_17 {offsets = [0, 0], sizes = [1000, 32], strides = [1, 1]} : vector<1000x64xf32> to vector<1000x32xf32>
    %swap3A_18 = arith.constant 0 : index
    %swap3A_19 = arith.constant 0 : index
    %swap3A_20 = arith.constant 0 : index
    %swap3A_21 = vector.load %arg4[%swap3A_18, %swap3A_19, %swap3A_20] : memref<2x1000x32xf32, #tpu.memory_space<vmem>>, vector<1x1000x32xf32>
    %swap3A_22 = vector.shape_cast %swap3A_21 : vector<1x1000x32xf32> to vector<1000x32xf32>
    %swap3A_23 = vector.shape_cast %slice3A : vector<1000x32xf32> to vector<1x1000x32xf32>
    tpu.vector_store %arg4[%swap3A_18, %swap3A_19, %swap3A_20], %swap3A_23 {strides = array<i32>} : memref<2x1000x32xf32, #tpu.memory_space<vmem>>, vector<1x1000x32xf32>,
    %slice3A_24 = vector.extract_strided_slice %mul3A_17 {offsets = [0, 32], sizes = [1000, 32], strides = [1, 1]} : vector<1000x64xf32> to vector<1000x32xf32>
    %swap3A_25 = arith.constant 1 : index
    %swap3A_26 = arith.constant 0 : index
    %swap3A_27 = arith.constant 0 : index
    %swap3A_28 = vector.load %arg4[%swap3A_25, %swap3A_26, %swap3A_27] : memref<2x1000x32xf32, #tpu.memory_space<vmem>>, vector<1x1000x32xf32>
    %swap3A_29 = vector.shape_cast %swap3A_28 : vector<1x1000x32xf32> to vector<1000x32xf32>
    %swap3A_30 = vector.shape_cast %slice3A_24 : vector<1000x32xf32> to vector<1x1000x32xf32>
    tpu.vector_store %arg4[%swap3A_25, %swap3A_26, %swap3A_27], %swap3A_30 {strides = array<i32>} : memref<2x1000x32xf32, #tpu.memory_space<vmem>>, vector<1x1000x32xf32>,
    return
  }
  func.func @transform_0(%arg0: i32) -> (i32, i32, i32) {
    %c0_i32 = arith.constant 0 : i32
    %c0_i32_0 = arith.constant 0 : i32
    %c0_i32_1 = arith.constant 0 : i32
    return %c0_i32, %arg0, %c0_i32_0 : i32, i32, i32
  }
  func.func @transform_1(%arg0: i32) -> (i32, i32) {
    %c0_i32 = arith.constant 0 : i32
    %c0_i32_0 = arith.constant 0 : i32
    return %arg0, %c0_i32 : i32, i32
  }
  func.func @transform_2(%arg0: i32) -> (i32, i32) {
    %c0_i32 = arith.constant 0 : i32
    %c0_i32_0 = arith.constant 0 : i32
    return %arg0, %c0_i32 : i32, i32
  }
  func.func @transform_3(%arg0: i32) -> (i32, i32, i32) {
    %c0_i32 = arith.constant 0 : i32
    %c0_i32_0 = arith.constant 0 : i32
    %c0_i32_1 = arith.constant 0 : i32
    return %c0_i32, %arg0, %c0_i32_0 : i32, i32, i32
  }
}

module attributes {stable_mosaic.version = 14 : i64} {
  func.func @body(%arg0: i32, %arg1: memref<2x1000x32xf32, #tpu.memory_space<vmem>>, %arg2: memref<2x1000x32xf32, #tpu.memory_space<vmem>>, %arg3: memref<1000x1xf32, #tpu.memory_space<vmem>>, %arg4: memref<1x64xf32, #tpu.memory_space<vmem>>, %arg5: memref<64x64xf32, #tpu.memory_space<vmem>>, %arg6: memref<2x1000x32xf32, #tpu.memory_space<vmem>>) attributes {dimension_semantics = [#tpu.dimension_semantics<arbitrary>], iteration_bounds = array<i64: 10>, scalar_prefetch = 0 : i64, scratch_operands = 0 : i64, tpu.core_type = #tpu.core_type<tc>, window_params = [{transform_indices = @transform_0, window_bounds = array<i64: 2, 1000, 32>}, {transform_indices = @transform_1, window_bounds = array<i64: 2, 1000, 32>}, {transform_indices = @transform_2, window_bounds = array<i64: 1000, 1>}, {pipeline_mode = #tpu.pipeline_mode<synchronous>, transform_indices = @transform_3, window_bounds = array<i64: 1, 64>}, {pipeline_mode = #tpu.pipeline_mode<synchronous>, transform_indices = @transform_4, window_bounds = array<i64: 64, 64>}, {transform_indices = @transform_5, window_bounds = array<i64: 2, 1000, 32>}]} {
    %get3A = arith.constant 0 : index
    %get3A_0 = arith.constant 0 : index
    %get3A_1 = vector.load %arg3[%get3A, %get3A_0] : memref<1000x1xf32, #tpu.memory_space<vmem>>, vector<1000x1xf32>
    %get3A_2 = arith.constant 0 : index
    %get3A_3 = arith.constant 0 : index
    %get3A_4 = arith.constant 0 : index
    %get3A_5 = vector.load %arg1[%get3A_2, %get3A_3, %get3A_4] : memref<2x1000x32xf32, #tpu.memory_space<vmem>>, vector<1x1000x32xf32>
    %get3A_6 = vector.shape_cast %get3A_5 : vector<1x1000x32xf32> to vector<1000x32xf32>
    %get3A_7 = arith.constant 0 : index
    %get3A_8 = arith.constant 0 : index
    %get3A_9 = arith.constant 0 : index
    %get3A_10 = vector.load %arg2[%get3A_7, %get3A_8, %get3A_9] : memref<2x1000x32xf32, #tpu.memory_space<vmem>>, vector<1x1000x32xf32>
    %get3A_11 = vector.shape_cast %get3A_10 : vector<1x1000x32xf32> to vector<1000x32xf32>
    %add3A = arith.addf %get3A_6, %get3A_11 : vector<1000x32xf32>
    %get3A_12 = arith.constant 1 : index
    %get3A_13 = arith.constant 0 : index
    %get3A_14 = arith.constant 0 : index
    %get3A_15 = vector.load %arg1[%get3A_12, %get3A_13, %get3A_14] : memref<2x1000x32xf32, #tpu.memory_space<vmem>>, vector<1x1000x32xf32>
    %get3A_16 = vector.shape_cast %get3A_15 : vector<1x1000x32xf32> to vector<1000x32xf32>
    %get3A_17 = arith.constant 1 : index
    %get3A_18 = arith.constant 0 : index
    %get3A_19 = arith.constant 0 : index
    %get3A_20 = vector.load %arg2[%get3A_17, %get3A_18, %get3A_19] : memref<2x1000x32xf32, #tpu.memory_space<vmem>>, vector<1x1000x32xf32>
    %get3A_21 = vector.shape_cast %get3A_20 : vector<1x1000x32xf32> to vector<1000x32xf32>
    %add3A_22 = arith.addf %get3A_16, %get3A_21 : vector<1000x32xf32>
    %concatenate3A = tpu.concatenate %add3A, %add3A_22 in 1 : vector<1000x32xf32>, vector<1000x32xf32> -> vector<1000x64xf32>
    %mul3A = vector.broadcast %get3A_1 : vector<1000x1xf32> to vector<1000x64xf32>
    %mul3A_23 = arith.mulf %mul3A, %concatenate3A : vector<1000x64xf32>
    %get3A_24 = arith.constant 0 : index
    %get3A_25 = arith.constant 0 : index
    %get3A_26 = vector.load %arg4[%get3A_24, %get3A_25] : memref<1x64xf32, #tpu.memory_space<vmem>>, vector<1x64xf32>
    %add3A_27 = vector.broadcast %get3A_26 : vector<1x64xf32> to vector<1000x64xf32>
    %add3A_28 = arith.addf %mul3A_23, %add3A_27 : vector<1000x64xf32>
    %max3A = arith.constant 0.000000e+00 : f32
    %max3A_29 = vector.broadcast %max3A : f32 to vector<1000x64xf32>
    %max3A_30 = arith.maximumf %add3A_28, %max3A_29 : vector<1000x64xf32>
    %get3A_31 = arith.constant 0 : index
    %get3A_32 = arith.constant 0 : index
    %get3A_33 = vector.load %arg5[%get3A_31, %get3A_32] : memref<64x64xf32, #tpu.memory_space<vmem>>, vector<64x64xf32>
    %dot_general3A = arith.constant dense<0.000000e+00> : vector<1000x64xf32>
    %dot_general3A_34 = tpu.matmul %max3A_30, %get3A_33, %dot_general3A {dimension_numbers = #tpu.dot_dimension_numbers<[1], [0], [0], [1], [0, 0, 1, 1], [], []>, transpose_lhs_hint = false} : vector<1000x64xf32>, vector<64x64xf32>, vector<1000x64xf32> -> vector<1000x64xf32>
    %mul3A_35 = vector.broadcast %get3A_1 : vector<1000x1xf32> to vector<1000x64xf32>
    %mul3A_36 = arith.mulf %dot_general3A_34, %mul3A_35 : vector<1000x64xf32>
    %slice3A = vector.extract_strided_slice %mul3A_36 {offsets = [0, 0], sizes = [1000, 32], strides = [1, 1]} : vector<1000x64xf32> to vector<1000x32xf32>
    %swap3A = arith.constant 0 : index
    %swap3A_37 = arith.constant 0 : index
    %swap3A_38 = arith.constant 0 : index
    %swap3A_39 = vector.load %arg6[%swap3A, %swap3A_37, %swap3A_38] : memref<2x1000x32xf32, #tpu.memory_space<vmem>>, vector<1x1000x32xf32>
    %swap3A_40 = vector.shape_cast %swap3A_39 : vector<1x1000x32xf32> to vector<1000x32xf32>
    %swap3A_41 = vector.shape_cast %slice3A : vector<1000x32xf32> to vector<1x1000x32xf32>
    tpu.vector_store %arg6[%swap3A, %swap3A_37, %swap3A_38], %swap3A_41 {strides = array<i32>} : memref<2x1000x32xf32, #tpu.memory_space<vmem>>, vector<1x1000x32xf32>,
    %slice3A_42 = vector.extract_strided_slice %mul3A_36 {offsets = [0, 32], sizes = [1000, 32], strides = [1, 1]} : vector<1000x64xf32> to vector<1000x32xf32>
    %swap3A_43 = arith.constant 1 : index
    %swap3A_44 = arith.constant 0 : index
    %swap3A_45 = arith.constant 0 : index
    %swap3A_46 = vector.load %arg6[%swap3A_43, %swap3A_44, %swap3A_45] : memref<2x1000x32xf32, #tpu.memory_space<vmem>>, vector<1x1000x32xf32>
    %swap3A_47 = vector.shape_cast %swap3A_46 : vector<1x1000x32xf32> to vector<1000x32xf32>
    %swap3A_48 = vector.shape_cast %slice3A_42 : vector<1000x32xf32> to vector<1x1000x32xf32>
    tpu.vector_store %arg6[%swap3A_43, %swap3A_44, %swap3A_45], %swap3A_48 {strides = array<i32>} : memref<2x1000x32xf32, #tpu.memory_space<vmem>>, vector<1x1000x32xf32>,
    return
  }
  func.func @transform_0(%arg0: i32) -> (i32, i32, i32) {
    %c0_i32 = arith.constant 0 : i32
    %c0_i32_0 = arith.constant 0 : i32
    %c0_i32_1 = arith.constant 0 : i32
    return %c0_i32, %arg0, %c0_i32_0 : i32, i32, i32
  }
  func.func @transform_1(%arg0: i32) -> (i32, i32, i32) {
    %c0_i32 = arith.constant 0 : i32
    %c0_i32_0 = arith.constant 0 : i32
    %c0_i32_1 = arith.constant 0 : i32
    return %c0_i32, %arg0, %c0_i32_0 : i32, i32, i32
  }
  func.func @transform_2(%arg0: i32) -> (i32, i32) {
    %c0_i32 = arith.constant 0 : i32
    %c0_i32_0 = arith.constant 0 : i32
    return %arg0, %c0_i32 : i32, i32
  }
  func.func @transform_3(%arg0: i32) -> (i32, i32) {
    %c0_i32 = arith.constant 0 : i32
    %c0_i32_0 = arith.constant 0 : i32
    %c0_i32_1 = arith.constant 0 : i32
    return %c0_i32, %c0_i32_0 : i32, i32
  }
  func.func @transform_4(%arg0: i32) -> (i32, i32) {
    %c0_i32 = arith.constant 0 : i32
    %c0_i32_0 = arith.constant 0 : i32
    %c0_i32_1 = arith.constant 0 : i32
    return %c0_i32, %c0_i32_0 : i32, i32
  }
  func.func @transform_5(%arg0: i32) -> (i32, i32, i32) {
    %c0_i32 = arith.constant 0 : i32
    %c0_i32_0 = arith.constant 0 : i32
    %c0_i32_1 = arith.constant 0 : i32
    return %c0_i32, %arg0, %c0_i32_0 : i32, i32, i32
  }
}

module attributes {stable_mosaic.version = 14 : i64} {
  func.func @body(%arg0: i32, %arg1: memref<2x1000x32xf32, #tpu.memory_space<vmem>>, %arg2: memref<2x1000x32xf32, #tpu.memory_space<vmem>>, %arg3: memref<1000x1xf32, #tpu.memory_space<vmem>>, %arg4: memref<1x64xf32, #tpu.memory_space<vmem>>, %arg5: memref<1x1x1000xi32, #tpu.memory_space<vmem>>, %arg6: memref<64x16xf32, #tpu.memory_space<vmem>>, %arg7: memref<1x16xf32, #tpu.memory_space<vmem>>, %arg8: memref<64x16xf32, #tpu.memory_space<vmem>>, %arg9: memref<64x64xf32, #tpu.memory_space<vmem>>, %arg10: memref<64x1xf32, #tpu.memory_space<vmem>>) attributes {dimension_semantics = [#tpu.dimension_semantics<arbitrary>], iteration_bounds = array<i64: 10>, scalar_prefetch = 0 : i64, scratch_operands = 2 : i64, tpu.core_type = #tpu.core_type<tc>, window_params = [{transform_indices = @transform_0, window_bounds = array<i64: 2, 1000, 32>}, {transform_indices = @transform_1, window_bounds = array<i64: 2, 1000, 32>}, {transform_indices = @transform_2, window_bounds = array<i64: 1000, 1>}, {pipeline_mode = #tpu.pipeline_mode<synchronous>, transform_indices = @transform_3, window_bounds = array<i64: 1, 64>}, {transform_indices = @transform_4, window_bounds = array<i64: 1, 1, 1000>}, {pipeline_mode = #tpu.pipeline_mode<synchronous>, transform_indices = @transform_5, window_bounds = array<i64: 64, 16>}, {pipeline_mode = #tpu.pipeline_mode<synchronous>, transform_indices = @transform_6, window_bounds = array<i64: 1, 16>}, {pipeline_mode = #tpu.pipeline_mode<synchronous>, transform_indices = @transform_7, window_bounds = array<i64: 64, 16>}]} {
    %eq3A = arith.constant 0 : i32
    %eq3A_0 = arith.cmpi eq, %arg0, %eq3A : i32
    %convert_element_type3A = arith.extui %eq3A_0 : i1 to i32
    %cond3A = arith.constant 0 : i32
    %cond3A_1 = arith.cmpi ne, %convert_element_type3A, %cond3A : i32
    scf.if %cond3A_1 {
      %broadcast_in_dim3A_61 = arith.constant 0.000000e+00 : f32
      %broadcast_in_dim3A_62 = vector.broadcast %broadcast_in_dim3A_61 : f32 to vector<64x64xf32>
      %swap3A_63 = arith.constant 0 : index
      %swap3A_64 = arith.constant 0 : index
      %swap3A_65 = vector.load %arg9[%swap3A_63, %swap3A_64] : memref<64x64xf32, #tpu.memory_space<vmem>>, vector<64x64xf32>
      tpu.vector_store %arg9[%swap3A_63, %swap3A_64], %broadcast_in_dim3A_62 {strides = array<i32>} : memref<64x64xf32, #tpu.memory_space<vmem>>, vector<64x64xf32>,
      %broadcast_in_dim3A_66 = arith.constant 0.000000e+00 : f32
      %broadcast_in_dim3A_67 = vector.broadcast %broadcast_in_dim3A_66 : f32 to vector<64x1xf32>
      %swap3A_68 = arith.constant 0 : index
      %swap3A_69 = arith.constant 0 : index
      %swap3A_70 = vector.load %arg10[%swap3A_68, %swap3A_69] : memref<64x1xf32, #tpu.memory_space<vmem>>, vector<64x1xf32>
      tpu.vector_store %arg10[%swap3A_68, %swap3A_69], %broadcast_in_dim3A_67 {strides = array<i32>} : memref<64x1xf32, #tpu.memory_space<vmem>>, vector<64x1xf32>,
    } else {
    }
    %get3A = arith.constant 0 : index
    %get3A_2 = arith.constant 0 : index
    %get3A_3 = arith.constant 0 : index
    %get3A_4 = vector.load %arg1[%get3A, %get3A_2, %get3A_3] : memref<2x1000x32xf32, #tpu.memory_space<vmem>>, vector<1x1000x32xf32>
    %get3A_5 = vector.shape_cast %get3A_4 : vector<1x1000x32xf32> to vector<1000x32xf32>
    %get3A_6 = arith.constant 0 : index
    %get3A_7 = arith.constant 0 : index
    %get3A_8 = arith.constant 0 : index
    %get3A_9 = vector.load %arg2[%get3A_6, %get3A_7, %get3A_8] : memref<2x1000x32xf32, #tpu.memory_space<vmem>>, vector<1x1000x32xf32>
    %get3A_10 = vector.shape_cast %get3A_9 : vector<1x1000x32xf32> to vector<1000x32xf32>
    %add3A = arith.addf %get3A_5, %get3A_10 : vector<1000x32xf32>
    %get3A_11 = arith.constant 1 : index
    %get3A_12 = arith.constant 0 : index
    %get3A_13 = arith.constant 0 : index
    %get3A_14 = vector.load %arg1[%get3A_11, %get3A_12, %get3A_13] : memref<2x1000x32xf32, #tpu.memory_space<vmem>>, vector<1x1000x32xf32>
    %get3A_15 = vector.shape_cast %get3A_14 : vector<1x1000x32xf32> to vector<1000x32xf32>
    %get3A_16 = arith.constant 1 : index
    %get3A_17 = arith.constant 0 : index
    %get3A_18 = arith.constant 0 : index
    %get3A_19 = vector.load %arg2[%get3A_16, %get3A_17, %get3A_18] : memref<2x1000x32xf32, #tpu.memory_space<vmem>>, vector<1x1000x32xf32>
    %get3A_20 = vector.shape_cast %get3A_19 : vector<1x1000x32xf32> to vector<1000x32xf32>
    %add3A_21 = arith.addf %get3A_15, %get3A_20 : vector<1000x32xf32>
    %concatenate3A = tpu.concatenate %add3A, %add3A_21 in 1 : vector<1000x32xf32>, vector<1000x32xf32> -> vector<1000x64xf32>
    %get3A_22 = arith.constant 0 : index
    %get3A_23 = arith.constant 0 : index
    %get3A_24 = vector.load %arg3[%get3A_22, %get3A_23] : memref<1000x1xf32, #tpu.memory_space<vmem>>, vector<1000x1xf32>
    %mul3A = vector.broadcast %get3A_24 : vector<1000x1xf32> to vector<1000x64xf32>
    %mul3A_25 = arith.mulf %mul3A, %concatenate3A : vector<1000x64xf32>
    %get3A_26 = arith.constant 0 : index
    %get3A_27 = arith.constant 0 : index
    %get3A_28 = vector.load %arg4[%get3A_26, %get3A_27] : memref<1x64xf32, #tpu.memory_space<vmem>>, vector<1x64xf32>
    %add3A_29 = vector.broadcast %get3A_28 : vector<1x64xf32> to vector<1000x64xf32>
    %add3A_30 = arith.addf %mul3A_25, %add3A_29 : vector<1000x64xf32>
    %get3A_31 = arith.constant 0 : index
    %get3A_32 = arith.constant 0 : index
    %get3A_33 = arith.constant 0 : index
    %get3A_34 = vector.load %arg5[%get3A_31, %get3A_32, %get3A_33] : memref<1x1x1000xi32, #tpu.memory_space<vmem>>, vector<1x1x1000xi32>
    %get3A_35 = vector.shape_cast %get3A_34 : vector<1x1x1000xi32> to vector<1000xi32>
    %broadcast_in_dim3A = vector.shape_cast %get3A_35 : vector<1000xi32> to vector<1x1000xi32>
    %iota3A = tpu.iota {dimensions = array<i32: 0>} : vector<64x1000xi32>
    %eq3A_36 = vector.broadcast %broadcast_in_dim3A : vector<1x1000xi32> to vector<64x1000xi32>
    %eq3A_37 = arith.cmpi eq, %eq3A_36, %iota3A : vector<64x1000xi32>
    %convert_element_type3A_38 = arith.extui %eq3A_37 : vector<64x1000xi1> to vector<64x1000xi32>
    %convert_element_type3A_39 = arith.sitofp %convert_element_type3A_38 : vector<64x1000xi32> to vector<64x1000xf32>
    %get3A_40 = arith.constant 0 : index
    %get3A_41 = arith.constant 0 : index
    %get3A_42 = vector.load %arg9[%get3A_40, %get3A_41] : memref<64x64xf32, #tpu.memory_space<vmem>>, vector<64x64xf32>
    %dot_general3A = arith.constant dense<0.000000e+00> : vector<64x64xf32>
    %dot_general3A_43 = tpu.matmul %convert_element_type3A_39, %add3A_30, %dot_general3A {dimension_numbers = #tpu.dot_dimension_numbers<[1], [0], [0], [1], [0, 0, 1, 1], [], []>, transpose_lhs_hint = false} : vector<64x1000xf32>, vector<1000x64xf32>, vector<64x64xf32> -> vector<64x64xf32>
    %add3A_44 = arith.addf %get3A_42, %dot_general3A_43 : vector<64x64xf32>
    %swap3A = arith.constant 0 : index
    %swap3A_45 = arith.constant 0 : index
    %swap3A_46 = vector.load %arg9[%swap3A, %swap3A_45] : memref<64x64xf32, #tpu.memory_space<vmem>>, vector<64x64xf32>
    tpu.vector_store %arg9[%swap3A, %swap3A_45], %add3A_44 {strides = array<i32>} : memref<64x64xf32, #tpu.memory_space<vmem>>, vector<64x64xf32>,
    %get3A_47 = arith.constant 0 : index
    %get3A_48 = arith.constant 0 : index
    %get3A_49 = vector.load %arg10[%get3A_47, %get3A_48] : memref<64x1xf32, #tpu.memory_space<vmem>>, vector<64x1xf32>
    %reduce_sum3A = arith.constant dense<0.000000e+00> : vector<64xf32>
    %reduce_sum3A_50 = vector.multi_reduction <add>, %convert_element_type3A_39, %reduce_sum3A [1] : vector<64x1000xf32> to vector<64xf32>
    %broadcast_in_dim3A_51 = vector.shape_cast %reduce_sum3A_50 : vector<64xf32> to vector<64x1xf32>
    %add3A_52 = arith.addf %get3A_49, %broadcast_in_dim3A_51 : vector<64x1xf32>
    %swap3A_53 = arith.constant 0 : index
    %swap3A_54 = arith.constant 0 : index
    %swap3A_55 = vector.load %arg10[%swap3A_53, %swap3A_54] : memref<64x1xf32, #tpu.memory_space<vmem>>, vector<64x1xf32>
    tpu.vector_store %arg10[%swap3A_53, %swap3A_54], %add3A_52 {strides = array<i32>} : memref<64x1xf32, #tpu.memory_space<vmem>>, vector<64x1xf32>,
    %eq3A_56 = arith.constant 9 : i32
    %eq3A_57 = arith.cmpi eq, %arg0, %eq3A_56 : i32
    %convert_element_type3A_58 = arith.extui %eq3A_57 : i1 to i32
    %cond3A_59 = arith.constant 0 : i32
    %cond3A_60 = arith.cmpi ne, %convert_element_type3A_58, %cond3A_59 : i32
    scf.if %cond3A_60 {
      %get3A_61 = arith.constant 0 : index
      %get3A_62 = arith.constant 0 : index
      %get3A_63 = vector.load %arg9[%get3A_61, %get3A_62] : memref<64x64xf32, #tpu.memory_space<vmem>>, vector<64x64xf32>
      %get3A_64 = arith.constant 0 : index
      %get3A_65 = arith.constant 0 : index
      %get3A_66 = vector.load %arg10[%get3A_64, %get3A_65] : memref<64x1xf32, #tpu.memory_space<vmem>>, vector<64x1xf32>
      %max3A = arith.constant 1.000000e+00 : f32
      %max3A_67 = vector.broadcast %max3A : f32 to vector<64x1xf32>
      %max3A_68 = arith.maximumf %get3A_66, %max3A_67 : vector<64x1xf32>
      %div3A = vector.broadcast %max3A_68 : vector<64x1xf32> to vector<64x64xf32>
      %div3A_69 = arith.divf %get3A_63, %div3A : vector<64x64xf32>
      %get3A_70 = arith.constant 0 : index
      %get3A_71 = arith.constant 0 : index
      %get3A_72 = vector.load %arg6[%get3A_70, %get3A_71] : memref<64x16xf32, #tpu.memory_space<vmem>>, vector<64x16xf32>
      %dot_general3A_73 = arith.constant dense<0.000000e+00> : vector<64x16xf32>
      %dot_general3A_74 = tpu.matmul %div3A_69, %get3A_72, %dot_general3A_73 {dimension_numbers = #tpu.dot_dimension_numbers<[1], [0], [0], [1], [0, 0, 1, 1], [], []>, transpose_lhs_hint = false} : vector<64x64xf32>, vector<64x16xf32>, vector<64x16xf32> -> vector<64x16xf32>
      %get3A_75 = arith.constant 0 : index
      %get3A_76 = arith.constant 0 : index
      %get3A_77 = vector.load %arg7[%get3A_75, %get3A_76] : memref<1x16xf32, #tpu.memory_space<vmem>>, vector<1x16xf32>
      %add3A_78 = vector.broadcast %get3A_77 : vector<1x16xf32> to vector<64x16xf32>
      %add3A_79 = arith.addf %dot_general3A_74, %add3A_78 : vector<64x16xf32>
      %swap3A_80 = arith.constant 0 : index
      %swap3A_81 = arith.constant 0 : index
      %swap3A_82 = vector.load %arg8[%swap3A_80, %swap3A_81] : memref<64x16xf32, #tpu.memory_space<vmem>>, vector<64x16xf32>
      tpu.vector_store %arg8[%swap3A_80, %swap3A_81], %add3A_79 {strides = array<i32>} : memref<64x16xf32, #tpu.memory_space<vmem>>, vector<64x16xf32>,
    } else {
    }
    return
  }
  func.func @transform_0(%arg0: i32) -> (i32, i32, i32) {
    %c0_i32 = arith.constant 0 : i32
    %c0_i32_0 = arith.constant 0 : i32
    %c0_i32_1 = arith.constant 0 : i32
    return %c0_i32, %arg0, %c0_i32_0 : i32, i32, i32
  }
  func.func @transform_1(%arg0: i32) -> (i32, i32, i32) {
    %c0_i32 = arith.constant 0 : i32
    %c0_i32_0 = arith.constant 0 : i32
    %c0_i32_1 = arith.constant 0 : i32
    return %c0_i32, %arg0, %c0_i32_0 : i32, i32, i32
  }
  func.func @transform_2(%arg0: i32) -> (i32, i32) {
    %c0_i32 = arith.constant 0 : i32
    %c0_i32_0 = arith.constant 0 : i32
    return %arg0, %c0_i32 : i32, i32
  }
  func.func @transform_3(%arg0: i32) -> (i32, i32) {
    %c0_i32 = arith.constant 0 : i32
    %c0_i32_0 = arith.constant 0 : i32
    %c0_i32_1 = arith.constant 0 : i32
    return %c0_i32, %c0_i32_0 : i32, i32
  }
  func.func @transform_4(%arg0: i32) -> (i32, i32, i32) {
    %c0_i32 = arith.constant 0 : i32
    %c0_i32_0 = arith.constant 0 : i32
    %c0_i32_1 = arith.constant 0 : i32
    return %arg0, %c0_i32, %c0_i32_0 : i32, i32, i32
  }
  func.func @transform_5(%arg0: i32) -> (i32, i32) {
    %c0_i32 = arith.constant 0 : i32
    %c0_i32_0 = arith.constant 0 : i32
    %c0_i32_1 = arith.constant 0 : i32
    return %c0_i32, %c0_i32_0 : i32, i32
  }
  func.func @transform_6(%arg0: i32) -> (i32, i32) {
    %c0_i32 = arith.constant 0 : i32
    %c0_i32_0 = arith.constant 0 : i32
    %c0_i32_1 = arith.constant 0 : i32
    return %c0_i32, %c0_i32_0 : i32, i32
  }
  func.func @transform_7(%arg0: i32) -> (i32, i32) {
    %c0_i32 = arith.constant 0 : i32
    %c0_i32_0 = arith.constant 0 : i32
    %c0_i32_1 = arith.constant 0 : i32
    return %c0_i32, %c0_i32_0 : i32, i32
  }
}

</mosaic_0001>

<sc_bundles>
// kernel: kernel.11.cloned.1.call-start
scs
__scs_entry_jumppad:
0x0: {  	(pc) =	sbr.rel $0x88, $3  }
0x1: {  	(tag) =	ssettag $0x0;
	lr =	simm.s32 $0x1  }
0x2: {  	[smem:$0x3F96] =	sst lr;
	_ =	strace $0xD0000000  }
0x3: {  	_ = 	snop  }
0x4: {  	_ = 	snop  }
0x5: {  	_ = 	snop  }
0x6: {  	_ = 	snop  }
0x7: {  	_ = 	snop  }
__scs_overlays_trampoline_lowered:
0x8: {  	[smem:$0x3FA5] =	sst s0  }
0x9: {  	[smem:$0x3FA6] =	sst s1  }
0xa: {  	[smem:$0x3FA7] =	sst s2  }
0xb: {  	[smem:$0x3FA8] =	sst s3  }
0xc: {  	[smem:$0x3FA9] =	sst s4  }
0xd: {  	[smem:$0x3FAA] =	sst s5  }
0xe: {  	[smem:$0x3FAB] =	sst s6  }
0xf: {  	[smem:$0x3FAC] =	sst s7  }
0x10: {  	[smem:$0x3FAD] =	sst s8  }
0x11: {  	[smem:$0x3FAE] =	sst s9;
	s0 =	simm.s32 @!p0 $0x0  }
0x12: {  	s1 =	sld [smem:$0x3F94];
	s0 =	simm.s32 @p0 $0x1  }
0x13: {  	[smem:$0x3FAF] =	sst s0;
	s0 =	simm.s32 @!p1 $0x0  }
0x14: {  	s2 =	sld [smem:$0x3F93];
	s0 =	simm.s32 @p1 $0x1  }
0x15: {  	[smem:$0x3FB0] =	sst s0;
	s0 =	simm.s32 @!p2 $0x0  }
0x16: {  	s3 =	sld [smem:$0x3FDB];
	s0 =	simm.s32 @p2 $0x1  }
0x17: {  	s4 =	simm.s32 $0x1BF5;
	[smem:$0x3FB2] =	sst s0  }
0x18: {  	s0 =	sld [smem:$0x3F95];
	_ =	swait.ge [sflag:s4], $0x0  }
0x19: {  	s7 =	sld [smem:$0x3F96]  }
0x1a: {  	s8 =	sadd.s32 $0xFFFFE003, lr  }
0x1b: {  	s9 =	sadd.s32 $0xFFFFFEF7, lr;
	s5 =	simm.s32 $0xFFFFFFFF;
	p2 =	slt.u32 s8, $0xFFFFF086  }
0x1c: {  	p1 =	slt.u32 s9, $0xF7A;
	s5 =	simm.s32 @!p2 $0x0  }
0x1d: {  	s5 =	simm.s32 @p1 $0x1;
	p0 =	seq.s32 s7, s2  }
0x1e: {  	s7 =	smul.u32 @!p0 $0xF7A, s2;
	p2 =	seq.s32 @!p0 s5, $0x0  }
0x1f: {  	s9 =	smul.u32 $0xF7A, s1;
	s8 =	simm.s32 @!p0 $0x1BF5;
	p2 =	por !p2, p0  }
0x20: {  	[sflag:s8] =	ssyncset.s32 @!p0 $0xFFFFF086;
	s6 =	sadd.s32 @!p0 s3, s7;
	s7 =	simm.s32 @!p0 $0x108  }
0x21: {  	s3 =	sadd.s32 s3, s9;
	s6 =	sadd.s32 @!p0 $0x88, s6;
	s7 =	simm.s32 @p2 $0x1082  }
0x22: {  	[simem:s7], [sflag:s8] =	dma.local @!p0 [hbm:s6], $0xF7A  }
0x23: {  	s9 =	sor.u32 $0xD0000000, s2;
	s6 =	simm.s32 $0x108;
	_ =	swait.ge @!p0 [sflag:s8], $0x0  }
0x24: {  	s3 =	sadd.s32 $0x88, s3;
	s6 =	simm.s32 @!p1 $0x1082;
	[sflag:s4] =	ssyncset.s32 $0xFFFFF086  }
0x25: {  	[simem:s6], [sflag:s4] =	dma.local [hbm:s3], $0xF7A  }
0x26: {  	[smem:$0x3F96] =	sst s1;
	(tag) =	ssettag s2;
	_ =	strace s9  }
0x27: {  	s1 =	sld [smem:$0x3FA6]  }
0x28: {  	s2 =	sld [smem:$0x3FA7]  }
0x29: {  	s4 =	sld [smem:$0x3FA9]  }
0x2a: {  	p0 =	seq.s32 s5, $0x0;
	s5 =	sld [smem:$0x3FAA]  }
0x2b: {  	s6 =	sld [smem:$0x3FAB]  }
0x2c: {  	s7 =	sld [smem:$0x3FAC]  }
0x2d: {  	s3 =	simm.s32 $0x108;
	s8 =	sld [smem:$0x3FAD]  }
0x2e: {  	s3 =	simm.s32 @!p0 $0x1082;
	s9 =	sld [smem:$0x3FAE]  }
0x2f: {  	lr =	sadd.s32 s0, s3;
	s0 =	sld [smem:$0x3FA5]  }
0x30: {  	s3 =	sld [smem:$0x3FA8]  }
0x31: {  	[smem:$0x3FB1] =	sst s10  }
0x32: {  	s10 =	sld [smem:$0x3FAF];
	_ =	sdelay $0x3  }
0x33: {  	p0 =	seq.s32 s10, $0x1;
	s10 =	sld [smem:$0x3FB1];
	_ =	sdelay $0x3  }
0x34: {  	[smem:$0x3FB1] =	sst s10  }
0x35: {  	s10 =	sld [smem:$0x3FB0];
	_ =	sdelay $0x3  }
0x36: {  	p1 =	seq.s32 s10, $0x1;
	s10 =	sld [smem:$0x3FB1];
	_ =	sdelay $0x3  }
0x37: {  	[smem:$0x3FB1] =	sst s10  }
0x38: {  	s10 =	sld [smem:$0x3FB2]  }
0x39: {  	_ = 	snop;
	(pc) =	sbr.ind lr, $3  }
0x3a: {  	_ = 	snop  }
0x3b: {  	_ = 	snop  }
0x3c: {  	p2 =	seq.s32 s10, $0x1;
	s10 =	sld [smem:$0x3FB1]  }
0x3d: {  	_ =	shalt  }
0x3e: {  	_ =	shalt  }
0x3f: {  	_ =	shalt  }
0x40: {  	_ =	shalt  }
0x41: {  	_ =	shalt  }
0x42: {  	_ =	shalt  }
0x43: {  	_ =	shalt  }
0x44: {  	_ =	shalt  }
0x45: {  	_ =	shalt  }
0x46: {  	_ =	shalt  }
0x47: {  	_ =	shalt  }
0x48: {  	_ =	shalt  }
0x49: {  	_ =	shalt  }
0x4a: {  	_ =	shalt  }
0x4b: {  	_ =	shalt  }
0x4c: {  	_ =	shalt  }
0x4d: {  	_ =	shalt  }
0x4e: {  	_ =	shalt  }
0x4f: {  	_ =	shalt  }
0x50: {  	_ =	shalt  }
0x51: {  	_ =	shalt  }
0x52: {  	_ =	shalt  }
0x53: {  	_ =	shalt  }
0x54: {  	_ =	shalt  }
0x55: {  	_ =	shalt  }
0x56: {  	_ =	shalt  }
0x57: {  	_ =	shalt  }
0x58: {  	_ =	shalt  }
0x59: {  	_ =	shalt  }
0x5a: {  	_ =	shalt  }
0x5b: {  	_ =	shalt  }
0x5c: {  	_ =	shalt  }
0x5d: {  	_ =	shalt  }
0x5e: {  	_ =	shalt  }
0x5f: {  	_ =	shalt  }
0x60: {  	_ =	shalt  }
0x61: {  	_ =	shalt  }
0x62: {  	_ =	shalt  }
0x63: {  	_ =	shalt  }
0x64: {  	_ =	shalt  }
0x65: {  	_ =	shalt  }
0x66: {  	_ =	shalt  }
0x67: {  	_ =	shalt  }
0x68: {  	_ =	shalt  }
0x69: {  	_ =	shalt  }
0x6a: {  	_ =	shalt  }
0x6b: {  	_ =	shalt  }
0x6c: {  	_ =	shalt  }
0x6d: {  	_ =	shalt  }
0x6e: {  	_ =	shalt  }
0x6f: {  	_ =	shalt  }
0x70: {  	_ =	shalt  }
0x71: {  	_ =	shalt  }
0x72: {  	_ =	shalt  }
0x73: {  	_ =	shalt  }
0x74: {  	_ =	shalt  }
0x75: {  	_ =	shalt  }
0x76: {  	_ =	shalt  }
0x77: {  	_ =	shalt  }
0x78: {  	_ =	shalt  }
0x79: {  	_ =	shalt  }
0x7a: {  	_ =	shalt  }
0x7b: {  	_ =	shalt  }
0x7c: {  	_ =	shalt  }
0x7d: {  	_ =	shalt  }
0x7e: {  	_ =	shalt  }
0x7f: {  	_ =	shalt  }
0x80: {  	_ =	shalt  }
0x81: {  	_ =	shalt  }
0x82: {  	_ =	shalt  }
0x83: {  	_ =	shalt  }
0x84: {  	_ =	shalt  }
0x85: {  	_ =	shalt  }
0x86: {  	_ =	shalt  }
0x87: {  	_ =	shalt  }
.Lfunc_end0:
.L_simem_size_0:
called_computation_lowered:
.L_overlay_start_0:
0x88: {  	s2 =	sld [smem:$0x3FD9]  }
0x89: {  	s3 =	sld [smem:$0x3FFE];
	_ =	sdelay $0x1  }
0x8a: {  	s1 =	srdreg.scid  }
0x8b: {  	s0 =	sand.u32 $0x1, s1  }
0x8c: {  	s17 =	sshll.u32 s0, $0xA;
	s2 =	sadd.s32 s3, s2  }
0x8d: {  	s2 =	sadd.s32 s2, s17  }
0x8e: {  	[smem:$0x3FBD] =	sst s2  }
0x8f: {  	_ = 	snop  }
0x90: {  	s2 =	sld [smem:$0x3FD0];
	(tm) =	ssettm $0x1  }
0x91: {  	s18 =	sld [smem:$0x3FFB];
	_ =	sdelay $0x3  }
0x92: {  	_ =	strace s18  }
0x93: {  	s3 =	sld [smem:$0x3FFC];
	_ =	sdelay $0x3  }
0x94: {  	_ =	strace s3  }
0x95: {  	s3 =	sld [smem:$0x3FFD];
	_ =	sdelay $0x3  }
0x96: {  	_ =	strace s3  }
0x97: {  	_ =	strace $0x8FFFFFFF  }
0x98: {  	s19 =	sld [smem:$0x3FDB];
	_ =	sdelay $0x1  }
0x99: {  	s4 =	simm.s32 $_scs_section_size  }
0x9a: {  	s5 =	simm.s32 $_size__tile_overlayer_lowered;
	s6 =	simm.s32 $_tile_overlayer_lowered  }
0x9b: {  	s22 =	simm.s32 $0x1BFF;
	s21 =	sshll.u32 s6, $0x1;
	s3 =	sadd.s32 s4, s19  }
0x9c: {  	s7 =	simm.s32 $0x0;
	s20 =	sshll.u32 s5, $0x1;
	s5 =	sadd.s32 s21, s3  }
0x9d: {  	[timem:s7], [sflag:s22] =	dma.local [hbm:s5], s20  }
0x9e: {  	_ =	swait.ge [sflag:s22], s20  }
0x9f: {  	s4 =	ssub.s32 $0x0, s20;
	[sflag:s22] =	ssyncset.done $0x0  }
0xa0: {  	[sflag:s22] =	ssyncadd.s32 s4;
	_ =	sdelay $0x1  }
0xa1: {  	s23 =	simm.s32 $0x1B8B  }
0xa2: {  	_ =	swait.ge [sflag:s23], $0x1  }
0xa3: {  	[sflag:s23] =	ssyncset.done $0x0  }
0xa4: {  	s25 =	simm.s32 $0x1B8E;
	s24 =	sld [smem:$0x3FFE];
	[sflag:s23] =	ssyncadd.s32 $0xFFFFFFFF  }
0xa5: {  	s26 =	simm.s32 $execute0_lowered;
	[smem:$0x3FD2] =	sst s25  }
0xa6: {  	s5 =	sshll.u32 s26, $0x1;
	_ =	strace $0x80000046;
	[dreg:$0x1] =	wrdreg $0xFFFFFFFF  }
0xa7: {  	s28 =	simm.s32 $_size_execute0_lowered;
	s3 =	sadd.s32 s3, s5;
	[dreg:$0x0] =	wrdreg $0x0  }
0xa8: {  	s5 =	sshll.u32 s28, $0x1;
	[dreg:$0x2] =	wrdreg s3  }
0xa9: {  	[dreg:$0x3] =	wrdreg s5  }
0xaa: {  	[dreg:$0x4] =	wrdreg $0xC0  }
0xab: {  	_ =	task [dreg:s7], $0x5FFFF  }
0xac: {  	[dreg:$0x1] =	wrdreg $0xFFFFFFFF  }
0xad: {  	[dreg:$0x0] =	wrdreg $0x60  }
0xae: {  	[dreg:$0x2] =	wrdreg s24  }
0xaf: {  	[dreg:$0x3] =	wrdreg s2  }
0xb0: {  	[dreg:$0x4] =	wrdreg $0x30000  }
0xb1: {  	[dreg:$0x5] =	wrdreg $0x9  }
0xb2: {  	_ =	task.clear_ibuf [dreg:s7], $0x6FFFF;
	_ =	strace $0x90000046  }
0xb3: {  	s29 =	simm.s32 $0x9;
	_ =	strace $0x80000048  }
0xb4: {  	_ =	swait.ge [sflag:s29], $0x1  }
0xb5: {  	[sflag:s29] =	ssyncadd.s32 $0xFFFFFFFF  }
0xb6: {  	_ =	strace $0x90000048  }
0xb7: {  	_ =	sfence  }
0xb8: {  	s30 =	sld [smem:$0x0];
	_ =	sdelay $0x2  }
0xb9: {  	s31 =	sshll.u32 s1, $0xD;
	s1 =	sshrl.u32 s1, $0x2  }
0xba: {  	s3 =	sand.u32 $0x4000, s31;
	s1 =	sadd.s32 s1, s30  }
0xbb: {  	s0 =	sor.u32 s3, s0;
	s1 =	sshll.u32 s1, $0x11  }
0xbc: {  	s0 =	sor.u32 s1, s0  }
0xbd: {  	s0 =	sadd.s32 $0x8F2B, s0  }
0xbe: {  	[sflag:s0] =	ssyncadd.remote.s32 $0x1  }
0xbf: {  	_ =	sfence.sel $0xFFFF  }
0xc0: {  	[dreg:$0x0] =	wrdreg $0xFFFFFFFF;
	(pc) =	sbr.abs _section_cstart, $3  }
0xc1: {  	[dreg:$0x1] =	wrdreg $0xFFFFFFFF  }
0xc2: {  	_ =	task.clear_ibuf [dreg:s7], $0x2FFFF;
	_ =	strace $0x9FFFFFFF  }
0xc3: {  	(tm) =	ssettm $0x7FFFFFFF  }
tec
execute0_lowered:
.L_overlay_start_1:
0x0: {  	(tag) =	ssettag $0x1  }
0x1: {  	s6 =	rddreg [dreg:$0x0]  }
0x2: {  	s0 =	srdreg.scid;
	s2 =	rddreg [dreg:$0x1]  }
0x3: {  	s3 =	rddreg [dreg:$0x2];
	s1 =	stileid.u32;
	s4 =	simm.s32 $0x0  }
0x4: {  	s12 =	simm.s32 $0x2;
	s13 =	simm.s32 $0x3;
	s14 =	simm.s32 $0x80  }
0x5: {  	s15 =	simm.s32 $0x4;
	s5 =	sand.u32 $0x1, s0;
	s0 =	rddreg [dreg:$0x3]  }
0x6: {  	s19 =	simm.s32 $0x0;
	[smem:$0x7FF] =	sst s4;
	s11 =	smul.u32 $0x2800, s1  }
0x7: {  	s17 =	sshll.u32 s1, $0x6;
	s7 =	sshll.u32 s5, $0x4;
	_ =	strace $0x80000047  }
0x8: {  	s8 =	smul.u32 $0x5000, s5;
	s9 =	ssub.s32 $0x2, s5;
	s5 =	sadd.s32 $0xCA00, s6  }
0x9: {  	s7 =	sor.u32 s1, s7;
	s10 =	sshrl.u32 s9, $0x1;
	s31 =	sadd.s32 s11, s3  }
0xa: {  	s18 =	sshrl.u32 s11, $0x3;
	s11 =	simm.s32 $0x1;
	s7 =	smul.u32 $0x500, s7  }
0xb: {  	s8 =	sadd.s32 s8, s6;
	s9 =	ssub.s32 s9, s10;
	s10 =	simm.s32 $0x2800  }
0xc: {  	s16 =	sadd.s32 $0xD000, s8;
	s8 =	smax.u32 s9, $0x1;
	s9 =	sshrl.u32 s31, $0x3  }
0xd: {  	s7 =	sadd.s32 s7, s6;
	s16 =	sadd.s32 s18, s16;
	s18 =	simm.s32 $0x5  }
0xe: {  	s6 =	sadd.s32 $0x2A00, s7;
	s7 =	sor.u32 $0x1C02, s17;
	s17 =	sor.u32 $0x1C05, s17  }
.LBB2_1:
0xf: {  	[tilespmem:s4], [sflag:$0x1] =	stream.linear.gather [hbm4b:s6+s4], $0x2800, $0x38;
	[tilespmem:$0x5800] =	vst v63  }
0x10: {  	[spmem:s9], [sflag:s7] =	dma.local [hbm:s5], $0x500  }
0x11: {  	[tilespmem:s10], [sflag:$0x3] =	stream.linear.gather [hbm4b:s2+s4], $0x800, $0x38;
	[tilespmem:$0x5800] =	vst v63  }
0x12: {  	_ =	swait.ge [sflag:s11], $0x2800  }
0x13: {  	[sflag:s11] =	ssyncset.done $0x0  }
0x14: {  	[sflag:s11] =	ssyncadd.s32 $0xFFFFD800  }
0x15: {  	_ =	swait.ge [sflag:s12], $0x500  }
0x16: {  	[sflag:s12] =	ssyncset.done $0x0  }
0x17: {  	[sflag:s12] =	ssyncadd.s32 $0xFFFFFB00  }
0x18: {  	_ =	swait.ge [sflag:s13], $0x800  }
0x19: {  	[sflag:s13] =	ssyncset.done $0x0  }
0x1a: {  	[sflag:s13] =	ssyncadd.s32 $0xFFFFF800  }
0x1b: {  	s20 =	simm.s32 $0x0;
	[bflag:$0x0] =	sbarrier.arrive $0xFFFF  }
.LBB2_2:
0x1c: {  	p0 =	sne.s32 s20, $0x9E00  }
.Ltmp0:
0x1d: {  	_ = 	snop;
	(pc) =	sbr.rel @p0 .LBB2_2-.Ltmp0, $3  }
0x1e: {  	_ =	sdelay $0x1  }
0x1f: {  	s21 =	sshra.s32 s20, $0x2;
	s20 =	sadd.s32 $0x200, s20  }
0x20: {  	[spmem:s3] =	stream.indirect.scatter.add.f32 [tilespmem:s10], [sflag:$0x4], $0x10, s21, s14, $0xb8;
	[tilespmem:$0x5800] =	vst v63  }
0x21: {  	_ =	swait.ge [sflag:s15], $0x800  }
0x22: {  	s20 =	simm.s32 $0x4F;
	[sflag:s15] =	ssyncset.done $0x0  }
.LBB2_4:
0x23: {  	p0 =	sne.s32 s20, $0x1;
	s20 =	sadd.s32 $0xFFFFFFFF, s20;
	[sflag:s15] =	ssyncadd.s32 $0xFFFFF800  }
.Ltmp1:
0x24: {  	(pc) =	sbr.rel @p0 .LBB2_4-.Ltmp1, $3  }
0x25: {  	_ =	sdelay $0x1  }
0x26: {  	_ =	swait.ge [sflag:s15], $0x800  }
0x27: {  	[sflag:s15] =	ssyncset.done $0x0  }
0x28: {  	s19 =	sadd.s32 $0x1, s19  }
0x29: {  	[sflag:s15] =	ssyncadd.s32 $0xFFFFF800;
	p0 =	sne.s32 s19, s8  }
.Ltmp2:
0x2a: {  	[bflag:$0x0] =	sbarrier.arrive $0xFFFF;
	(pc) =	sbr.rel @p0 .LBB2_1-.Ltmp2, $4  }
0x2b: {  	[hbm:s16], [sflag:s17] =	dma.local [spmem:s9], $0x500  }
0x2c: {  	_ =	swait.ge [sflag:s18], $0x500  }
0x2d: {  	[sflag:s18] =	ssyncset.done $0x0  }
0x2e: {  	[sflag:s18] =	ssyncadd.s32 $0xFFFFFB00  }
0x2f: {  	_ =	sfence.sel $0x180000  }
0x30: {  	[bflag:$0x0] =	sbarrier.arrive $0xFFFF  }
0x31: {  	p0 =	sne.s32 s1, $0x0;
	_ =	strace $0x90000047  }
0x32: {  	s0 =	sadd.s32 @!p0 $0x100000, s0;
	[bflag:$0x2] =	sbarrier.arrive $0xFFFF  }
0x33: {  	[sflag:s0] =	ssyncadd.tile.s32 @!p0 $0x1;
	_ =	shalt  }
.Lfunc_end2:
_tile_overlayer_lowered:
.L_overlay_start_2:
0x34: {  	(tag) =	ssettag $0x2  }
0x35: {  	s0 =	rddreg [dreg:$0x0];
	s2 =	stileid.u32  }
0x36: {  	s1 =	rddreg [dreg:$0x1];
	p0 =	sne.s32 s2, $0x0  }
0x37: {  	s3 =	rddreg [dreg:$0x2];
	[bflag:$0x3] =	sbarrier.arrive $0xFFFF;
	s2 =	simm.s32 @!p0 $0x1C05  }
0x38: {  	[timem:s3], [sflag:s2] =	dma.local @!p0 [hbm:s0], s1  }
0x39: {  	s0 =	simm.s32 @!p0 $0x5  }
0x3a: {  	_ =	swait.ge @!p0 [sflag:s0], s1  }
0x3b: {  	s1 =	ssub.s32 @!p0 $0x0, s1;
	[sflag:s0] =	ssyncset.done @!p0 $0x0  }
0x3c: {  	[sflag:s0] =	ssyncadd.s32 @!p0 s1  }
0x3d: {  	[bflag:$0x3] =	sbarrier.arrive $0xFFFF  }
0x3e: {  	_ =	shalt  }

// kernel: kernel.14.cloned.1.call-start
scs
__scs_entry_jumppad:
0x0: {  	(pc) =	sbr.rel $0x88, $3  }
0x1: {  	(tag) =	ssettag $0x0;
	lr =	simm.s32 $0x1  }
0x2: {  	[smem:$0x3F96] =	sst lr;
	_ =	strace $0xD0000000  }
0x3: {  	_ = 	snop  }
0x4: {  	_ = 	snop  }
0x5: {  	_ = 	snop  }
0x6: {  	_ = 	snop  }
0x7: {  	_ = 	snop  }
__scs_overlays_trampoline_lowered:
0x8: {  	[smem:$0x3FA5] =	sst s0  }
0x9: {  	[smem:$0x3FA6] =	sst s1  }
0xa: {  	[smem:$0x3FA7] =	sst s2  }
0xb: {  	[smem:$0x3FA8] =	sst s3  }
0xc: {  	[smem:$0x3FA9] =	sst s4  }
0xd: {  	[smem:$0x3FAA] =	sst s5  }
0xe: {  	[smem:$0x3FAB] =	sst s6  }
0xf: {  	[smem:$0x3FAC] =	sst s7  }
0x10: {  	[smem:$0x3FAD] =	sst s8  }
0x11: {  	[smem:$0x3FAE] =	sst s9;
	s0 =	simm.s32 @!p0 $0x0  }
0x12: {  	s1 =	sld [smem:$0x3F94];
	s0 =	simm.s32 @p0 $0x1  }
0x13: {  	[smem:$0x3FAF] =	sst s0;
	s0 =	simm.s32 @!p1 $0x0  }
0x14: {  	s2 =	sld [smem:$0x3F93];
	s0 =	simm.s32 @p1 $0x1  }
0x15: {  	[smem:$0x3FB0] =	sst s0;
	s0 =	simm.s32 @!p2 $0x0  }
0x16: {  	s3 =	sld [smem:$0x3FDB];
	s0 =	simm.s32 @p2 $0x1  }
0x17: {  	s4 =	simm.s32 $0x1BF5;
	[smem:$0x3FB2] =	sst s0  }
0x18: {  	s0 =	sld [smem:$0x3F95];
	_ =	swait.ge [sflag:s4], $0x0  }
0x19: {  	s7 =	sld [smem:$0x3F96]  }
0x1a: {  	s8 =	sadd.s32 $0xFFFFE003, lr  }
0x1b: {  	s9 =	sadd.s32 $0xFFFFFEF7, lr;
	s5 =	simm.s32 $0xFFFFFFFF;
	p2 =	slt.u32 s8, $0xFFFFF086  }
0x1c: {  	p1 =	slt.u32 s9, $0xF7A;
	s5 =	simm.s32 @!p2 $0x0  }
0x1d: {  	s5 =	simm.s32 @p1 $0x1;
	p0 =	seq.s32 s7, s2  }
0x1e: {  	s7 =	smul.u32 @!p0 $0xF7A, s2;
	p2 =	seq.s32 @!p0 s5, $0x0  }
0x1f: {  	s9 =	smul.u32 $0xF7A, s1;
	s8 =	simm.s32 @!p0 $0x1BF5;
	p2 =	por !p2, p0  }
0x20: {  	[sflag:s8] =	ssyncset.s32 @!p0 $0xFFFFF086;
	s6 =	sadd.s32 @!p0 s3, s7;
	s7 =	simm.s32 @!p0 $0x108  }
0x21: {  	s3 =	sadd.s32 s3, s9;
	s6 =	sadd.s32 @!p0 $0x88, s6;
	s7 =	simm.s32 @p2 $0x1082  }
0x22: {  	[simem:s7], [sflag:s8] =	dma.local @!p0 [hbm:s6], $0xF7A  }
0x23: {  	s9 =	sor.u32 $0xD0000000, s2;
	s6 =	simm.s32 $0x108;
	_ =	swait.ge @!p0 [sflag:s8], $0x0  }
0x24: {  	s3 =	sadd.s32 $0x88, s3;
	s6 =	simm.s32 @!p1 $0x1082;
	[sflag:s4] =	ssyncset.s32 $0xFFFFF086  }
0x25: {  	[simem:s6], [sflag:s4] =	dma.local [hbm:s3], $0xF7A  }
0x26: {  	[smem:$0x3F96] =	sst s1;
	(tag) =	ssettag s2;
	_ =	strace s9  }
0x27: {  	s1 =	sld [smem:$0x3FA6]  }
0x28: {  	s2 =	sld [smem:$0x3FA7]  }
0x29: {  	s4 =	sld [smem:$0x3FA9]  }
0x2a: {  	p0 =	seq.s32 s5, $0x0;
	s5 =	sld [smem:$0x3FAA]  }
0x2b: {  	s6 =	sld [smem:$0x3FAB]  }
0x2c: {  	s7 =	sld [smem:$0x3FAC]  }
0x2d: {  	s3 =	simm.s32 $0x108;
	s8 =	sld [smem:$0x3FAD]  }
0x2e: {  	s3 =	simm.s32 @!p0 $0x1082;
	s9 =	sld [smem:$0x3FAE]  }
0x2f: {  	lr =	sadd.s32 s0, s3;
	s0 =	sld [smem:$0x3FA5]  }
0x30: {  	s3 =	sld [smem:$0x3FA8]  }
0x31: {  	[smem:$0x3FB1] =	sst s10  }
0x32: {  	s10 =	sld [smem:$0x3FAF];
	_ =	sdelay $0x3  }
0x33: {  	p0 =	seq.s32 s10, $0x1;
	s10 =	sld [smem:$0x3FB1];
	_ =	sdelay $0x3  }
0x34: {  	[smem:$0x3FB1] =	sst s10  }
0x35: {  	s10 =	sld [smem:$0x3FB0];
	_ =	sdelay $0x3  }
0x36: {  	p1 =	seq.s32 s10, $0x1;
	s10 =	sld [smem:$0x3FB1];
	_ =	sdelay $0x3  }
0x37: {  	[smem:$0x3FB1] =	sst s10  }
0x38: {  	s10 =	sld [smem:$0x3FB2]  }
0x39: {  	_ = 	snop;
	(pc) =	sbr.ind lr, $3  }
0x3a: {  	_ = 	snop  }
0x3b: {  	_ = 	snop  }
0x3c: {  	p2 =	seq.s32 s10, $0x1;
	s10 =	sld [smem:$0x3FB1]  }
0x3d: {  	_ =	shalt  }
0x3e: {  	_ =	shalt  }
0x3f: {  	_ =	shalt  }
0x40: {  	_ =	shalt  }
0x41: {  	_ =	shalt  }
0x42: {  	_ =	shalt  }
0x43: {  	_ =	shalt  }
0x44: {  	_ =	shalt  }
0x45: {  	_ =	shalt  }
0x46: {  	_ =	shalt  }
0x47: {  	_ =	shalt  }
0x48: {  	_ =	shalt  }
0x49: {  	_ =	shalt  }
0x4a: {  	_ =	shalt  }
0x4b: {  	_ =	shalt  }
0x4c: {  	_ =	shalt  }
0x4d: {  	_ =	shalt  }
0x4e: {  	_ =	shalt  }
0x4f: {  	_ =	shalt  }
0x50: {  	_ =	shalt  }
0x51: {  	_ =	shalt  }
0x52: {  	_ =	shalt  }
0x53: {  	_ =	shalt  }
0x54: {  	_ =	shalt  }
0x55: {  	_ =	shalt  }
0x56: {  	_ =	shalt  }
0x57: {  	_ =	shalt  }
0x58: {  	_ =	shalt  }
0x59: {  	_ =	shalt  }
0x5a: {  	_ =	shalt  }
0x5b: {  	_ =	shalt  }
0x5c: {  	_ =	shalt  }
0x5d: {  	_ =	shalt  }
0x5e: {  	_ =	shalt  }
0x5f: {  	_ =	shalt  }
0x60: {  	_ =	shalt  }
0x61: {  	_ =	shalt  }
0x62: {  	_ =	shalt  }
0x63: {  	_ =	shalt  }
0x64: {  	_ =	shalt  }
0x65: {  	_ =	shalt  }
0x66: {  	_ =	shalt  }
0x67: {  	_ =	shalt  }
0x68: {  	_ =	shalt  }
0x69: {  	_ =	shalt  }
0x6a: {  	_ =	shalt  }
0x6b: {  	_ =	shalt  }
0x6c: {  	_ =	shalt  }
0x6d: {  	_ =	shalt  }
0x6e: {  	_ =	shalt  }
0x6f: {  	_ =	shalt  }
0x70: {  	_ =	shalt  }
0x71: {  	_ =	shalt  }
0x72: {  	_ =	shalt  }
0x73: {  	_ =	shalt  }
0x74: {  	_ =	shalt  }
0x75: {  	_ =	shalt  }
0x76: {  	_ =	shalt  }
0x77: {  	_ =	shalt  }
0x78: {  	_ =	shalt  }
0x79: {  	_ =	shalt  }
0x7a: {  	_ =	shalt  }
0x7b: {  	_ =	shalt  }
0x7c: {  	_ =	shalt  }
0x7d: {  	_ =	shalt  }
0x7e: {  	_ =	shalt  }
0x7f: {  	_ =	shalt  }
0x80: {  	_ =	shalt  }
0x81: {  	_ =	shalt  }
0x82: {  	_ =	shalt  }
0x83: {  	_ =	shalt  }
0x84: {  	_ =	shalt  }
0x85: {  	_ =	shalt  }
0x86: {  	_ =	shalt  }
0x87: {  	_ =	shalt  }
.Lfunc_end0:
.L_simem_size_0:
called_computation.1_lowered:
.L_overlay_start_0:
0x88: {  	s2 =	sld [smem:$0x3FD9]  }
0x89: {  	s3 =	sld [smem:$0x3FFE];
	_ =	sdelay $0x1  }
0x8a: {  	s1 =	srdreg.scid  }
0x8b: {  	s0 =	sand.u32 $0x1, s1  }
0x8c: {  	s16 =	sshll.u32 s0, $0xA;
	s2 =	sadd.s32 s3, s2  }
0x8d: {  	s2 =	sadd.s32 s2, s16  }
0x8e: {  	[smem:$0x3FBD] =	sst s2  }
0x8f: {  	_ = 	snop  }
0x90: {  	(tm) =	ssettm $0x1  }
0x91: {  	s17 =	sld [smem:$0x3FFB];
	_ =	sdelay $0x3  }
0x92: {  	_ =	strace s17  }
0x93: {  	s2 =	sld [smem:$0x3FFC];
	_ =	sdelay $0x3  }
0x94: {  	_ =	strace s2  }
0x95: {  	s2 =	sld [smem:$0x3FFD];
	_ =	sdelay $0x3  }
0x96: {  	_ =	strace s2  }
0x97: {  	_ =	strace $0x8FFFFFFF  }
0x98: {  	s18 =	sld [smem:$0x3FDB];
	_ =	sdelay $0x1  }
0x99: {  	s19 =	simm.s32 $_scs_section_size  }
0x9a: {  	s4 =	simm.s32 $_size__tile_overlayer_lowered;
	s5 =	simm.s32 $_tile_overlayer_lowered  }
0x9b: {  	s22 =	simm.s32 $0x1BFF;
	s21 =	sshll.u32 s5, $0x1;
	s2 =	sadd.s32 s19, s18  }
0x9c: {  	s6 =	simm.s32 $0x0;
	s20 =	sshll.u32 s4, $0x1;
	s4 =	sadd.s32 s21, s2  }
0x9d: {  	[timem:s6], [sflag:s22] =	dma.local [hbm:s4], s20  }
0x9e: {  	_ =	swait.ge [sflag:s22], s20  }
0x9f: {  	s3 =	ssub.s32 $0x0, s20;
	[sflag:s22] =	ssyncset.done $0x0  }
0xa0: {  	[sflag:s22] =	ssyncadd.s32 s3;
	_ =	sdelay $0x1  }
0xa1: {  	s23 =	simm.s32 $0x1B8B  }
0xa2: {  	_ =	swait.ge [sflag:s23], $0x1  }
0xa3: {  	[sflag:s23] =	ssyncset.done $0x0  }
0xa4: {  	s25 =	simm.s32 $0x1B8E;
	s24 =	sld [smem:$0x3FFE];
	[sflag:s23] =	ssyncadd.s32 $0xFFFFFFFF  }
0xa5: {  	s26 =	simm.s32 $execute0_lowered;
	[smem:$0x3FD2] =	sst s25  }
0xa6: {  	s4 =	sshll.u32 s26, $0x1;
	_ =	strace $0x80000049;
	[dreg:$0x1] =	wrdreg $0xFFFFFFFF  }
0xa7: {  	s28 =	simm.s32 $_size_execute0_lowered;
	s2 =	sadd.s32 s2, s4;
	[dreg:$0x0] =	wrdreg $0x0  }
0xa8: {  	s4 =	sshll.u32 s28, $0x1;
	[dreg:$0x2] =	wrdreg s2  }
0xa9: {  	[dreg:$0x3] =	wrdreg s4  }
0xaa: {  	[dreg:$0x4] =	wrdreg $0xC0  }
0xab: {  	_ =	task [dreg:s6], $0x5FFFF  }
0xac: {  	[dreg:$0x1] =	wrdreg $0xFFFFFFFF  }
0xad: {  	[dreg:$0x0] =	wrdreg $0x60  }
0xae: {  	[dreg:$0x2] =	wrdreg s24  }
0xaf: {  	[dreg:$0x3] =	wrdreg $0xE0000  }
0xb0: {  	[dreg:$0x4] =	wrdreg $0x130000  }
0xb1: {  	[dreg:$0x5] =	wrdreg $0x9  }
0xb2: {  	_ =	task.clear_ibuf [dreg:s6], $0x6FFFF;
	_ =	strace $0x90000049  }
0xb3: {  	s29 =	simm.s32 $0x9;
	_ =	strace $0x8000004B  }
0xb4: {  	_ =	swait.ge [sflag:s29], $0x1  }
0xb5: {  	[sflag:s29] =	ssyncadd.s32 $0xFFFFFFFF  }
0xb6: {  	_ =	strace $0x9000004B  }
0xb7: {  	_ =	sfence  }
0xb8: {  	s30 =	sld [smem:$0x0];
	_ =	sdelay $0x2  }
0xb9: {  	s31 =	sshll.u32 s1, $0xD;
	s1 =	sshrl.u32 s1, $0x2  }
0xba: {  	s3 =	sand.u32 $0x4000, s31;
	s1 =	sadd.s32 s1, s30  }
0xbb: {  	s0 =	sor.u32 s3, s0;
	s1 =	sshll.u32 s1, $0x11  }
0xbc: {  	s0 =	sor.u32 s1, s0  }
0xbd: {  	s0 =	sadd.s32 $0x8F2B, s0  }
0xbe: {  	[sflag:s0] =	ssyncadd.remote.s32 $0x1  }
0xbf: {  	_ =	sfence.sel $0xFFFF  }
0xc0: {  	[dreg:$0x0] =	wrdreg $0xFFFFFFFF;
	(pc) =	sbr.abs _section_cstart, $3  }
0xc1: {  	[dreg:$0x1] =	wrdreg $0xFFFFFFFF  }
0xc2: {  	_ =	task.clear_ibuf [dreg:s6], $0x2FFFF;
	_ =	strace $0x9FFFFFFF  }
0xc3: {  	(tm) =	ssettm $0x7FFFFFFF  }
tec
execute0_lowered:
.L_overlay_start_1:
0x0: {  	(tag) =	ssettag $0x1  }
0x1: {  	s0 =	rddreg [dreg:$0x0]  }
0x2: {  	s2 =	rddreg [dreg:$0x1]  }
0x3: {  	s3 =	rddreg [dreg:$0x2];
	s4 =	simm.s32 $0x0;
	s10 =	stileid.u32  }
0x4: {  	s1 =	srdreg.scid;
	s16 =	simm.s32 $0x1;
	s17 =	simm.s32 $0x2  }
0x5: {  	s18 =	simm.s32 $0x3;
	s19 =	simm.s32 $0x4;
	s20 =	simm.s32 $0x80  }
0x6: {  	s21 =	simm.s32 $0xA000;
	s22 =	simm.s32 $0xB000;
	s25 =	simm.s32 $0xC000  }
0x7: {  	s28 =	simm.s32 $0xD000;
	s29 =	simm.s32 $0x5;
	s5 =	smul.u32 $0xA00, s10  }
0x8: {  	s31 =	simm.s32 $0x9E80;
	s1 =	sand.u32 $0x1, s1;
	s11 =	smul.u32 $0x5000, s10  }
0x9: {  	[smem:$0x7FF] =	sst s4;
	s6 =	smul.u32 $0xA000, s1;
	s1 =	ssub.s32 $0x2, s1  }
0xa: {  	_ =	strace $0x8000004A;
	s7 =	sadd.s32 s5, s0;
	s8 =	sshrl.u32 s1, $0x1  }
0xb: {  	s5 =	sadd.s32 $0xCA00, s0;
	s12 =	sshrl.u32 s11, $0x3;
	s13 =	sadd.s32 s11, s2  }
0xc: {  	s15 =	sadd.s32 s11, s3;
	s0 =	sadd.s32 s6, s0;
	s1 =	ssub.s32 s1, s8  }
0xd: {  	s6 =	sadd.s32 $0x17000, s7;
	s7 =	sadd.s32 $0x2A00, s7;
	s8 =	sshll.u32 s10, $0x6  }
0xe: {  	s13 =	sshrl.u32 s13, $0x3;
	s15 =	sshrl.u32 s15, $0x3;
	s9 =	sadd.s32 s12, s0  }
0xf: {  	s10 =	sor.u32 $0x1C03, s8;
	s0 =	sadd.s32 $0x83200, s0;
	s11 =	smax.u32 s1, $0x1  }
0x10: {  	s14 =	sor.u32 $0x1C04, s8;
	s1 =	simm.s32 $0x9F80;
	s9 =	sadd.s32 $0x6F200, s9  }
0x11: {  	s24 =	sadd.s32 s12, s0;
	s0 =	simm.s32 $0x9F00;
	s12 =	simm.s32 $0x0  }
.LBB2_1:
0x12: {  	[tilespmem:s4], [sflag:$0x1] =	stream.linear.gather [hbm4b:s6+s4], $0x5000, $0x38;
	[tilespmem:$0x18000] =	vst v63  }
0x13: {  	s23 =	simm.s32 $0x5000  }
0x14: {  	[tilespmem:s23], [sflag:$0x2] =	stream.linear.gather [hbm4b:s7+s4], $0x5000, $0x38;
	[tilespmem:$0x18000] =	vst v63  }
0x15: {  	[spmem:s13], [sflag:s10] =	dma.local [hbm:s9], $0xA00  }
0x16: {  	[spmem:s15], [sflag:s14] =	dma.local [hbm:s5], $0xA00  }
0x17: {  	_ =	swait.ge [sflag:s16], $0x5000  }
0x18: {  	[sflag:s16] =	ssyncset.done $0x0  }
0x19: {  	[sflag:s16] =	ssyncadd.s32 $0xFFFFB000  }
0x1a: {  	_ =	swait.ge [sflag:s17], $0x5000  }
0x1b: {  	[sflag:s17] =	ssyncset.done $0x0  }
0x1c: {  	[sflag:s17] =	ssyncadd.s32 $0xFFFFB000  }
0x1d: {  	_ =	swait.ge [sflag:s18], $0xA00  }
0x1e: {  	[sflag:s18] =	ssyncset.done $0x0  }
0x1f: {  	[sflag:s18] =	ssyncadd.s32 $0xFFFFF600  }
0x20: {  	_ =	swait.ge [sflag:s19], $0xA00  }
0x21: {  	[sflag:s19] =	ssyncset.done $0x0  }
0x22: {  	[sflag:s19] =	ssyncadd.s32 $0xFFFFF600  }
0x23: {  	[bflag:$0x0] =	sbarrier.arrive $0xFFFF  }
0x24: {  	[tilespmem:s21], [sflag:$0x1] =	stream.indirect.gather [spmem:s2], $0x20, s4, s20, $0xb8;
	[tilespmem:$0x18000] =	vst v63  }
0x25: {  	_ = 	snop  }
0x26: {  	[tilespmem:s22], [sflag:$0x2] =	stream.indirect.gather [spmem:s2], $0x20, s20, s20, $0xb8;
	[tilespmem:$0x18000] =	vst v63  }
0x27: {  	s30 =	simm.s32 $0x100  }
0x28: {  	[tilespmem:s25], [sflag:$0x3] =	stream.indirect.gather [spmem:s2], $0x20, s30, s20, $0xb8;
	[tilespmem:$0x18000] =	vst v63  }
0x29: {  	s26 =	simm.s32 $0x180  }
0x2a: {  	[tilespmem:s28], [sflag:$0x4] =	stream.indirect.gather [spmem:s2], $0x20, s26, s20, $0xb8;
	[tilespmem:$0x18000] =	vst v63  }
0x2b: {  	_ =	swait.ge [sflag:s16], $0x1000  }
0x2c: {  	[sflag:s16] =	ssyncset.done $0x0  }
0x2d: {  	s30 =	simm.s32 $0x5000;
	[sflag:s16] =	ssyncadd.s32 $0xFFFFF000  }
0x2e: {  	[spmem:s3] =	stream.indirect.scatter.add.f32 [tilespmem:s21], [sflag:$0x5], $0x20, s30, s20, $0xb8;
	[tilespmem:$0x18000] =	vst v63  }
0x2f: {  	_ =	swait.ge [sflag:s29], $0x1000  }
0x30: {  	[sflag:s29] =	ssyncset.done $0x0  }
0x31: {  	s26 =	simm.s32 $0x200;
	[sflag:s29] =	ssyncadd.s32 $0xFFFFF000  }
0x32: {  	[tilespmem:s21], [sflag:$0x1] =	stream.indirect.gather [spmem:s2], $0x20, s26, s20, $0xb8;
	[tilespmem:$0x18000] =	vst v63  }
0x33: {  	_ =	swait.ge [sflag:s17], $0x1000  }
0x34: {  	[sflag:s17] =	ssyncset.done $0x0  }
0x35: {  	s30 =	simm.s32 $0x5080;
	[sflag:s17] =	ssyncadd.s32 $0xFFFFF000  }
0x36: {  	[spmem:s3] =	stream.indirect.scatter.add.f32 [tilespmem:s22], [sflag:$0x5], $0x20, s30, s20, $0xb8;
	[tilespmem:$0x18000] =	vst v63  }
0x37: {  	_ =	swait.ge [sflag:s29], $0x1000  }
0x38: {  	[sflag:s29] =	ssyncset.done $0x0  }
0x39: {  	s26 =	simm.s32 $0x280;
	[sflag:s29] =	ssyncadd.s32 $0xFFFFF000  }
0x3a: {  	[tilespmem:s22], [sflag:$0x2] =	stream.indirect.gather [spmem:s2], $0x20, s26, s20, $0xb8;
	[tilespmem:$0x18000] =	vst v63  }
0x3b: {  	_ =	swait.ge [sflag:s18], $0x1000  }
0x3c: {  	[sflag:s18] =	ssyncset.done $0x0  }
0x3d: {  	s30 =	simm.s32 $0x5100;
	[sflag:s18] =	ssyncadd.s32 $0xFFFFF000  }
0x3e: {  	[spmem:s3] =	stream.indirect.scatter.add.f32 [tilespmem:s25], [sflag:$0x5], $0x20, s30, s20, $0xb8;
	[tilespmem:$0x18000] =	vst v63  }
0x3f: {  	_ =	swait.ge [sflag:s29], $0x1000  }
0x40: {  	[sflag:s29] =	ssyncset.done $0x0  }
0x41: {  	s26 =	simm.s32 $0x300;
	[sflag:s29] =	ssyncadd.s32 $0xFFFFF000  }
0x42: {  	[tilespmem:s25], [sflag:$0x3] =	stream.indirect.gather [spmem:s2], $0x20, s26, s20, $0xb8;
	[tilespmem:$0x18000] =	vst v63  }
0x43: {  	_ =	swait.ge [sflag:s19], $0x1000  }
0x44: {  	[sflag:s19] =	ssyncset.done $0x0  }
0x45: {  	s30 =	simm.s32 $0x5180;
	[sflag:s19] =	ssyncadd.s32 $0xFFFFF000  }
0x46: {  	[spmem:s3] =	stream.indirect.scatter.add.f32 [tilespmem:s28], [sflag:$0x5], $0x20, s30, s20, $0xb8;
	[tilespmem:$0x18000] =	vst v63  }
0x47: {  	_ =	swait.ge [sflag:s29], $0x1000  }
0x48: {  	[sflag:s29] =	ssyncset.done $0x0  }
0x49: {  	s23 =	simm.s32 $0x800;
	s26 =	simm.s32 $0x380;
	[sflag:s29] =	ssyncadd.s32 $0xFFFFF000  }
.LBB2_2:
0x4a: {  	[tilespmem:s28], [sflag:$0x4] =	stream.indirect.gather [spmem:s2], $0x20, s26, s20, $0xb8;
	[tilespmem:$0x18000] =	vst v63  }
0x4b: {  	s26 =	smov.u32 s23  }
0x4c: {  	p0 =	sne.s32 s23, $0x13000;
	s23 =	sadd.s32 $0x800, s23;
	_ =	swait.ge [sflag:s16], $0x1000  }
0x4d: {  	s26 =	sshra.s32 s26, $0x2;
	[sflag:s16] =	ssyncset.done $0x0  }
0x4e: {  	s30 =	sadd.s32 $0x5000, s26;
	[sflag:s16] =	ssyncadd.s32 $0xFFFFF000  }
0x4f: {  	[spmem:s3] =	stream.indirect.scatter.add.f32 [tilespmem:s21], [sflag:$0x5], $0x20, s30, s20, $0xb8;
	[tilespmem:$0x18000] =	vst v63  }
0x50: {  	_ =	swait.ge [sflag:s29], $0x1000  }
0x51: {  	[sflag:s29] =	ssyncset.done $0x0  }
0x52: {  	s30 =	sadd.s32 $0x200, s26;
	[sflag:s29] =	ssyncadd.s32 $0xFFFFF000  }
0x53: {  	[tilespmem:s21], [sflag:$0x1] =	stream.indirect.gather [spmem:s2], $0x20, s30, s20, $0xb8;
	[tilespmem:$0x18000] =	vst v63  }
0x54: {  	_ =	swait.ge [sflag:s17], $0x1000  }
0x55: {  	[sflag:s17] =	ssyncset.done $0x0  }
0x56: {  	s30 =	sadd.s32 $0x5080, s26;
	[sflag:s17] =	ssyncadd.s32 $0xFFFFF000  }
0x57: {  	[spmem:s3] =	stream.indirect.scatter.add.f32 [tilespmem:s22], [sflag:$0x5], $0x20, s30, s20, $0xb8;
	[tilespmem:$0x18000] =	vst v63  }
0x58: {  	_ =	swait.ge [sflag:s29], $0x1000  }
0x59: {  	[sflag:s29] =	ssyncset.done $0x0  }
0x5a: {  	s30 =	sadd.s32 $0x280, s26;
	[sflag:s29] =	ssyncadd.s32 $0xFFFFF000  }
0x5b: {  	[tilespmem:s22], [sflag:$0x2] =	stream.indirect.gather [spmem:s2], $0x20, s30, s20, $0xb8;
	[tilespmem:$0x18000] =	vst v63  }
0x5c: {  	_ =	swait.ge [sflag:s18], $0x1000  }
0x5d: {  	[sflag:s18] =	ssyncset.done $0x0  }
0x5e: {  	s30 =	sadd.s32 $0x5100, s26;
	[sflag:s18] =	ssyncadd.s32 $0xFFFFF000  }
0x5f: {  	[spmem:s3] =	stream.indirect.scatter.add.f32 [tilespmem:s25], [sflag:$0x5], $0x20, s30, s20, $0xb8;
	[tilespmem:$0x18000] =	vst v63  }
0x60: {  	_ =	swait.ge [sflag:s29], $0x1000  }
0x61: {  	[sflag:s29] =	ssyncset.done $0x0  }
0x62: {  	s30 =	sadd.s32 $0x300, s26;
	[sflag:s29] =	ssyncadd.s32 $0xFFFFF000  }
0x63: {  	[tilespmem:s25], [sflag:$0x3] =	stream.indirect.gather [spmem:s2], $0x20, s30, s20, $0xb8;
	[tilespmem:$0x18000] =	vst v63  }
0x64: {  	_ =	swait.ge [sflag:s19], $0x1000  }
0x65: {  	[sflag:s19] =	ssyncset.done $0x0  }
.Ltmp0:
0x66: {  	s30 =	sadd.s32 $0x5180, s26;
	[sflag:s19] =	ssyncadd.s32 $0xFFFFF000;
	(pc) =	sbr.rel @p0 .LBB2_2-.Ltmp0, $4  }
0x67: {  	[spmem:s3] =	stream.indirect.scatter.add.f32 [tilespmem:s28], [sflag:$0x5], $0x20, s30, s20, $0xb8;
	[tilespmem:$0x18000] =	vst v63  }
0x68: {  	_ =	swait.ge [sflag:s29], $0x1000  }
0x69: {  	[sflag:s29] =	ssyncset.done $0x0  }
0x6a: {  	s26 =	sadd.s32 $0x380, s26;
	[sflag:s29] =	ssyncadd.s32 $0xFFFFF000  }
0x6b: {  	[tilespmem:s28], [sflag:$0x4] =	stream.indirect.gather [spmem:s2], $0x20, s26, s20, $0xb8;
	[tilespmem:$0x18000] =	vst v63  }
0x6c: {  	_ =	swait.ge [sflag:s16], $0x1000  }
0x6d: {  	[sflag:s16] =	ssyncset.done $0x0  }
0x6e: {  	s23 =	simm.s32 $0x9E00;
	[sflag:s16] =	ssyncadd.s32 $0xFFFFF000  }
0x6f: {  	[spmem:s3] =	stream.indirect.scatter.add.f32 [tilespmem:s21], [sflag:$0x5], $0x20, s23, s20, $0xb8;
	[tilespmem:$0x18000] =	vst v63  }
0x70: {  	_ =	swait.ge [sflag:s29], $0x1000  }
0x71: {  	[sflag:s29] =	ssyncset.done $0x0  }
0x72: {  	[sflag:s29] =	ssyncadd.s32 $0xFFFFF000  }
0x73: {  	_ =	swait.ge [sflag:s17], $0x1000  }
0x74: {  	[sflag:s17] =	ssyncset.done $0x0  }
0x75: {  	[sflag:s17] =	ssyncadd.s32 $0xFFFFF000  }
0x76: {  	[spmem:s3] =	stream.indirect.scatter.add.f32 [tilespmem:s22], [sflag:$0x5], $0x20, s31, s20, $0xb8;
	[tilespmem:$0x18000] =	vst v63  }
0x77: {  	_ =	swait.ge [sflag:s29], $0x1000  }
0x78: {  	[sflag:s29] =	ssyncset.done $0x0  }
0x79: {  	[sflag:s29] =	ssyncadd.s32 $0xFFFFF000  }
0x7a: {  	_ =	swait.ge [sflag:s18], $0x1000  }
0x7b: {  	[sflag:s18] =	ssyncset.done $0x0  }
0x7c: {  	[sflag:s18] =	ssyncadd.s32 $0xFFFFF000  }
0x7d: {  	[spmem:s3] =	stream.indirect.scatter.add.f32 [tilespmem:s25], [sflag:$0x5], $0x20, s0, s20, $0xb8;
	[tilespmem:$0x18000] =	vst v63  }
0x7e: {  	_ =	swait.ge [sflag:s29], $0x1000  }
0x7f: {  	[sflag:s29] =	ssyncset.done $0x0  }
0x80: {  	[sflag:s29] =	ssyncadd.s32 $0xFFFFF000  }
0x81: {  	_ =	swait.ge [sflag:s19], $0x1000  }
0x82: {  	[sflag:s19] =	ssyncset.done $0x0  }
0x83: {  	[sflag:s19] =	ssyncadd.s32 $0xFFFFF000  }
0x84: {  	[spmem:s3] =	stream.indirect.scatter.add.f32 [tilespmem:s28], [sflag:$0x5], $0x20, s1, s20, $0xb8;
	[tilespmem:$0x18000] =	vst v63  }
0x85: {  	_ =	swait.ge [sflag:s29], $0x1000  }
0x86: {  	s12 =	sadd.s32 $0x1, s12;
	[sflag:s29] =	ssyncset.done $0x0  }
0x87: {  	p0 =	sne.s32 s12, s11;
	[sflag:s29] =	ssyncadd.s32 $0xFFFFF000  }
.Ltmp1:
0x88: {  	s30 =	sor.u32 $0x1C05, s8;
	[bflag:$0x0] =	sbarrier.arrive $0xFFFF;
	(pc) =	sbr.rel @p0 .LBB2_1-.Ltmp1, $4  }
0x89: {  	[hbm:s24], [sflag:s30] =	dma.local [spmem:s15], $0xA00  }
0x8a: {  	_ =	swait.ge [sflag:s29], $0xA00  }
0x8b: {  	[sflag:s29] =	ssyncset.done $0x0  }
0x8c: {  	[sflag:s29] =	ssyncadd.s32 $0xFFFFF600  }
0x8d: {  	_ =	sfence.sel $0x180000  }
0x8e: {  	[bflag:$0x0] =	sbarrier.arrive $0xFFFF  }
0x8f: {  	_ =	strace $0x9000004A  }
0x90: {  	s0 =	stileid.u32;
	[bflag:$0x2] =	sbarrier.arrive $0xFFFF  }
0x91: {  	p0 =	sne.s32 s0, $0x0;
	s0 =	rddreg [dreg:$0x3]  }
0x92: {  	s0 =	sadd.s32 @!p0 $0x100000, s0  }
0x93: {  	[sflag:s0] =	ssyncadd.tile.s32 @!p0 $0x1;
	_ =	shalt  }
.Lfunc_end2:
_tile_overlayer_lowered:
.L_overlay_start_2:
0x94: {  	(tag) =	ssettag $0x2  }
0x95: {  	s0 =	rddreg [dreg:$0x0];
	s2 =	stileid.u32  }
0x96: {  	s1 =	rddreg [dreg:$0x1];
	p0 =	sne.s32 s2, $0x0  }
0x97: {  	s3 =	rddreg [dreg:$0x2];
	[bflag:$0x3] =	sbarrier.arrive $0xFFFF;
	s2 =	simm.s32 @!p0 $0x1C05  }
0x98: {  	[timem:s3], [sflag:s2] =	dma.local @!p0 [hbm:s0], s1  }
0x99: {  	s0 =	simm.s32 @!p0 $0x5  }
0x9a: {  	_ =	swait.ge @!p0 [sflag:s0], s1  }
0x9b: {  	s1 =	ssub.s32 @!p0 $0x0, s1;
	[sflag:s0] =	ssyncset.done @!p0 $0x0  }
0x9c: {  	[sflag:s0] =	ssyncadd.s32 @!p0 s1  }
0x9d: {  	[bflag:$0x3] =	sbarrier.arrive $0xFFFF  }
0x9e: {  	_ =	shalt  }

// kernel: kernel.17.cloned.1.call-start
scs
__scs_entry_jumppad:
0x0: {  	(pc) =	sbr.rel $0x88, $3  }
0x1: {  	(tag) =	ssettag $0x0;
	lr =	simm.s32 $0x1  }
0x2: {  	[smem:$0x3F96] =	sst lr;
	_ =	strace $0xD0000000  }
0x3: {  	_ = 	snop  }
0x4: {  	_ = 	snop  }
0x5: {  	_ = 	snop  }
0x6: {  	_ = 	snop  }
0x7: {  	_ = 	snop  }
__scs_overlays_trampoline_lowered:
0x8: {  	[smem:$0x3FA5] =	sst s0  }
0x9: {  	[smem:$0x3FA6] =	sst s1  }
0xa: {  	[smem:$0x3FA7] =	sst s2  }
0xb: {  	[smem:$0x3FA8] =	sst s3  }
0xc: {  	[smem:$0x3FA9] =	sst s4  }
0xd: {  	[smem:$0x3FAA] =	sst s5  }
0xe: {  	[smem:$0x3FAB] =	sst s6  }
0xf: {  	[smem:$0x3FAC] =	sst s7  }
0x10: {  	[smem:$0x3FAD] =	sst s8  }
0x11: {  	[smem:$0x3FAE] =	sst s9;
	s0 =	simm.s32 @!p0 $0x0  }
0x12: {  	s1 =	sld [smem:$0x3F94];
	s0 =	simm.s32 @p0 $0x1  }
0x13: {  	[smem:$0x3FAF] =	sst s0;
	s0 =	simm.s32 @!p1 $0x0  }
0x14: {  	s2 =	sld [smem:$0x3F93];
	s0 =	simm.s32 @p1 $0x1  }
0x15: {  	[smem:$0x3FB0] =	sst s0;
	s0 =	simm.s32 @!p2 $0x0  }
0x16: {  	s3 =	sld [smem:$0x3FDB];
	s0 =	simm.s32 @p2 $0x1  }
0x17: {  	s4 =	simm.s32 $0x1BF5;
	[smem:$0x3FB2] =	sst s0  }
0x18: {  	s0 =	sld [smem:$0x3F95];
	_ =	swait.ge [sflag:s4], $0x0  }
0x19: {  	s7 =	sld [smem:$0x3F96]  }
0x1a: {  	s8 =	sadd.s32 $0xFFFFE003, lr  }
0x1b: {  	s9 =	sadd.s32 $0xFFFFFEF7, lr;
	s5 =	simm.s32 $0xFFFFFFFF;
	p2 =	slt.u32 s8, $0xFFFFF086  }
0x1c: {  	p1 =	slt.u32 s9, $0xF7A;
	s5 =	simm.s32 @!p2 $0x0  }
0x1d: {  	s5 =	simm.s32 @p1 $0x1;
	p0 =	seq.s32 s7, s2  }
0x1e: {  	s7 =	smul.u32 @!p0 $0xF7A, s2;
	p2 =	seq.s32 @!p0 s5, $0x0  }
0x1f: {  	s9 =	smul.u32 $0xF7A, s1;
	s8 =	simm.s32 @!p0 $0x1BF5;
	p2 =	por !p2, p0  }
0x20: {  	[sflag:s8] =	ssyncset.s32 @!p0 $0xFFFFF086;
	s6 =	sadd.s32 @!p0 s3, s7;
	s7 =	simm.s32 @!p0 $0x108  }
0x21: {  	s3 =	sadd.s32 s3, s9;
	s6 =	sadd.s32 @!p0 $0x88, s6;
	s7 =	simm.s32 @p2 $0x1082  }
0x22: {  	[simem:s7], [sflag:s8] =	dma.local @!p0 [hbm:s6], $0xF7A  }
0x23: {  	s9 =	sor.u32 $0xD0000000, s2;
	s6 =	simm.s32 $0x108;
	_ =	swait.ge @!p0 [sflag:s8], $0x0  }
0x24: {  	s3 =	sadd.s32 $0x88, s3;
	s6 =	simm.s32 @!p1 $0x1082;
	[sflag:s4] =	ssyncset.s32 $0xFFFFF086  }
0x25: {  	[simem:s6], [sflag:s4] =	dma.local [hbm:s3], $0xF7A  }
0x26: {  	[smem:$0x3F96] =	sst s1;
	(tag) =	ssettag s2;
	_ =	strace s9  }
0x27: {  	s1 =	sld [smem:$0x3FA6]  }
0x28: {  	s2 =	sld [smem:$0x3FA7]  }
0x29: {  	s4 =	sld [smem:$0x3FA9]  }
0x2a: {  	p0 =	seq.s32 s5, $0x0;
	s5 =	sld [smem:$0x3FAA]  }
0x2b: {  	s6 =	sld [smem:$0x3FAB]  }
0x2c: {  	s7 =	sld [smem:$0x3FAC]  }
0x2d: {  	s3 =	simm.s32 $0x108;
	s8 =	sld [smem:$0x3FAD]  }
0x2e: {  	s3 =	simm.s32 @!p0 $0x1082;
	s9 =	sld [smem:$0x3FAE]  }
0x2f: {  	lr =	sadd.s32 s0, s3;
	s0 =	sld [smem:$0x3FA5]  }
0x30: {  	s3 =	sld [smem:$0x3FA8]  }
0x31: {  	[smem:$0x3FB1] =	sst s10  }
0x32: {  	s10 =	sld [smem:$0x3FAF];
	_ =	sdelay $0x3  }
0x33: {  	p0 =	seq.s32 s10, $0x1;
	s10 =	sld [smem:$0x3FB1];
	_ =	sdelay $0x3  }
0x34: {  	[smem:$0x3FB1] =	sst s10  }
0x35: {  	s10 =	sld [smem:$0x3FB0];
	_ =	sdelay $0x3  }
0x36: {  	p1 =	seq.s32 s10, $0x1;
	s10 =	sld [smem:$0x3FB1];
	_ =	sdelay $0x3  }
0x37: {  	[smem:$0x3FB1] =	sst s10  }
0x38: {  	s10 =	sld [smem:$0x3FB2]  }
0x39: {  	_ = 	snop;
	(pc) =	sbr.ind lr, $3  }
0x3a: {  	_ = 	snop  }
0x3b: {  	_ = 	snop  }
0x3c: {  	p2 =	seq.s32 s10, $0x1;
	s10 =	sld [smem:$0x3FB1]  }
0x3d: {  	_ =	shalt  }
0x3e: {  	_ =	shalt  }
0x3f: {  	_ =	shalt  }
0x40: {  	_ =	shalt  }
0x41: {  	_ =	shalt  }
0x42: {  	_ =	shalt  }
0x43: {  	_ =	shalt  }
0x44: {  	_ =	shalt  }
0x45: {  	_ =	shalt  }
0x46: {  	_ =	shalt  }
0x47: {  	_ =	shalt  }
0x48: {  	_ =	shalt  }
0x49: {  	_ =	shalt  }
0x4a: {  	_ =	shalt  }
0x4b: {  	_ =	shalt  }
0x4c: {  	_ =	shalt  }
0x4d: {  	_ =	shalt  }
0x4e: {  	_ =	shalt  }
0x4f: {  	_ =	shalt  }
0x50: {  	_ =	shalt  }
0x51: {  	_ =	shalt  }
0x52: {  	_ =	shalt  }
0x53: {  	_ =	shalt  }
0x54: {  	_ =	shalt  }
0x55: {  	_ =	shalt  }
0x56: {  	_ =	shalt  }
0x57: {  	_ =	shalt  }
0x58: {  	_ =	shalt  }
0x59: {  	_ =	shalt  }
0x5a: {  	_ =	shalt  }
0x5b: {  	_ =	shalt  }
0x5c: {  	_ =	shalt  }
0x5d: {  	_ =	shalt  }
0x5e: {  	_ =	shalt  }
0x5f: {  	_ =	shalt  }
0x60: {  	_ =	shalt  }
0x61: {  	_ =	shalt  }
0x62: {  	_ =	shalt  }
0x63: {  	_ =	shalt  }
0x64: {  	_ =	shalt  }
0x65: {  	_ =	shalt  }
0x66: {  	_ =	shalt  }
0x67: {  	_ =	shalt  }
0x68: {  	_ =	shalt  }
0x69: {  	_ =	shalt  }
0x6a: {  	_ =	shalt  }
0x6b: {  	_ =	shalt  }
0x6c: {  	_ =	shalt  }
0x6d: {  	_ =	shalt  }
0x6e: {  	_ =	shalt  }
0x6f: {  	_ =	shalt  }
0x70: {  	_ =	shalt  }
0x71: {  	_ =	shalt  }
0x72: {  	_ =	shalt  }
0x73: {  	_ =	shalt  }
0x74: {  	_ =	shalt  }
0x75: {  	_ =	shalt  }
0x76: {  	_ =	shalt  }
0x77: {  	_ =	shalt  }
0x78: {  	_ =	shalt  }
0x79: {  	_ =	shalt  }
0x7a: {  	_ =	shalt  }
0x7b: {  	_ =	shalt  }
0x7c: {  	_ =	shalt  }
0x7d: {  	_ =	shalt  }
0x7e: {  	_ =	shalt  }
0x7f: {  	_ =	shalt  }
0x80: {  	_ =	shalt  }
0x81: {  	_ =	shalt  }
0x82: {  	_ =	shalt  }
0x83: {  	_ =	shalt  }
0x84: {  	_ =	shalt  }
0x85: {  	_ =	shalt  }
0x86: {  	_ =	shalt  }
0x87: {  	_ =	shalt  }
.Lfunc_end0:
.L_simem_size_0:
called_computation.2_lowered:
.L_overlay_start_0:
0x88: {  	s2 =	sld [smem:$0x3FD9]  }
0x89: {  	s3 =	sld [smem:$0x3FFE];
	_ =	sdelay $0x1  }
0x8a: {  	s1 =	srdreg.scid  }
0x8b: {  	s0 =	sand.u32 $0x1, s1  }
0x8c: {  	s16 =	sshll.u32 s0, $0xA;
	s2 =	sadd.s32 s3, s2  }
0x8d: {  	s2 =	sadd.s32 s2, s16  }
0x8e: {  	[smem:$0x3FBD] =	sst s2  }
0x8f: {  	_ = 	snop  }
0x90: {  	(tm) =	ssettm $0x1  }
0x91: {  	s17 =	sld [smem:$0x3FFB];
	_ =	sdelay $0x3  }
0x92: {  	_ =	strace s17  }
0x93: {  	s2 =	sld [smem:$0x3FFC];
	_ =	sdelay $0x3  }
0x94: {  	_ =	strace s2  }
0x95: {  	s2 =	sld [smem:$0x3FFD];
	_ =	sdelay $0x3  }
0x96: {  	_ =	strace s2  }
0x97: {  	_ =	strace $0x8FFFFFFF  }
0x98: {  	s18 =	sld [smem:$0x3FDB];
	_ =	sdelay $0x1  }
0x99: {  	s19 =	simm.s32 $_scs_section_size  }
0x9a: {  	s4 =	simm.s32 $_size__tile_overlayer_lowered;
	s5 =	simm.s32 $_tile_overlayer_lowered  }
0x9b: {  	s22 =	simm.s32 $0x1BFF;
	s21 =	sshll.u32 s5, $0x1;
	s2 =	sadd.s32 s19, s18  }
0x9c: {  	s6 =	simm.s32 $0x0;
	s20 =	sshll.u32 s4, $0x1;
	s4 =	sadd.s32 s21, s2  }
0x9d: {  	[timem:s6], [sflag:s22] =	dma.local [hbm:s4], s20  }
0x9e: {  	_ =	swait.ge [sflag:s22], s20  }
0x9f: {  	s3 =	ssub.s32 $0x0, s20;
	[sflag:s22] =	ssyncset.done $0x0  }
0xa0: {  	[sflag:s22] =	ssyncadd.s32 s3;
	_ =	sdelay $0x1  }
0xa1: {  	s23 =	simm.s32 $0x1B8B  }
0xa2: {  	_ =	swait.ge [sflag:s23], $0x1  }
0xa3: {  	[sflag:s23] =	ssyncset.done $0x0  }
0xa4: {  	s25 =	simm.s32 $0x1B8E;
	s24 =	sld [smem:$0x3FFE];
	[sflag:s23] =	ssyncadd.s32 $0xFFFFFFFF  }
0xa5: {  	s26 =	simm.s32 $execute0_lowered;
	[smem:$0x3FD2] =	sst s25  }
0xa6: {  	s4 =	sshll.u32 s26, $0x1;
	_ =	strace $0x8000004C;
	[dreg:$0x1] =	wrdreg $0xFFFFFFFF  }
0xa7: {  	s28 =	simm.s32 $_size_execute0_lowered;
	s2 =	sadd.s32 s2, s4;
	[dreg:$0x0] =	wrdreg $0x0  }
0xa8: {  	s4 =	sshll.u32 s28, $0x1;
	[dreg:$0x2] =	wrdreg s2  }
0xa9: {  	[dreg:$0x3] =	wrdreg s4  }
0xaa: {  	[dreg:$0x4] =	wrdreg $0xC0  }
0xab: {  	_ =	task [dreg:s6], $0x5FFFF  }
0xac: {  	[dreg:$0x1] =	wrdreg $0xFFFFFFFF  }
0xad: {  	[dreg:$0x0] =	wrdreg $0x60  }
0xae: {  	[dreg:$0x2] =	wrdreg s24  }
0xaf: {  	[dreg:$0x3] =	wrdreg $0xE0000  }
0xb0: {  	[dreg:$0x4] =	wrdreg $0x130000  }
0xb1: {  	[dreg:$0x5] =	wrdreg $0x9  }
0xb2: {  	_ =	task.clear_ibuf [dreg:s6], $0x6FFFF;
	_ =	strace $0x9000004C  }
0xb3: {  	s29 =	simm.s32 $0x9;
	_ =	strace $0x8000004E  }
0xb4: {  	_ =	swait.ge [sflag:s29], $0x1  }
0xb5: {  	[sflag:s29] =	ssyncadd.s32 $0xFFFFFFFF  }
0xb6: {  	_ =	strace $0x9000004E  }
0xb7: {  	_ =	sfence  }
0xb8: {  	s30 =	sld [smem:$0x0];
	_ =	sdelay $0x2  }
0xb9: {  	s31 =	sshll.u32 s1, $0xD;
	s1 =	sshrl.u32 s1, $0x2  }
0xba: {  	s3 =	sand.u32 $0x4000, s31;
	s1 =	sadd.s32 s1, s30  }
0xbb: {  	s0 =	sor.u32 s3, s0;
	s1 =	sshll.u32 s1, $0x11  }
0xbc: {  	s0 =	sor.u32 s1, s0  }
0xbd: {  	s0 =	sadd.s32 $0x8F2B, s0  }
0xbe: {  	[sflag:s0] =	ssyncadd.remote.s32 $0x1  }
0xbf: {  	_ =	sfence.sel $0xFFFF  }
0xc0: {  	[dreg:$0x0] =	wrdreg $0xFFFFFFFF;
	(pc) =	sbr.abs _section_cstart, $3  }
0xc1: {  	[dreg:$0x1] =	wrdreg $0xFFFFFFFF  }
0xc2: {  	_ =	task.clear_ibuf [dreg:s6], $0x2FFFF;
	_ =	strace $0x9FFFFFFF  }
0xc3: {  	(tm) =	ssettm $0x7FFFFFFF  }
tec
execute0_lowered:
.L_overlay_start_1:
0x0: {  	(tag) =	ssettag $0x1  }
0x1: {  	s0 =	rddreg [dreg:$0x0]  }
0x2: {  	s2 =	rddreg [dreg:$0x1]  }
0x3: {  	s3 =	rddreg [dreg:$0x2];
	s4 =	simm.s32 $0x0;
	s10 =	stileid.u32  }
0x4: {  	s1 =	srdreg.scid;
	s16 =	simm.s32 $0x1;
	s17 =	simm.s32 $0x2  }
0x5: {  	s18 =	simm.s32 $0x3;
	s19 =	simm.s32 $0x4;
	s20 =	simm.s32 $0x80  }
0x6: {  	s21 =	simm.s32 $0xA000;
	s22 =	simm.s32 $0xB000;
	s25 =	simm.s32 $0xC000  }
0x7: {  	s28 =	simm.s32 $0xD000;
	s29 =	simm.s32 $0x5;
	s5 =	smul.u32 $0xA00, s10  }
0x8: {  	s31 =	simm.s32 $0x9E80;
	s1 =	sand.u32 $0x1, s1;
	s11 =	smul.u32 $0x5000, s10  }
0x9: {  	[smem:$0x7FF] =	sst s4;
	s6 =	smul.u32 $0xA000, s1;
	s1 =	ssub.s32 $0x2, s1  }
0xa: {  	_ =	strace $0x8000004D;
	s7 =	sadd.s32 s5, s0;
	s8 =	sshrl.u32 s1, $0x1  }
0xb: {  	s5 =	sadd.s32 $0xCA00, s0;
	s12 =	sshrl.u32 s11, $0x3;
	s13 =	sadd.s32 s11, s2  }
0xc: {  	s15 =	sadd.s32 s11, s3;
	s0 =	sadd.s32 s6, s0;
	s1 =	ssub.s32 s1, s8  }
0xd: {  	s6 =	sadd.s32 $0x17000, s7;
	s7 =	sadd.s32 $0x2A00, s7;
	s8 =	sshll.u32 s10, $0x6  }
0xe: {  	s13 =	sshrl.u32 s13, $0x3;
	s15 =	sshrl.u32 s15, $0x3;
	s9 =	sadd.s32 s12, s0  }
0xf: {  	s10 =	sor.u32 $0x1C03, s8;
	s0 =	sadd.s32 $0x83200, s0;
	s11 =	smax.u32 s1, $0x1  }
0x10: {  	s14 =	sor.u32 $0x1C04, s8;
	s1 =	simm.s32 $0x9F80;
	s9 =	sadd.s32 $0x6F200, s9  }
0x11: {  	s24 =	sadd.s32 s12, s0;
	s0 =	simm.s32 $0x9F00;
	s12 =	simm.s32 $0x0  }
.LBB2_1:
0x12: {  	[tilespmem:s4], [sflag:$0x1] =	stream.linear.gather [hbm4b:s6+s4], $0x5000, $0x38;
	[tilespmem:$0x18000] =	vst v63  }
0x13: {  	s23 =	simm.s32 $0x5000  }
0x14: {  	[tilespmem:s23], [sflag:$0x2] =	stream.linear.gather [hbm4b:s7+s4], $0x5000, $0x38;
	[tilespmem:$0x18000] =	vst v63  }
0x15: {  	[spmem:s13], [sflag:s10] =	dma.local [hbm:s9], $0xA00  }
0x16: {  	[spmem:s15], [sflag:s14] =	dma.local [hbm:s5], $0xA00  }
0x17: {  	_ =	swait.ge [sflag:s16], $0x5000  }
0x18: {  	[sflag:s16] =	ssyncset.done $0x0  }
0x19: {  	[sflag:s16] =	ssyncadd.s32 $0xFFFFB000  }
0x1a: {  	_ =	swait.ge [sflag:s17], $0x5000  }
0x1b: {  	[sflag:s17] =	ssyncset.done $0x0  }
0x1c: {  	[sflag:s17] =	ssyncadd.s32 $0xFFFFB000  }
0x1d: {  	_ =	swait.ge [sflag:s18], $0xA00  }
0x1e: {  	[sflag:s18] =	ssyncset.done $0x0  }
0x1f: {  	[sflag:s18] =	ssyncadd.s32 $0xFFFFF600  }
0x20: {  	_ =	swait.ge [sflag:s19], $0xA00  }
0x21: {  	[sflag:s19] =	ssyncset.done $0x0  }
0x22: {  	[sflag:s19] =	ssyncadd.s32 $0xFFFFF600  }
0x23: {  	[bflag:$0x0] =	sbarrier.arrive $0xFFFF  }
0x24: {  	[tilespmem:s21], [sflag:$0x1] =	stream.indirect.gather [spmem:s2], $0x20, s4, s20, $0xb8;
	[tilespmem:$0x18000] =	vst v63  }
0x25: {  	_ = 	snop  }
0x26: {  	[tilespmem:s22], [sflag:$0x2] =	stream.indirect.gather [spmem:s2], $0x20, s20, s20, $0xb8;
	[tilespmem:$0x18000] =	vst v63  }
0x27: {  	s30 =	simm.s32 $0x100  }
0x28: {  	[tilespmem:s25], [sflag:$0x3] =	stream.indirect.gather [spmem:s2], $0x20, s30, s20, $0xb8;
	[tilespmem:$0x18000] =	vst v63  }
0x29: {  	s26 =	simm.s32 $0x180  }
0x2a: {  	[tilespmem:s28], [sflag:$0x4] =	stream.indirect.gather [spmem:s2], $0x20, s26, s20, $0xb8;
	[tilespmem:$0x18000] =	vst v63  }
0x2b: {  	_ =	swait.ge [sflag:s16], $0x1000  }
0x2c: {  	[sflag:s16] =	ssyncset.done $0x0  }
0x2d: {  	s30 =	simm.s32 $0x5000;
	[sflag:s16] =	ssyncadd.s32 $0xFFFFF000  }
0x2e: {  	[spmem:s3] =	stream.indirect.scatter.add.f32 [tilespmem:s21], [sflag:$0x5], $0x20, s30, s20, $0xb8;
	[tilespmem:$0x18000] =	vst v63  }
0x2f: {  	_ =	swait.ge [sflag:s29], $0x1000  }
0x30: {  	[sflag:s29] =	ssyncset.done $0x0  }
0x31: {  	s26 =	simm.s32 $0x200;
	[sflag:s29] =	ssyncadd.s32 $0xFFFFF000  }
0x32: {  	[tilespmem:s21], [sflag:$0x1] =	stream.indirect.gather [spmem:s2], $0x20, s26, s20, $0xb8;
	[tilespmem:$0x18000] =	vst v63  }
0x33: {  	_ =	swait.ge [sflag:s17], $0x1000  }
0x34: {  	[sflag:s17] =	ssyncset.done $0x0  }
0x35: {  	s30 =	simm.s32 $0x5080;
	[sflag:s17] =	ssyncadd.s32 $0xFFFFF000  }
0x36: {  	[spmem:s3] =	stream.indirect.scatter.add.f32 [tilespmem:s22], [sflag:$0x5], $0x20, s30, s20, $0xb8;
	[tilespmem:$0x18000] =	vst v63  }
0x37: {  	_ =	swait.ge [sflag:s29], $0x1000  }
0x38: {  	[sflag:s29] =	ssyncset.done $0x0  }
0x39: {  	s26 =	simm.s32 $0x280;
	[sflag:s29] =	ssyncadd.s32 $0xFFFFF000  }
0x3a: {  	[tilespmem:s22], [sflag:$0x2] =	stream.indirect.gather [spmem:s2], $0x20, s26, s20, $0xb8;
	[tilespmem:$0x18000] =	vst v63  }
0x3b: {  	_ =	swait.ge [sflag:s18], $0x1000  }
0x3c: {  	[sflag:s18] =	ssyncset.done $0x0  }
0x3d: {  	s30 =	simm.s32 $0x5100;
	[sflag:s18] =	ssyncadd.s32 $0xFFFFF000  }
0x3e: {  	[spmem:s3] =	stream.indirect.scatter.add.f32 [tilespmem:s25], [sflag:$0x5], $0x20, s30, s20, $0xb8;
	[tilespmem:$0x18000] =	vst v63  }
0x3f: {  	_ =	swait.ge [sflag:s29], $0x1000  }
0x40: {  	[sflag:s29] =	ssyncset.done $0x0  }
0x41: {  	s26 =	simm.s32 $0x300;
	[sflag:s29] =	ssyncadd.s32 $0xFFFFF000  }
0x42: {  	[tilespmem:s25], [sflag:$0x3] =	stream.indirect.gather [spmem:s2], $0x20, s26, s20, $0xb8;
	[tilespmem:$0x18000] =	vst v63  }
0x43: {  	_ =	swait.ge [sflag:s19], $0x1000  }
0x44: {  	[sflag:s19] =	ssyncset.done $0x0  }
0x45: {  	s30 =	simm.s32 $0x5180;
	[sflag:s19] =	ssyncadd.s32 $0xFFFFF000  }
0x46: {  	[spmem:s3] =	stream.indirect.scatter.add.f32 [tilespmem:s28], [sflag:$0x5], $0x20, s30, s20, $0xb8;
	[tilespmem:$0x18000] =	vst v63  }
0x47: {  	_ =	swait.ge [sflag:s29], $0x1000  }
0x48: {  	[sflag:s29] =	ssyncset.done $0x0  }
0x49: {  	s23 =	simm.s32 $0x800;
	s26 =	simm.s32 $0x380;
	[sflag:s29] =	ssyncadd.s32 $0xFFFFF000  }
.LBB2_2:
0x4a: {  	[tilespmem:s28], [sflag:$0x4] =	stream.indirect.gather [spmem:s2], $0x20, s26, s20, $0xb8;
	[tilespmem:$0x18000] =	vst v63  }
0x4b: {  	s26 =	smov.u32 s23  }
0x4c: {  	p0 =	sne.s32 s23, $0x13000;
	s23 =	sadd.s32 $0x800, s23;
	_ =	swait.ge [sflag:s16], $0x1000  }
0x4d: {  	s26 =	sshra.s32 s26, $0x2;
	[sflag:s16] =	ssyncset.done $0x0  }
0x4e: {  	s30 =	sadd.s32 $0x5000, s26;
	[sflag:s16] =	ssyncadd.s32 $0xFFFFF000  }
0x4f: {  	[spmem:s3] =	stream.indirect.scatter.add.f32 [tilespmem:s21], [sflag:$0x5], $0x20, s30, s20, $0xb8;
	[tilespmem:$0x18000] =	vst v63  }
0x50: {  	_ =	swait.ge [sflag:s29], $0x1000  }
0x51: {  	[sflag:s29] =	ssyncset.done $0x0  }
0x52: {  	s30 =	sadd.s32 $0x200, s26;
	[sflag:s29] =	ssyncadd.s32 $0xFFFFF000  }
0x53: {  	[tilespmem:s21], [sflag:$0x1] =	stream.indirect.gather [spmem:s2], $0x20, s30, s20, $0xb8;
	[tilespmem:$0x18000] =	vst v63  }
0x54: {  	_ =	swait.ge [sflag:s17], $0x1000  }
0x55: {  	[sflag:s17] =	ssyncset.done $0x0  }
0x56: {  	s30 =	sadd.s32 $0x5080, s26;
	[sflag:s17] =	ssyncadd.s32 $0xFFFFF000  }
0x57: {  	[spmem:s3] =	stream.indirect.scatter.add.f32 [tilespmem:s22], [sflag:$0x5], $0x20, s30, s20, $0xb8;
	[tilespmem:$0x18000] =	vst v63  }
0x58: {  	_ =	swait.ge [sflag:s29], $0x1000  }
0x59: {  	[sflag:s29] =	ssyncset.done $0x0  }
0x5a: {  	s30 =	sadd.s32 $0x280, s26;
	[sflag:s29] =	ssyncadd.s32 $0xFFFFF000  }
0x5b: {  	[tilespmem:s22], [sflag:$0x2] =	stream.indirect.gather [spmem:s2], $0x20, s30, s20, $0xb8;
	[tilespmem:$0x18000] =	vst v63  }
0x5c: {  	_ =	swait.ge [sflag:s18], $0x1000  }
0x5d: {  	[sflag:s18] =	ssyncset.done $0x0  }
0x5e: {  	s30 =	sadd.s32 $0x5100, s26;
	[sflag:s18] =	ssyncadd.s32 $0xFFFFF000  }
0x5f: {  	[spmem:s3] =	stream.indirect.scatter.add.f32 [tilespmem:s25], [sflag:$0x5], $0x20, s30, s20, $0xb8;
	[tilespmem:$0x18000] =	vst v63  }
0x60: {  	_ =	swait.ge [sflag:s29], $0x1000  }
0x61: {  	[sflag:s29] =	ssyncset.done $0x0  }
0x62: {  	s30 =	sadd.s32 $0x300, s26;
	[sflag:s29] =	ssyncadd.s32 $0xFFFFF000  }
0x63: {  	[tilespmem:s25], [sflag:$0x3] =	stream.indirect.gather [spmem:s2], $0x20, s30, s20, $0xb8;
	[tilespmem:$0x18000] =	vst v63  }
0x64: {  	_ =	swait.ge [sflag:s19], $0x1000  }
0x65: {  	[sflag:s19] =	ssyncset.done $0x0  }
.Ltmp0:
0x66: {  	s30 =	sadd.s32 $0x5180, s26;
	[sflag:s19] =	ssyncadd.s32 $0xFFFFF000;
	(pc) =	sbr.rel @p0 .LBB2_2-.Ltmp0, $4  }
0x67: {  	[spmem:s3] =	stream.indirect.scatter.add.f32 [tilespmem:s28], [sflag:$0x5], $0x20, s30, s20, $0xb8;
	[tilespmem:$0x18000] =	vst v63  }
0x68: {  	_ =	swait.ge [sflag:s29], $0x1000  }
0x69: {  	[sflag:s29] =	ssyncset.done $0x0  }
0x6a: {  	s26 =	sadd.s32 $0x380, s26;
	[sflag:s29] =	ssyncadd.s32 $0xFFFFF000  }
0x6b: {  	[tilespmem:s28], [sflag:$0x4] =	stream.indirect.gather [spmem:s2], $0x20, s26, s20, $0xb8;
	[tilespmem:$0x18000] =	vst v63  }
0x6c: {  	_ =	swait.ge [sflag:s16], $0x1000  }
0x6d: {  	[sflag:s16] =	ssyncset.done $0x0  }
0x6e: {  	s23 =	simm.s32 $0x9E00;
	[sflag:s16] =	ssyncadd.s32 $0xFFFFF000  }
0x6f: {  	[spmem:s3] =	stream.indirect.scatter.add.f32 [tilespmem:s21], [sflag:$0x5], $0x20, s23, s20, $0xb8;
	[tilespmem:$0x18000] =	vst v63  }
0x70: {  	_ =	swait.ge [sflag:s29], $0x1000  }
0x71: {  	[sflag:s29] =	ssyncset.done $0x0  }
0x72: {  	[sflag:s29] =	ssyncadd.s32 $0xFFFFF000  }
0x73: {  	_ =	swait.ge [sflag:s17], $0x1000  }
0x74: {  	[sflag:s17] =	ssyncset.done $0x0  }
0x75: {  	[sflag:s17] =	ssyncadd.s32 $0xFFFFF000  }
0x76: {  	[spmem:s3] =	stream.indirect.scatter.add.f32 [tilespmem:s22], [sflag:$0x5], $0x20, s31, s20, $0xb8;
	[tilespmem:$0x18000] =	vst v63  }
0x77: {  	_ =	swait.ge [sflag:s29], $0x1000  }
0x78: {  	[sflag:s29] =	ssyncset.done $0x0  }
0x79: {  	[sflag:s29] =	ssyncadd.s32 $0xFFFFF000  }
0x7a: {  	_ =	swait.ge [sflag:s18], $0x1000  }
0x7b: {  	[sflag:s18] =	ssyncset.done $0x0  }
0x7c: {  	[sflag:s18] =	ssyncadd.s32 $0xFFFFF000  }
0x7d: {  	[spmem:s3] =	stream.indirect.scatter.add.f32 [tilespmem:s25], [sflag:$0x5], $0x20, s0, s20, $0xb8;
	[tilespmem:$0x18000] =	vst v63  }
0x7e: {  	_ =	swait.ge [sflag:s29], $0x1000  }
0x7f: {  	[sflag:s29] =	ssyncset.done $0x0  }
0x80: {  	[sflag:s29] =	ssyncadd.s32 $0xFFFFF000  }
0x81: {  	_ =	swait.ge [sflag:s19], $0x1000  }
0x82: {  	[sflag:s19] =	ssyncset.done $0x0  }
0x83: {  	[sflag:s19] =	ssyncadd.s32 $0xFFFFF000  }
0x84: {  	[spmem:s3] =	stream.indirect.scatter.add.f32 [tilespmem:s28], [sflag:$0x5], $0x20, s1, s20, $0xb8;
	[tilespmem:$0x18000] =	vst v63  }
0x85: {  	_ =	swait.ge [sflag:s29], $0x1000  }
0x86: {  	s12 =	sadd.s32 $0x1, s12;
	[sflag:s29] =	ssyncset.done $0x0  }
0x87: {  	p0 =	sne.s32 s12, s11;
	[sflag:s29] =	ssyncadd.s32 $0xFFFFF000  }
.Ltmp1:
0x88: {  	s30 =	sor.u32 $0x1C05, s8;
	[bflag:$0x0] =	sbarrier.arrive $0xFFFF;
	(pc) =	sbr.rel @p0 .LBB2_1-.Ltmp1, $4  }
0x89: {  	[hbm:s24], [sflag:s30] =	dma.local [spmem:s15], $0xA00  }
0x8a: {  	_ =	swait.ge [sflag:s29], $0xA00  }
0x8b: {  	[sflag:s29] =	ssyncset.done $0x0  }
0x8c: {  	[sflag:s29] =	ssyncadd.s32 $0xFFFFF600  }
0x8d: {  	_ =	sfence.sel $0x180000  }
0x8e: {  	[bflag:$0x0] =	sbarrier.arrive $0xFFFF  }
0x8f: {  	_ =	strace $0x9000004D  }
0x90: {  	s0 =	stileid.u32;
	[bflag:$0x2] =	sbarrier.arrive $0xFFFF  }
0x91: {  	p0 =	sne.s32 s0, $0x0;
	s0 =	rddreg [dreg:$0x3]  }
0x92: {  	s0 =	sadd.s32 @!p0 $0x100000, s0  }
0x93: {  	[sflag:s0] =	ssyncadd.tile.s32 @!p0 $0x1;
	_ =	shalt  }
.Lfunc_end2:
_tile_overlayer_lowered:
.L_overlay_start_2:
0x94: {  	(tag) =	ssettag $0x2  }
0x95: {  	s0 =	rddreg [dreg:$0x0];
	s2 =	stileid.u32  }
0x96: {  	s1 =	rddreg [dreg:$0x1];
	p0 =	sne.s32 s2, $0x0  }
0x97: {  	s3 =	rddreg [dreg:$0x2];
	[bflag:$0x3] =	sbarrier.arrive $0xFFFF;
	s2 =	simm.s32 @!p0 $0x1C05  }
0x98: {  	[timem:s3], [sflag:s2] =	dma.local @!p0 [hbm:s0], s1  }
0x99: {  	s0 =	simm.s32 @!p0 $0x5  }
0x9a: {  	_ =	swait.ge @!p0 [sflag:s0], s1  }
0x9b: {  	s1 =	ssub.s32 @!p0 $0x0, s1;
	[sflag:s0] =	ssyncset.done @!p0 $0x0  }
0x9c: {  	[sflag:s0] =	ssyncadd.s32 @!p0 s1  }
0x9d: {  	[bflag:$0x3] =	sbarrier.arrive $0xFFFF  }
0x9e: {  	_ =	shalt  }

// kernel: kernel.20.cloned.1.call-start
scs
__scs_entry_jumppad:
0x0: {  	(pc) =	sbr.rel $0x88, $3  }
0x1: {  	(tag) =	ssettag $0x0;
	lr =	simm.s32 $0x1  }
0x2: {  	[smem:$0x3F96] =	sst lr;
	_ =	strace $0xD0000000  }
0x3: {  	_ = 	snop  }
0x4: {  	_ = 	snop  }
0x5: {  	_ = 	snop  }
0x6: {  	_ = 	snop  }
0x7: {  	_ = 	snop  }
__scs_overlays_trampoline_lowered:
0x8: {  	[smem:$0x3FA5] =	sst s0  }
0x9: {  	[smem:$0x3FA6] =	sst s1  }
0xa: {  	[smem:$0x3FA7] =	sst s2  }
0xb: {  	[smem:$0x3FA8] =	sst s3  }
0xc: {  	[smem:$0x3FA9] =	sst s4  }
0xd: {  	[smem:$0x3FAA] =	sst s5  }
0xe: {  	[smem:$0x3FAB] =	sst s6  }
0xf: {  	[smem:$0x3FAC] =	sst s7  }
0x10: {  	[smem:$0x3FAD] =	sst s8  }
0x11: {  	[smem:$0x3FAE] =	sst s9;
	s0 =	simm.s32 @!p0 $0x0  }
0x12: {  	s1 =	sld [smem:$0x3F94];
	s0 =	simm.s32 @p0 $0x1  }
0x13: {  	[smem:$0x3FAF] =	sst s0;
	s0 =	simm.s32 @!p1 $0x0  }
0x14: {  	s2 =	sld [smem:$0x3F93];
	s0 =	simm.s32 @p1 $0x1  }
0x15: {  	[smem:$0x3FB0] =	sst s0;
	s0 =	simm.s32 @!p2 $0x0  }
0x16: {  	s3 =	sld [smem:$0x3FDB];
	s0 =	simm.s32 @p2 $0x1  }
0x17: {  	s4 =	simm.s32 $0x1BF5;
	[smem:$0x3FB2] =	sst s0  }
0x18: {  	s0 =	sld [smem:$0x3F95];
	_ =	swait.ge [sflag:s4], $0x0  }
0x19: {  	s7 =	sld [smem:$0x3F96]  }
0x1a: {  	s8 =	sadd.s32 $0xFFFFE003, lr  }
0x1b: {  	s9 =	sadd.s32 $0xFFFFFEF7, lr;
	s5 =	simm.s32 $0xFFFFFFFF;
	p2 =	slt.u32 s8, $0xFFFFF086  }
0x1c: {  	p1 =	slt.u32 s9, $0xF7A;
	s5 =	simm.s32 @!p2 $0x0  }
0x1d: {  	s5 =	simm.s32 @p1 $0x1;
	p0 =	seq.s32 s7, s2  }
0x1e: {  	s7 =	smul.u32 @!p0 $0xF7A, s2;
	p2 =	seq.s32 @!p0 s5, $0x0  }
0x1f: {  	s9 =	smul.u32 $0xF7A, s1;
	s8 =	simm.s32 @!p0 $0x1BF5;
	p2 =	por !p2, p0  }
0x20: {  	[sflag:s8] =	ssyncset.s32 @!p0 $0xFFFFF086;
	s6 =	sadd.s32 @!p0 s3, s7;
	s7 =	simm.s32 @!p0 $0x108  }
0x21: {  	s3 =	sadd.s32 s3, s9;
	s6 =	sadd.s32 @!p0 $0x88, s6;
	s7 =	simm.s32 @p2 $0x1082  }
0x22: {  	[simem:s7], [sflag:s8] =	dma.local @!p0 [hbm:s6], $0xF7A  }
0x23: {  	s9 =	sor.u32 $0xD0000000, s2;
	s6 =	simm.s32 $0x108;
	_ =	swait.ge @!p0 [sflag:s8], $0x0  }
0x24: {  	s3 =	sadd.s32 $0x88, s3;
	s6 =	simm.s32 @!p1 $0x1082;
	[sflag:s4] =	ssyncset.s32 $0xFFFFF086  }
0x25: {  	[simem:s6], [sflag:s4] =	dma.local [hbm:s3], $0xF7A  }
0x26: {  	[smem:$0x3F96] =	sst s1;
	(tag) =	ssettag s2;
	_ =	strace s9  }
0x27: {  	s1 =	sld [smem:$0x3FA6]  }
0x28: {  	s2 =	sld [smem:$0x3FA7]  }
0x29: {  	s4 =	sld [smem:$0x3FA9]  }
0x2a: {  	p0 =	seq.s32 s5, $0x0;
	s5 =	sld [smem:$0x3FAA]  }
0x2b: {  	s6 =	sld [smem:$0x3FAB]  }
0x2c: {  	s7 =	sld [smem:$0x3FAC]  }
0x2d: {  	s3 =	simm.s32 $0x108;
	s8 =	sld [smem:$0x3FAD]  }
0x2e: {  	s3 =	simm.s32 @!p0 $0x1082;
	s9 =	sld [smem:$0x3FAE]  }
0x2f: {  	lr =	sadd.s32 s0, s3;
	s0 =	sld [smem:$0x3FA5]  }
0x30: {  	s3 =	sld [smem:$0x3FA8]  }
0x31: {  	[smem:$0x3FB1] =	sst s10  }
0x32: {  	s10 =	sld [smem:$0x3FAF];
	_ =	sdelay $0x3  }
0x33: {  	p0 =	seq.s32 s10, $0x1;
	s10 =	sld [smem:$0x3FB1];
	_ =	sdelay $0x3  }
0x34: {  	[smem:$0x3FB1] =	sst s10  }
0x35: {  	s10 =	sld [smem:$0x3FB0];
	_ =	sdelay $0x3  }
0x36: {  	p1 =	seq.s32 s10, $0x1;
	s10 =	sld [smem:$0x3FB1];
	_ =	sdelay $0x3  }
0x37: {  	[smem:$0x3FB1] =	sst s10  }
0x38: {  	s10 =	sld [smem:$0x3FB2]  }
0x39: {  	_ = 	snop;
	(pc) =	sbr.ind lr, $3  }
0x3a: {  	_ = 	snop  }
0x3b: {  	_ = 	snop  }
0x3c: {  	p2 =	seq.s32 s10, $0x1;
	s10 =	sld [smem:$0x3FB1]  }
0x3d: {  	_ =	shalt  }
0x3e: {  	_ =	shalt  }
0x3f: {  	_ =	shalt  }
0x40: {  	_ =	shalt  }
0x41: {  	_ =	shalt  }
0x42: {  	_ =	shalt  }
0x43: {  	_ =	shalt  }
0x44: {  	_ =	shalt  }
0x45: {  	_ =	shalt  }
0x46: {  	_ =	shalt  }
0x47: {  	_ =	shalt  }
0x48: {  	_ =	shalt  }
0x49: {  	_ =	shalt  }
0x4a: {  	_ =	shalt  }
0x4b: {  	_ =	shalt  }
0x4c: {  	_ =	shalt  }
0x4d: {  	_ =	shalt  }
0x4e: {  	_ =	shalt  }
0x4f: {  	_ =	shalt  }
0x50: {  	_ =	shalt  }
0x51: {  	_ =	shalt  }
0x52: {  	_ =	shalt  }
0x53: {  	_ =	shalt  }
0x54: {  	_ =	shalt  }
0x55: {  	_ =	shalt  }
0x56: {  	_ =	shalt  }
0x57: {  	_ =	shalt  }
0x58: {  	_ =	shalt  }
0x59: {  	_ =	shalt  }
0x5a: {  	_ =	shalt  }
0x5b: {  	_ =	shalt  }
0x5c: {  	_ =	shalt  }
0x5d: {  	_ =	shalt  }
0x5e: {  	_ =	shalt  }
0x5f: {  	_ =	shalt  }
0x60: {  	_ =	shalt  }
0x61: {  	_ =	shalt  }
0x62: {  	_ =	shalt  }
0x63: {  	_ =	shalt  }
0x64: {  	_ =	shalt  }
0x65: {  	_ =	shalt  }
0x66: {  	_ =	shalt  }
0x67: {  	_ =	shalt  }
0x68: {  	_ =	shalt  }
0x69: {  	_ =	shalt  }
0x6a: {  	_ =	shalt  }
0x6b: {  	_ =	shalt  }
0x6c: {  	_ =	shalt  }
0x6d: {  	_ =	shalt  }
0x6e: {  	_ =	shalt  }
0x6f: {  	_ =	shalt  }
0x70: {  	_ =	shalt  }
0x71: {  	_ =	shalt  }
0x72: {  	_ =	shalt  }
0x73: {  	_ =	shalt  }
0x74: {  	_ =	shalt  }
0x75: {  	_ =	shalt  }
0x76: {  	_ =	shalt  }
0x77: {  	_ =	shalt  }
0x78: {  	_ =	shalt  }
0x79: {  	_ =	shalt  }
0x7a: {  	_ =	shalt  }
0x7b: {  	_ =	shalt  }
0x7c: {  	_ =	shalt  }
0x7d: {  	_ =	shalt  }
0x7e: {  	_ =	shalt  }
0x7f: {  	_ =	shalt  }
0x80: {  	_ =	shalt  }
0x81: {  	_ =	shalt  }
0x82: {  	_ =	shalt  }
0x83: {  	_ =	shalt  }
0x84: {  	_ =	shalt  }
0x85: {  	_ =	shalt  }
0x86: {  	_ =	shalt  }
0x87: {  	_ =	shalt  }
.Lfunc_end0:
.L_simem_size_0:
called_computation.3_lowered:
.L_overlay_start_0:
0x88: {  	s2 =	sld [smem:$0x3FD9]  }
0x89: {  	s3 =	sld [smem:$0x3FFE];
	_ =	sdelay $0x1  }
0x8a: {  	s1 =	srdreg.scid  }
0x8b: {  	s0 =	sand.u32 $0x1, s1  }
0x8c: {  	s16 =	sshll.u32 s0, $0xA;
	s2 =	sadd.s32 s3, s2  }
0x8d: {  	s2 =	sadd.s32 s2, s16  }
0x8e: {  	[smem:$0x3FBD] =	sst s2  }
0x8f: {  	_ = 	snop  }
0x90: {  	(tm) =	ssettm $0x1  }
0x91: {  	s17 =	sld [smem:$0x3FFB];
	_ =	sdelay $0x3  }
0x92: {  	_ =	strace s17  }
0x93: {  	s2 =	sld [smem:$0x3FFC];
	_ =	sdelay $0x3  }
0x94: {  	_ =	strace s2  }
0x95: {  	s2 =	sld [smem:$0x3FFD];
	_ =	sdelay $0x3  }
0x96: {  	_ =	strace s2  }
0x97: {  	_ =	strace $0x8FFFFFFF  }
0x98: {  	s18 =	sld [smem:$0x3FDB];
	_ =	sdelay $0x1  }
0x99: {  	s19 =	simm.s32 $_scs_section_size  }
0x9a: {  	s4 =	simm.s32 $_size__tile_overlayer_lowered;
	s5 =	simm.s32 $_tile_overlayer_lowered  }
0x9b: {  	s22 =	simm.s32 $0x1BFF;
	s21 =	sshll.u32 s5, $0x1;
	s2 =	sadd.s32 s19, s18  }
0x9c: {  	s6 =	simm.s32 $0x0;
	s20 =	sshll.u32 s4, $0x1;
	s4 =	sadd.s32 s21, s2  }
0x9d: {  	[timem:s6], [sflag:s22] =	dma.local [hbm:s4], s20  }
0x9e: {  	_ =	swait.ge [sflag:s22], s20  }
0x9f: {  	s3 =	ssub.s32 $0x0, s20;
	[sflag:s22] =	ssyncset.done $0x0  }
0xa0: {  	[sflag:s22] =	ssyncadd.s32 s3;
	_ =	sdelay $0x1  }
0xa1: {  	s23 =	simm.s32 $0x1B8B  }
0xa2: {  	_ =	swait.ge [sflag:s23], $0x1  }
0xa3: {  	[sflag:s23] =	ssyncset.done $0x0  }
0xa4: {  	s25 =	simm.s32 $0x1B8E;
	s24 =	sld [smem:$0x3FFE];
	[sflag:s23] =	ssyncadd.s32 $0xFFFFFFFF  }
0xa5: {  	s26 =	simm.s32 $execute0_lowered;
	[smem:$0x3FD2] =	sst s25  }
0xa6: {  	s4 =	sshll.u32 s26, $0x1;
	_ =	strace $0x8000004F;
	[dreg:$0x1] =	wrdreg $0xFFFFFFFF  }
0xa7: {  	s28 =	simm.s32 $_size_execute0_lowered;
	s2 =	sadd.s32 s2, s4;
	[dreg:$0x0] =	wrdreg $0x0  }
0xa8: {  	s4 =	sshll.u32 s28, $0x1;
	[dreg:$0x2] =	wrdreg s2  }
0xa9: {  	[dreg:$0x3] =	wrdreg s4  }
0xaa: {  	[dreg:$0x4] =	wrdreg $0xC0  }
0xab: {  	_ =	task [dreg:s6], $0x5FFFF  }
0xac: {  	[dreg:$0x1] =	wrdreg $0xFFFFFFFF  }
0xad: {  	[dreg:$0x0] =	wrdreg $0x60  }
0xae: {  	[dreg:$0x2] =	wrdreg s24  }
0xaf: {  	[dreg:$0x3] =	wrdreg $0xE0000  }
0xb0: {  	[dreg:$0x4] =	wrdreg $0x130000  }
0xb1: {  	[dreg:$0x5] =	wrdreg $0x9  }
0xb2: {  	_ =	task.clear_ibuf [dreg:s6], $0x6FFFF;
	_ =	strace $0x9000004F  }
0xb3: {  	s29 =	simm.s32 $0x9;
	_ =	strace $0x80000051  }
0xb4: {  	_ =	swait.ge [sflag:s29], $0x1  }
0xb5: {  	[sflag:s29] =	ssyncadd.s32 $0xFFFFFFFF  }
0xb6: {  	_ =	strace $0x90000051  }
0xb7: {  	_ =	sfence  }
0xb8: {  	s30 =	sld [smem:$0x0];
	_ =	sdelay $0x2  }
0xb9: {  	s31 =	sshll.u32 s1, $0xD;
	s1 =	sshrl.u32 s1, $0x2  }
0xba: {  	s3 =	sand.u32 $0x4000, s31;
	s1 =	sadd.s32 s1, s30  }
0xbb: {  	s0 =	sor.u32 s3, s0;
	s1 =	sshll.u32 s1, $0x11  }
0xbc: {  	s0 =	sor.u32 s1, s0  }
0xbd: {  	s0 =	sadd.s32 $0x8F2B, s0  }
0xbe: {  	[sflag:s0] =	ssyncadd.remote.s32 $0x1  }
0xbf: {  	_ =	sfence.sel $0xFFFF  }
0xc0: {  	[dreg:$0x0] =	wrdreg $0xFFFFFFFF;
	(pc) =	sbr.abs _section_cstart, $3  }
0xc1: {  	[dreg:$0x1] =	wrdreg $0xFFFFFFFF  }
0xc2: {  	_ =	task.clear_ibuf [dreg:s6], $0x2FFFF;
	_ =	strace $0x9FFFFFFF  }
0xc3: {  	(tm) =	ssettm $0x7FFFFFFF  }
tec
execute0_lowered:
.L_overlay_start_1:
0x0: {  	(tag) =	ssettag $0x1  }
0x1: {  	s0 =	rddreg [dreg:$0x0]  }
0x2: {  	s2 =	rddreg [dreg:$0x1]  }
0x3: {  	s3 =	rddreg [dreg:$0x2];
	s4 =	simm.s32 $0x0;
	s10 =	stileid.u32  }
0x4: {  	s1 =	srdreg.scid;
	s16 =	simm.s32 $0x1;
	s17 =	simm.s32 $0x2  }
0x5: {  	s18 =	simm.s32 $0x3;
	s19 =	simm.s32 $0x4;
	s20 =	simm.s32 $0x80  }
0x6: {  	s21 =	simm.s32 $0xA000;
	s22 =	simm.s32 $0xB000;
	s25 =	simm.s32 $0xC000  }
0x7: {  	s28 =	simm.s32 $0xD000;
	s29 =	simm.s32 $0x5;
	s5 =	smul.u32 $0xA00, s10  }
0x8: {  	s31 =	simm.s32 $0x9E80;
	s1 =	sand.u32 $0x1, s1;
	s11 =	smul.u32 $0x5000, s10  }
0x9: {  	[smem:$0x7FF] =	sst s4;
	s6 =	smul.u32 $0xA000, s1;
	s1 =	ssub.s32 $0x2, s1  }
0xa: {  	_ =	strace $0x80000050;
	s7 =	sadd.s32 s5, s0;
	s8 =	sshrl.u32 s1, $0x1  }
0xb: {  	s5 =	sadd.s32 $0xCA00, s0;
	s12 =	sshrl.u32 s11, $0x3;
	s13 =	sadd.s32 s11, s2  }
0xc: {  	s15 =	sadd.s32 s11, s3;
	s0 =	sadd.s32 s6, s0;
	s1 =	ssub.s32 s1, s8  }
0xd: {  	s6 =	sadd.s32 $0x17000, s7;
	s7 =	sadd.s32 $0x2A00, s7;
	s8 =	sshll.u32 s10, $0x6  }
0xe: {  	s13 =	sshrl.u32 s13, $0x3;
	s15 =	sshrl.u32 s15, $0x3;
	s9 =	sadd.s32 s12, s0  }
0xf: {  	s10 =	sor.u32 $0x1C03, s8;
	s0 =	sadd.s32 $0x83200, s0;
	s11 =	smax.u32 s1, $0x1  }
0x10: {  	s14 =	sor.u32 $0x1C04, s8;
	s1 =	simm.s32 $0x9F80;
	s9 =	sadd.s32 $0x6F200, s9  }
0x11: {  	s24 =	sadd.s32 s12, s0;
	s0 =	simm.s32 $0x9F00;
	s12 =	simm.s32 $0x0  }
.LBB2_1:
0x12: {  	[tilespmem:s4], [sflag:$0x1] =	stream.linear.gather [hbm4b:s6+s4], $0x5000, $0x38;
	[tilespmem:$0x18000] =	vst v63  }
0x13: {  	s23 =	simm.s32 $0x5000  }
0x14: {  	[tilespmem:s23], [sflag:$0x2] =	stream.linear.gather [hbm4b:s7+s4], $0x5000, $0x38;
	[tilespmem:$0x18000] =	vst v63  }
0x15: {  	[spmem:s13], [sflag:s10] =	dma.local [hbm:s9], $0xA00  }
0x16: {  	[spmem:s15], [sflag:s14] =	dma.local [hbm:s5], $0xA00  }
0x17: {  	_ =	swait.ge [sflag:s16], $0x5000  }
0x18: {  	[sflag:s16] =	ssyncset.done $0x0  }
0x19: {  	[sflag:s16] =	ssyncadd.s32 $0xFFFFB000  }
0x1a: {  	_ =	swait.ge [sflag:s17], $0x5000  }
0x1b: {  	[sflag:s17] =	ssyncset.done $0x0  }
0x1c: {  	[sflag:s17] =	ssyncadd.s32 $0xFFFFB000  }
0x1d: {  	_ =	swait.ge [sflag:s18], $0xA00  }
0x1e: {  	[sflag:s18] =	ssyncset.done $0x0  }
0x1f: {  	[sflag:s18] =	ssyncadd.s32 $0xFFFFF600  }
0x20: {  	_ =	swait.ge [sflag:s19], $0xA00  }
0x21: {  	[sflag:s19] =	ssyncset.done $0x0  }
0x22: {  	[sflag:s19] =	ssyncadd.s32 $0xFFFFF600  }
0x23: {  	[bflag:$0x0] =	sbarrier.arrive $0xFFFF  }
0x24: {  	[tilespmem:s21], [sflag:$0x1] =	stream.indirect.gather [spmem:s2], $0x20, s4, s20, $0xb8;
	[tilespmem:$0x18000] =	vst v63  }
0x25: {  	_ = 	snop  }
0x26: {  	[tilespmem:s22], [sflag:$0x2] =	stream.indirect.gather [spmem:s2], $0x20, s20, s20, $0xb8;
	[tilespmem:$0x18000] =	vst v63  }
0x27: {  	s30 =	simm.s32 $0x100  }
0x28: {  	[tilespmem:s25], [sflag:$0x3] =	stream.indirect.gather [spmem:s2], $0x20, s30, s20, $0xb8;
	[tilespmem:$0x18000] =	vst v63  }
0x29: {  	s26 =	simm.s32 $0x180  }
0x2a: {  	[tilespmem:s28], [sflag:$0x4] =	stream.indirect.gather [spmem:s2], $0x20, s26, s20, $0xb8;
	[tilespmem:$0x18000] =	vst v63  }
0x2b: {  	_ =	swait.ge [sflag:s16], $0x1000  }
0x2c: {  	[sflag:s16] =	ssyncset.done $0x0  }
0x2d: {  	s30 =	simm.s32 $0x5000;
	[sflag:s16] =	ssyncadd.s32 $0xFFFFF000  }
0x2e: {  	[spmem:s3] =	stream.indirect.scatter.add.f32 [tilespmem:s21], [sflag:$0x5], $0x20, s30, s20, $0xb8;
	[tilespmem:$0x18000] =	vst v63  }
0x2f: {  	_ =	swait.ge [sflag:s29], $0x1000  }
0x30: {  	[sflag:s29] =	ssyncset.done $0x0  }
0x31: {  	s26 =	simm.s32 $0x200;
	[sflag:s29] =	ssyncadd.s32 $0xFFFFF000  }
0x32: {  	[tilespmem:s21], [sflag:$0x1] =	stream.indirect.gather [spmem:s2], $0x20, s26, s20, $0xb8;
	[tilespmem:$0x18000] =	vst v63  }
0x33: {  	_ =	swait.ge [sflag:s17], $0x1000  }
0x34: {  	[sflag:s17] =	ssyncset.done $0x0  }
0x35: {  	s30 =	simm.s32 $0x5080;
	[sflag:s17] =	ssyncadd.s32 $0xFFFFF000  }
0x36: {  	[spmem:s3] =	stream.indirect.scatter.add.f32 [tilespmem:s22], [sflag:$0x5], $0x20, s30, s20, $0xb8;
	[tilespmem:$0x18000] =	vst v63  }
0x37: {  	_ =	swait.ge [sflag:s29], $0x1000  }
0x38: {  	[sflag:s29] =	ssyncset.done $0x0  }
0x39: {  	s26 =	simm.s32 $0x280;
	[sflag:s29] =	ssyncadd.s32 $0xFFFFF000  }
0x3a: {  	[tilespmem:s22], [sflag:$0x2] =	stream.indirect.gather [spmem:s2], $0x20, s26, s20, $0xb8;
	[tilespmem:$0x18000] =	vst v63  }
0x3b: {  	_ =	swait.ge [sflag:s18], $0x1000  }
0x3c: {  	[sflag:s18] =	ssyncset.done $0x0  }
0x3d: {  	s30 =	simm.s32 $0x5100;
	[sflag:s18] =	ssyncadd.s32 $0xFFFFF000  }
0x3e: {  	[spmem:s3] =	stream.indirect.scatter.add.f32 [tilespmem:s25], [sflag:$0x5], $0x20, s30, s20, $0xb8;
	[tilespmem:$0x18000] =	vst v63  }
0x3f: {  	_ =	swait.ge [sflag:s29], $0x1000  }
0x40: {  	[sflag:s29] =	ssyncset.done $0x0  }
0x41: {  	s26 =	simm.s32 $0x300;
	[sflag:s29] =	ssyncadd.s32 $0xFFFFF000  }
0x42: {  	[tilespmem:s25], [sflag:$0x3] =	stream.indirect.gather [spmem:s2], $0x20, s26, s20, $0xb8;
	[tilespmem:$0x18000] =	vst v63  }
0x43: {  	_ =	swait.ge [sflag:s19], $0x1000  }
0x44: {  	[sflag:s19] =	ssyncset.done $0x0  }
0x45: {  	s30 =	simm.s32 $0x5180;
	[sflag:s19] =	ssyncadd.s32 $0xFFFFF000  }
0x46: {  	[spmem:s3] =	stream.indirect.scatter.add.f32 [tilespmem:s28], [sflag:$0x5], $0x20, s30, s20, $0xb8;
	[tilespmem:$0x18000] =	vst v63  }
0x47: {  	_ =	swait.ge [sflag:s29], $0x1000  }
0x48: {  	[sflag:s29] =	ssyncset.done $0x0  }
0x49: {  	s23 =	simm.s32 $0x800;
	s26 =	simm.s32 $0x380;
	[sflag:s29] =	ssyncadd.s32 $0xFFFFF000  }
.LBB2_2:
0x4a: {  	[tilespmem:s28], [sflag:$0x4] =	stream.indirect.gather [spmem:s2], $0x20, s26, s20, $0xb8;
	[tilespmem:$0x18000] =	vst v63  }
0x4b: {  	s26 =	smov.u32 s23  }
0x4c: {  	p0 =	sne.s32 s23, $0x13000;
	s23 =	sadd.s32 $0x800, s23;
	_ =	swait.ge [sflag:s16], $0x1000  }
0x4d: {  	s26 =	sshra.s32 s26, $0x2;
	[sflag:s16] =	ssyncset.done $0x0  }
0x4e: {  	s30 =	sadd.s32 $0x5000, s26;
	[sflag:s16] =	ssyncadd.s32 $0xFFFFF000  }
0x4f: {  	[spmem:s3] =	stream.indirect.scatter.add.f32 [tilespmem:s21], [sflag:$0x5], $0x20, s30, s20, $0xb8;
	[tilespmem:$0x18000] =	vst v63  }
0x50: {  	_ =	swait.ge [sflag:s29], $0x1000  }
0x51: {  	[sflag:s29] =	ssyncset.done $0x0  }
0x52: {  	s30 =	sadd.s32 $0x200, s26;
	[sflag:s29] =	ssyncadd.s32 $0xFFFFF000  }
0x53: {  	[tilespmem:s21], [sflag:$0x1] =	stream.indirect.gather [spmem:s2], $0x20, s30, s20, $0xb8;
	[tilespmem:$0x18000] =	vst v63  }
0x54: {  	_ =	swait.ge [sflag:s17], $0x1000  }
0x55: {  	[sflag:s17] =	ssyncset.done $0x0  }
0x56: {  	s30 =	sadd.s32 $0x5080, s26;
	[sflag:s17] =	ssyncadd.s32 $0xFFFFF000  }
0x57: {  	[spmem:s3] =	stream.indirect.scatter.add.f32 [tilespmem:s22], [sflag:$0x5], $0x20, s30, s20, $0xb8;
	[tilespmem:$0x18000] =	vst v63  }
0x58: {  	_ =	swait.ge [sflag:s29], $0x1000  }
0x59: {  	[sflag:s29] =	ssyncset.done $0x0  }
0x5a: {  	s30 =	sadd.s32 $0x280, s26;
	[sflag:s29] =	ssyncadd.s32 $0xFFFFF000  }
0x5b: {  	[tilespmem:s22], [sflag:$0x2] =	stream.indirect.gather [spmem:s2], $0x20, s30, s20, $0xb8;
	[tilespmem:$0x18000] =	vst v63  }
0x5c: {  	_ =	swait.ge [sflag:s18], $0x1000  }
0x5d: {  	[sflag:s18] =	ssyncset.done $0x0  }
0x5e: {  	s30 =	sadd.s32 $0x5100, s26;
	[sflag:s18] =	ssyncadd.s32 $0xFFFFF000  }
0x5f: {  	[spmem:s3] =	stream.indirect.scatter.add.f32 [tilespmem:s25], [sflag:$0x5], $0x20, s30, s20, $0xb8;
	[tilespmem:$0x18000] =	vst v63  }
0x60: {  	_ =	swait.ge [sflag:s29], $0x1000  }
0x61: {  	[sflag:s29] =	ssyncset.done $0x0  }
0x62: {  	s30 =	sadd.s32 $0x300, s26;
	[sflag:s29] =	ssyncadd.s32 $0xFFFFF000  }
0x63: {  	[tilespmem:s25], [sflag:$0x3] =	stream.indirect.gather [spmem:s2], $0x20, s30, s20, $0xb8;
	[tilespmem:$0x18000] =	vst v63  }
0x64: {  	_ =	swait.ge [sflag:s19], $0x1000  }
0x65: {  	[sflag:s19] =	ssyncset.done $0x0  }
.Ltmp0:
0x66: {  	s30 =	sadd.s32 $0x5180, s26;
	[sflag:s19] =	ssyncadd.s32 $0xFFFFF000;
	(pc) =	sbr.rel @p0 .LBB2_2-.Ltmp0, $4  }
0x67: {  	[spmem:s3] =	stream.indirect.scatter.add.f32 [tilespmem:s28], [sflag:$0x5], $0x20, s30, s20, $0xb8;
	[tilespmem:$0x18000] =	vst v63  }
0x68: {  	_ =	swait.ge [sflag:s29], $0x1000  }
0x69: {  	[sflag:s29] =	ssyncset.done $0x0  }
0x6a: {  	s26 =	sadd.s32 $0x380, s26;
	[sflag:s29] =	ssyncadd.s32 $0xFFFFF000  }
0x6b: {  	[tilespmem:s28], [sflag:$0x4] =	stream.indirect.gather [spmem:s2], $0x20, s26, s20, $0xb8;
	[tilespmem:$0x18000] =	vst v63  }
0x6c: {  	_ =	swait.ge [sflag:s16], $0x1000  }
0x6d: {  	[sflag:s16] =	ssyncset.done $0x0  }
0x6e: {  	s23 =	simm.s32 $0x9E00;
	[sflag:s16] =	ssyncadd.s32 $0xFFFFF000  }
0x6f: {  	[spmem:s3] =	stream.indirect.scatter.add.f32 [tilespmem:s21], [sflag:$0x5], $0x20, s23, s20, $0xb8;
	[tilespmem:$0x18000] =	vst v63  }
0x70: {  	_ =	swait.ge [sflag:s29], $0x1000  }
0x71: {  	[sflag:s29] =	ssyncset.done $0x0  }
0x72: {  	[sflag:s29] =	ssyncadd.s32 $0xFFFFF000  }
0x73: {  	_ =	swait.ge [sflag:s17], $0x1000  }
0x74: {  	[sflag:s17] =	ssyncset.done $0x0  }
0x75: {  	[sflag:s17] =	ssyncadd.s32 $0xFFFFF000  }
0x76: {  	[spmem:s3] =	stream.indirect.scatter.add.f32 [tilespmem:s22], [sflag:$0x5], $0x20, s31, s20, $0xb8;
	[tilespmem:$0x18000] =	vst v63  }
0x77: {  	_ =	swait.ge [sflag:s29], $0x1000  }
0x78: {  	[sflag:s29] =	ssyncset.done $0x0  }
0x79: {  	[sflag:s29] =	ssyncadd.s32 $0xFFFFF000  }
0x7a: {  	_ =	swait.ge [sflag:s18], $0x1000  }
0x7b: {  	[sflag:s18] =	ssyncset.done $0x0  }
0x7c: {  	[sflag:s18] =	ssyncadd.s32 $0xFFFFF000  }
0x7d: {  	[spmem:s3] =	stream.indirect.scatter.add.f32 [tilespmem:s25], [sflag:$0x5], $0x20, s0, s20, $0xb8;
	[tilespmem:$0x18000] =	vst v63  }
0x7e: {  	_ =	swait.ge [sflag:s29], $0x1000  }
0x7f: {  	[sflag:s29] =	ssyncset.done $0x0  }
0x80: {  	[sflag:s29] =	ssyncadd.s32 $0xFFFFF000  }
0x81: {  	_ =	swait.ge [sflag:s19], $0x1000  }
0x82: {  	[sflag:s19] =	ssyncset.done $0x0  }
0x83: {  	[sflag:s19] =	ssyncadd.s32 $0xFFFFF000  }
0x84: {  	[spmem:s3] =	stream.indirect.scatter.add.f32 [tilespmem:s28], [sflag:$0x5], $0x20, s1, s20, $0xb8;
	[tilespmem:$0x18000] =	vst v63  }
0x85: {  	_ =	swait.ge [sflag:s29], $0x1000  }
0x86: {  	s12 =	sadd.s32 $0x1, s12;
	[sflag:s29] =	ssyncset.done $0x0  }
0x87: {  	p0 =	sne.s32 s12, s11;
	[sflag:s29] =	ssyncadd.s32 $0xFFFFF000  }
.Ltmp1:
0x88: {  	s30 =	sor.u32 $0x1C05, s8;
	[bflag:$0x0] =	sbarrier.arrive $0xFFFF;
	(pc) =	sbr.rel @p0 .LBB2_1-.Ltmp1, $4  }
0x89: {  	[hbm:s24], [sflag:s30] =	dma.local [spmem:s15], $0xA00  }
0x8a: {  	_ =	swait.ge [sflag:s29], $0xA00  }
0x8b: {  	[sflag:s29] =	ssyncset.done $0x0  }
0x8c: {  	[sflag:s29] =	ssyncadd.s32 $0xFFFFF600  }
0x8d: {  	_ =	sfence.sel $0x180000  }
0x8e: {  	[bflag:$0x0] =	sbarrier.arrive $0xFFFF  }
0x8f: {  	_ =	strace $0x90000050  }
0x90: {  	s0 =	stileid.u32;
	[bflag:$0x2] =	sbarrier.arrive $0xFFFF  }
0x91: {  	p0 =	sne.s32 s0, $0x0;
	s0 =	rddreg [dreg:$0x3]  }
0x92: {  	s0 =	sadd.s32 @!p0 $0x100000, s0  }
0x93: {  	[sflag:s0] =	ssyncadd.tile.s32 @!p0 $0x1;
	_ =	shalt  }
.Lfunc_end2:
_tile_overlayer_lowered:
.L_overlay_start_2:
0x94: {  	(tag) =	ssettag $0x2  }
0x95: {  	s0 =	rddreg [dreg:$0x0];
	s2 =	stileid.u32  }
0x96: {  	s1 =	rddreg [dreg:$0x1];
	p0 =	sne.s32 s2, $0x0  }
0x97: {  	s3 =	rddreg [dreg:$0x2];
	[bflag:$0x3] =	sbarrier.arrive $0xFFFF;
	s2 =	simm.s32 @!p0 $0x1C05  }
0x98: {  	[timem:s3], [sflag:s2] =	dma.local @!p0 [hbm:s0], s1  }
0x99: {  	s0 =	simm.s32 @!p0 $0x5  }
0x9a: {  	_ =	swait.ge @!p0 [sflag:s0], s1  }
0x9b: {  	s1 =	ssub.s32 @!p0 $0x0, s1;
	[sflag:s0] =	ssyncset.done @!p0 $0x0  }
0x9c: {  	[sflag:s0] =	ssyncadd.s32 @!p0 s1  }
0x9d: {  	[bflag:$0x3] =	sbarrier.arrive $0xFFFF  }
0x9e: {  	_ =	shalt  }

</sc_bundles>
